<compile_context>
chip_gen: v7x
topology: tpu7x:2x2x1
jax: 0.10.2.dev20260603
libtpu: 0.0.44.dev20260713+nightly
codegen_flags: <defaults>
</compile_context>

<pallas_src>
import functools

import jax
import jax.numpy as jnp
from jax import lax
from jax.experimental import pallas as pl
from jax.experimental.pallas import tpu as pltpu
from jax.experimental.pallas import tpu_sc as plsc

E = 64
D = 1024
H = 256
T = 16384
BR = 1024
NBR = T // BR
BLK = 256
BLK_SH = 8
PAD = 32768
NB = PAD // BLK
NBE = 256

NC = 2
NS = 16
NW = NC * NS
TPW = T // NW
CH = 64
NCH = TPW // CH


def _router_body(x_ref, wg_ref, xg_ref, eid_ref, rank_ref, counts_ref,
                 aoff_ref, be_ref, used_ref):
    b = pl.program_id(0)
    xb = x_ref[...]
    logits = jnp.dot(xb, wg_ref[...], preferred_element_type=jnp.float32)
    m = jnp.max(logits, axis=1, keepdims=True)
    denom = jnp.sum(jnp.exp(logits - m), axis=1, keepdims=True)
    gate = 1.0 / denom
    eio = lax.broadcasted_iota(jnp.int32, (BR, E), 1)
    eid = jnp.min(jnp.where(logits == m, eio, E), axis=1)
    onehot = (eio == eid[:, None]).astype(jnp.float32)
    r_io = lax.broadcasted_iota(jnp.int32, (BR, BR), 0)
    c_io = lax.broadcasted_iota(jnp.int32, (BR, BR), 1)
    tri = (r_io >= c_io).astype(jnp.float32)
    cnt_incl = jnp.dot(tri, onehot, preferred_element_type=jnp.float32)
    rank_in_blk = jnp.sum(onehot * cnt_incl, axis=1)

    @pl.when(b == 0)
    def _():
        counts_ref[...] = jnp.zeros_like(counts_ref)

    carry = counts_ref[0, :].astype(jnp.float32)
    rank = jnp.sum(onehot * carry[None, :], axis=1) + rank_in_blk - 1.0
    counts_ref[...] = (
        counts_ref[...]
        + jnp.sum(onehot, axis=0).astype(jnp.int32)[None, :]
    )
    xg_ref[...] = xb * gate
    eid_ref[0, 0, :] = eid
    rank_ref[0, 0, :] = rank.astype(jnp.int32)
    cnt = counts_ref[...]
    padded = ((cnt + (BLK - 1)) >> BLK_SH) << BLK_SH
    slt = (lax.broadcasted_iota(jnp.int32, (E, E), 0)
           < lax.broadcasted_iota(jnp.int32, (E, E), 1)).astype(jnp.float32)
    aoff = jnp.dot(padded.astype(jnp.float32), slt,
                   preferred_element_type=jnp.float32).astype(jnp.int32)
    aoff_ref[...] = aoff
    ends = jnp.broadcast_to(aoff + padded, (NBE, E))
    bv = lax.broadcasted_iota(jnp.int32, (NBE, E), 0) * BLK
    be = jnp.sum((ends <= bv).astype(jnp.int32), axis=1)
    be_ref[...] = jnp.minimum(be, E - 1)[None, :]
    used_ref[...] = jnp.broadcast_to(jnp.sum(padded >> BLK_SH,
                                             axis=1, keepdims=True), (1, 8))


def _router(xf, w_gate):
    return pl.pallas_call(
        _router_body,
        grid=(NBR,),
        in_specs=[
            pl.BlockSpec((BR, D), lambda b: (b, 0)),
            pl.BlockSpec((D, E), lambda b: (0, 0)),
        ],
        out_specs=[
            pl.BlockSpec((BR, D), lambda b: (b, 0)),
            pl.BlockSpec((1, 1, BR), lambda b: (b, 0, 0)),
            pl.BlockSpec((1, 1, BR), lambda b: (b, 0, 0)),
            pl.BlockSpec((1, E), lambda b: (0, 0)),
            pl.BlockSpec((1, E), lambda b: (0, 0)),
            pl.BlockSpec((1, NBE), lambda b: (0, 0)),
            pl.BlockSpec((1, 8), lambda b: (0, 0)),
        ],
        out_shape=[
            jax.ShapeDtypeStruct((T, D), jnp.float32),
            jax.ShapeDtypeStruct((NBR, 1, BR), jnp.int32),
            jax.ShapeDtypeStruct((NBR, 1, BR), jnp.int32),
            jax.ShapeDtypeStruct((1, E), jnp.int32),
            jax.ShapeDtypeStruct((1, E), jnp.int32),
            jax.ShapeDtypeStruct((1, NBE), jnp.int32),
            jax.ShapeDtypeStruct((1, 8), jnp.int32),
        ],
    )(xf, w_gate)


@functools.lru_cache(maxsize=None)
def _make_dispatch():
    return functools.partial(
        pl.kernel,
        out_type=[
            jax.ShapeDtypeStruct((PAD, D), jnp.float32),
            jax.ShapeDtypeStruct((NW, NCH, CH), jnp.int32),
        ],
        mesh=plsc.VectorSubcoreMesh(core_axis_name="c", subcore_axis_name="s"),
        scratch_types=[
            pltpu.VMEM((E,), jnp.int32),
            pltpu.VMEM((TPW,), jnp.int32),
            pltpu.VMEM((TPW,), jnp.int32),
            pltpu.VMEM((NCH, CH), jnp.int32),
            pltpu.VMEM((CH, D), jnp.float32),
        ],
        compiler_params=pltpu.CompilerParams(needs_layout_passes=False),
    )(_dispatch_body)


def _dispatch_body(xg, eidh, rankh, aoffh, xs, posh,
                   aoffv, eidv, rankv, posv, rowv):
    cidx = lax.axis_index("c")
    sidx = lax.axis_index("s")
    wid = sidx * NC + cidx
    pltpu.sync_copy(aoffh, aoffv)
    pltpu.sync_copy(eidh.at[wid], eidv)
    pltpu.sync_copy(rankh.at[wid], rankv)
    for j in range(NCH):
        for i in range(CH // 16):
            e16 = eidv[pl.ds(j * CH + i * 16, 16)]
            r16 = rankv[pl.ds(j * CH + i * 16, 16)]
            a16 = plsc.load_gather(aoffv, [e16])
            posv[j, pl.ds(i * 16, 16)] = a16 + r16
    pltpu.sync_copy(posv, posh.at[wid])
    base = wid * TPW
    for ch in range(NCH):
        pltpu.sync_copy(xg.at[pl.ds(base + ch * CH, CH)], rowv)
        pltpu.sync_copy(rowv, xs.at[posv.at[ch]])


def _moe_mm_body(used_ref, be_ref, xs_ref, w1_ref, w2_ref, out_ref):
    @pl.when(pl.program_id(0) < used_ref[0])
    def _():
        h = jnp.maximum(
            jnp.dot(xs_ref[...], w1_ref[0],
                    preferred_element_type=jnp.float32),
            0.0,
        )
        out_ref[...] = jnp.dot(h, w2_ref[0],
                               preferred_element_type=jnp.float32)


def _moe_mm(used, be, xs, W1, W2):
    grid_spec = pltpu.PrefetchScalarGridSpec(
        num_scalar_prefetch=2,
        grid=(NB,),
        in_specs=[
            pl.BlockSpec((BLK, D),
                         lambda b, u_r, be_r: (jnp.minimum(b, u_r[0] - 1), 0)),
            pl.BlockSpec((1, D, H),
                         lambda b, u_r, be_r:
                         (be_r[jnp.minimum(b, u_r[0] - 1)], 0, 0)),
            pl.BlockSpec((1, H, D),
                         lambda b, u_r, be_r:
                         (be_r[jnp.minimum(b, u_r[0] - 1)], 0, 0)),
        ],
        out_specs=pl.BlockSpec((BLK, D), lambda b, u_r, be_r: (b, 0)),
    )
    return pl.pallas_call(
        _moe_mm_body,
        grid_spec=grid_spec,
        out_shape=jax.ShapeDtypeStruct((PAD, D), jnp.float32),
    )(used, be, xs, W1, W2)


@functools.lru_cache(maxsize=None)
def _make_combine():
    return functools.partial(
        pl.kernel,
        out_type=jax.ShapeDtypeStruct((T, D), jnp.float32),
        mesh=plsc.VectorSubcoreMesh(core_axis_name="c", subcore_axis_name="s"),
        scratch_types=[
            pltpu.VMEM((NCH, CH), jnp.int32),
            pltpu.VMEM((CH, D), jnp.float32),
            pltpu.SemaphoreType.DMA,
        ],
        compiler_params=pltpu.CompilerParams(needs_layout_passes=False),
    )(_combine_body)


def _combine_body(ypad, posh, y, posv, rowv, sem):
    cidx = lax.axis_index("c")
    sidx = lax.axis_index("s")
    wid = sidx * NC + cidx
    pltpu.sync_copy(posh.at[wid], posv)
    base = wid * TPW
    for ch in range(NCH):
        pltpu.async_copy(ypad.at[posv.at[ch]], rowv, sem).wait()
        pltpu.sync_copy(rowv, y.at[pl.ds(base + ch * CH, CH)])


def kernel(x, w_gate, W1, W2):
    xf = x.reshape(T, D)
    xg, eid, rank, _counts, aoff, be, used = _router(xf, w_gate)
    xs, pos = _make_dispatch()(
        xg,
        eid.reshape(NW, TPW),
        rank.reshape(NW, TPW),
        aoff.reshape(E),
    )
    ypad = _moe_mm(used.reshape(8), be.reshape(NBE), xs, W1, W2)
    y = _make_combine()(ypad, pos)
    return (y.reshape(x.shape), jnp.float32(0.0))

# --- scband reference (transcript-rebuilt; emitter-appended) ---
"""Pipeline reference for scband-mo-e-5299989643304 (READ-ONLY COPY).

The authoritative reference and input builder live on the scoring server;
editing this copy changes nothing except your own understanding.
"""

import jax, jax.numpy as jnp
import numpy as np

E = 64
K = 1
D = 1024
H = 256
BSZ = 4
LEN = 4096


def setup_inputs(seed: int = 0) -> dict:
    key = jax.random.key(seed)
    k1, k2, k3, k4 = jax.random.split(key, 4)
    x = jax.random.normal(k1, (BSZ, LEN, D), dtype=jnp.float32)
    w_gate = jax.random.normal(k2, (D, E), dtype=jnp.float32) * 0.02
    W1 = jax.random.normal(k3, (E, D, H), dtype=jnp.float32) * 0.02
    W2 = jax.random.normal(k4, (E, H, D), dtype=jnp.float32) * 0.02
    return {"x": x, "w_gate": w_gate, "W1": W1, "W2": W2}


def reference(x, w_gate, W1, W2):
    # Eval-mode MoE forward (noisy_gating disabled, losses have zero coefficients).
    bsz, length, d = x.shape
    xf = x.reshape(-1, d)
    # top-k gating
    logits = xf @ w_gate
    probs = jax.nn.softmax(logits, axis=1)
    top_k_gates, top_k_indices = jax.lax.top_k(probs, K)
    flat_gates = top_k_gates.reshape(-1)
    flat_experts = top_k_indices.reshape(-1)
    # softmax probs are strictly positive, so all top-k entries are nonzero
    index_sorted_experts = jnp.argsort(flat_experts)  # stable sort by expert id
    batch_index = index_sorted_experts // K
    batch_gates = flat_gates[index_sorted_experts]
    expert_ids_sorted = flat_experts[index_sorted_experts]
    # dispatch: gather token rows per expert (contiguous after sort)
    expert_inputs = xf[batch_index]

    def expert_step(carry, inp):
        e, w1, w2 = inp
        h = jax.nn.relu(expert_inputs @ w1)
        o = h @ w2
        carry = jnp.where((expert_ids_sorted == e)[:, None], o, carry)
        return carry, None

    init = jnp.zeros((expert_inputs.shape[0], d), dtype=xf.dtype)
    expert_outputs, _ = jax.lax.scan(expert_step, init, (jnp.arange(E), W1, W2))
    expert_outputs = expert_outputs * batch_gates[:, None]
    # combine: scatter-add back to token positions
    y = jnp.zeros((bsz * length, d), dtype=expert_outputs.dtype).at[batch_index].add(expert_outputs)
    y = y.reshape(bsz, length, d)
    loss = jnp.float32(0.0)  # cvloss = switchloss = zloss = 0
    return (y, loss)

if __name__ == "__main__":
    import jax
    _d = setup_inputs()
    print(jax.jit(kernel)(*tuple(_d.values())))

</pallas_src>

<mosaic_0001>
#map = affine_map<(d0, d1) -> (0, 0)>
#map1 = affine_map<(d0, d1) -> (0, 0, 0)>
module attributes {stable_mosaic.version = 14 : i64} {
  func.func @_combine_body(%arg0: i32, %arg1: i32, %arg2: memref<32768x1024xf32, #tpu.memory_space<hbm>>, %arg3: memref<32x8x64xi32, #tpu.memory_space<hbm>>, %arg4: memref<16384x1024xf32, #tpu.memory_space<hbm>>, %arg5: memref<8x64xi32, #tpu.memory_space<vmem>>, %arg6: memref<64x1024xf32, #tpu.memory_space<vmem>>, %arg7: memref<!tpu.dma_semaphore, #tpu.memory_space<semaphore_mem>>) attributes {dimension_semantics = [#tpu.dimension_semantics<core_parallel>, #tpu.dimension_semantics<subcore_parallel>], iteration_bounds = array<i64: 2, 16>, scalar_prefetch = 0 : i64, scratch_operands = 3 : i64, tpu.core_type = #tpu.core_type<sc_vector_subcore>, window_params = [{transform_indices = #map}, {transform_indices = #map1}, {transform_indices = #map}]} {
    %mul3A = arith.constant 2 : i32
    %mul3A_0 = arith.muli %arg1, %mul3A : i32
    %add3A = arith.addi %mul3A_0, %arg0 : i32
    "tpu.region"() ({
      %run_scoped3A = tpu.sem_alloc : memref<!tpu.dma_semaphore, #tpu.memory_space<semaphore_mem>>
      %dma_start3A_129 = arith.constant 0 : i32
      %dma_start3A_130 = arith.constant 0 : i32
      %dma_start3A_131 = tpu.memref_slice %arg3[%add3A, %dma_start3A_129, %dma_start3A_130] : memref<32x8x64xi32, #tpu.memory_space<hbm>> -> memref<1x8x64xi32, #tpu.memory_space<hbm>>
      %dma_start3A_132 = tpu.memref_squeeze %dma_start3A_131 : memref<1x8x64xi32, #tpu.memory_space<hbm>> -> memref<8x64xi32, #tpu.memory_space<hbm>>
      %dma_start3A_133 = arith.constant 0 : i32
      %dma_start3A_134 = arith.constant 0 : i32
      %dma_start3A_135 = tpu.memref_slice %arg3[%add3A, %dma_start3A_133, %dma_start3A_134] : memref<32x8x64xi32, #tpu.memory_space<hbm>> -> memref<1x8x64xi32, #tpu.memory_space<hbm>>
      %dma_start3A_136 = tpu.memref_squeeze %dma_start3A_135 : memref<1x8x64xi32, #tpu.memory_space<hbm>> -> memref<8x64xi32, #tpu.memory_space<hbm>>
      tpu.enqueue_dma source(%dma_start3A_136 : memref<8x64xi32, #tpu.memory_space<hbm>>) target(%arg5 : memref<8x64xi32, #tpu.memory_space<vmem>>) target_semaphore(%run_scoped3A : memref<!tpu.dma_semaphore, #tpu.memory_space<semaphore_mem>>)
      %dma_wait3A_137 = arith.constant 0 : i32
      %dma_wait3A_138 = arith.constant 0 : i32
      %dma_wait3A_139 = tpu.memref_slice %arg3[%add3A, %dma_wait3A_137, %dma_wait3A_138] : memref<32x8x64xi32, #tpu.memory_space<hbm>> -> memref<1x8x64xi32, #tpu.memory_space<hbm>>
      %dma_wait3A_140 = tpu.memref_squeeze %dma_wait3A_139 : memref<1x8x64xi32, #tpu.memory_space<hbm>> -> memref<8x64xi32, #tpu.memory_space<hbm>>
      %dma_wait3A_141 = arith.constant 0 : i32
      %dma_wait3A_142 = arith.constant 0 : i32
      %dma_wait3A_143 = tpu.memref_slice %arg3[%add3A, %dma_wait3A_141, %dma_wait3A_142] : memref<32x8x64xi32, #tpu.memory_space<hbm>> -> memref<1x8x64xi32, #tpu.memory_space<hbm>>
      %dma_wait3A_144 = tpu.memref_squeeze %dma_wait3A_143 : memref<1x8x64xi32, #tpu.memory_space<hbm>> -> memref<8x64xi32, #tpu.memory_space<hbm>>
      tpu.wait_dma2 semaphore(%run_scoped3A : memref<!tpu.dma_semaphore, #tpu.memory_space<semaphore_mem>>) src(%dma_wait3A_144 : memref<8x64xi32, #tpu.memory_space<hbm>>) dst(%arg5 : memref<8x64xi32, #tpu.memory_space<vmem>>)
      tpu.yield
    }) : () -> ()
    %mul3A_1 = arith.constant 512 : i32
    %mul3A_2 = arith.muli %add3A, %mul3A_1 : i32
    %dma_start3A = arith.constant 0 : i32
    %dma_start3A_3 = arith.constant 0 : i32
    %dma_start3A_4 = tpu.memref_slice %arg5[%dma_start3A, %dma_start3A_3] : memref<8x64xi32, #tpu.memory_space<vmem>> -> memref<1x64xi32, #tpu.memory_space<vmem>>
    %dma_start3A_5 = tpu.memref_squeeze %dma_start3A_4 : memref<1x64xi32, #tpu.memory_space<vmem>> -> memref<64xi32, #tpu.memory_space<vmem>>
    %dma_start3A_6 = arith.constant 0 : i32
    %dma_start3A_7 = arith.constant 0 : i32
    %dma_start3A_8 = tpu.memref_slice %arg2[%dma_start3A_6, %dma_start3A_7] : memref<32768x1024xf32, #tpu.memory_space<hbm>> -> memref<32768x1024xf32, #tpu.memory_space<hbm>>
    tpu.enqueue_indirect_dma source(%dma_start3A_8 : memref<32768x1024xf32, #tpu.memory_space<hbm>>) target(%arg6 : memref<64x1024xf32, #tpu.memory_space<vmem>>) offsets(%dma_start3A_5 : memref<64xi32, #tpu.memory_space<vmem>>) semaphore(%arg7 : memref<!tpu.dma_semaphore, #tpu.memory_space<semaphore_mem>>)
    %dma_wait3A = arith.constant 0 : i32
    %dma_wait3A_9 = arith.constant 0 : i32
    %dma_wait3A_10 = tpu.memref_slice %arg5[%dma_wait3A, %dma_wait3A_9] : memref<8x64xi32, #tpu.memory_space<vmem>> -> memref<1x64xi32, #tpu.memory_space<vmem>>
    %dma_wait3A_11 = tpu.memref_squeeze %dma_wait3A_10 : memref<1x64xi32, #tpu.memory_space<vmem>> -> memref<64xi32, #tpu.memory_space<vmem>>
    %dma_wait3A_12 = arith.constant 0 : i32
    %dma_wait3A_13 = arith.constant 0 : i32
    %dma_wait3A_14 = tpu.memref_slice %arg2[%dma_wait3A_12, %dma_wait3A_13] : memref<32768x1024xf32, #tpu.memory_space<hbm>> -> memref<32768x1024xf32, #tpu.memory_space<hbm>>
    tpu.wait_indirect_dma semaphore(%arg7 : memref<!tpu.dma_semaphore, #tpu.memory_space<semaphore_mem>>) src(%dma_wait3A_14 : memref<32768x1024xf32, #tpu.memory_space<hbm>>) dst(%arg6 : memref<64x1024xf32, #tpu.memory_space<vmem>>)
    %add3A_15 = arith.constant 0 : i32
    %add3A_16 = arith.addi %mul3A_2, %add3A_15 : i32
    "tpu.region"() ({
      %run_scoped3A = tpu.sem_alloc : memref<!tpu.dma_semaphore, #tpu.memory_space<semaphore_mem>>
      %dma_start3A_129 = arith.constant 0 : i32
      %dma_start3A_130 = tpu.memref_slice %arg4[%add3A_16, %dma_start3A_129] : memref<16384x1024xf32, #tpu.memory_space<hbm>> -> memref<64x1024xf32, #tpu.memory_space<hbm>>
      %dma_start3A_131 = arith.constant 0 : i32
      %dma_start3A_132 = tpu.memref_slice %arg4[%add3A_16, %dma_start3A_131] : memref<16384x1024xf32, #tpu.memory_space<hbm>> -> memref<64x1024xf32, #tpu.memory_space<hbm>>
      tpu.enqueue_dma source(%arg6 : memref<64x1024xf32, #tpu.memory_space<vmem>>) target(%dma_start3A_132 : memref<64x1024xf32, #tpu.memory_space<hbm>>) target_semaphore(%run_scoped3A : memref<!tpu.dma_semaphore, #tpu.memory_space<semaphore_mem>>)
      %dma_wait3A_133 = arith.constant 0 : i32
      %dma_wait3A_134 = tpu.memref_slice %arg4[%add3A_16, %dma_wait3A_133] : memref<16384x1024xf32, #tpu.memory_space<hbm>> -> memref<64x1024xf32, #tpu.memory_space<hbm>>
      %dma_wait3A_135 = arith.constant 0 : i32
      %dma_wait3A_136 = tpu.memref_slice %arg4[%add3A_16, %dma_wait3A_135] : memref<16384x1024xf32, #tpu.memory_space<hbm>> -> memref<64x1024xf32, #tpu.memory_space<hbm>>
      tpu.wait_dma2 semaphore(%run_scoped3A : memref<!tpu.dma_semaphore, #tpu.memory_space<semaphore_mem>>) src(%arg6 : memref<64x1024xf32, #tpu.memory_space<vmem>>) dst(%dma_wait3A_136 : memref<64x1024xf32, #tpu.memory_space<hbm>>)
      tpu.yield
    }) : () -> ()
    %dma_start3A_17 = arith.constant 1 : i32
    %dma_start3A_18 = arith.constant 0 : i32
    %dma_start3A_19 = tpu.memref_slice %arg5[%dma_start3A_17, %dma_start3A_18] : memref<8x64xi32, #tpu.memory_space<vmem>> -> memref<1x64xi32, #tpu.memory_space<vmem>>
    %dma_start3A_20 = tpu.memref_squeeze %dma_start3A_19 : memref<1x64xi32, #tpu.memory_space<vmem>> -> memref<64xi32, #tpu.memory_space<vmem>>
    %dma_start3A_21 = arith.constant 0 : i32
    %dma_start3A_22 = arith.constant 0 : i32
    %dma_start3A_23 = tpu.memref_slice %arg2[%dma_start3A_21, %dma_start3A_22] : memref<32768x1024xf32, #tpu.memory_space<hbm>> -> memref<32768x1024xf32, #tpu.memory_space<hbm>>
    tpu.enqueue_indirect_dma source(%dma_start3A_23 : memref<32768x1024xf32, #tpu.memory_space<hbm>>) target(%arg6 : memref<64x1024xf32, #tpu.memory_space<vmem>>) offsets(%dma_start3A_20 : memref<64xi32, #tpu.memory_space<vmem>>) semaphore(%arg7 : memref<!tpu.dma_semaphore, #tpu.memory_space<semaphore_mem>>)
    %dma_wait3A_24 = arith.constant 1 : i32
    %dma_wait3A_25 = arith.constant 0 : i32
    %dma_wait3A_26 = tpu.memref_slice %arg5[%dma_wait3A_24, %dma_wait3A_25] : memref<8x64xi32, #tpu.memory_space<vmem>> -> memref<1x64xi32, #tpu.memory_space<vmem>>
    %dma_wait3A_27 = tpu.memref_squeeze %dma_wait3A_26 : memref<1x64xi32, #tpu.memory_space<vmem>> -> memref<64xi32, #tpu.memory_space<vmem>>
    %dma_wait3A_28 = arith.constant 0 : i32
    %dma_wait3A_29 = arith.constant 0 : i32
    %dma_wait3A_30 = tpu.memref_slice %arg2[%dma_wait3A_28, %dma_wait3A_29] : memref<32768x1024xf32, #tpu.memory_space<hbm>> -> memref<32768x1024xf32, #tpu.memory_space<hbm>>
    tpu.wait_indirect_dma semaphore(%arg7 : memref<!tpu.dma_semaphore, #tpu.memory_space<semaphore_mem>>) src(%dma_wait3A_30 : memref<32768x1024xf32, #tpu.memory_space<hbm>>) dst(%arg6 : memref<64x1024xf32, #tpu.memory_space<vmem>>)
    %add3A_31 = arith.constant 64 : i32
    %add3A_32 = arith.addi %mul3A_2, %add3A_31 : i32
    "tpu.region"() ({
      %run_scoped3A = tpu.sem_alloc : memref<!tpu.dma_semaphore, #tpu.memory_space<semaphore_mem>>
      %dma_start3A_129 = arith.constant 0 : i32
      %dma_start3A_130 = tpu.memref_slice %arg4[%add3A_32, %dma_start3A_129] : memref<16384x1024xf32, #tpu.memory_space<hbm>> -> memref<64x1024xf32, #tpu.memory_space<hbm>>
      %dma_start3A_131 = arith.constant 0 : i32
      %dma_start3A_132 = tpu.memref_slice %arg4[%add3A_32, %dma_start3A_131] : memref<16384x1024xf32, #tpu.memory_space<hbm>> -> memref<64x1024xf32, #tpu.memory_space<hbm>>
      tpu.enqueue_dma source(%arg6 : memref<64x1024xf32, #tpu.memory_space<vmem>>) target(%dma_start3A_132 : memref<64x1024xf32, #tpu.memory_space<hbm>>) target_semaphore(%run_scoped3A : memref<!tpu.dma_semaphore, #tpu.memory_space<semaphore_mem>>)
      %dma_wait3A_133 = arith.constant 0 : i32
      %dma_wait3A_134 = tpu.memref_slice %arg4[%add3A_32, %dma_wait3A_133] : memref<16384x1024xf32, #tpu.memory_space<hbm>> -> memref<64x1024xf32, #tpu.memory_space<hbm>>
      %dma_wait3A_135 = arith.constant 0 : i32
      %dma_wait3A_136 = tpu.memref_slice %arg4[%add3A_32, %dma_wait3A_135] : memref<16384x1024xf32, #tpu.memory_space<hbm>> -> memref<64x1024xf32, #tpu.memory_space<hbm>>
      tpu.wait_dma2 semaphore(%run_scoped3A : memref<!tpu.dma_semaphore, #tpu.memory_space<semaphore_mem>>) src(%arg6 : memref<64x1024xf32, #tpu.memory_space<vmem>>) dst(%dma_wait3A_136 : memref<64x1024xf32, #tpu.memory_space<hbm>>)
      tpu.yield
    }) : () -> ()
    %dma_start3A_33 = arith.constant 2 : i32
    %dma_start3A_34 = arith.constant 0 : i32
    %dma_start3A_35 = tpu.memref_slice %arg5[%dma_start3A_33, %dma_start3A_34] : memref<8x64xi32, #tpu.memory_space<vmem>> -> memref<1x64xi32, #tpu.memory_space<vmem>>
    %dma_start3A_36 = tpu.memref_squeeze %dma_start3A_35 : memref<1x64xi32, #tpu.memory_space<vmem>> -> memref<64xi32, #tpu.memory_space<vmem>>
    %dma_start3A_37 = arith.constant 0 : i32
    %dma_start3A_38 = arith.constant 0 : i32
    %dma_start3A_39 = tpu.memref_slice %arg2[%dma_start3A_37, %dma_start3A_38] : memref<32768x1024xf32, #tpu.memory_space<hbm>> -> memref<32768x1024xf32, #tpu.memory_space<hbm>>
    tpu.enqueue_indirect_dma source(%dma_start3A_39 : memref<32768x1024xf32, #tpu.memory_space<hbm>>) target(%arg6 : memref<64x1024xf32, #tpu.memory_space<vmem>>) offsets(%dma_start3A_36 : memref<64xi32, #tpu.memory_space<vmem>>) semaphore(%arg7 : memref<!tpu.dma_semaphore, #tpu.memory_space<semaphore_mem>>)
    %dma_wait3A_40 = arith.constant 2 : i32
    %dma_wait3A_41 = arith.constant 0 : i32
    %dma_wait3A_42 = tpu.memref_slice %arg5[%dma_wait3A_40, %dma_wait3A_41] : memref<8x64xi32, #tpu.memory_space<vmem>> -> memref<1x64xi32, #tpu.memory_space<vmem>>
    %dma_wait3A_43 = tpu.memref_squeeze %dma_wait3A_42 : memref<1x64xi32, #tpu.memory_space<vmem>> -> memref<64xi32, #tpu.memory_space<vmem>>
    %dma_wait3A_44 = arith.constant 0 : i32
    %dma_wait3A_45 = arith.constant 0 : i32
    %dma_wait3A_46 = tpu.memref_slice %arg2[%dma_wait3A_44, %dma_wait3A_45] : memref<32768x1024xf32, #tpu.memory_space<hbm>> -> memref<32768x1024xf32, #tpu.memory_space<hbm>>
    tpu.wait_indirect_dma semaphore(%arg7 : memref<!tpu.dma_semaphore, #tpu.memory_space<semaphore_mem>>) src(%dma_wait3A_46 : memref<32768x1024xf32, #tpu.memory_space<hbm>>) dst(%arg6 : memref<64x1024xf32, #tpu.memory_space<vmem>>)
    %add3A_47 = arith.constant 128 : i32
    %add3A_48 = arith.addi %mul3A_2, %add3A_47 : i32
    "tpu.region"() ({
      %run_scoped3A = tpu.sem_alloc : memref<!tpu.dma_semaphore, #tpu.memory_space<semaphore_mem>>
      %dma_start3A_129 = arith.constant 0 : i32
      %dma_start3A_130 = tpu.memref_slice %arg4[%add3A_48, %dma_start3A_129] : memref<16384x1024xf32, #tpu.memory_space<hbm>> -> memref<64x1024xf32, #tpu.memory_space<hbm>>
      %dma_start3A_131 = arith.constant 0 : i32
      %dma_start3A_132 = tpu.memref_slice %arg4[%add3A_48, %dma_start3A_131] : memref<16384x1024xf32, #tpu.memory_space<hbm>> -> memref<64x1024xf32, #tpu.memory_space<hbm>>
      tpu.enqueue_dma source(%arg6 : memref<64x1024xf32, #tpu.memory_space<vmem>>) target(%dma_start3A_132 : memref<64x1024xf32, #tpu.memory_space<hbm>>) target_semaphore(%run_scoped3A : memref<!tpu.dma_semaphore, #tpu.memory_space<semaphore_mem>>)
      %dma_wait3A_133 = arith.constant 0 : i32
      %dma_wait3A_134 = tpu.memref_slice %arg4[%add3A_48, %dma_wait3A_133] : memref<16384x1024xf32, #tpu.memory_space<hbm>> -> memref<64x1024xf32, #tpu.memory_space<hbm>>
      %dma_wait3A_135 = arith.constant 0 : i32
      %dma_wait3A_136 = tpu.memref_slice %arg4[%add3A_48, %dma_wait3A_135] : memref<16384x1024xf32, #tpu.memory_space<hbm>> -> memref<64x1024xf32, #tpu.memory_space<hbm>>
      tpu.wait_dma2 semaphore(%run_scoped3A : memref<!tpu.dma_semaphore, #tpu.memory_space<semaphore_mem>>) src(%arg6 : memref<64x1024xf32, #tpu.memory_space<vmem>>) dst(%dma_wait3A_136 : memref<64x1024xf32, #tpu.memory_space<hbm>>)
      tpu.yield
    }) : () -> ()
    %dma_start3A_49 = arith.constant 3 : i32
    %dma_start3A_50 = arith.constant 0 : i32
    %dma_start3A_51 = tpu.memref_slice %arg5[%dma_start3A_49, %dma_start3A_50] : memref<8x64xi32, #tpu.memory_space<vmem>> -> memref<1x64xi32, #tpu.memory_space<vmem>>
    %dma_start3A_52 = tpu.memref_squeeze %dma_start3A_51 : memref<1x64xi32, #tpu.memory_space<vmem>> -> memref<64xi32, #tpu.memory_space<vmem>>
    %dma_start3A_53 = arith.constant 0 : i32
    %dma_start3A_54 = arith.constant 0 : i32
    %dma_start3A_55 = tpu.memref_slice %arg2[%dma_start3A_53, %dma_start3A_54] : memref<32768x1024xf32, #tpu.memory_space<hbm>> -> memref<32768x1024xf32, #tpu.memory_space<hbm>>
    tpu.enqueue_indirect_dma source(%dma_start3A_55 : memref<32768x1024xf32, #tpu.memory_space<hbm>>) target(%arg6 : memref<64x1024xf32, #tpu.memory_space<vmem>>) offsets(%dma_start3A_52 : memref<64xi32, #tpu.memory_space<vmem>>) semaphore(%arg7 : memref<!tpu.dma_semaphore, #tpu.memory_space<semaphore_mem>>)
    %dma_wait3A_56 = arith.constant 3 : i32
    %dma_wait3A_57 = arith.constant 0 : i32
    %dma_wait3A_58 = tpu.memref_slice %arg5[%dma_wait3A_56, %dma_wait3A_57] : memref<8x64xi32, #tpu.memory_space<vmem>> -> memref<1x64xi32, #tpu.memory_space<vmem>>
    %dma_wait3A_59 = tpu.memref_squeeze %dma_wait3A_58 : memref<1x64xi32, #tpu.memory_space<vmem>> -> memref<64xi32, #tpu.memory_space<vmem>>
    %dma_wait3A_60 = arith.constant 0 : i32
    %dma_wait3A_61 = arith.constant 0 : i32
    %dma_wait3A_62 = tpu.memref_slice %arg2[%dma_wait3A_60, %dma_wait3A_61] : memref<32768x1024xf32, #tpu.memory_space<hbm>> -> memref<32768x1024xf32, #tpu.memory_space<hbm>>
    tpu.wait_indirect_dma semaphore(%arg7 : memref<!tpu.dma_semaphore, #tpu.memory_space<semaphore_mem>>) src(%dma_wait3A_62 : memref<32768x1024xf32, #tpu.memory_space<hbm>>) dst(%arg6 : memref<64x1024xf32, #tpu.memory_space<vmem>>)
    %add3A_63 = arith.constant 192 : i32
    %add3A_64 = arith.addi %mul3A_2, %add3A_63 : i32
    "tpu.region"() ({
      %run_scoped3A = tpu.sem_alloc : memref<!tpu.dma_semaphore, #tpu.memory_space<semaphore_mem>>
      %dma_start3A_129 = arith.constant 0 : i32
      %dma_start3A_130 = tpu.memref_slice %arg4[%add3A_64, %dma_start3A_129] : memref<16384x1024xf32, #tpu.memory_space<hbm>> -> memref<64x1024xf32, #tpu.memory_space<hbm>>
      %dma_start3A_131 = arith.constant 0 : i32
      %dma_start3A_132 = tpu.memref_slice %arg4[%add3A_64, %dma_start3A_131] : memref<16384x1024xf32, #tpu.memory_space<hbm>> -> memref<64x1024xf32, #tpu.memory_space<hbm>>
      tpu.enqueue_dma source(%arg6 : memref<64x1024xf32, #tpu.memory_space<vmem>>) target(%dma_start3A_132 : memref<64x1024xf32, #tpu.memory_space<hbm>>) target_semaphore(%run_scoped3A : memref<!tpu.dma_semaphore, #tpu.memory_space<semaphore_mem>>)
      %dma_wait3A_133 = arith.constant 0 : i32
      %dma_wait3A_134 = tpu.memref_slice %arg4[%add3A_64, %dma_wait3A_133] : memref<16384x1024xf32, #tpu.memory_space<hbm>> -> memref<64x1024xf32, #tpu.memory_space<hbm>>
      %dma_wait3A_135 = arith.constant 0 : i32
      %dma_wait3A_136 = tpu.memref_slice %arg4[%add3A_64, %dma_wait3A_135] : memref<16384x1024xf32, #tpu.memory_space<hbm>> -> memref<64x1024xf32, #tpu.memory_space<hbm>>
      tpu.wait_dma2 semaphore(%run_scoped3A : memref<!tpu.dma_semaphore, #tpu.memory_space<semaphore_mem>>) src(%arg6 : memref<64x1024xf32, #tpu.memory_space<vmem>>) dst(%dma_wait3A_136 : memref<64x1024xf32, #tpu.memory_space<hbm>>)
      tpu.yield
    }) : () -> ()
    %dma_start3A_65 = arith.constant 4 : i32
    %dma_start3A_66 = arith.constant 0 : i32
    %dma_start3A_67 = tpu.memref_slice %arg5[%dma_start3A_65, %dma_start3A_66] : memref<8x64xi32, #tpu.memory_space<vmem>> -> memref<1x64xi32, #tpu.memory_space<vmem>>
    %dma_start3A_68 = tpu.memref_squeeze %dma_start3A_67 : memref<1x64xi32, #tpu.memory_space<vmem>> -> memref<64xi32, #tpu.memory_space<vmem>>
    %dma_start3A_69 = arith.constant 0 : i32
    %dma_start3A_70 = arith.constant 0 : i32
    %dma_start3A_71 = tpu.memref_slice %arg2[%dma_start3A_69, %dma_start3A_70] : memref<32768x1024xf32, #tpu.memory_space<hbm>> -> memref<32768x1024xf32, #tpu.memory_space<hbm>>
    tpu.enqueue_indirect_dma source(%dma_start3A_71 : memref<32768x1024xf32, #tpu.memory_space<hbm>>) target(%arg6 : memref<64x1024xf32, #tpu.memory_space<vmem>>) offsets(%dma_start3A_68 : memref<64xi32, #tpu.memory_space<vmem>>) semaphore(%arg7 : memref<!tpu.dma_semaphore, #tpu.memory_space<semaphore_mem>>)
    %dma_wait3A_72 = arith.constant 4 : i32
    %dma_wait3A_73 = arith.constant 0 : i32
    %dma_wait3A_74 = tpu.memref_slice %arg5[%dma_wait3A_72, %dma_wait3A_73] : memref<8x64xi32, #tpu.memory_space<vmem>> -> memref<1x64xi32, #tpu.memory_space<vmem>>
    %dma_wait3A_75 = tpu.memref_squeeze %dma_wait3A_74 : memref<1x64xi32, #tpu.memory_space<vmem>> -> memref<64xi32, #tpu.memory_space<vmem>>
    %dma_wait3A_76 = arith.constant 0 : i32
    %dma_wait3A_77 = arith.constant 0 : i32
    %dma_wait3A_78 = tpu.memref_slice %arg2[%dma_wait3A_76, %dma_wait3A_77] : memref<32768x1024xf32, #tpu.memory_space<hbm>> -> memref<32768x1024xf32, #tpu.memory_space<hbm>>
    tpu.wait_indirect_dma semaphore(%arg7 : memref<!tpu.dma_semaphore, #tpu.memory_space<semaphore_mem>>) src(%dma_wait3A_78 : memref<32768x1024xf32, #tpu.memory_space<hbm>>) dst(%arg6 : memref<64x1024xf32, #tpu.memory_space<vmem>>)
    %add3A_79 = arith.constant 256 : i32
    %add3A_80 = arith.addi %mul3A_2, %add3A_79 : i32
    "tpu.region"() ({
      %run_scoped3A = tpu.sem_alloc : memref<!tpu.dma_semaphore, #tpu.memory_space<semaphore_mem>>
      %dma_start3A_129 = arith.constant 0 : i32
      %dma_start3A_130 = tpu.memref_slice %arg4[%add3A_80, %dma_start3A_129] : memref<16384x1024xf32, #tpu.memory_space<hbm>> -> memref<64x1024xf32, #tpu.memory_space<hbm>>
      %dma_start3A_131 = arith.constant 0 : i32
      %dma_start3A_132 = tpu.memref_slice %arg4[%add3A_80, %dma_start3A_131] : memref<16384x1024xf32, #tpu.memory_space<hbm>> -> memref<64x1024xf32, #tpu.memory_space<hbm>>
      tpu.enqueue_dma source(%arg6 : memref<64x1024xf32, #tpu.memory_space<vmem>>) target(%dma_start3A_132 : memref<64x1024xf32, #tpu.memory_space<hbm>>) target_semaphore(%run_scoped3A : memref<!tpu.dma_semaphore, #tpu.memory_space<semaphore_mem>>)
      %dma_wait3A_133 = arith.constant 0 : i32
      %dma_wait3A_134 = tpu.memref_slice %arg4[%add3A_80, %dma_wait3A_133] : memref<16384x1024xf32, #tpu.memory_space<hbm>> -> memref<64x1024xf32, #tpu.memory_space<hbm>>
      %dma_wait3A_135 = arith.constant 0 : i32
      %dma_wait3A_136 = tpu.memref_slice %arg4[%add3A_80, %dma_wait3A_135] : memref<16384x1024xf32, #tpu.memory_space<hbm>> -> memref<64x1024xf32, #tpu.memory_space<hbm>>
      tpu.wait_dma2 semaphore(%run_scoped3A : memref<!tpu.dma_semaphore, #tpu.memory_space<semaphore_mem>>) src(%arg6 : memref<64x1024xf32, #tpu.memory_space<vmem>>) dst(%dma_wait3A_136 : memref<64x1024xf32, #tpu.memory_space<hbm>>)
      tpu.yield
    }) : () -> ()
    %dma_start3A_81 = arith.constant 5 : i32
    %dma_start3A_82 = arith.constant 0 : i32
    %dma_start3A_83 = tpu.memref_slice %arg5[%dma_start3A_81, %dma_start3A_82] : memref<8x64xi32, #tpu.memory_space<vmem>> -> memref<1x64xi32, #tpu.memory_space<vmem>>
    %dma_start3A_84 = tpu.memref_squeeze %dma_start3A_83 : memref<1x64xi32, #tpu.memory_space<vmem>> -> memref<64xi32, #tpu.memory_space<vmem>>
    %dma_start3A_85 = arith.constant 0 : i32
    %dma_start3A_86 = arith.constant 0 : i32
    %dma_start3A_87 = tpu.memref_slice %arg2[%dma_start3A_85, %dma_start3A_86] : memref<32768x1024xf32, #tpu.memory_space<hbm>> -> memref<32768x1024xf32, #tpu.memory_space<hbm>>
    tpu.enqueue_indirect_dma source(%dma_start3A_87 : memref<32768x1024xf32, #tpu.memory_space<hbm>>) target(%arg6 : memref<64x1024xf32, #tpu.memory_space<vmem>>) offsets(%dma_start3A_84 : memref<64xi32, #tpu.memory_space<vmem>>) semaphore(%arg7 : memref<!tpu.dma_semaphore, #tpu.memory_space<semaphore_mem>>)
    %dma_wait3A_88 = arith.constant 5 : i32
    %dma_wait3A_89 = arith.constant 0 : i32
    %dma_wait3A_90 = tpu.memref_slice %arg5[%dma_wait3A_88, %dma_wait3A_89] : memref<8x64xi32, #tpu.memory_space<vmem>> -> memref<1x64xi32, #tpu.memory_space<vmem>>
    %dma_wait3A_91 = tpu.memref_squeeze %dma_wait3A_90 : memref<1x64xi32, #tpu.memory_space<vmem>> -> memref<64xi32, #tpu.memory_space<vmem>>
    %dma_wait3A_92 = arith.constant 0 : i32
    %dma_wait3A_93 = arith.constant 0 : i32
    %dma_wait3A_94 = tpu.memref_slice %arg2[%dma_wait3A_92, %dma_wait3A_93] : memref<32768x1024xf32, #tpu.memory_space<hbm>> -> memref<32768x1024xf32, #tpu.memory_space<hbm>>
    tpu.wait_indirect_dma semaphore(%arg7 : memref<!tpu.dma_semaphore, #tpu.memory_space<semaphore_mem>>) src(%dma_wait3A_94 : memref<32768x1024xf32, #tpu.memory_space<hbm>>) dst(%arg6 : memref<64x1024xf32, #tpu.memory_space<vmem>>)
    %add3A_95 = arith.constant 320 : i32
    %add3A_96 = arith.addi %mul3A_2, %add3A_95 : i32
    "tpu.region"() ({
      %run_scoped3A = tpu.sem_alloc : memref<!tpu.dma_semaphore, #tpu.memory_space<semaphore_mem>>
      %dma_start3A_129 = arith.constant 0 : i32
      %dma_start3A_130 = tpu.memref_slice %arg4[%add3A_96, %dma_start3A_129] : memref<16384x1024xf32, #tpu.memory_space<hbm>> -> memref<64x1024xf32, #tpu.memory_space<hbm>>
      %dma_start3A_131 = arith.constant 0 : i32
      %dma_start3A_132 = tpu.memref_slice %arg4[%add3A_96, %dma_start3A_131] : memref<16384x1024xf32, #tpu.memory_space<hbm>> -> memref<64x1024xf32, #tpu.memory_space<hbm>>
      tpu.enqueue_dma source(%arg6 : memref<64x1024xf32, #tpu.memory_space<vmem>>) target(%dma_start3A_132 : memref<64x1024xf32, #tpu.memory_space<hbm>>) target_semaphore(%run_scoped3A : memref<!tpu.dma_semaphore, #tpu.memory_space<semaphore_mem>>)
      %dma_wait3A_133 = arith.constant 0 : i32
      %dma_wait3A_134 = tpu.memref_slice %arg4[%add3A_96, %dma_wait3A_133] : memref<16384x1024xf32, #tpu.memory_space<hbm>> -> memref<64x1024xf32, #tpu.memory_space<hbm>>
      %dma_wait3A_135 = arith.constant 0 : i32
      %dma_wait3A_136 = tpu.memref_slice %arg4[%add3A_96, %dma_wait3A_135] : memref<16384x1024xf32, #tpu.memory_space<hbm>> -> memref<64x1024xf32, #tpu.memory_space<hbm>>
      tpu.wait_dma2 semaphore(%run_scoped3A : memref<!tpu.dma_semaphore, #tpu.memory_space<semaphore_mem>>) src(%arg6 : memref<64x1024xf32, #tpu.memory_space<vmem>>) dst(%dma_wait3A_136 : memref<64x1024xf32, #tpu.memory_space<hbm>>)
      tpu.yield
    }) : () -> ()
    %dma_start3A_97 = arith.constant 6 : i32
    %dma_start3A_98 = arith.constant 0 : i32
    %dma_start3A_99 = tpu.memref_slice %arg5[%dma_start3A_97, %dma_start3A_98] : memref<8x64xi32, #tpu.memory_space<vmem>> -> memref<1x64xi32, #tpu.memory_space<vmem>>
    %dma_start3A_100 = tpu.memref_squeeze %dma_start3A_99 : memref<1x64xi32, #tpu.memory_space<vmem>> -> memref<64xi32, #tpu.memory_space<vmem>>
    %dma_start3A_101 = arith.constant 0 : i32
    %dma_start3A_102 = arith.constant 0 : i32
    %dma_start3A_103 = tpu.memref_slice %arg2[%dma_start3A_101, %dma_start3A_102] : memref<32768x1024xf32, #tpu.memory_space<hbm>> -> memref<32768x1024xf32, #tpu.memory_space<hbm>>
    tpu.enqueue_indirect_dma source(%dma_start3A_103 : memref<32768x1024xf32, #tpu.memory_space<hbm>>) target(%arg6 : memref<64x1024xf32, #tpu.memory_space<vmem>>) offsets(%dma_start3A_100 : memref<64xi32, #tpu.memory_space<vmem>>) semaphore(%arg7 : memref<!tpu.dma_semaphore, #tpu.memory_space<semaphore_mem>>)
    %dma_wait3A_104 = arith.constant 6 : i32
    %dma_wait3A_105 = arith.constant 0 : i32
    %dma_wait3A_106 = tpu.memref_slice %arg5[%dma_wait3A_104, %dma_wait3A_105] : memref<8x64xi32, #tpu.memory_space<vmem>> -> memref<1x64xi32, #tpu.memory_space<vmem>>
    %dma_wait3A_107 = tpu.memref_squeeze %dma_wait3A_106 : memref<1x64xi32, #tpu.memory_space<vmem>> -> memref<64xi32, #tpu.memory_space<vmem>>
    %dma_wait3A_108 = arith.constant 0 : i32
    %dma_wait3A_109 = arith.constant 0 : i32
    %dma_wait3A_110 = tpu.memref_slice %arg2[%dma_wait3A_108, %dma_wait3A_109] : memref<32768x1024xf32, #tpu.memory_space<hbm>> -> memref<32768x1024xf32, #tpu.memory_space<hbm>>
    tpu.wait_indirect_dma semaphore(%arg7 : memref<!tpu.dma_semaphore, #tpu.memory_space<semaphore_mem>>) src(%dma_wait3A_110 : memref<32768x1024xf32, #tpu.memory_space<hbm>>) dst(%arg6 : memref<64x1024xf32, #tpu.memory_space<vmem>>)
    %add3A_111 = arith.constant 384 : i32
    %add3A_112 = arith.addi %mul3A_2, %add3A_111 : i32
    "tpu.region"() ({
      %run_scoped3A = tpu.sem_alloc : memref<!tpu.dma_semaphore, #tpu.memory_space<semaphore_mem>>
      %dma_start3A_129 = arith.constant 0 : i32
      %dma_start3A_130 = tpu.memref_slice %arg4[%add3A_112, %dma_start3A_129] : memref<16384x1024xf32, #tpu.memory_space<hbm>> -> memref<64x1024xf32, #tpu.memory_space<hbm>>
      %dma_start3A_131 = arith.constant 0 : i32
      %dma_start3A_132 = tpu.memref_slice %arg4[%add3A_112, %dma_start3A_131] : memref<16384x1024xf32, #tpu.memory_space<hbm>> -> memref<64x1024xf32, #tpu.memory_space<hbm>>
      tpu.enqueue_dma source(%arg6 : memref<64x1024xf32, #tpu.memory_space<vmem>>) target(%dma_start3A_132 : memref<64x1024xf32, #tpu.memory_space<hbm>>) target_semaphore(%run_scoped3A : memref<!tpu.dma_semaphore, #tpu.memory_space<semaphore_mem>>)
      %dma_wait3A_133 = arith.constant 0 : i32
      %dma_wait3A_134 = tpu.memref_slice %arg4[%add3A_112, %dma_wait3A_133] : memref<16384x1024xf32, #tpu.memory_space<hbm>> -> memref<64x1024xf32, #tpu.memory_space<hbm>>
      %dma_wait3A_135 = arith.constant 0 : i32
      %dma_wait3A_136 = tpu.memref_slice %arg4[%add3A_112, %dma_wait3A_135] : memref<16384x1024xf32, #tpu.memory_space<hbm>> -> memref<64x1024xf32, #tpu.memory_space<hbm>>
      tpu.wait_dma2 semaphore(%run_scoped3A : memref<!tpu.dma_semaphore, #tpu.memory_space<semaphore_mem>>) src(%arg6 : memref<64x1024xf32, #tpu.memory_space<vmem>>) dst(%dma_wait3A_136 : memref<64x1024xf32, #tpu.memory_space<hbm>>)
      tpu.yield
    }) : () -> ()
    %dma_start3A_113 = arith.constant 7 : i32
    %dma_start3A_114 = arith.constant 0 : i32
    %dma_start3A_115 = tpu.memref_slice %arg5[%dma_start3A_113, %dma_start3A_114] : memref<8x64xi32, #tpu.memory_space<vmem>> -> memref<1x64xi32, #tpu.memory_space<vmem>>
    %dma_start3A_116 = tpu.memref_squeeze %dma_start3A_115 : memref<1x64xi32, #tpu.memory_space<vmem>> -> memref<64xi32, #tpu.memory_space<vmem>>
    %dma_start3A_117 = arith.constant 0 : i32
    %dma_start3A_118 = arith.constant 0 : i32
    %dma_start3A_119 = tpu.memref_slice %arg2[%dma_start3A_117, %dma_start3A_118] : memref<32768x1024xf32, #tpu.memory_space<hbm>> -> memref<32768x1024xf32, #tpu.memory_space<hbm>>
    tpu.enqueue_indirect_dma source(%dma_start3A_119 : memref<32768x1024xf32, #tpu.memory_space<hbm>>) target(%arg6 : memref<64x1024xf32, #tpu.memory_space<vmem>>) offsets(%dma_start3A_116 : memref<64xi32, #tpu.memory_space<vmem>>) semaphore(%arg7 : memref<!tpu.dma_semaphore, #tpu.memory_space<semaphore_mem>>)
    %dma_wait3A_120 = arith.constant 7 : i32
    %dma_wait3A_121 = arith.constant 0 : i32
    %dma_wait3A_122 = tpu.memref_slice %arg5[%dma_wait3A_120, %dma_wait3A_121] : memref<8x64xi32, #tpu.memory_space<vmem>> -> memref<1x64xi32, #tpu.memory_space<vmem>>
    %dma_wait3A_123 = tpu.memref_squeeze %dma_wait3A_122 : memref<1x64xi32, #tpu.memory_space<vmem>> -> memref<64xi32, #tpu.memory_space<vmem>>
    %dma_wait3A_124 = arith.constant 0 : i32
    %dma_wait3A_125 = arith.constant 0 : i32
    %dma_wait3A_126 = tpu.memref_slice %arg2[%dma_wait3A_124, %dma_wait3A_125] : memref<32768x1024xf32, #tpu.memory_space<hbm>> -> memref<32768x1024xf32, #tpu.memory_space<hbm>>
    tpu.wait_indirect_dma semaphore(%arg7 : memref<!tpu.dma_semaphore, #tpu.memory_space<semaphore_mem>>) src(%dma_wait3A_126 : memref<32768x1024xf32, #tpu.memory_space<hbm>>) dst(%arg6 : memref<64x1024xf32, #tpu.memory_space<vmem>>)
    %add3A_127 = arith.constant 448 : i32
    %add3A_128 = arith.addi %mul3A_2, %add3A_127 : i32
    "tpu.region"() ({
      %run_scoped3A = tpu.sem_alloc : memref<!tpu.dma_semaphore, #tpu.memory_space<semaphore_mem>>
      %dma_start3A_129 = arith.constant 0 : i32
      %dma_start3A_130 = tpu.memref_slice %arg4[%add3A_128, %dma_start3A_129] : memref<16384x1024xf32, #tpu.memory_space<hbm>> -> memref<64x1024xf32, #tpu.memory_space<hbm>>
      %dma_start3A_131 = arith.constant 0 : i32
      %dma_start3A_132 = tpu.memref_slice %arg4[%add3A_128, %dma_start3A_131] : memref<16384x1024xf32, #tpu.memory_space<hbm>> -> memref<64x1024xf32, #tpu.memory_space<hbm>>
      tpu.enqueue_dma source(%arg6 : memref<64x1024xf32, #tpu.memory_space<vmem>>) target(%dma_start3A_132 : memref<64x1024xf32, #tpu.memory_space<hbm>>) target_semaphore(%run_scoped3A : memref<!tpu.dma_semaphore, #tpu.memory_space<semaphore_mem>>)
      %dma_wait3A_133 = arith.constant 0 : i32
      %dma_wait3A_134 = tpu.memref_slice %arg4[%add3A_128, %dma_wait3A_133] : memref<16384x1024xf32, #tpu.memory_space<hbm>> -> memref<64x1024xf32, #tpu.memory_space<hbm>>
      %dma_wait3A_135 = arith.constant 0 : i32
      %dma_wait3A_136 = tpu.memref_slice %arg4[%add3A_128, %dma_wait3A_135] : memref<16384x1024xf32, #tpu.memory_space<hbm>> -> memref<64x1024xf32, #tpu.memory_space<hbm>>
      tpu.wait_dma2 semaphore(%run_scoped3A : memref<!tpu.dma_semaphore, #tpu.memory_space<semaphore_mem>>) src(%arg6 : memref<64x1024xf32, #tpu.memory_space<vmem>>) dst(%dma_wait3A_136 : memref<64x1024xf32, #tpu.memory_space<hbm>>)
      tpu.yield
    }) : () -> ()
    return
  }
}

#map = affine_map<(d0, d1) -> (0, 0)>
#map1 = affine_map<(d0, d1) -> (0)>
#map2 = affine_map<(d0, d1) -> (0, 0, 0)>
module attributes {stable_mosaic.version = 14 : i64} {
  func.func @_dispatch_body(%arg0: i32, %arg1: i32, %arg2: memref<16384x1024xf32, #tpu.memory_space<hbm>>, %arg3: memref<32x512xi32, #tpu.memory_space<hbm>>, %arg4: memref<32x512xi32, #tpu.memory_space<hbm>>, %arg5: memref<64xi32, #tpu.memory_space<hbm>>, %arg6: memref<32768x1024xf32, #tpu.memory_space<hbm>>, %arg7: memref<32x8x64xi32, #tpu.memory_space<hbm>>, %arg8: memref<64xi32, #tpu.memory_space<vmem>>, %arg9: memref<512xi32, #tpu.memory_space<vmem>>, %arg10: memref<512xi32, #tpu.memory_space<vmem>>, %arg11: memref<8x64xi32, #tpu.memory_space<vmem>>, %arg12: memref<64x1024xf32, #tpu.memory_space<vmem>>) attributes {dimension_semantics = [#tpu.dimension_semantics<core_parallel>, #tpu.dimension_semantics<subcore_parallel>], iteration_bounds = array<i64: 2, 16>, scalar_prefetch = 0 : i64, scratch_operands = 5 : i64, tpu.core_type = #tpu.core_type<sc_vector_subcore>, window_params = [{transform_indices = #map}, {transform_indices = #map}, {transform_indices = #map}, {transform_indices = #map1}, {transform_indices = #map}, {transform_indices = #map2}]} {
    %mul3A = arith.constant 2 : i32
    %mul3A_0 = arith.muli %arg1, %mul3A : i32
    %add3A = arith.addi %mul3A_0, %arg0 : i32
    "tpu.region"() ({
      %run_scoped3A_343 = tpu.sem_alloc : memref<!tpu.dma_semaphore, #tpu.memory_space<semaphore_mem>>
      tpu.enqueue_dma source(%arg5 : memref<64xi32, #tpu.memory_space<hbm>>) target(%arg8 : memref<64xi32, #tpu.memory_space<vmem>>) target_semaphore(%run_scoped3A_343 : memref<!tpu.dma_semaphore, #tpu.memory_space<semaphore_mem>>)
      tpu.wait_dma2 semaphore(%run_scoped3A_343 : memref<!tpu.dma_semaphore, #tpu.memory_space<semaphore_mem>>) src(%arg5 : memref<64xi32, #tpu.memory_space<hbm>>) dst(%arg8 : memref<64xi32, #tpu.memory_space<vmem>>)
      tpu.yield
    }) : () -> ()
    "tpu.region"() ({
      %run_scoped3A_343 = tpu.sem_alloc : memref<!tpu.dma_semaphore, #tpu.memory_space<semaphore_mem>>
      %dma_start3A = arith.constant 0 : i32
      %dma_start3A_344 = tpu.memref_slice %arg3[%add3A, %dma_start3A] : memref<32x512xi32, #tpu.memory_space<hbm>> -> memref<1x512xi32, #tpu.memory_space<hbm>>
      %dma_start3A_345 = tpu.memref_squeeze %dma_start3A_344 : memref<1x512xi32, #tpu.memory_space<hbm>> -> memref<512xi32, #tpu.memory_space<hbm>>
      %dma_start3A_346 = arith.constant 0 : i32
      %dma_start3A_347 = tpu.memref_slice %arg3[%add3A, %dma_start3A_346] : memref<32x512xi32, #tpu.memory_space<hbm>> -> memref<1x512xi32, #tpu.memory_space<hbm>>
      %dma_start3A_348 = tpu.memref_squeeze %dma_start3A_347 : memref<1x512xi32, #tpu.memory_space<hbm>> -> memref<512xi32, #tpu.memory_space<hbm>>
      tpu.enqueue_dma source(%dma_start3A_348 : memref<512xi32, #tpu.memory_space<hbm>>) target(%arg9 : memref<512xi32, #tpu.memory_space<vmem>>) target_semaphore(%run_scoped3A_343 : memref<!tpu.dma_semaphore, #tpu.memory_space<semaphore_mem>>)
      %dma_wait3A = arith.constant 0 : i32
      %dma_wait3A_349 = tpu.memref_slice %arg3[%add3A, %dma_wait3A] : memref<32x512xi32, #tpu.memory_space<hbm>> -> memref<1x512xi32, #tpu.memory_space<hbm>>
      %dma_wait3A_350 = tpu.memref_squeeze %dma_wait3A_349 : memref<1x512xi32, #tpu.memory_space<hbm>> -> memref<512xi32, #tpu.memory_space<hbm>>
      %dma_wait3A_351 = arith.constant 0 : i32
      %dma_wait3A_352 = tpu.memref_slice %arg3[%add3A, %dma_wait3A_351] : memref<32x512xi32, #tpu.memory_space<hbm>> -> memref<1x512xi32, #tpu.memory_space<hbm>>
      %dma_wait3A_353 = tpu.memref_squeeze %dma_wait3A_352 : memref<1x512xi32, #tpu.memory_space<hbm>> -> memref<512xi32, #tpu.memory_space<hbm>>
      tpu.wait_dma2 semaphore(%run_scoped3A_343 : memref<!tpu.dma_semaphore, #tpu.memory_space<semaphore_mem>>) src(%dma_wait3A_353 : memref<512xi32, #tpu.memory_space<hbm>>) dst(%arg9 : memref<512xi32, #tpu.memory_space<vmem>>)
      tpu.yield
    }) : () -> ()
    "tpu.region"() ({
      %run_scoped3A_343 = tpu.sem_alloc : memref<!tpu.dma_semaphore, #tpu.memory_space<semaphore_mem>>
      %dma_start3A = arith.constant 0 : i32
      %dma_start3A_344 = tpu.memref_slice %arg4[%add3A, %dma_start3A] : memref<32x512xi32, #tpu.memory_space<hbm>> -> memref<1x512xi32, #tpu.memory_space<hbm>>
      %dma_start3A_345 = tpu.memref_squeeze %dma_start3A_344 : memref<1x512xi32, #tpu.memory_space<hbm>> -> memref<512xi32, #tpu.memory_space<hbm>>
      %dma_start3A_346 = arith.constant 0 : i32
      %dma_start3A_347 = tpu.memref_slice %arg4[%add3A, %dma_start3A_346] : memref<32x512xi32, #tpu.memory_space<hbm>> -> memref<1x512xi32, #tpu.memory_space<hbm>>
      %dma_start3A_348 = tpu.memref_squeeze %dma_start3A_347 : memref<1x512xi32, #tpu.memory_space<hbm>> -> memref<512xi32, #tpu.memory_space<hbm>>
      tpu.enqueue_dma source(%dma_start3A_348 : memref<512xi32, #tpu.memory_space<hbm>>) target(%arg10 : memref<512xi32, #tpu.memory_space<vmem>>) target_semaphore(%run_scoped3A_343 : memref<!tpu.dma_semaphore, #tpu.memory_space<semaphore_mem>>)
      %dma_wait3A = arith.constant 0 : i32
      %dma_wait3A_349 = tpu.memref_slice %arg4[%add3A, %dma_wait3A] : memref<32x512xi32, #tpu.memory_space<hbm>> -> memref<1x512xi32, #tpu.memory_space<hbm>>
      %dma_wait3A_350 = tpu.memref_squeeze %dma_wait3A_349 : memref<1x512xi32, #tpu.memory_space<hbm>> -> memref<512xi32, #tpu.memory_space<hbm>>
      %dma_wait3A_351 = arith.constant 0 : i32
      %dma_wait3A_352 = tpu.memref_slice %arg4[%add3A, %dma_wait3A_351] : memref<32x512xi32, #tpu.memory_space<hbm>> -> memref<1x512xi32, #tpu.memory_space<hbm>>
      %dma_wait3A_353 = tpu.memref_squeeze %dma_wait3A_352 : memref<1x512xi32, #tpu.memory_space<hbm>> -> memref<512xi32, #tpu.memory_space<hbm>>
      tpu.wait_dma2 semaphore(%run_scoped3A_343 : memref<!tpu.dma_semaphore, #tpu.memory_space<semaphore_mem>>) src(%dma_wait3A_353 : memref<512xi32, #tpu.memory_space<hbm>>) dst(%arg10 : memref<512xi32, #tpu.memory_space<vmem>>)
      tpu.yield
    }) : () -> ()
    %get3A = arith.constant 0 : index
    %get3A_1 = tpu.vector_load %arg9[%get3A] {strides = array<i32>} : memref<512xi32, #tpu.memory_space<vmem>>, vector<16xi32>,
    %get3A_2 = arith.constant 0 : index
    %get3A_3 = tpu.vector_load %arg10[%get3A_2] {strides = array<i32>} : memref<512xi32, #tpu.memory_space<vmem>>, vector<16xi32>,
    %gather3A = tpu.vector_load_idx %arg8[%get3A_1] : memref<64xi32, #tpu.memory_space<vmem>>[vector<16xi32>], vector<16xi32>,
    %add3A_4 = arith.addi %gather3A, %get3A_3 : vector<16xi32>
    %swap3A = arith.constant 0 : i32
    %swap3A_5 = arith.index_cast %swap3A : i32 to index
    %swap3A_6 = arith.constant 0 : index
    %swap3A_7 = tpu.vector_load %arg11[%swap3A_5, %swap3A_6] {strides = array<i32>} : memref<8x64xi32, #tpu.memory_space<vmem>>, vector<16xi32>,
    tpu.vector_store %arg11[%swap3A_5, %swap3A_6], %add3A_4 {strides = array<i32>} : memref<8x64xi32, #tpu.memory_space<vmem>>, vector<16xi32>,
    %get3A_8 = arith.constant 16 : index
    %get3A_9 = tpu.vector_load %arg9[%get3A_8] {strides = array<i32>} : memref<512xi32, #tpu.memory_space<vmem>>, vector<16xi32>,
    %get3A_10 = arith.constant 16 : index
    %get3A_11 = tpu.vector_load %arg10[%get3A_10] {strides = array<i32>} : memref<512xi32, #tpu.memory_space<vmem>>, vector<16xi32>,
    %gather3A_12 = tpu.vector_load_idx %arg8[%get3A_9] : memref<64xi32, #tpu.memory_space<vmem>>[vector<16xi32>], vector<16xi32>,
    %add3A_13 = arith.addi %gather3A_12, %get3A_11 : vector<16xi32>
    %swap3A_14 = arith.constant 0 : i32
    %swap3A_15 = arith.index_cast %swap3A_14 : i32 to index
    %swap3A_16 = arith.constant 16 : index
    %swap3A_17 = tpu.vector_load %arg11[%swap3A_15, %swap3A_16] {strides = array<i32>} : memref<8x64xi32, #tpu.memory_space<vmem>>, vector<16xi32>,
    tpu.vector_store %arg11[%swap3A_15, %swap3A_16], %add3A_13 {strides = array<i32>} : memref<8x64xi32, #tpu.memory_space<vmem>>, vector<16xi32>,
    %get3A_18 = arith.constant 32 : index
    %get3A_19 = tpu.vector_load %arg9[%get3A_18] {strides = array<i32>} : memref<512xi32, #tpu.memory_space<vmem>>, vector<16xi32>,
    %get3A_20 = arith.constant 32 : index
    %get3A_21 = tpu.vector_load %arg10[%get3A_20] {strides = array<i32>} : memref<512xi32, #tpu.memory_space<vmem>>, vector<16xi32>,
    %gather3A_22 = tpu.vector_load_idx %arg8[%get3A_19] : memref<64xi32, #tpu.memory_space<vmem>>[vector<16xi32>], vector<16xi32>,
    %add3A_23 = arith.addi %gather3A_22, %get3A_21 : vector<16xi32>
    %swap3A_24 = arith.constant 0 : i32
    %swap3A_25 = arith.index_cast %swap3A_24 : i32 to index
    %swap3A_26 = arith.constant 32 : index
    %swap3A_27 = tpu.vector_load %arg11[%swap3A_25, %swap3A_26] {strides = array<i32>} : memref<8x64xi32, #tpu.memory_space<vmem>>, vector<16xi32>,
    tpu.vector_store %arg11[%swap3A_25, %swap3A_26], %add3A_23 {strides = array<i32>} : memref<8x64xi32, #tpu.memory_space<vmem>>, vector<16xi32>,
    %get3A_28 = arith.constant 48 : index
    %get3A_29 = tpu.vector_load %arg9[%get3A_28] {strides = array<i32>} : memref<512xi32, #tpu.memory_space<vmem>>, vector<16xi32>,
    %get3A_30 = arith.constant 48 : index
    %get3A_31 = tpu.vector_load %arg10[%get3A_30] {strides = array<i32>} : memref<512xi32, #tpu.memory_space<vmem>>, vector<16xi32>,
    %gather3A_32 = tpu.vector_load_idx %arg8[%get3A_29] : memref<64xi32, #tpu.memory_space<vmem>>[vector<16xi32>], vector<16xi32>,
    %add3A_33 = arith.addi %gather3A_32, %get3A_31 : vector<16xi32>
    %swap3A_34 = arith.constant 0 : i32
    %swap3A_35 = arith.index_cast %swap3A_34 : i32 to index
    %swap3A_36 = arith.constant 48 : index
    %swap3A_37 = tpu.vector_load %arg11[%swap3A_35, %swap3A_36] {strides = array<i32>} : memref<8x64xi32, #tpu.memory_space<vmem>>, vector<16xi32>,
    tpu.vector_store %arg11[%swap3A_35, %swap3A_36], %add3A_33 {strides = array<i32>} : memref<8x64xi32, #tpu.memory_space<vmem>>, vector<16xi32>,
    %get3A_38 = arith.constant 64 : index
    %get3A_39 = tpu.vector_load %arg9[%get3A_38] {strides = array<i32>} : memref<512xi32, #tpu.memory_space<vmem>>, vector<16xi32>,
    %get3A_40 = arith.constant 64 : index
    %get3A_41 = tpu.vector_load %arg10[%get3A_40] {strides = array<i32>} : memref<512xi32, #tpu.memory_space<vmem>>, vector<16xi32>,
    %gather3A_42 = tpu.vector_load_idx %arg8[%get3A_39] : memref<64xi32, #tpu.memory_space<vmem>>[vector<16xi32>], vector<16xi32>,
    %add3A_43 = arith.addi %gather3A_42, %get3A_41 : vector<16xi32>
    %swap3A_44 = arith.constant 1 : i32
    %swap3A_45 = arith.index_cast %swap3A_44 : i32 to index
    %swap3A_46 = arith.constant 0 : index
    %swap3A_47 = tpu.vector_load %arg11[%swap3A_45, %swap3A_46] {strides = array<i32>} : memref<8x64xi32, #tpu.memory_space<vmem>>, vector<16xi32>,
    tpu.vector_store %arg11[%swap3A_45, %swap3A_46], %add3A_43 {strides = array<i32>} : memref<8x64xi32, #tpu.memory_space<vmem>>, vector<16xi32>,
    %get3A_48 = arith.constant 80 : index
    %get3A_49 = tpu.vector_load %arg9[%get3A_48] {strides = array<i32>} : memref<512xi32, #tpu.memory_space<vmem>>, vector<16xi32>,
    %get3A_50 = arith.constant 80 : index
    %get3A_51 = tpu.vector_load %arg10[%get3A_50] {strides = array<i32>} : memref<512xi32, #tpu.memory_space<vmem>>, vector<16xi32>,
    %gather3A_52 = tpu.vector_load_idx %arg8[%get3A_49] : memref<64xi32, #tpu.memory_space<vmem>>[vector<16xi32>], vector<16xi32>,
    %add3A_53 = arith.addi %gather3A_52, %get3A_51 : vector<16xi32>
    %swap3A_54 = arith.constant 1 : i32
    %swap3A_55 = arith.index_cast %swap3A_54 : i32 to index
    %swap3A_56 = arith.constant 16 : index
    %swap3A_57 = tpu.vector_load %arg11[%swap3A_55, %swap3A_56] {strides = array<i32>} : memref<8x64xi32, #tpu.memory_space<vmem>>, vector<16xi32>,
    tpu.vector_store %arg11[%swap3A_55, %swap3A_56], %add3A_53 {strides = array<i32>} : memref<8x64xi32, #tpu.memory_space<vmem>>, vector<16xi32>,
    %get3A_58 = arith.constant 96 : index
    %get3A_59 = tpu.vector_load %arg9[%get3A_58] {strides = array<i32>} : memref<512xi32, #tpu.memory_space<vmem>>, vector<16xi32>,
    %get3A_60 = arith.constant 96 : index
    %get3A_61 = tpu.vector_load %arg10[%get3A_60] {strides = array<i32>} : memref<512xi32, #tpu.memory_space<vmem>>, vector<16xi32>,
    %gather3A_62 = tpu.vector_load_idx %arg8[%get3A_59] : memref<64xi32, #tpu.memory_space<vmem>>[vector<16xi32>], vector<16xi32>,
    %add3A_63 = arith.addi %gather3A_62, %get3A_61 : vector<16xi32>
    %swap3A_64 = arith.constant 1 : i32
    %swap3A_65 = arith.index_cast %swap3A_64 : i32 to index
    %swap3A_66 = arith.constant 32 : index
    %swap3A_67 = tpu.vector_load %arg11[%swap3A_65, %swap3A_66] {strides = array<i32>} : memref<8x64xi32, #tpu.memory_space<vmem>>, vector<16xi32>,
    tpu.vector_store %arg11[%swap3A_65, %swap3A_66], %add3A_63 {strides = array<i32>} : memref<8x64xi32, #tpu.memory_space<vmem>>, vector<16xi32>,
    %get3A_68 = arith.constant 112 : index
    %get3A_69 = tpu.vector_load %arg9[%get3A_68] {strides = array<i32>} : memref<512xi32, #tpu.memory_space<vmem>>, vector<16xi32>,
    %get3A_70 = arith.constant 112 : index
    %get3A_71 = tpu.vector_load %arg10[%get3A_70] {strides = array<i32>} : memref<512xi32, #tpu.memory_space<vmem>>, vector<16xi32>,
    %gather3A_72 = tpu.vector_load_idx %arg8[%get3A_69] : memref<64xi32, #tpu.memory_space<vmem>>[vector<16xi32>], vector<16xi32>,
    %add3A_73 = arith.addi %gather3A_72, %get3A_71 : vector<16xi32>
    %swap3A_74 = arith.constant 1 : i32
    %swap3A_75 = arith.index_cast %swap3A_74 : i32 to index
    %swap3A_76 = arith.constant 48 : index
    %swap3A_77 = tpu.vector_load %arg11[%swap3A_75, %swap3A_76] {strides = array<i32>} : memref<8x64xi32, #tpu.memory_space<vmem>>, vector<16xi32>,
    tpu.vector_store %arg11[%swap3A_75, %swap3A_76], %add3A_73 {strides = array<i32>} : memref<8x64xi32, #tpu.memory_space<vmem>>, vector<16xi32>,
    %get3A_78 = arith.constant 128 : index
    %get3A_79 = tpu.vector_load %arg9[%get3A_78] {strides = array<i32>} : memref<512xi32, #tpu.memory_space<vmem>>, vector<16xi32>,
    %get3A_80 = arith.constant 128 : index
    %get3A_81 = tpu.vector_load %arg10[%get3A_80] {strides = array<i32>} : memref<512xi32, #tpu.memory_space<vmem>>, vector<16xi32>,
    %gather3A_82 = tpu.vector_load_idx %arg8[%get3A_79] : memref<64xi32, #tpu.memory_space<vmem>>[vector<16xi32>], vector<16xi32>,
    %add3A_83 = arith.addi %gather3A_82, %get3A_81 : vector<16xi32>
    %swap3A_84 = arith.constant 2 : i32
    %swap3A_85 = arith.index_cast %swap3A_84 : i32 to index
    %swap3A_86 = arith.constant 0 : index
    %swap3A_87 = tpu.vector_load %arg11[%swap3A_85, %swap3A_86] {strides = array<i32>} : memref<8x64xi32, #tpu.memory_space<vmem>>, vector<16xi32>,
    tpu.vector_store %arg11[%swap3A_85, %swap3A_86], %add3A_83 {strides = array<i32>} : memref<8x64xi32, #tpu.memory_space<vmem>>, vector<16xi32>,
    %get3A_88 = arith.constant 144 : index
    %get3A_89 = tpu.vector_load %arg9[%get3A_88] {strides = array<i32>} : memref<512xi32, #tpu.memory_space<vmem>>, vector<16xi32>,
    %get3A_90 = arith.constant 144 : index
    %get3A_91 = tpu.vector_load %arg10[%get3A_90] {strides = array<i32>} : memref<512xi32, #tpu.memory_space<vmem>>, vector<16xi32>,
    %gather3A_92 = tpu.vector_load_idx %arg8[%get3A_89] : memref<64xi32, #tpu.memory_space<vmem>>[vector<16xi32>], vector<16xi32>,
    %add3A_93 = arith.addi %gather3A_92, %get3A_91 : vector<16xi32>
    %swap3A_94 = arith.constant 2 : i32
    %swap3A_95 = arith.index_cast %swap3A_94 : i32 to index
    %swap3A_96 = arith.constant 16 : index
    %swap3A_97 = tpu.vector_load %arg11[%swap3A_95, %swap3A_96] {strides = array<i32>} : memref<8x64xi32, #tpu.memory_space<vmem>>, vector<16xi32>,
    tpu.vector_store %arg11[%swap3A_95, %swap3A_96], %add3A_93 {strides = array<i32>} : memref<8x64xi32, #tpu.memory_space<vmem>>, vector<16xi32>,
    %get3A_98 = arith.constant 160 : index
    %get3A_99 = tpu.vector_load %arg9[%get3A_98] {strides = array<i32>} : memref<512xi32, #tpu.memory_space<vmem>>, vector<16xi32>,
    %get3A_100 = arith.constant 160 : index
    %get3A_101 = tpu.vector_load %arg10[%get3A_100] {strides = array<i32>} : memref<512xi32, #tpu.memory_space<vmem>>, vector<16xi32>,
    %gather3A_102 = tpu.vector_load_idx %arg8[%get3A_99] : memref<64xi32, #tpu.memory_space<vmem>>[vector<16xi32>], vector<16xi32>,
    %add3A_103 = arith.addi %gather3A_102, %get3A_101 : vector<16xi32>
    %swap3A_104 = arith.constant 2 : i32
    %swap3A_105 = arith.index_cast %swap3A_104 : i32 to index
    %swap3A_106 = arith.constant 32 : index
    %swap3A_107 = tpu.vector_load %arg11[%swap3A_105, %swap3A_106] {strides = array<i32>} : memref<8x64xi32, #tpu.memory_space<vmem>>, vector<16xi32>,
    tpu.vector_store %arg11[%swap3A_105, %swap3A_106], %add3A_103 {strides = array<i32>} : memref<8x64xi32, #tpu.memory_space<vmem>>, vector<16xi32>,
    %get3A_108 = arith.constant 176 : index
    %get3A_109 = tpu.vector_load %arg9[%get3A_108] {strides = array<i32>} : memref<512xi32, #tpu.memory_space<vmem>>, vector<16xi32>,
    %get3A_110 = arith.constant 176 : index
    %get3A_111 = tpu.vector_load %arg10[%get3A_110] {strides = array<i32>} : memref<512xi32, #tpu.memory_space<vmem>>, vector<16xi32>,
    %gather3A_112 = tpu.vector_load_idx %arg8[%get3A_109] : memref<64xi32, #tpu.memory_space<vmem>>[vector<16xi32>], vector<16xi32>,
    %add3A_113 = arith.addi %gather3A_112, %get3A_111 : vector<16xi32>
    %swap3A_114 = arith.constant 2 : i32
    %swap3A_115 = arith.index_cast %swap3A_114 : i32 to index
    %swap3A_116 = arith.constant 48 : index
    %swap3A_117 = tpu.vector_load %arg11[%swap3A_115, %swap3A_116] {strides = array<i32>} : memref<8x64xi32, #tpu.memory_space<vmem>>, vector<16xi32>,
    tpu.vector_store %arg11[%swap3A_115, %swap3A_116], %add3A_113 {strides = array<i32>} : memref<8x64xi32, #tpu.memory_space<vmem>>, vector<16xi32>,
    %get3A_118 = arith.constant 192 : index
    %get3A_119 = tpu.vector_load %arg9[%get3A_118] {strides = array<i32>} : memref<512xi32, #tpu.memory_space<vmem>>, vector<16xi32>,
    %get3A_120 = arith.constant 192 : index
    %get3A_121 = tpu.vector_load %arg10[%get3A_120] {strides = array<i32>} : memref<512xi32, #tpu.memory_space<vmem>>, vector<16xi32>,
    %gather3A_122 = tpu.vector_load_idx %arg8[%get3A_119] : memref<64xi32, #tpu.memory_space<vmem>>[vector<16xi32>], vector<16xi32>,
    %add3A_123 = arith.addi %gather3A_122, %get3A_121 : vector<16xi32>
    %swap3A_124 = arith.constant 3 : i32
    %swap3A_125 = arith.index_cast %swap3A_124 : i32 to index
    %swap3A_126 = arith.constant 0 : index
    %swap3A_127 = tpu.vector_load %arg11[%swap3A_125, %swap3A_126] {strides = array<i32>} : memref<8x64xi32, #tpu.memory_space<vmem>>, vector<16xi32>,
    tpu.vector_store %arg11[%swap3A_125, %swap3A_126], %add3A_123 {strides = array<i32>} : memref<8x64xi32, #tpu.memory_space<vmem>>, vector<16xi32>,
    %get3A_128 = arith.constant 208 : index
    %get3A_129 = tpu.vector_load %arg9[%get3A_128] {strides = array<i32>} : memref<512xi32, #tpu.memory_space<vmem>>, vector<16xi32>,
    %get3A_130 = arith.constant 208 : index
    %get3A_131 = tpu.vector_load %arg10[%get3A_130] {strides = array<i32>} : memref<512xi32, #tpu.memory_space<vmem>>, vector<16xi32>,
    %gather3A_132 = tpu.vector_load_idx %arg8[%get3A_129] : memref<64xi32, #tpu.memory_space<vmem>>[vector<16xi32>], vector<16xi32>,
    %add3A_133 = arith.addi %gather3A_132, %get3A_131 : vector<16xi32>
    %swap3A_134 = arith.constant 3 : i32
    %swap3A_135 = arith.index_cast %swap3A_134 : i32 to index
    %swap3A_136 = arith.constant 16 : index
    %swap3A_137 = tpu.vector_load %arg11[%swap3A_135, %swap3A_136] {strides = array<i32>} : memref<8x64xi32, #tpu.memory_space<vmem>>, vector<16xi32>,
    tpu.vector_store %arg11[%swap3A_135, %swap3A_136], %add3A_133 {strides = array<i32>} : memref<8x64xi32, #tpu.memory_space<vmem>>, vector<16xi32>,
    %get3A_138 = arith.constant 224 : index
    %get3A_139 = tpu.vector_load %arg9[%get3A_138] {strides = array<i32>} : memref<512xi32, #tpu.memory_space<vmem>>, vector<16xi32>,
    %get3A_140 = arith.constant 224 : index
    %get3A_141 = tpu.vector_load %arg10[%get3A_140] {strides = array<i32>} : memref<512xi32, #tpu.memory_space<vmem>>, vector<16xi32>,
    %gather3A_142 = tpu.vector_load_idx %arg8[%get3A_139] : memref<64xi32, #tpu.memory_space<vmem>>[vector<16xi32>], vector<16xi32>,
    %add3A_143 = arith.addi %gather3A_142, %get3A_141 : vector<16xi32>
    %swap3A_144 = arith.constant 3 : i32
    %swap3A_145 = arith.index_cast %swap3A_144 : i32 to index
    %swap3A_146 = arith.constant 32 : index
    %swap3A_147 = tpu.vector_load %arg11[%swap3A_145, %swap3A_146] {strides = array<i32>} : memref<8x64xi32, #tpu.memory_space<vmem>>, vector<16xi32>,
    tpu.vector_store %arg11[%swap3A_145, %swap3A_146], %add3A_143 {strides = array<i32>} : memref<8x64xi32, #tpu.memory_space<vmem>>, vector<16xi32>,
    %get3A_148 = arith.constant 240 : index
    %get3A_149 = tpu.vector_load %arg9[%get3A_148] {strides = array<i32>} : memref<512xi32, #tpu.memory_space<vmem>>, vector<16xi32>,
    %get3A_150 = arith.constant 240 : index
    %get3A_151 = tpu.vector_load %arg10[%get3A_150] {strides = array<i32>} : memref<512xi32, #tpu.memory_space<vmem>>, vector<16xi32>,
    %gather3A_152 = tpu.vector_load_idx %arg8[%get3A_149] : memref<64xi32, #tpu.memory_space<vmem>>[vector<16xi32>], vector<16xi32>,
    %add3A_153 = arith.addi %gather3A_152, %get3A_151 : vector<16xi32>
    %swap3A_154 = arith.constant 3 : i32
    %swap3A_155 = arith.index_cast %swap3A_154 : i32 to index
    %swap3A_156 = arith.constant 48 : index
    %swap3A_157 = tpu.vector_load %arg11[%swap3A_155, %swap3A_156] {strides = array<i32>} : memref<8x64xi32, #tpu.memory_space<vmem>>, vector<16xi32>,
    tpu.vector_store %arg11[%swap3A_155, %swap3A_156], %add3A_153 {strides = array<i32>} : memref<8x64xi32, #tpu.memory_space<vmem>>, vector<16xi32>,
    %get3A_158 = arith.constant 256 : index
    %get3A_159 = tpu.vector_load %arg9[%get3A_158] {strides = array<i32>} : memref<512xi32, #tpu.memory_space<vmem>>, vector<16xi32>,
    %get3A_160 = arith.constant 256 : index
    %get3A_161 = tpu.vector_load %arg10[%get3A_160] {strides = array<i32>} : memref<512xi32, #tpu.memory_space<vmem>>, vector<16xi32>,
    %gather3A_162 = tpu.vector_load_idx %arg8[%get3A_159] : memref<64xi32, #tpu.memory_space<vmem>>[vector<16xi32>], vector<16xi32>,
    %add3A_163 = arith.addi %gather3A_162, %get3A_161 : vector<16xi32>
    %swap3A_164 = arith.constant 4 : i32
    %swap3A_165 = arith.index_cast %swap3A_164 : i32 to index
    %swap3A_166 = arith.constant 0 : index
    %swap3A_167 = tpu.vector_load %arg11[%swap3A_165, %swap3A_166] {strides = array<i32>} : memref<8x64xi32, #tpu.memory_space<vmem>>, vector<16xi32>,
    tpu.vector_store %arg11[%swap3A_165, %swap3A_166], %add3A_163 {strides = array<i32>} : memref<8x64xi32, #tpu.memory_space<vmem>>, vector<16xi32>,
    %get3A_168 = arith.constant 272 : index
    %get3A_169 = tpu.vector_load %arg9[%get3A_168] {strides = array<i32>} : memref<512xi32, #tpu.memory_space<vmem>>, vector<16xi32>,
    %get3A_170 = arith.constant 272 : index
    %get3A_171 = tpu.vector_load %arg10[%get3A_170] {strides = array<i32>} : memref<512xi32, #tpu.memory_space<vmem>>, vector<16xi32>,
    %gather3A_172 = tpu.vector_load_idx %arg8[%get3A_169] : memref<64xi32, #tpu.memory_space<vmem>>[vector<16xi32>], vector<16xi32>,
    %add3A_173 = arith.addi %gather3A_172, %get3A_171 : vector<16xi32>
    %swap3A_174 = arith.constant 4 : i32
    %swap3A_175 = arith.index_cast %swap3A_174 : i32 to index
    %swap3A_176 = arith.constant 16 : index
    %swap3A_177 = tpu.vector_load %arg11[%swap3A_175, %swap3A_176] {strides = array<i32>} : memref<8x64xi32, #tpu.memory_space<vmem>>, vector<16xi32>,
    tpu.vector_store %arg11[%swap3A_175, %swap3A_176], %add3A_173 {strides = array<i32>} : memref<8x64xi32, #tpu.memory_space<vmem>>, vector<16xi32>,
    %get3A_178 = arith.constant 288 : index
    %get3A_179 = tpu.vector_load %arg9[%get3A_178] {strides = array<i32>} : memref<512xi32, #tpu.memory_space<vmem>>, vector<16xi32>,
    %get3A_180 = arith.constant 288 : index
    %get3A_181 = tpu.vector_load %arg10[%get3A_180] {strides = array<i32>} : memref<512xi32, #tpu.memory_space<vmem>>, vector<16xi32>,
    %gather3A_182 = tpu.vector_load_idx %arg8[%get3A_179] : memref<64xi32, #tpu.memory_space<vmem>>[vector<16xi32>], vector<16xi32>,
    %add3A_183 = arith.addi %gather3A_182, %get3A_181 : vector<16xi32>
    %swap3A_184 = arith.constant 4 : i32
    %swap3A_185 = arith.index_cast %swap3A_184 : i32 to index
    %swap3A_186 = arith.constant 32 : index
    %swap3A_187 = tpu.vector_load %arg11[%swap3A_185, %swap3A_186] {strides = array<i32>} : memref<8x64xi32, #tpu.memory_space<vmem>>, vector<16xi32>,
    tpu.vector_store %arg11[%swap3A_185, %swap3A_186], %add3A_183 {strides = array<i32>} : memref<8x64xi32, #tpu.memory_space<vmem>>, vector<16xi32>,
    %get3A_188 = arith.constant 304 : index
    %get3A_189 = tpu.vector_load %arg9[%get3A_188] {strides = array<i32>} : memref<512xi32, #tpu.memory_space<vmem>>, vector<16xi32>,
    %get3A_190 = arith.constant 304 : index
    %get3A_191 = tpu.vector_load %arg10[%get3A_190] {strides = array<i32>} : memref<512xi32, #tpu.memory_space<vmem>>, vector<16xi32>,
    %gather3A_192 = tpu.vector_load_idx %arg8[%get3A_189] : memref<64xi32, #tpu.memory_space<vmem>>[vector<16xi32>], vector<16xi32>,
    %add3A_193 = arith.addi %gather3A_192, %get3A_191 : vector<16xi32>
    %swap3A_194 = arith.constant 4 : i32
    %swap3A_195 = arith.index_cast %swap3A_194 : i32 to index
    %swap3A_196 = arith.constant 48 : index
    %swap3A_197 = tpu.vector_load %arg11[%swap3A_195, %swap3A_196] {strides = array<i32>} : memref<8x64xi32, #tpu.memory_space<vmem>>, vector<16xi32>,
    tpu.vector_store %arg11[%swap3A_195, %swap3A_196], %add3A_193 {strides = array<i32>} : memref<8x64xi32, #tpu.memory_space<vmem>>, vector<16xi32>,
    %get3A_198 = arith.constant 320 : index
    %get3A_199 = tpu.vector_load %arg9[%get3A_198] {strides = array<i32>} : memref<512xi32, #tpu.memory_space<vmem>>, vector<16xi32>,
    %get3A_200 = arith.constant 320 : index
    %get3A_201 = tpu.vector_load %arg10[%get3A_200] {strides = array<i32>} : memref<512xi32, #tpu.memory_space<vmem>>, vector<16xi32>,
    %gather3A_202 = tpu.vector_load_idx %arg8[%get3A_199] : memref<64xi32, #tpu.memory_space<vmem>>[vector<16xi32>], vector<16xi32>,
    %add3A_203 = arith.addi %gather3A_202, %get3A_201 : vector<16xi32>
    %swap3A_204 = arith.constant 5 : i32
    %swap3A_205 = arith.index_cast %swap3A_204 : i32 to index
    %swap3A_206 = arith.constant 0 : index
    %swap3A_207 = tpu.vector_load %arg11[%swap3A_205, %swap3A_206] {strides = array<i32>} : memref<8x64xi32, #tpu.memory_space<vmem>>, vector<16xi32>,
    tpu.vector_store %arg11[%swap3A_205, %swap3A_206], %add3A_203 {strides = array<i32>} : memref<8x64xi32, #tpu.memory_space<vmem>>, vector<16xi32>,
    %get3A_208 = arith.constant 336 : index
    %get3A_209 = tpu.vector_load %arg9[%get3A_208] {strides = array<i32>} : memref<512xi32, #tpu.memory_space<vmem>>, vector<16xi32>,
    %get3A_210 = arith.constant 336 : index
    %get3A_211 = tpu.vector_load %arg10[%get3A_210] {strides = array<i32>} : memref<512xi32, #tpu.memory_space<vmem>>, vector<16xi32>,
    %gather3A_212 = tpu.vector_load_idx %arg8[%get3A_209] : memref<64xi32, #tpu.memory_space<vmem>>[vector<16xi32>], vector<16xi32>,
    %add3A_213 = arith.addi %gather3A_212, %get3A_211 : vector<16xi32>
    %swap3A_214 = arith.constant 5 : i32
    %swap3A_215 = arith.index_cast %swap3A_214 : i32 to index
    %swap3A_216 = arith.constant 16 : index
    %swap3A_217 = tpu.vector_load %arg11[%swap3A_215, %swap3A_216] {strides = array<i32>} : memref<8x64xi32, #tpu.memory_space<vmem>>, vector<16xi32>,
    tpu.vector_store %arg11[%swap3A_215, %swap3A_216], %add3A_213 {strides = array<i32>} : memref<8x64xi32, #tpu.memory_space<vmem>>, vector<16xi32>,
    %get3A_218 = arith.constant 352 : index
    %get3A_219 = tpu.vector_load %arg9[%get3A_218] {strides = array<i32>} : memref<512xi32, #tpu.memory_space<vmem>>, vector<16xi32>,
    %get3A_220 = arith.constant 352 : index
    %get3A_221 = tpu.vector_load %arg10[%get3A_220] {strides = array<i32>} : memref<512xi32, #tpu.memory_space<vmem>>, vector<16xi32>,
    %gather3A_222 = tpu.vector_load_idx %arg8[%get3A_219] : memref<64xi32, #tpu.memory_space<vmem>>[vector<16xi32>], vector<16xi32>,
    %add3A_223 = arith.addi %gather3A_222, %get3A_221 : vector<16xi32>
    %swap3A_224 = arith.constant 5 : i32
    %swap3A_225 = arith.index_cast %swap3A_224 : i32 to index
    %swap3A_226 = arith.constant 32 : index
    %swap3A_227 = tpu.vector_load %arg11[%swap3A_225, %swap3A_226] {strides = array<i32>} : memref<8x64xi32, #tpu.memory_space<vmem>>, vector<16xi32>,
    tpu.vector_store %arg11[%swap3A_225, %swap3A_226], %add3A_223 {strides = array<i32>} : memref<8x64xi32, #tpu.memory_space<vmem>>, vector<16xi32>,
    %get3A_228 = arith.constant 368 : index
    %get3A_229 = tpu.vector_load %arg9[%get3A_228] {strides = array<i32>} : memref<512xi32, #tpu.memory_space<vmem>>, vector<16xi32>,
    %get3A_230 = arith.constant 368 : index
    %get3A_231 = tpu.vector_load %arg10[%get3A_230] {strides = array<i32>} : memref<512xi32, #tpu.memory_space<vmem>>, vector<16xi32>,
    %gather3A_232 = tpu.vector_load_idx %arg8[%get3A_229] : memref<64xi32, #tpu.memory_space<vmem>>[vector<16xi32>], vector<16xi32>,
    %add3A_233 = arith.addi %gather3A_232, %get3A_231 : vector<16xi32>
    %swap3A_234 = arith.constant 5 : i32
    %swap3A_235 = arith.index_cast %swap3A_234 : i32 to index
    %swap3A_236 = arith.constant 48 : index
    %swap3A_237 = tpu.vector_load %arg11[%swap3A_235, %swap3A_236] {strides = array<i32>} : memref<8x64xi32, #tpu.memory_space<vmem>>, vector<16xi32>,
    tpu.vector_store %arg11[%swap3A_235, %swap3A_236], %add3A_233 {strides = array<i32>} : memref<8x64xi32, #tpu.memory_space<vmem>>, vector<16xi32>,
    %get3A_238 = arith.constant 384 : index
    %get3A_239 = tpu.vector_load %arg9[%get3A_238] {strides = array<i32>} : memref<512xi32, #tpu.memory_space<vmem>>, vector<16xi32>,
    %get3A_240 = arith.constant 384 : index
    %get3A_241 = tpu.vector_load %arg10[%get3A_240] {strides = array<i32>} : memref<512xi32, #tpu.memory_space<vmem>>, vector<16xi32>,
    %gather3A_242 = tpu.vector_load_idx %arg8[%get3A_239] : memref<64xi32, #tpu.memory_space<vmem>>[vector<16xi32>], vector<16xi32>,
    %add3A_243 = arith.addi %gather3A_242, %get3A_241 : vector<16xi32>
    %swap3A_244 = arith.constant 6 : i32
    %swap3A_245 = arith.index_cast %swap3A_244 : i32 to index
    %swap3A_246 = arith.constant 0 : index
    %swap3A_247 = tpu.vector_load %arg11[%swap3A_245, %swap3A_246] {strides = array<i32>} : memref<8x64xi32, #tpu.memory_space<vmem>>, vector<16xi32>,
    tpu.vector_store %arg11[%swap3A_245, %swap3A_246], %add3A_243 {strides = array<i32>} : memref<8x64xi32, #tpu.memory_space<vmem>>, vector<16xi32>,
    %get3A_248 = arith.constant 400 : index
    %get3A_249 = tpu.vector_load %arg9[%get3A_248] {strides = array<i32>} : memref<512xi32, #tpu.memory_space<vmem>>, vector<16xi32>,
    %get3A_250 = arith.constant 400 : index
    %get3A_251 = tpu.vector_load %arg10[%get3A_250] {strides = array<i32>} : memref<512xi32, #tpu.memory_space<vmem>>, vector<16xi32>,
    %gather3A_252 = tpu.vector_load_idx %arg8[%get3A_249] : memref<64xi32, #tpu.memory_space<vmem>>[vector<16xi32>], vector<16xi32>,
    %add3A_253 = arith.addi %gather3A_252, %get3A_251 : vector<16xi32>
    %swap3A_254 = arith.constant 6 : i32
    %swap3A_255 = arith.index_cast %swap3A_254 : i32 to index
    %swap3A_256 = arith.constant 16 : index
    %swap3A_257 = tpu.vector_load %arg11[%swap3A_255, %swap3A_256] {strides = array<i32>} : memref<8x64xi32, #tpu.memory_space<vmem>>, vector<16xi32>,
    tpu.vector_store %arg11[%swap3A_255, %swap3A_256], %add3A_253 {strides = array<i32>} : memref<8x64xi32, #tpu.memory_space<vmem>>, vector<16xi32>,
    %get3A_258 = arith.constant 416 : index
    %get3A_259 = tpu.vector_load %arg9[%get3A_258] {strides = array<i32>} : memref<512xi32, #tpu.memory_space<vmem>>, vector<16xi32>,
    %get3A_260 = arith.constant 416 : index
    %get3A_261 = tpu.vector_load %arg10[%get3A_260] {strides = array<i32>} : memref<512xi32, #tpu.memory_space<vmem>>, vector<16xi32>,
    %gather3A_262 = tpu.vector_load_idx %arg8[%get3A_259] : memref<64xi32, #tpu.memory_space<vmem>>[vector<16xi32>], vector<16xi32>,
    %add3A_263 = arith.addi %gather3A_262, %get3A_261 : vector<16xi32>
    %swap3A_264 = arith.constant 6 : i32
    %swap3A_265 = arith.index_cast %swap3A_264 : i32 to index
    %swap3A_266 = arith.constant 32 : index
    %swap3A_267 = tpu.vector_load %arg11[%swap3A_265, %swap3A_266] {strides = array<i32>} : memref<8x64xi32, #tpu.memory_space<vmem>>, vector<16xi32>,
    tpu.vector_store %arg11[%swap3A_265, %swap3A_266], %add3A_263 {strides = array<i32>} : memref<8x64xi32, #tpu.memory_space<vmem>>, vector<16xi32>,
    %get3A_268 = arith.constant 432 : index
    %get3A_269 = tpu.vector_load %arg9[%get3A_268] {strides = array<i32>} : memref<512xi32, #tpu.memory_space<vmem>>, vector<16xi32>,
    %get3A_270 = arith.constant 432 : index
    %get3A_271 = tpu.vector_load %arg10[%get3A_270] {strides = array<i32>} : memref<512xi32, #tpu.memory_space<vmem>>, vector<16xi32>,
    %gather3A_272 = tpu.vector_load_idx %arg8[%get3A_269] : memref<64xi32, #tpu.memory_space<vmem>>[vector<16xi32>], vector<16xi32>,
    %add3A_273 = arith.addi %gather3A_272, %get3A_271 : vector<16xi32>
    %swap3A_274 = arith.constant 6 : i32
    %swap3A_275 = arith.index_cast %swap3A_274 : i32 to index
    %swap3A_276 = arith.constant 48 : index
    %swap3A_277 = tpu.vector_load %arg11[%swap3A_275, %swap3A_276] {strides = array<i32>} : memref<8x64xi32, #tpu.memory_space<vmem>>, vector<16xi32>,
    tpu.vector_store %arg11[%swap3A_275, %swap3A_276], %add3A_273 {strides = array<i32>} : memref<8x64xi32, #tpu.memory_space<vmem>>, vector<16xi32>,
    %get3A_278 = arith.constant 448 : index
    %get3A_279 = tpu.vector_load %arg9[%get3A_278] {strides = array<i32>} : memref<512xi32, #tpu.memory_space<vmem>>, vector<16xi32>,
    %get3A_280 = arith.constant 448 : index
    %get3A_281 = tpu.vector_load %arg10[%get3A_280] {strides = array<i32>} : memref<512xi32, #tpu.memory_space<vmem>>, vector<16xi32>,
    %gather3A_282 = tpu.vector_load_idx %arg8[%get3A_279] : memref<64xi32, #tpu.memory_space<vmem>>[vector<16xi32>], vector<16xi32>,
    %add3A_283 = arith.addi %gather3A_282, %get3A_281 : vector<16xi32>
    %swap3A_284 = arith.constant 7 : i32
    %swap3A_285 = arith.index_cast %swap3A_284 : i32 to index
    %swap3A_286 = arith.constant 0 : index
    %swap3A_287 = tpu.vector_load %arg11[%swap3A_285, %swap3A_286] {strides = array<i32>} : memref<8x64xi32, #tpu.memory_space<vmem>>, vector<16xi32>,
    tpu.vector_store %arg11[%swap3A_285, %swap3A_286], %add3A_283 {strides = array<i32>} : memref<8x64xi32, #tpu.memory_space<vmem>>, vector<16xi32>,
    %get3A_288 = arith.constant 464 : index
    %get3A_289 = tpu.vector_load %arg9[%get3A_288] {strides = array<i32>} : memref<512xi32, #tpu.memory_space<vmem>>, vector<16xi32>,
    %get3A_290 = arith.constant 464 : index
    %get3A_291 = tpu.vector_load %arg10[%get3A_290] {strides = array<i32>} : memref<512xi32, #tpu.memory_space<vmem>>, vector<16xi32>,
    %gather3A_292 = tpu.vector_load_idx %arg8[%get3A_289] : memref<64xi32, #tpu.memory_space<vmem>>[vector<16xi32>], vector<16xi32>,
    %add3A_293 = arith.addi %gather3A_292, %get3A_291 : vector<16xi32>
    %swap3A_294 = arith.constant 7 : i32
    %swap3A_295 = arith.index_cast %swap3A_294 : i32 to index
    %swap3A_296 = arith.constant 16 : index
    %swap3A_297 = tpu.vector_load %arg11[%swap3A_295, %swap3A_296] {strides = array<i32>} : memref<8x64xi32, #tpu.memory_space<vmem>>, vector<16xi32>,
    tpu.vector_store %arg11[%swap3A_295, %swap3A_296], %add3A_293 {strides = array<i32>} : memref<8x64xi32, #tpu.memory_space<vmem>>, vector<16xi32>,
    %get3A_298 = arith.constant 480 : index
    %get3A_299 = tpu.vector_load %arg9[%get3A_298] {strides = array<i32>} : memref<512xi32, #tpu.memory_space<vmem>>, vector<16xi32>,
    %get3A_300 = arith.constant 480 : index
    %get3A_301 = tpu.vector_load %arg10[%get3A_300] {strides = array<i32>} : memref<512xi32, #tpu.memory_space<vmem>>, vector<16xi32>,
    %gather3A_302 = tpu.vector_load_idx %arg8[%get3A_299] : memref<64xi32, #tpu.memory_space<vmem>>[vector<16xi32>], vector<16xi32>,
    %add3A_303 = arith.addi %gather3A_302, %get3A_301 : vector<16xi32>
    %swap3A_304 = arith.constant 7 : i32
    %swap3A_305 = arith.index_cast %swap3A_304 : i32 to index
    %swap3A_306 = arith.constant 32 : index
    %swap3A_307 = tpu.vector_load %arg11[%swap3A_305, %swap3A_306] {strides = array<i32>} : memref<8x64xi32, #tpu.memory_space<vmem>>, vector<16xi32>,
    tpu.vector_store %arg11[%swap3A_305, %swap3A_306], %add3A_303 {strides = array<i32>} : memref<8x64xi32, #tpu.memory_space<vmem>>, vector<16xi32>,
    %get3A_308 = arith.constant 496 : index
    %get3A_309 = tpu.vector_load %arg9[%get3A_308] {strides = array<i32>} : memref<512xi32, #tpu.memory_space<vmem>>, vector<16xi32>,
    %get3A_310 = arith.constant 496 : index
    %get3A_311 = tpu.vector_load %arg10[%get3A_310] {strides = array<i32>} : memref<512xi32, #tpu.memory_space<vmem>>, vector<16xi32>,
    %gather3A_312 = tpu.vector_load_idx %arg8[%get3A_309] : memref<64xi32, #tpu.memory_space<vmem>>[vector<16xi32>], vector<16xi32>,
    %add3A_313 = arith.addi %gather3A_312, %get3A_311 : vector<16xi32>
    %swap3A_314 = arith.constant 7 : i32
    %swap3A_315 = arith.index_cast %swap3A_314 : i32 to index
    %swap3A_316 = arith.constant 48 : index
    %swap3A_317 = tpu.vector_load %arg11[%swap3A_315, %swap3A_316] {strides = array<i32>} : memref<8x64xi32, #tpu.memory_space<vmem>>, vector<16xi32>,
    tpu.vector_store %arg11[%swap3A_315, %swap3A_316], %add3A_313 {strides = array<i32>} : memref<8x64xi32, #tpu.memory_space<vmem>>, vector<16xi32>,
    "tpu.region"() ({
      %run_scoped3A_343 = tpu.sem_alloc : memref<!tpu.dma_semaphore, #tpu.memory_space<semaphore_mem>>
      %dma_start3A = arith.constant 0 : i32
      %dma_start3A_344 = arith.constant 0 : i32
      %dma_start3A_345 = tpu.memref_slice %arg7[%add3A, %dma_start3A, %dma_start3A_344] : memref<32x8x64xi32, #tpu.memory_space<hbm>> -> memref<1x8x64xi32, #tpu.memory_space<hbm>>
      %dma_start3A_346 = tpu.memref_squeeze %dma_start3A_345 : memref<1x8x64xi32, #tpu.memory_space<hbm>> -> memref<8x64xi32, #tpu.memory_space<hbm>>
      %dma_start3A_347 = arith.constant 0 : i32
      %dma_start3A_348 = arith.constant 0 : i32
      %dma_start3A_349 = tpu.memref_slice %arg7[%add3A, %dma_start3A_347, %dma_start3A_348] : memref<32x8x64xi32, #tpu.memory_space<hbm>> -> memref<1x8x64xi32, #tpu.memory_space<hbm>>
      %dma_start3A_350 = tpu.memref_squeeze %dma_start3A_349 : memref<1x8x64xi32, #tpu.memory_space<hbm>> -> memref<8x64xi32, #tpu.memory_space<hbm>>
      tpu.enqueue_dma source(%arg11 : memref<8x64xi32, #tpu.memory_space<vmem>>) target(%dma_start3A_350 : memref<8x64xi32, #tpu.memory_space<hbm>>) target_semaphore(%run_scoped3A_343 : memref<!tpu.dma_semaphore, #tpu.memory_space<semaphore_mem>>)
      %dma_wait3A = arith.constant 0 : i32
      %dma_wait3A_351 = arith.constant 0 : i32
      %dma_wait3A_352 = tpu.memref_slice %arg7[%add3A, %dma_wait3A, %dma_wait3A_351] : memref<32x8x64xi32, #tpu.memory_space<hbm>> -> memref<1x8x64xi32, #tpu.memory_space<hbm>>
      %dma_wait3A_353 = tpu.memref_squeeze %dma_wait3A_352 : memref<1x8x64xi32, #tpu.memory_space<hbm>> -> memref<8x64xi32, #tpu.memory_space<hbm>>
      %dma_wait3A_354 = arith.constant 0 : i32
      %dma_wait3A_355 = arith.constant 0 : i32
      %dma_wait3A_356 = tpu.memref_slice %arg7[%add3A, %dma_wait3A_354, %dma_wait3A_355] : memref<32x8x64xi32, #tpu.memory_space<hbm>> -> memref<1x8x64xi32, #tpu.memory_space<hbm>>
      %dma_wait3A_357 = tpu.memref_squeeze %dma_wait3A_356 : memref<1x8x64xi32, #tpu.memory_space<hbm>> -> memref<8x64xi32, #tpu.memory_space<hbm>>
      tpu.wait_dma2 semaphore(%run_scoped3A_343 : memref<!tpu.dma_semaphore, #tpu.memory_space<semaphore_mem>>) src(%arg11 : memref<8x64xi32, #tpu.memory_space<vmem>>) dst(%dma_wait3A_357 : memref<8x64xi32, #tpu.memory_space<hbm>>)
      tpu.yield
    }) : () -> ()
    %mul3A_318 = arith.constant 512 : i32
    %mul3A_319 = arith.muli %add3A, %mul3A_318 : i32
    %add3A_320 = arith.constant 0 : i32
    %add3A_321 = arith.addi %mul3A_319, %add3A_320 : i32
    "tpu.region"() ({
      %run_scoped3A_343 = tpu.sem_alloc : memref<!tpu.dma_semaphore, #tpu.memory_space<semaphore_mem>>
      %dma_start3A = arith.constant 0 : i32
      %dma_start3A_344 = tpu.memref_slice %arg2[%add3A_321, %dma_start3A] : memref<16384x1024xf32, #tpu.memory_space<hbm>> -> memref<64x1024xf32, #tpu.memory_space<hbm>>
      %dma_start3A_345 = arith.constant 0 : i32
      %dma_start3A_346 = tpu.memref_slice %arg2[%add3A_321, %dma_start3A_345] : memref<16384x1024xf32, #tpu.memory_space<hbm>> -> memref<64x1024xf32, #tpu.memory_space<hbm>>
      tpu.enqueue_dma source(%dma_start3A_346 : memref<64x1024xf32, #tpu.memory_space<hbm>>) target(%arg12 : memref<64x1024xf32, #tpu.memory_space<vmem>>) target_semaphore(%run_scoped3A_343 : memref<!tpu.dma_semaphore, #tpu.memory_space<semaphore_mem>>)
      %dma_wait3A = arith.constant 0 : i32
      %dma_wait3A_347 = tpu.memref_slice %arg2[%add3A_321, %dma_wait3A] : memref<16384x1024xf32, #tpu.memory_space<hbm>> -> memref<64x1024xf32, #tpu.memory_space<hbm>>
      %dma_wait3A_348 = arith.constant 0 : i32
      %dma_wait3A_349 = tpu.memref_slice %arg2[%add3A_321, %dma_wait3A_348] : memref<16384x1024xf32, #tpu.memory_space<hbm>> -> memref<64x1024xf32, #tpu.memory_space<hbm>>
      tpu.wait_dma2 semaphore(%run_scoped3A_343 : memref<!tpu.dma_semaphore, #tpu.memory_space<semaphore_mem>>) src(%dma_wait3A_349 : memref<64x1024xf32, #tpu.memory_space<hbm>>) dst(%arg12 : memref<64x1024xf32, #tpu.memory_space<vmem>>)
      tpu.yield
    }) : () -> ()
    %run_scoped3A = arith.constant 0 : i32
    "tpu.region"() ({
      %run_scoped3A_343 = tpu.sem_alloc : memref<!tpu.dma_semaphore, #tpu.memory_space<semaphore_mem>>
      %dma_start3A = arith.constant 0 : i32
      %dma_start3A_344 = tpu.memref_slice %arg11[%run_scoped3A, %dma_start3A] : memref<8x64xi32, #tpu.memory_space<vmem>> -> memref<1x64xi32, #tpu.memory_space<vmem>>
      %dma_start3A_345 = tpu.memref_squeeze %dma_start3A_344 : memref<1x64xi32, #tpu.memory_space<vmem>> -> memref<64xi32, #tpu.memory_space<vmem>>
      %dma_start3A_346 = arith.constant 0 : i32
      %dma_start3A_347 = arith.constant 0 : i32
      %dma_start3A_348 = tpu.memref_slice %arg6[%dma_start3A_346, %dma_start3A_347] : memref<32768x1024xf32, #tpu.memory_space<hbm>> -> memref<32768x1024xf32, #tpu.memory_space<hbm>>
      tpu.enqueue_indirect_dma source(%arg12 : memref<64x1024xf32, #tpu.memory_space<vmem>>) target(%dma_start3A_348 : memref<32768x1024xf32, #tpu.memory_space<hbm>>) offsets(%dma_start3A_345 : memref<64xi32, #tpu.memory_space<vmem>>) semaphore(%run_scoped3A_343 : memref<!tpu.dma_semaphore, #tpu.memory_space<semaphore_mem>>)
      %dma_wait3A = arith.constant 0 : i32
      %dma_wait3A_349 = tpu.memref_slice %arg11[%run_scoped3A, %dma_wait3A] : memref<8x64xi32, #tpu.memory_space<vmem>> -> memref<1x64xi32, #tpu.memory_space<vmem>>
      %dma_wait3A_350 = tpu.memref_squeeze %dma_wait3A_349 : memref<1x64xi32, #tpu.memory_space<vmem>> -> memref<64xi32, #tpu.memory_space<vmem>>
      %dma_wait3A_351 = arith.constant 0 : i32
      %dma_wait3A_352 = arith.constant 0 : i32
      %dma_wait3A_353 = tpu.memref_slice %arg6[%dma_wait3A_351, %dma_wait3A_352] : memref<32768x1024xf32, #tpu.memory_space<hbm>> -> memref<32768x1024xf32, #tpu.memory_space<hbm>>
      tpu.wait_indirect_dma semaphore(%run_scoped3A_343 : memref<!tpu.dma_semaphore, #tpu.memory_space<semaphore_mem>>) src(%arg12 : memref<64x1024xf32, #tpu.memory_space<vmem>>) dst(%dma_wait3A_353 : memref<32768x1024xf32, #tpu.memory_space<hbm>>)
      tpu.yield
    }) : () -> ()
    %add3A_322 = arith.constant 64 : i32
    %add3A_323 = arith.addi %mul3A_319, %add3A_322 : i32
    "tpu.region"() ({
      %run_scoped3A_343 = tpu.sem_alloc : memref<!tpu.dma_semaphore, #tpu.memory_space<semaphore_mem>>
      %dma_start3A = arith.constant 0 : i32
      %dma_start3A_344 = tpu.memref_slice %arg2[%add3A_323, %dma_start3A] : memref<16384x1024xf32, #tpu.memory_space<hbm>> -> memref<64x1024xf32, #tpu.memory_space<hbm>>
      %dma_start3A_345 = arith.constant 0 : i32
      %dma_start3A_346 = tpu.memref_slice %arg2[%add3A_323, %dma_start3A_345] : memref<16384x1024xf32, #tpu.memory_space<hbm>> -> memref<64x1024xf32, #tpu.memory_space<hbm>>
      tpu.enqueue_dma source(%dma_start3A_346 : memref<64x1024xf32, #tpu.memory_space<hbm>>) target(%arg12 : memref<64x1024xf32, #tpu.memory_space<vmem>>) target_semaphore(%run_scoped3A_343 : memref<!tpu.dma_semaphore, #tpu.memory_space<semaphore_mem>>)
      %dma_wait3A = arith.constant 0 : i32
      %dma_wait3A_347 = tpu.memref_slice %arg2[%add3A_323, %dma_wait3A] : memref<16384x1024xf32, #tpu.memory_space<hbm>> -> memref<64x1024xf32, #tpu.memory_space<hbm>>
      %dma_wait3A_348 = arith.constant 0 : i32
      %dma_wait3A_349 = tpu.memref_slice %arg2[%add3A_323, %dma_wait3A_348] : memref<16384x1024xf32, #tpu.memory_space<hbm>> -> memref<64x1024xf32, #tpu.memory_space<hbm>>
      tpu.wait_dma2 semaphore(%run_scoped3A_343 : memref<!tpu.dma_semaphore, #tpu.memory_space<semaphore_mem>>) src(%dma_wait3A_349 : memref<64x1024xf32, #tpu.memory_space<hbm>>) dst(%arg12 : memref<64x1024xf32, #tpu.memory_space<vmem>>)
      tpu.yield
    }) : () -> ()
    %run_scoped3A_324 = arith.constant 1 : i32
    "tpu.region"() ({
      %run_scoped3A_343 = tpu.sem_alloc : memref<!tpu.dma_semaphore, #tpu.memory_space<semaphore_mem>>
      %dma_start3A = arith.constant 0 : i32
      %dma_start3A_344 = tpu.memref_slice %arg11[%run_scoped3A_324, %dma_start3A] : memref<8x64xi32, #tpu.memory_space<vmem>> -> memref<1x64xi32, #tpu.memory_space<vmem>>
      %dma_start3A_345 = tpu.memref_squeeze %dma_start3A_344 : memref<1x64xi32, #tpu.memory_space<vmem>> -> memref<64xi32, #tpu.memory_space<vmem>>
      %dma_start3A_346 = arith.constant 0 : i32
      %dma_start3A_347 = arith.constant 0 : i32
      %dma_start3A_348 = tpu.memref_slice %arg6[%dma_start3A_346, %dma_start3A_347] : memref<32768x1024xf32, #tpu.memory_space<hbm>> -> memref<32768x1024xf32, #tpu.memory_space<hbm>>
      tpu.enqueue_indirect_dma source(%arg12 : memref<64x1024xf32, #tpu.memory_space<vmem>>) target(%dma_start3A_348 : memref<32768x1024xf32, #tpu.memory_space<hbm>>) offsets(%dma_start3A_345 : memref<64xi32, #tpu.memory_space<vmem>>) semaphore(%run_scoped3A_343 : memref<!tpu.dma_semaphore, #tpu.memory_space<semaphore_mem>>)
      %dma_wait3A = arith.constant 0 : i32
      %dma_wait3A_349 = tpu.memref_slice %arg11[%run_scoped3A_324, %dma_wait3A] : memref<8x64xi32, #tpu.memory_space<vmem>> -> memref<1x64xi32, #tpu.memory_space<vmem>>
      %dma_wait3A_350 = tpu.memref_squeeze %dma_wait3A_349 : memref<1x64xi32, #tpu.memory_space<vmem>> -> memref<64xi32, #tpu.memory_space<vmem>>
      %dma_wait3A_351 = arith.constant 0 : i32
      %dma_wait3A_352 = arith.constant 0 : i32
      %dma_wait3A_353 = tpu.memref_slice %arg6[%dma_wait3A_351, %dma_wait3A_352] : memref<32768x1024xf32, #tpu.memory_space<hbm>> -> memref<32768x1024xf32, #tpu.memory_space<hbm>>
      tpu.wait_indirect_dma semaphore(%run_scoped3A_343 : memref<!tpu.dma_semaphore, #tpu.memory_space<semaphore_mem>>) src(%arg12 : memref<64x1024xf32, #tpu.memory_space<vmem>>) dst(%dma_wait3A_353 : memref<32768x1024xf32, #tpu.memory_space<hbm>>)
      tpu.yield
    }) : () -> ()
    %add3A_325 = arith.constant 128 : i32
    %add3A_326 = arith.addi %mul3A_319, %add3A_325 : i32
    "tpu.region"() ({
      %run_scoped3A_343 = tpu.sem_alloc : memref<!tpu.dma_semaphore, #tpu.memory_space<semaphore_mem>>
      %dma_start3A = arith.constant 0 : i32
      %dma_start3A_344 = tpu.memref_slice %arg2[%add3A_326, %dma_start3A] : memref<16384x1024xf32, #tpu.memory_space<hbm>> -> memref<64x1024xf32, #tpu.memory_space<hbm>>
      %dma_start3A_345 = arith.constant 0 : i32
      %dma_start3A_346 = tpu.memref_slice %arg2[%add3A_326, %dma_start3A_345] : memref<16384x1024xf32, #tpu.memory_space<hbm>> -> memref<64x1024xf32, #tpu.memory_space<hbm>>
      tpu.enqueue_dma source(%dma_start3A_346 : memref<64x1024xf32, #tpu.memory_space<hbm>>) target(%arg12 : memref<64x1024xf32, #tpu.memory_space<vmem>>) target_semaphore(%run_scoped3A_343 : memref<!tpu.dma_semaphore, #tpu.memory_space<semaphore_mem>>)
      %dma_wait3A = arith.constant 0 : i32
      %dma_wait3A_347 = tpu.memref_slice %arg2[%add3A_326, %dma_wait3A] : memref<16384x1024xf32, #tpu.memory_space<hbm>> -> memref<64x1024xf32, #tpu.memory_space<hbm>>
      %dma_wait3A_348 = arith.constant 0 : i32
      %dma_wait3A_349 = tpu.memref_slice %arg2[%add3A_326, %dma_wait3A_348] : memref<16384x1024xf32, #tpu.memory_space<hbm>> -> memref<64x1024xf32, #tpu.memory_space<hbm>>
      tpu.wait_dma2 semaphore(%run_scoped3A_343 : memref<!tpu.dma_semaphore, #tpu.memory_space<semaphore_mem>>) src(%dma_wait3A_349 : memref<64x1024xf32, #tpu.memory_space<hbm>>) dst(%arg12 : memref<64x1024xf32, #tpu.memory_space<vmem>>)
      tpu.yield
    }) : () -> ()
    %run_scoped3A_327 = arith.constant 2 : i32
    "tpu.region"() ({
      %run_scoped3A_343 = tpu.sem_alloc : memref<!tpu.dma_semaphore, #tpu.memory_space<semaphore_mem>>
      %dma_start3A = arith.constant 0 : i32
      %dma_start3A_344 = tpu.memref_slice %arg11[%run_scoped3A_327, %dma_start3A] : memref<8x64xi32, #tpu.memory_space<vmem>> -> memref<1x64xi32, #tpu.memory_space<vmem>>
      %dma_start3A_345 = tpu.memref_squeeze %dma_start3A_344 : memref<1x64xi32, #tpu.memory_space<vmem>> -> memref<64xi32, #tpu.memory_space<vmem>>
      %dma_start3A_346 = arith.constant 0 : i32
      %dma_start3A_347 = arith.constant 0 : i32
      %dma_start3A_348 = tpu.memref_slice %arg6[%dma_start3A_346, %dma_start3A_347] : memref<32768x1024xf32, #tpu.memory_space<hbm>> -> memref<32768x1024xf32, #tpu.memory_space<hbm>>
      tpu.enqueue_indirect_dma source(%arg12 : memref<64x1024xf32, #tpu.memory_space<vmem>>) target(%dma_start3A_348 : memref<32768x1024xf32, #tpu.memory_space<hbm>>) offsets(%dma_start3A_345 : memref<64xi32, #tpu.memory_space<vmem>>) semaphore(%run_scoped3A_343 : memref<!tpu.dma_semaphore, #tpu.memory_space<semaphore_mem>>)
      %dma_wait3A = arith.constant 0 : i32
      %dma_wait3A_349 = tpu.memref_slice %arg11[%run_scoped3A_327, %dma_wait3A] : memref<8x64xi32, #tpu.memory_space<vmem>> -> memref<1x64xi32, #tpu.memory_space<vmem>>
      %dma_wait3A_350 = tpu.memref_squeeze %dma_wait3A_349 : memref<1x64xi32, #tpu.memory_space<vmem>> -> memref<64xi32, #tpu.memory_space<vmem>>
      %dma_wait3A_351 = arith.constant 0 : i32
      %dma_wait3A_352 = arith.constant 0 : i32
      %dma_wait3A_353 = tpu.memref_slice %arg6[%dma_wait3A_351, %dma_wait3A_352] : memref<32768x1024xf32, #tpu.memory_space<hbm>> -> memref<32768x1024xf32, #tpu.memory_space<hbm>>
      tpu.wait_indirect_dma semaphore(%run_scoped3A_343 : memref<!tpu.dma_semaphore, #tpu.memory_space<semaphore_mem>>) src(%arg12 : memref<64x1024xf32, #tpu.memory_space<vmem>>) dst(%dma_wait3A_353 : memref<32768x1024xf32, #tpu.memory_space<hbm>>)
      tpu.yield
    }) : () -> ()
    %add3A_328 = arith.constant 192 : i32
    %add3A_329 = arith.addi %mul3A_319, %add3A_328 : i32
    "tpu.region"() ({
      %run_scoped3A_343 = tpu.sem_alloc : memref<!tpu.dma_semaphore, #tpu.memory_space<semaphore_mem>>
      %dma_start3A = arith.constant 0 : i32
      %dma_start3A_344 = tpu.memref_slice %arg2[%add3A_329, %dma_start3A] : memref<16384x1024xf32, #tpu.memory_space<hbm>> -> memref<64x1024xf32, #tpu.memory_space<hbm>>
      %dma_start3A_345 = arith.constant 0 : i32
      %dma_start3A_346 = tpu.memref_slice %arg2[%add3A_329, %dma_start3A_345] : memref<16384x1024xf32, #tpu.memory_space<hbm>> -> memref<64x1024xf32, #tpu.memory_space<hbm>>
      tpu.enqueue_dma source(%dma_start3A_346 : memref<64x1024xf32, #tpu.memory_space<hbm>>) target(%arg12 : memref<64x1024xf32, #tpu.memory_space<vmem>>) target_semaphore(%run_scoped3A_343 : memref<!tpu.dma_semaphore, #tpu.memory_space<semaphore_mem>>)
      %dma_wait3A = arith.constant 0 : i32
      %dma_wait3A_347 = tpu.memref_slice %arg2[%add3A_329, %dma_wait3A] : memref<16384x1024xf32, #tpu.memory_space<hbm>> -> memref<64x1024xf32, #tpu.memory_space<hbm>>
      %dma_wait3A_348 = arith.constant 0 : i32
      %dma_wait3A_349 = tpu.memref_slice %arg2[%add3A_329, %dma_wait3A_348] : memref<16384x1024xf32, #tpu.memory_space<hbm>> -> memref<64x1024xf32, #tpu.memory_space<hbm>>
      tpu.wait_dma2 semaphore(%run_scoped3A_343 : memref<!tpu.dma_semaphore, #tpu.memory_space<semaphore_mem>>) src(%dma_wait3A_349 : memref<64x1024xf32, #tpu.memory_space<hbm>>) dst(%arg12 : memref<64x1024xf32, #tpu.memory_space<vmem>>)
      tpu.yield
    }) : () -> ()
    %run_scoped3A_330 = arith.constant 3 : i32
    "tpu.region"() ({
      %run_scoped3A_343 = tpu.sem_alloc : memref<!tpu.dma_semaphore, #tpu.memory_space<semaphore_mem>>
      %dma_start3A = arith.constant 0 : i32
      %dma_start3A_344 = tpu.memref_slice %arg11[%run_scoped3A_330, %dma_start3A] : memref<8x64xi32, #tpu.memory_space<vmem>> -> memref<1x64xi32, #tpu.memory_space<vmem>>
      %dma_start3A_345 = tpu.memref_squeeze %dma_start3A_344 : memref<1x64xi32, #tpu.memory_space<vmem>> -> memref<64xi32, #tpu.memory_space<vmem>>
      %dma_start3A_346 = arith.constant 0 : i32
      %dma_start3A_347 = arith.constant 0 : i32
      %dma_start3A_348 = tpu.memref_slice %arg6[%dma_start3A_346, %dma_start3A_347] : memref<32768x1024xf32, #tpu.memory_space<hbm>> -> memref<32768x1024xf32, #tpu.memory_space<hbm>>
      tpu.enqueue_indirect_dma source(%arg12 : memref<64x1024xf32, #tpu.memory_space<vmem>>) target(%dma_start3A_348 : memref<32768x1024xf32, #tpu.memory_space<hbm>>) offsets(%dma_start3A_345 : memref<64xi32, #tpu.memory_space<vmem>>) semaphore(%run_scoped3A_343 : memref<!tpu.dma_semaphore, #tpu.memory_space<semaphore_mem>>)
      %dma_wait3A = arith.constant 0 : i32
      %dma_wait3A_349 = tpu.memref_slice %arg11[%run_scoped3A_330, %dma_wait3A] : memref<8x64xi32, #tpu.memory_space<vmem>> -> memref<1x64xi32, #tpu.memory_space<vmem>>
      %dma_wait3A_350 = tpu.memref_squeeze %dma_wait3A_349 : memref<1x64xi32, #tpu.memory_space<vmem>> -> memref<64xi32, #tpu.memory_space<vmem>>
      %dma_wait3A_351 = arith.constant 0 : i32
      %dma_wait3A_352 = arith.constant 0 : i32
      %dma_wait3A_353 = tpu.memref_slice %arg6[%dma_wait3A_351, %dma_wait3A_352] : memref<32768x1024xf32, #tpu.memory_space<hbm>> -> memref<32768x1024xf32, #tpu.memory_space<hbm>>
      tpu.wait_indirect_dma semaphore(%run_scoped3A_343 : memref<!tpu.dma_semaphore, #tpu.memory_space<semaphore_mem>>) src(%arg12 : memref<64x1024xf32, #tpu.memory_space<vmem>>) dst(%dma_wait3A_353 : memref<32768x1024xf32, #tpu.memory_space<hbm>>)
      tpu.yield
    }) : () -> ()
    %add3A_331 = arith.constant 256 : i32
    %add3A_332 = arith.addi %mul3A_319, %add3A_331 : i32
    "tpu.region"() ({
      %run_scoped3A_343 = tpu.sem_alloc : memref<!tpu.dma_semaphore, #tpu.memory_space<semaphore_mem>>
      %dma_start3A = arith.constant 0 : i32
      %dma_start3A_344 = tpu.memref_slice %arg2[%add3A_332, %dma_start3A] : memref<16384x1024xf32, #tpu.memory_space<hbm>> -> memref<64x1024xf32, #tpu.memory_space<hbm>>
      %dma_start3A_345 = arith.constant 0 : i32
      %dma_start3A_346 = tpu.memref_slice %arg2[%add3A_332, %dma_start3A_345] : memref<16384x1024xf32, #tpu.memory_space<hbm>> -> memref<64x1024xf32, #tpu.memory_space<hbm>>
      tpu.enqueue_dma source(%dma_start3A_346 : memref<64x1024xf32, #tpu.memory_space<hbm>>) target(%arg12 : memref<64x1024xf32, #tpu.memory_space<vmem>>) target_semaphore(%run_scoped3A_343 : memref<!tpu.dma_semaphore, #tpu.memory_space<semaphore_mem>>)
      %dma_wait3A = arith.constant 0 : i32
      %dma_wait3A_347 = tpu.memref_slice %arg2[%add3A_332, %dma_wait3A] : memref<16384x1024xf32, #tpu.memory_space<hbm>> -> memref<64x1024xf32, #tpu.memory_space<hbm>>
      %dma_wait3A_348 = arith.constant 0 : i32
      %dma_wait3A_349 = tpu.memref_slice %arg2[%add3A_332, %dma_wait3A_348] : memref<16384x1024xf32, #tpu.memory_space<hbm>> -> memref<64x1024xf32, #tpu.memory_space<hbm>>
      tpu.wait_dma2 semaphore(%run_scoped3A_343 : memref<!tpu.dma_semaphore, #tpu.memory_space<semaphore_mem>>) src(%dma_wait3A_349 : memref<64x1024xf32, #tpu.memory_space<hbm>>) dst(%arg12 : memref<64x1024xf32, #tpu.memory_space<vmem>>)
      tpu.yield
    }) : () -> ()
    %run_scoped3A_333 = arith.constant 4 : i32
    "tpu.region"() ({
      %run_scoped3A_343 = tpu.sem_alloc : memref<!tpu.dma_semaphore, #tpu.memory_space<semaphore_mem>>
      %dma_start3A = arith.constant 0 : i32
      %dma_start3A_344 = tpu.memref_slice %arg11[%run_scoped3A_333, %dma_start3A] : memref<8x64xi32, #tpu.memory_space<vmem>> -> memref<1x64xi32, #tpu.memory_space<vmem>>
      %dma_start3A_345 = tpu.memref_squeeze %dma_start3A_344 : memref<1x64xi32, #tpu.memory_space<vmem>> -> memref<64xi32, #tpu.memory_space<vmem>>
      %dma_start3A_346 = arith.constant 0 : i32
      %dma_start3A_347 = arith.constant 0 : i32
      %dma_start3A_348 = tpu.memref_slice %arg6[%dma_start3A_346, %dma_start3A_347] : memref<32768x1024xf32, #tpu.memory_space<hbm>> -> memref<32768x1024xf32, #tpu.memory_space<hbm>>
      tpu.enqueue_indirect_dma source(%arg12 : memref<64x1024xf32, #tpu.memory_space<vmem>>) target(%dma_start3A_348 : memref<32768x1024xf32, #tpu.memory_space<hbm>>) offsets(%dma_start3A_345 : memref<64xi32, #tpu.memory_space<vmem>>) semaphore(%run_scoped3A_343 : memref<!tpu.dma_semaphore, #tpu.memory_space<semaphore_mem>>)
      %dma_wait3A = arith.constant 0 : i32
      %dma_wait3A_349 = tpu.memref_slice %arg11[%run_scoped3A_333, %dma_wait3A] : memref<8x64xi32, #tpu.memory_space<vmem>> -> memref<1x64xi32, #tpu.memory_space<vmem>>
      %dma_wait3A_350 = tpu.memref_squeeze %dma_wait3A_349 : memref<1x64xi32, #tpu.memory_space<vmem>> -> memref<64xi32, #tpu.memory_space<vmem>>
      %dma_wait3A_351 = arith.constant 0 : i32
      %dma_wait3A_352 = arith.constant 0 : i32
      %dma_wait3A_353 = tpu.memref_slice %arg6[%dma_wait3A_351, %dma_wait3A_352] : memref<32768x1024xf32, #tpu.memory_space<hbm>> -> memref<32768x1024xf32, #tpu.memory_space<hbm>>
      tpu.wait_indirect_dma semaphore(%run_scoped3A_343 : memref<!tpu.dma_semaphore, #tpu.memory_space<semaphore_mem>>) src(%arg12 : memref<64x1024xf32, #tpu.memory_space<vmem>>) dst(%dma_wait3A_353 : memref<32768x1024xf32, #tpu.memory_space<hbm>>)
      tpu.yield
    }) : () -> ()
    %add3A_334 = arith.constant 320 : i32
    %add3A_335 = arith.addi %mul3A_319, %add3A_334 : i32
    "tpu.region"() ({
      %run_scoped3A_343 = tpu.sem_alloc : memref<!tpu.dma_semaphore, #tpu.memory_space<semaphore_mem>>
      %dma_start3A = arith.constant 0 : i32
      %dma_start3A_344 = tpu.memref_slice %arg2[%add3A_335, %dma_start3A] : memref<16384x1024xf32, #tpu.memory_space<hbm>> -> memref<64x1024xf32, #tpu.memory_space<hbm>>
      %dma_start3A_345 = arith.constant 0 : i32
      %dma_start3A_346 = tpu.memref_slice %arg2[%add3A_335, %dma_start3A_345] : memref<16384x1024xf32, #tpu.memory_space<hbm>> -> memref<64x1024xf32, #tpu.memory_space<hbm>>
      tpu.enqueue_dma source(%dma_start3A_346 : memref<64x1024xf32, #tpu.memory_space<hbm>>) target(%arg12 : memref<64x1024xf32, #tpu.memory_space<vmem>>) target_semaphore(%run_scoped3A_343 : memref<!tpu.dma_semaphore, #tpu.memory_space<semaphore_mem>>)
      %dma_wait3A = arith.constant 0 : i32
      %dma_wait3A_347 = tpu.memref_slice %arg2[%add3A_335, %dma_wait3A] : memref<16384x1024xf32, #tpu.memory_space<hbm>> -> memref<64x1024xf32, #tpu.memory_space<hbm>>
      %dma_wait3A_348 = arith.constant 0 : i32
      %dma_wait3A_349 = tpu.memref_slice %arg2[%add3A_335, %dma_wait3A_348] : memref<16384x1024xf32, #tpu.memory_space<hbm>> -> memref<64x1024xf32, #tpu.memory_space<hbm>>
      tpu.wait_dma2 semaphore(%run_scoped3A_343 : memref<!tpu.dma_semaphore, #tpu.memory_space<semaphore_mem>>) src(%dma_wait3A_349 : memref<64x1024xf32, #tpu.memory_space<hbm>>) dst(%arg12 : memref<64x1024xf32, #tpu.memory_space<vmem>>)
      tpu.yield
    }) : () -> ()
    %run_scoped3A_336 = arith.constant 5 : i32
    "tpu.region"() ({
      %run_scoped3A_343 = tpu.sem_alloc : memref<!tpu.dma_semaphore, #tpu.memory_space<semaphore_mem>>
      %dma_start3A = arith.constant 0 : i32
      %dma_start3A_344 = tpu.memref_slice %arg11[%run_scoped3A_336, %dma_start3A] : memref<8x64xi32, #tpu.memory_space<vmem>> -> memref<1x64xi32, #tpu.memory_space<vmem>>
      %dma_start3A_345 = tpu.memref_squeeze %dma_start3A_344 : memref<1x64xi32, #tpu.memory_space<vmem>> -> memref<64xi32, #tpu.memory_space<vmem>>
      %dma_start3A_346 = arith.constant 0 : i32
      %dma_start3A_347 = arith.constant 0 : i32
      %dma_start3A_348 = tpu.memref_slice %arg6[%dma_start3A_346, %dma_start3A_347] : memref<32768x1024xf32, #tpu.memory_space<hbm>> -> memref<32768x1024xf32, #tpu.memory_space<hbm>>
      tpu.enqueue_indirect_dma source(%arg12 : memref<64x1024xf32, #tpu.memory_space<vmem>>) target(%dma_start3A_348 : memref<32768x1024xf32, #tpu.memory_space<hbm>>) offsets(%dma_start3A_345 : memref<64xi32, #tpu.memory_space<vmem>>) semaphore(%run_scoped3A_343 : memref<!tpu.dma_semaphore, #tpu.memory_space<semaphore_mem>>)
      %dma_wait3A = arith.constant 0 : i32
      %dma_wait3A_349 = tpu.memref_slice %arg11[%run_scoped3A_336, %dma_wait3A] : memref<8x64xi32, #tpu.memory_space<vmem>> -> memref<1x64xi32, #tpu.memory_space<vmem>>
      %dma_wait3A_350 = tpu.memref_squeeze %dma_wait3A_349 : memref<1x64xi32, #tpu.memory_space<vmem>> -> memref<64xi32, #tpu.memory_space<vmem>>
      %dma_wait3A_351 = arith.constant 0 : i32
      %dma_wait3A_352 = arith.constant 0 : i32
      %dma_wait3A_353 = tpu.memref_slice %arg6[%dma_wait3A_351, %dma_wait3A_352] : memref<32768x1024xf32, #tpu.memory_space<hbm>> -> memref<32768x1024xf32, #tpu.memory_space<hbm>>
      tpu.wait_indirect_dma semaphore(%run_scoped3A_343 : memref<!tpu.dma_semaphore, #tpu.memory_space<semaphore_mem>>) src(%arg12 : memref<64x1024xf32, #tpu.memory_space<vmem>>) dst(%dma_wait3A_353 : memref<32768x1024xf32, #tpu.memory_space<hbm>>)
      tpu.yield
    }) : () -> ()
    %add3A_337 = arith.constant 384 : i32
    %add3A_338 = arith.addi %mul3A_319, %add3A_337 : i32
    "tpu.region"() ({
      %run_scoped3A_343 = tpu.sem_alloc : memref<!tpu.dma_semaphore, #tpu.memory_space<semaphore_mem>>
      %dma_start3A = arith.constant 0 : i32
      %dma_start3A_344 = tpu.memref_slice %arg2[%add3A_338, %dma_start3A] : memref<16384x1024xf32, #tpu.memory_space<hbm>> -> memref<64x1024xf32, #tpu.memory_space<hbm>>
      %dma_start3A_345 = arith.constant 0 : i32
      %dma_start3A_346 = tpu.memref_slice %arg2[%add3A_338, %dma_start3A_345] : memref<16384x1024xf32, #tpu.memory_space<hbm>> -> memref<64x1024xf32, #tpu.memory_space<hbm>>
      tpu.enqueue_dma source(%dma_start3A_346 : memref<64x1024xf32, #tpu.memory_space<hbm>>) target(%arg12 : memref<64x1024xf32, #tpu.memory_space<vmem>>) target_semaphore(%run_scoped3A_343 : memref<!tpu.dma_semaphore, #tpu.memory_space<semaphore_mem>>)
      %dma_wait3A = arith.constant 0 : i32
      %dma_wait3A_347 = tpu.memref_slice %arg2[%add3A_338, %dma_wait3A] : memref<16384x1024xf32, #tpu.memory_space<hbm>> -> memref<64x1024xf32, #tpu.memory_space<hbm>>
      %dma_wait3A_348 = arith.constant 0 : i32
      %dma_wait3A_349 = tpu.memref_slice %arg2[%add3A_338, %dma_wait3A_348] : memref<16384x1024xf32, #tpu.memory_space<hbm>> -> memref<64x1024xf32, #tpu.memory_space<hbm>>
      tpu.wait_dma2 semaphore(%run_scoped3A_343 : memref<!tpu.dma_semaphore, #tpu.memory_space<semaphore_mem>>) src(%dma_wait3A_349 : memref<64x1024xf32, #tpu.memory_space<hbm>>) dst(%arg12 : memref<64x1024xf32, #tpu.memory_space<vmem>>)
      tpu.yield
    }) : () -> ()
    %run_scoped3A_339 = arith.constant 6 : i32
    "tpu.region"() ({
      %run_scoped3A_343 = tpu.sem_alloc : memref<!tpu.dma_semaphore, #tpu.memory_space<semaphore_mem>>
      %dma_start3A = arith.constant 0 : i32
      %dma_start3A_344 = tpu.memref_slice %arg11[%run_scoped3A_339, %dma_start3A] : memref<8x64xi32, #tpu.memory_space<vmem>> -> memref<1x64xi32, #tpu.memory_space<vmem>>
      %dma_start3A_345 = tpu.memref_squeeze %dma_start3A_344 : memref<1x64xi32, #tpu.memory_space<vmem>> -> memref<64xi32, #tpu.memory_space<vmem>>
      %dma_start3A_346 = arith.constant 0 : i32
      %dma_start3A_347 = arith.constant 0 : i32
      %dma_start3A_348 = tpu.memref_slice %arg6[%dma_start3A_346, %dma_start3A_347] : memref<32768x1024xf32, #tpu.memory_space<hbm>> -> memref<32768x1024xf32, #tpu.memory_space<hbm>>
      tpu.enqueue_indirect_dma source(%arg12 : memref<64x1024xf32, #tpu.memory_space<vmem>>) target(%dma_start3A_348 : memref<32768x1024xf32, #tpu.memory_space<hbm>>) offsets(%dma_start3A_345 : memref<64xi32, #tpu.memory_space<vmem>>) semaphore(%run_scoped3A_343 : memref<!tpu.dma_semaphore, #tpu.memory_space<semaphore_mem>>)
      %dma_wait3A = arith.constant 0 : i32
      %dma_wait3A_349 = tpu.memref_slice %arg11[%run_scoped3A_339, %dma_wait3A] : memref<8x64xi32, #tpu.memory_space<vmem>> -> memref<1x64xi32, #tpu.memory_space<vmem>>
      %dma_wait3A_350 = tpu.memref_squeeze %dma_wait3A_349 : memref<1x64xi32, #tpu.memory_space<vmem>> -> memref<64xi32, #tpu.memory_space<vmem>>
      %dma_wait3A_351 = arith.constant 0 : i32
      %dma_wait3A_352 = arith.constant 0 : i32
      %dma_wait3A_353 = tpu.memref_slice %arg6[%dma_wait3A_351, %dma_wait3A_352] : memref<32768x1024xf32, #tpu.memory_space<hbm>> -> memref<32768x1024xf32, #tpu.memory_space<hbm>>
      tpu.wait_indirect_dma semaphore(%run_scoped3A_343 : memref<!tpu.dma_semaphore, #tpu.memory_space<semaphore_mem>>) src(%arg12 : memref<64x1024xf32, #tpu.memory_space<vmem>>) dst(%dma_wait3A_353 : memref<32768x1024xf32, #tpu.memory_space<hbm>>)
      tpu.yield
    }) : () -> ()
    %add3A_340 = arith.constant 448 : i32
    %add3A_341 = arith.addi %mul3A_319, %add3A_340 : i32
    "tpu.region"() ({
      %run_scoped3A_343 = tpu.sem_alloc : memref<!tpu.dma_semaphore, #tpu.memory_space<semaphore_mem>>
      %dma_start3A = arith.constant 0 : i32
      %dma_start3A_344 = tpu.memref_slice %arg2[%add3A_341, %dma_start3A] : memref<16384x1024xf32, #tpu.memory_space<hbm>> -> memref<64x1024xf32, #tpu.memory_space<hbm>>
      %dma_start3A_345 = arith.constant 0 : i32
      %dma_start3A_346 = tpu.memref_slice %arg2[%add3A_341, %dma_start3A_345] : memref<16384x1024xf32, #tpu.memory_space<hbm>> -> memref<64x1024xf32, #tpu.memory_space<hbm>>
      tpu.enqueue_dma source(%dma_start3A_346 : memref<64x1024xf32, #tpu.memory_space<hbm>>) target(%arg12 : memref<64x1024xf32, #tpu.memory_space<vmem>>) target_semaphore(%run_scoped3A_343 : memref<!tpu.dma_semaphore, #tpu.memory_space<semaphore_mem>>)
      %dma_wait3A = arith.constant 0 : i32
      %dma_wait3A_347 = tpu.memref_slice %arg2[%add3A_341, %dma_wait3A] : memref<16384x1024xf32, #tpu.memory_space<hbm>> -> memref<64x1024xf32, #tpu.memory_space<hbm>>
      %dma_wait3A_348 = arith.constant 0 : i32
      %dma_wait3A_349 = tpu.memref_slice %arg2[%add3A_341, %dma_wait3A_348] : memref<16384x1024xf32, #tpu.memory_space<hbm>> -> memref<64x1024xf32, #tpu.memory_space<hbm>>
      tpu.wait_dma2 semaphore(%run_scoped3A_343 : memref<!tpu.dma_semaphore, #tpu.memory_space<semaphore_mem>>) src(%dma_wait3A_349 : memref<64x1024xf32, #tpu.memory_space<hbm>>) dst(%arg12 : memref<64x1024xf32, #tpu.memory_space<vmem>>)
      tpu.yield
    }) : () -> ()
    %run_scoped3A_342 = arith.constant 7 : i32
    "tpu.region"() ({
      %run_scoped3A_343 = tpu.sem_alloc : memref<!tpu.dma_semaphore, #tpu.memory_space<semaphore_mem>>
      %dma_start3A = arith.constant 0 : i32
      %dma_start3A_344 = tpu.memref_slice %arg11[%run_scoped3A_342, %dma_start3A] : memref<8x64xi32, #tpu.memory_space<vmem>> -> memref<1x64xi32, #tpu.memory_space<vmem>>
      %dma_start3A_345 = tpu.memref_squeeze %dma_start3A_344 : memref<1x64xi32, #tpu.memory_space<vmem>> -> memref<64xi32, #tpu.memory_space<vmem>>
      %dma_start3A_346 = arith.constant 0 : i32
      %dma_start3A_347 = arith.constant 0 : i32
      %dma_start3A_348 = tpu.memref_slice %arg6[%dma_start3A_346, %dma_start3A_347] : memref<32768x1024xf32, #tpu.memory_space<hbm>> -> memref<32768x1024xf32, #tpu.memory_space<hbm>>
      tpu.enqueue_indirect_dma source(%arg12 : memref<64x1024xf32, #tpu.memory_space<vmem>>) target(%dma_start3A_348 : memref<32768x1024xf32, #tpu.memory_space<hbm>>) offsets(%dma_start3A_345 : memref<64xi32, #tpu.memory_space<vmem>>) semaphore(%run_scoped3A_343 : memref<!tpu.dma_semaphore, #tpu.memory_space<semaphore_mem>>)
      %dma_wait3A = arith.constant 0 : i32
      %dma_wait3A_349 = tpu.memref_slice %arg11[%run_scoped3A_342, %dma_wait3A] : memref<8x64xi32, #tpu.memory_space<vmem>> -> memref<1x64xi32, #tpu.memory_space<vmem>>
      %dma_wait3A_350 = tpu.memref_squeeze %dma_wait3A_349 : memref<1x64xi32, #tpu.memory_space<vmem>> -> memref<64xi32, #tpu.memory_space<vmem>>
      %dma_wait3A_351 = arith.constant 0 : i32
      %dma_wait3A_352 = arith.constant 0 : i32
      %dma_wait3A_353 = tpu.memref_slice %arg6[%dma_wait3A_351, %dma_wait3A_352] : memref<32768x1024xf32, #tpu.memory_space<hbm>> -> memref<32768x1024xf32, #tpu.memory_space<hbm>>
      tpu.wait_indirect_dma semaphore(%run_scoped3A_343 : memref<!tpu.dma_semaphore, #tpu.memory_space<semaphore_mem>>) src(%arg12 : memref<64x1024xf32, #tpu.memory_space<vmem>>) dst(%dma_wait3A_353 : memref<32768x1024xf32, #tpu.memory_space<hbm>>)
      tpu.yield
    }) : () -> ()
    return
  }
}

module attributes {stable_mosaic.version = 14 : i64} {
  func.func @_router_body(%arg0: i32, %arg1: memref<1024x1024xf32, #tpu.memory_space<vmem>>, %arg2: memref<1024x64xf32, #tpu.memory_space<vmem>>, %arg3: memref<1024x1024xf32, #tpu.memory_space<vmem>>, %arg4: memref<1x1x1024xi32, #tpu.memory_space<vmem>>, %arg5: memref<1x1x1024xi32, #tpu.memory_space<vmem>>, %arg6: memref<1x64xi32, #tpu.memory_space<vmem>>, %arg7: memref<1x64xi32, #tpu.memory_space<vmem>>, %arg8: memref<1x256xi32, #tpu.memory_space<vmem>>, %arg9: memref<1x8xi32, #tpu.memory_space<vmem>>) attributes {dimension_semantics = [#tpu.dimension_semantics<arbitrary>], iteration_bounds = array<i64: 16>, scalar_prefetch = 0 : i64, scratch_operands = 0 : i64, tpu.core_type = #tpu.core_type<tc>, window_params = [{transform_indices = @transform_0, window_bounds = array<i64: 1024, 1024>}, {pipeline_mode = #tpu.pipeline_mode<synchronous>, transform_indices = @transform_1, window_bounds = array<i64: 1024, 64>}, {transform_indices = @transform_2, window_bounds = array<i64: 1024, 1024>}, {transform_indices = @transform_3, window_bounds = array<i64: 1, 1, 1024>}, {transform_indices = @transform_4, window_bounds = array<i64: 1, 1, 1024>}, {pipeline_mode = #tpu.pipeline_mode<synchronous>, transform_indices = @transform_5, window_bounds = array<i64: 1, 64>}, {pipeline_mode = #tpu.pipeline_mode<synchronous>, transform_indices = @transform_6, window_bounds = array<i64: 1, 64>}, {pipeline_mode = #tpu.pipeline_mode<synchronous>, transform_indices = @transform_7, window_bounds = array<i64: 1, 256>}, {pipeline_mode = #tpu.pipeline_mode<synchronous>, transform_indices = @transform_8, window_bounds = array<i64: 1, 8>}]} {
    %get3A = arith.constant 0 : index
    %get3A_0 = arith.constant 0 : index
    %get3A_1 = vector.load %arg1[%get3A, %get3A_0] : memref<1024x1024xf32, #tpu.memory_space<vmem>>, vector<1024x1024xf32>
    %get3A_2 = arith.constant 0 : index
    %get3A_3 = arith.constant 0 : index
    %get3A_4 = vector.load %arg2[%get3A_2, %get3A_3] : memref<1024x64xf32, #tpu.memory_space<vmem>>, vector<1024x64xf32>
    %dot_general3A = arith.constant dense<0.000000e+00> : vector<1024x64xf32>
    %dot_general3A_5 = tpu.matmul %get3A_1, %get3A_4, %dot_general3A {dimension_numbers = #tpu.dot_dimension_numbers<[1], [0], [0], [1], [0, 0, 1, 1], [], []>, transpose_lhs_hint = false} : vector<1024x1024xf32>, vector<1024x64xf32>, vector<1024x64xf32> -> vector<1024x64xf32>
    %reduce_max3A = arith.constant dense<0xFF800000> : vector<1024xf32>
    %reduce_max3A_6 = vector.multi_reduction <maximumf>, %dot_general3A_5, %reduce_max3A [1] : vector<1024x64xf32> to vector<1024xf32>
    %broadcast_in_dim3A = vector.shape_cast %reduce_max3A_6 : vector<1024xf32> to vector<1024x1xf32>
    %sub3A = vector.broadcast %broadcast_in_dim3A : vector<1024x1xf32> to vector<1024x64xf32>
    %sub3A_7 = arith.subf %dot_general3A_5, %sub3A : vector<1024x64xf32>
    %exp3A = math.exp %sub3A_7 : vector<1024x64xf32>
    %reduce_sum3A = arith.constant dense<0.000000e+00> : vector<1024xf32>
    %reduce_sum3A_8 = vector.multi_reduction <add>, %exp3A, %reduce_sum3A [1] : vector<1024x64xf32> to vector<1024xf32>
    %broadcast_in_dim3A_9 = vector.shape_cast %reduce_sum3A_8 : vector<1024xf32> to vector<1024x1xf32>
    %div3A = arith.constant 1.000000e+00 : f32
    %div3A_10 = vector.broadcast %div3A : f32 to vector<1024x1xf32>
    %div3A_11 = arith.divf %div3A_10, %broadcast_in_dim3A_9 : vector<1024x1xf32>
    %iota3A = tpu.iota {dimensions = array<i32: 1>} : vector<1024x64xi32>
    %eq3A = vector.broadcast %broadcast_in_dim3A : vector<1024x1xf32> to vector<1024x64xf32>
    %eq3A_12 = arith.cmpf oeq, %dot_general3A_5, %eq3A : vector<1024x64xf32>
    %jit3A = arith.constant 64 : i32
    %broadcast_in_dim3A_13 = vector.broadcast %jit3A : i32 to vector<1024x64xi32>
    %select_n3A = arith.select %eq3A_12, %iota3A, %broadcast_in_dim3A_13 : vector<1024x64xi1>, vector<1024x64xi32>
    %reduce_min3A = arith.constant dense<2147483647> : vector<1024xi32>
    %reduce_min3A_14 = vector.multi_reduction <minsi>, %select_n3A, %reduce_min3A [1] : vector<1024x64xi32> to vector<1024xi32>
    %broadcast_in_dim3A_15 = vector.shape_cast %reduce_min3A_14 : vector<1024xi32> to vector<1024x1xi32>
    %eq3A_16 = vector.broadcast %broadcast_in_dim3A_15 : vector<1024x1xi32> to vector<1024x64xi32>
    %eq3A_17 = arith.cmpi eq, %iota3A, %eq3A_16 : vector<1024x64xi32>
    %convert_element_type3A = arith.extui %eq3A_17 : vector<1024x64xi1> to vector<1024x64xi32>
    %convert_element_type3A_18 = arith.sitofp %convert_element_type3A : vector<1024x64xi32> to vector<1024x64xf32>
    %iota3A_19 = tpu.iota {dimensions = array<i32: 0>} : vector<1024x1024xi32>
    %iota3A_20 = tpu.iota {dimensions = array<i32: 1>} : vector<1024x1024xi32>
    %ge3A = arith.cmpi sge, %iota3A_19, %iota3A_20 : vector<1024x1024xi32>
    %convert_element_type3A_21 = arith.extui %ge3A : vector<1024x1024xi1> to vector<1024x1024xi32>
    %convert_element_type3A_22 = arith.sitofp %convert_element_type3A_21 : vector<1024x1024xi32> to vector<1024x1024xf32>
    %dot_general3A_23 = arith.constant dense<0.000000e+00> : vector<1024x64xf32>
    %dot_general3A_24 = tpu.matmul %convert_element_type3A_22, %convert_element_type3A_18, %dot_general3A_23 {dimension_numbers = #tpu.dot_dimension_numbers<[1], [0], [0], [1], [0, 0, 1, 1], [], []>, transpose_lhs_hint = false} : vector<1024x1024xf32>, vector<1024x64xf32>, vector<1024x64xf32> -> vector<1024x64xf32>
    %mul3A = arith.mulf %convert_element_type3A_18, %dot_general3A_24 : vector<1024x64xf32>
    %reduce_sum3A_25 = arith.constant dense<0.000000e+00> : vector<1024xf32>
    %reduce_sum3A_26 = vector.multi_reduction <add>, %mul3A, %reduce_sum3A_25 [1] : vector<1024x64xf32> to vector<1024xf32>
    %eq3A_27 = arith.constant 0 : i32
    %eq3A_28 = arith.cmpi eq, %arg0, %eq3A_27 : i32
    %convert_element_type3A_29 = arith.extui %eq3A_28 : i1 to i32
    %cond3A = arith.constant 0 : i32
    %cond3A_30 = arith.cmpi ne, %convert_element_type3A_29, %cond3A : i32
    scf.if %cond3A_30 {
      %broadcast_in_dim3A_120 = arith.constant 0 : i32
      %broadcast_in_dim3A_121 = vector.broadcast %broadcast_in_dim3A_120 : i32 to vector<1x64xi32>
      %swap3A_122 = arith.constant 0 : index
      %swap3A_123 = arith.constant 0 : index
      %swap3A_124 = vector.load %arg6[%swap3A_122, %swap3A_123] : memref<1x64xi32, #tpu.memory_space<vmem>>, vector<1x64xi32>
      tpu.vector_store %arg6[%swap3A_122, %swap3A_123], %broadcast_in_dim3A_121 {strides = array<i32>} : memref<1x64xi32, #tpu.memory_space<vmem>>, vector<1x64xi32>,
    } else {
    }
    %get3A_31 = arith.constant 0 : index
    %get3A_32 = arith.constant 0 : index
    %get3A_33 = vector.load %arg6[%get3A_31, %get3A_32] : memref<1x64xi32, #tpu.memory_space<vmem>>, vector<1x64xi32>
    %get3A_34 = vector.shape_cast %get3A_33 : vector<1x64xi32> to vector<64xi32>
    %convert_element_type3A_35 = arith.sitofp %get3A_34 : vector<64xi32> to vector<64xf32>
    %broadcast_in_dim3A_36 = vector.shape_cast %convert_element_type3A_35 : vector<64xf32> to vector<1x64xf32>
    %mul3A_37 = vector.broadcast %broadcast_in_dim3A_36 : vector<1x64xf32> to vector<1024x64xf32>
    %mul3A_38 = arith.mulf %convert_element_type3A_18, %mul3A_37 : vector<1024x64xf32>
    %reduce_sum3A_39 = arith.constant dense<0.000000e+00> : vector<1024xf32>
    %reduce_sum3A_40 = vector.multi_reduction <add>, %mul3A_38, %reduce_sum3A_39 [1] : vector<1024x64xf32> to vector<1024xf32>
    %add3A = arith.addf %reduce_sum3A_40, %reduce_sum3A_26 : vector<1024xf32>
    %sub3A_41 = arith.constant 1.000000e+00 : f32
    %sub3A_42 = vector.broadcast %sub3A_41 : f32 to vector<1024xf32>
    %sub3A_43 = arith.subf %add3A, %sub3A_42 : vector<1024xf32>
    %get3A_44 = arith.constant 0 : index
    %get3A_45 = arith.constant 0 : index
    %get3A_46 = vector.load %arg6[%get3A_44, %get3A_45] : memref<1x64xi32, #tpu.memory_space<vmem>>, vector<1x64xi32>
    %reduce_sum3A_47 = arith.constant dense<0.000000e+00> : vector<64xf32>
    %reduce_sum3A_48 = vector.multi_reduction <add>, %convert_element_type3A_18, %reduce_sum3A_47 [0] : vector<1024x64xf32> to vector<64xf32>
    %convert_element_type3A_49 = arith.fptosi %reduce_sum3A_48 : vector<64xf32> to vector<64xi32>
    %broadcast_in_dim3A_50 = vector.shape_cast %convert_element_type3A_49 : vector<64xi32> to vector<1x64xi32>
    %add3A_51 = arith.addi %get3A_46, %broadcast_in_dim3A_50 : vector<1x64xi32>
    %swap3A = arith.constant 0 : index
    %swap3A_52 = arith.constant 0 : index
    %swap3A_53 = vector.load %arg6[%swap3A, %swap3A_52] : memref<1x64xi32, #tpu.memory_space<vmem>>, vector<1x64xi32>
    tpu.vector_store %arg6[%swap3A, %swap3A_52], %add3A_51 {strides = array<i32>} : memref<1x64xi32, #tpu.memory_space<vmem>>, vector<1x64xi32>,
    %mul3A_54 = vector.broadcast %div3A_11 : vector<1024x1xf32> to vector<1024x1024xf32>
    %mul3A_55 = arith.mulf %get3A_1, %mul3A_54 : vector<1024x1024xf32>
    %swap3A_56 = arith.constant 0 : index
    %swap3A_57 = arith.constant 0 : index
    %swap3A_58 = vector.load %arg3[%swap3A_56, %swap3A_57] : memref<1024x1024xf32, #tpu.memory_space<vmem>>, vector<1024x1024xf32>
    tpu.vector_store %arg3[%swap3A_56, %swap3A_57], %mul3A_55 {strides = array<i32>} : memref<1024x1024xf32, #tpu.memory_space<vmem>>, vector<1024x1024xf32>,
    %swap3A_59 = arith.constant 0 : index
    %swap3A_60 = arith.constant 0 : index
    %swap3A_61 = arith.constant 0 : index
    %swap3A_62 = vector.load %arg4[%swap3A_59, %swap3A_60, %swap3A_61] : memref<1x1x1024xi32, #tpu.memory_space<vmem>>, vector<1x1x1024xi32>
    %swap3A_63 = vector.shape_cast %swap3A_62 : vector<1x1x1024xi32> to vector<1024xi32>
    %swap3A_64 = vector.shape_cast %reduce_min3A_14 : vector<1024xi32> to vector<1x1x1024xi32>
    tpu.vector_store %arg4[%swap3A_59, %swap3A_60, %swap3A_61], %swap3A_64 {strides = array<i32>} : memref<1x1x1024xi32, #tpu.memory_space<vmem>>, vector<1x1x1024xi32>,
    %convert_element_type3A_65 = arith.fptosi %sub3A_43 : vector<1024xf32> to vector<1024xi32>
    %swap3A_66 = arith.constant 0 : index
    %swap3A_67 = arith.constant 0 : index
    %swap3A_68 = arith.constant 0 : index
    %swap3A_69 = vector.load %arg5[%swap3A_66, %swap3A_67, %swap3A_68] : memref<1x1x1024xi32, #tpu.memory_space<vmem>>, vector<1x1x1024xi32>
    %swap3A_70 = vector.shape_cast %swap3A_69 : vector<1x1x1024xi32> to vector<1024xi32>
    %swap3A_71 = vector.shape_cast %convert_element_type3A_65 : vector<1024xi32> to vector<1x1x1024xi32>
    tpu.vector_store %arg5[%swap3A_66, %swap3A_67, %swap3A_68], %swap3A_71 {strides = array<i32>} : memref<1x1x1024xi32, #tpu.memory_space<vmem>>, vector<1x1x1024xi32>,
    %get3A_72 = arith.constant 0 : index
    %get3A_73 = arith.constant 0 : index
    %get3A_74 = vector.load %arg6[%get3A_72, %get3A_73] : memref<1x64xi32, #tpu.memory_space<vmem>>, vector<1x64xi32>
    %add3A_75 = arith.constant 255 : i32
    %add3A_76 = vector.broadcast %add3A_75 : i32 to vector<1x64xi32>
    %add3A_77 = arith.addi %get3A_74, %add3A_76 : vector<1x64xi32>
    %shift_right_arithmetic3A = arith.constant 8 : i32
    %shift_right_arithmetic3A_78 = vector.broadcast %shift_right_arithmetic3A : i32 to vector<1x64xi32>
    %shift_right_arithmetic3A_79 = arith.shrsi %add3A_77, %shift_right_arithmetic3A_78 : vector<1x64xi32>
    %shift_left3A = arith.constant 8 : i32
    %shift_left3A_80 = vector.broadcast %shift_left3A : i32 to vector<1x64xi32>
    %shift_left3A_81 = arith.shli %shift_right_arithmetic3A_79, %shift_left3A_80 : vector<1x64xi32>
    %iota3A_82 = tpu.iota {dimensions = array<i32: 0>} : vector<64x64xi32>
    %iota3A_83 = tpu.iota {dimensions = array<i32: 1>} : vector<64x64xi32>
    %lt3A = arith.cmpi slt, %iota3A_82, %iota3A_83 : vector<64x64xi32>
    %convert_element_type3A_84 = arith.extui %lt3A : vector<64x64xi1> to vector<64x64xi32>
    %convert_element_type3A_85 = arith.sitofp %convert_element_type3A_84 : vector<64x64xi32> to vector<64x64xf32>
    %convert_element_type3A_86 = arith.sitofp %shift_left3A_81 : vector<1x64xi32> to vector<1x64xf32>
    %dot_general3A_87 = arith.constant dense<0.000000e+00> : vector<1x64xf32>
    %dot_general3A_88 = tpu.matmul %convert_element_type3A_86, %convert_element_type3A_85, %dot_general3A_87 {dimension_numbers = #tpu.dot_dimension_numbers<[1], [0], [0], [1], [0, 0, 1, 1], [], []>, transpose_lhs_hint = false} : vector<1x64xf32>, vector<64x64xf32>, vector<1x64xf32> -> vector<1x64xf32>
    %convert_element_type3A_89 = arith.fptosi %dot_general3A_88 : vector<1x64xf32> to vector<1x64xi32>
    %swap3A_90 = arith.constant 0 : index
    %swap3A_91 = arith.constant 0 : index
    %swap3A_92 = vector.load %arg7[%swap3A_90, %swap3A_91] : memref<1x64xi32, #tpu.memory_space<vmem>>, vector<1x64xi32>
    tpu.vector_store %arg7[%swap3A_90, %swap3A_91], %convert_element_type3A_89 {strides = array<i32>} : memref<1x64xi32, #tpu.memory_space<vmem>>, vector<1x64xi32>,
    %add3A_93 = arith.addi %convert_element_type3A_89, %shift_left3A_81 : vector<1x64xi32>
    %broadcast_in_dim3A_94 = vector.shape_cast %add3A_93 : vector<1x64xi32> to vector<1x64xi32>
    %broadcast_in_dim3A_95 = vector.broadcast %broadcast_in_dim3A_94 : vector<1x64xi32> to vector<256x64xi32>
    %iota3A_96 = tpu.iota {dimensions = array<i32: 0>} : vector<256x64xi32>
    %mul3A_97 = arith.constant 256 : i32
    %mul3A_98 = vector.broadcast %mul3A_97 : i32 to vector<256x64xi32>
    %mul3A_99 = arith.muli %iota3A_96, %mul3A_98 : vector<256x64xi32>
    %le3A = arith.cmpi sle, %broadcast_in_dim3A_95, %mul3A_99 : vector<256x64xi32>
    %convert_element_type3A_100 = arith.extui %le3A : vector<256x64xi1> to vector<256x64xi32>
    %reduce_sum3A_101 = arith.constant dense<0> : vector<256xi32>
    %reduce_sum3A_102 = vector.multi_reduction <add>, %convert_element_type3A_100, %reduce_sum3A_101 [1] : vector<256x64xi32> to vector<256xi32>
    %min3A = arith.constant 63 : i32
    %min3A_103 = vector.broadcast %min3A : i32 to vector<256xi32>
    %min3A_104 = arith.minsi %reduce_sum3A_102, %min3A_103 : vector<256xi32>
    %broadcast_in_dim3A_105 = vector.shape_cast %min3A_104 : vector<256xi32> to vector<1x256xi32>
    %swap3A_106 = arith.constant 0 : index
    %swap3A_107 = arith.constant 0 : index
    %swap3A_108 = vector.load %arg8[%swap3A_106, %swap3A_107] : memref<1x256xi32, #tpu.memory_space<vmem>>, vector<1x256xi32>
    tpu.vector_store %arg8[%swap3A_106, %swap3A_107], %broadcast_in_dim3A_105 {strides = array<i32>} : memref<1x256xi32, #tpu.memory_space<vmem>>, vector<1x256xi32>,
    %shift_right_arithmetic3A_109 = arith.constant 8 : i32
    %shift_right_arithmetic3A_110 = vector.broadcast %shift_right_arithmetic3A_109 : i32 to vector<1x64xi32>
    %shift_right_arithmetic3A_111 = arith.shrsi %shift_left3A_81, %shift_right_arithmetic3A_110 : vector<1x64xi32>
    %reduce_sum3A_112 = arith.constant dense<0> : vector<1xi32>
    %reduce_sum3A_113 = vector.multi_reduction <add>, %shift_right_arithmetic3A_111, %reduce_sum3A_112 [1] : vector<1x64xi32> to vector<1xi32>
    %broadcast_in_dim3A_114 = vector.shape_cast %reduce_sum3A_113 : vector<1xi32> to vector<1x1xi32>
    %broadcast_in_dim3A_115 = vector.shape_cast %broadcast_in_dim3A_114 : vector<1x1xi32> to vector<1x1xi32>
    %broadcast_in_dim3A_116 = vector.broadcast %broadcast_in_dim3A_115 : vector<1x1xi32> to vector<1x8xi32>
    %swap3A_117 = arith.constant 0 : index
    %swap3A_118 = arith.constant 0 : index
    %swap3A_119 = vector.load %arg9[%swap3A_117, %swap3A_118] : memref<1x8xi32, #tpu.memory_space<vmem>>, vector<1x8xi32>
    tpu.vector_store %arg9[%swap3A_117, %swap3A_118], %broadcast_in_dim3A_116 {strides = array<i32>} : memref<1x8xi32, #tpu.memory_space<vmem>>, vector<1x8xi32>,
    return
  }
  func.func @transform_0(%arg0: i32) -> (i32, i32) {
    %c0_i32 = arith.constant 0 : i32
    %c0_i32_0 = arith.constant 0 : i32
    return %arg0, %c0_i32 : i32, i32
  }
  func.func @transform_1(%arg0: i32) -> (i32, i32) {
    %c0_i32 = arith.constant 0 : i32
    %c0_i32_0 = arith.constant 0 : i32
    %c0_i32_1 = arith.constant 0 : i32
    return %c0_i32, %c0_i32_0 : i32, i32
  }
  func.func @transform_2(%arg0: i32) -> (i32, i32) {
    %c0_i32 = arith.constant 0 : i32
    %c0_i32_0 = arith.constant 0 : i32
    return %arg0, %c0_i32 : i32, i32
  }
  func.func @transform_3(%arg0: i32) -> (i32, i32, i32) {
    %c0_i32 = arith.constant 0 : i32
    %c0_i32_0 = arith.constant 0 : i32
    %c0_i32_1 = arith.constant 0 : i32
    return %arg0, %c0_i32, %c0_i32_0 : i32, i32, i32
  }
  func.func @transform_4(%arg0: i32) -> (i32, i32, i32) {
    %c0_i32 = arith.constant 0 : i32
    %c0_i32_0 = arith.constant 0 : i32
    %c0_i32_1 = arith.constant 0 : i32
    return %arg0, %c0_i32, %c0_i32_0 : i32, i32, i32
  }
  func.func @transform_5(%arg0: i32) -> (i32, i32) {
    %c0_i32 = arith.constant 0 : i32
    %c0_i32_0 = arith.constant 0 : i32
    %c0_i32_1 = arith.constant 0 : i32
    return %c0_i32, %c0_i32_0 : i32, i32
  }
  func.func @transform_6(%arg0: i32) -> (i32, i32) {
    %c0_i32 = arith.constant 0 : i32
    %c0_i32_0 = arith.constant 0 : i32
    %c0_i32_1 = arith.constant 0 : i32
    return %c0_i32, %c0_i32_0 : i32, i32
  }
  func.func @transform_7(%arg0: i32) -> (i32, i32) {
    %c0_i32 = arith.constant 0 : i32
    %c0_i32_0 = arith.constant 0 : i32
    %c0_i32_1 = arith.constant 0 : i32
    return %c0_i32, %c0_i32_0 : i32, i32
  }
  func.func @transform_8(%arg0: i32) -> (i32, i32) {
    %c0_i32 = arith.constant 0 : i32
    %c0_i32_0 = arith.constant 0 : i32
    %c0_i32_1 = arith.constant 0 : i32
    return %c0_i32, %c0_i32_0 : i32, i32
  }
}

module attributes {stable_mosaic.version = 14 : i64} {
  func.func @_moe_mm_body(%arg0: i32, %arg1: memref<8xi32, #tpu.memory_space<smem>>, %arg2: memref<256xi32, #tpu.memory_space<smem>>, %arg3: memref<256x1024xf32, #tpu.memory_space<vmem>>, %arg4: memref<1x1024x256xf32, #tpu.memory_space<vmem>>, %arg5: memref<1x256x1024xf32, #tpu.memory_space<vmem>>, %arg6: memref<256x1024xf32, #tpu.memory_space<vmem>>) attributes {dimension_semantics = [#tpu.dimension_semantics<arbitrary>], iteration_bounds = array<i64: 128>, scalar_prefetch = 2 : i64, scratch_operands = 0 : i64, tpu.core_type = #tpu.core_type<tc>, window_params = [{transform_indices = @transform_0, window_bounds = array<i64: 256, 1024>}, {transform_indices = @transform_1, window_bounds = array<i64: 1, 1024, 256>}, {transform_indices = @transform_2, window_bounds = array<i64: 1, 256, 1024>}, {transform_indices = @transform_3, window_bounds = array<i64: 256, 1024>}]} {
    %get3A = arith.constant 0 : index
    %get3A_0 = memref.load %arg1[%get3A] : memref<8xi32, #tpu.memory_space<smem>>
    %lt3A = arith.cmpi slt, %arg0, %get3A_0 : i32
    %convert_element_type3A = arith.extui %lt3A : i1 to i32
    %cond3A = arith.constant 0 : i32
    %cond3A_1 = arith.cmpi ne, %convert_element_type3A, %cond3A : i32
    scf.if %cond3A_1 {
      %get3A_2 = arith.constant 0 : index
      %get3A_3 = arith.constant 0 : index
      %get3A_4 = vector.load %arg3[%get3A_2, %get3A_3] : memref<256x1024xf32, #tpu.memory_space<vmem>>, vector<256x1024xf32>
      %get3A_5 = arith.constant 0 : index
      %get3A_6 = arith.constant 0 : index
      %get3A_7 = arith.constant 0 : index
      %get3A_8 = vector.load %arg4[%get3A_5, %get3A_6, %get3A_7] : memref<1x1024x256xf32, #tpu.memory_space<vmem>>, vector<1x1024x256xf32>
      %get3A_9 = vector.shape_cast %get3A_8 : vector<1x1024x256xf32> to vector<1024x256xf32>
      %dot_general3A = arith.constant dense<0.000000e+00> : vector<256x256xf32>
      %dot_general3A_10 = tpu.matmul %get3A_4, %get3A_9, %dot_general3A {dimension_numbers = #tpu.dot_dimension_numbers<[1], [0], [0], [1], [0, 0, 1, 1], [], []>, transpose_lhs_hint = false} : vector<256x1024xf32>, vector<1024x256xf32>, vector<256x256xf32> -> vector<256x256xf32>
      %max3A = arith.constant 0.000000e+00 : f32
      %max3A_11 = vector.broadcast %max3A : f32 to vector<256x256xf32>
      %max3A_12 = arith.maximumf %dot_general3A_10, %max3A_11 : vector<256x256xf32>
      %get3A_13 = arith.constant 0 : index
      %get3A_14 = arith.constant 0 : index
      %get3A_15 = arith.constant 0 : index
      %get3A_16 = vector.load %arg5[%get3A_13, %get3A_14, %get3A_15] : memref<1x256x1024xf32, #tpu.memory_space<vmem>>, vector<1x256x1024xf32>
      %get3A_17 = vector.shape_cast %get3A_16 : vector<1x256x1024xf32> to vector<256x1024xf32>
      %dot_general3A_18 = arith.constant dense<0.000000e+00> : vector<256x1024xf32>
      %dot_general3A_19 = tpu.matmul %max3A_12, %get3A_17, %dot_general3A_18 {dimension_numbers = #tpu.dot_dimension_numbers<[1], [0], [0], [1], [0, 0, 1, 1], [], []>, transpose_lhs_hint = false} : vector<256x256xf32>, vector<256x1024xf32>, vector<256x1024xf32> -> vector<256x1024xf32>
      %swap3A = arith.constant 0 : index
      %swap3A_20 = arith.constant 0 : index
      %swap3A_21 = vector.load %arg6[%swap3A, %swap3A_20] : memref<256x1024xf32, #tpu.memory_space<vmem>>, vector<256x1024xf32>
      tpu.vector_store %arg6[%swap3A, %swap3A_20], %dot_general3A_19 {strides = array<i32>} : memref<256x1024xf32, #tpu.memory_space<vmem>>, vector<256x1024xf32>,
    } else {
    }
    return
  }
  func.func @transform_0(%arg0: i32, %arg1: memref<8xi32, #tpu.memory_space<smem>>, %arg2: memref<256xi32, #tpu.memory_space<smem>>) -> (i32, i32) {
    %get3A = arith.constant 0 : index
    %get3A_0 = memref.load %arg1[%get3A] : memref<8xi32, #tpu.memory_space<smem>>
    %sub3A = arith.constant 1 : i32
    %sub3A_1 = arith.subi %get3A_0, %sub3A : i32
    %min3A = arith.minsi %arg0, %sub3A_1 : i32
    %c0_i32 = arith.constant 0 : i32
    %c0_i32_2 = arith.constant 0 : i32
    return %min3A, %c0_i32 : i32, i32
  }
  func.func @transform_1(%arg0: i32, %arg1: memref<8xi32, #tpu.memory_space<smem>>, %arg2: memref<256xi32, #tpu.memory_space<smem>>) -> (i32, i32, i32) {
    %get3A = arith.constant 0 : index
    %get3A_0 = memref.load %arg1[%get3A] : memref<8xi32, #tpu.memory_space<smem>>
    %sub3A = arith.constant 1 : i32
    %sub3A_1 = arith.subi %get3A_0, %sub3A : i32
    %min3A = arith.minsi %arg0, %sub3A_1 : i32
    %get3A_2 = arith.index_cast %min3A : i32 to index
    %get3A_3 = memref.load %arg2[%get3A_2] : memref<256xi32, #tpu.memory_space<smem>>
    %c0_i32 = arith.constant 0 : i32
    %c0_i32_4 = arith.constant 0 : i32
    %c0_i32_5 = arith.constant 0 : i32
    return %get3A_3, %c0_i32, %c0_i32_4 : i32, i32, i32
  }
  func.func @transform_2(%arg0: i32, %arg1: memref<8xi32, #tpu.memory_space<smem>>, %arg2: memref<256xi32, #tpu.memory_space<smem>>) -> (i32, i32, i32) {
    %get3A = arith.constant 0 : index
    %get3A_0 = memref.load %arg1[%get3A] : memref<8xi32, #tpu.memory_space<smem>>
    %sub3A = arith.constant 1 : i32
    %sub3A_1 = arith.subi %get3A_0, %sub3A : i32
    %min3A = arith.minsi %arg0, %sub3A_1 : i32
    %get3A_2 = arith.index_cast %min3A : i32 to index
    %get3A_3 = memref.load %arg2[%get3A_2] : memref<256xi32, #tpu.memory_space<smem>>
    %c0_i32 = arith.constant 0 : i32
    %c0_i32_4 = arith.constant 0 : i32
    %c0_i32_5 = arith.constant 0 : i32
    return %get3A_3, %c0_i32, %c0_i32_4 : i32, i32, i32
  }
  func.func @transform_3(%arg0: i32, %arg1: memref<8xi32, #tpu.memory_space<smem>>, %arg2: memref<256xi32, #tpu.memory_space<smem>>) -> (i32, i32) {
    %c0_i32 = arith.constant 0 : i32
    %c0_i32_0 = arith.constant 0 : i32
    return %arg0, %c0_i32 : i32, i32
  }
}

</mosaic_0001>

<sc_bundles>
// kernel: kernel.6.cloned.1.call-start
scs
__scs_entry_jumppad:
0x0: {  	(pc) =	sbr.rel $0x88, $3  }
0x1: {  	(tag) =	ssettag $0x0;
	lr =	simm.s32 $0x1  }
0x2: {  	[smem:$0x3F9D] =	sst lr;
	_ =	strace $0xD0000000  }
0x3: {  	_ = 	snop  }
0x4: {  	_ = 	snop  }
0x5: {  	_ = 	snop  }
0x6: {  	_ = 	snop  }
0x7: {  	_ = 	snop  }
__scs_overlays_trampoline_lowered:
0x8: {  	[smem:$0x3FAC] =	sst s0  }
0x9: {  	[smem:$0x3FAD] =	sst s1  }
0xa: {  	[smem:$0x3FAE] =	sst s2  }
0xb: {  	[smem:$0x3FAF] =	sst s3  }
0xc: {  	[smem:$0x3FB0] =	sst s4  }
0xd: {  	[smem:$0x3FB1] =	sst s5  }
0xe: {  	[smem:$0x3FB2] =	sst s6  }
0xf: {  	[smem:$0x3FB3] =	sst s7  }
0x10: {  	[smem:$0x3FB4] =	sst s8  }
0x11: {  	[smem:$0x3FB5] =	sst s9;
	s0 =	simm.s32 @!p0 $0x0  }
0x12: {  	s1 =	sld [smem:$0x3F9B];
	s0 =	simm.s32 @p0 $0x1  }
0x13: {  	[smem:$0x3FB6] =	sst s0;
	s0 =	simm.s32 @!p1 $0x0  }
0x14: {  	s2 =	sld [smem:$0x3F9A];
	s0 =	simm.s32 @p1 $0x1  }
0x15: {  	[smem:$0x3FB7] =	sst s0;
	s0 =	simm.s32 @!p2 $0x0  }
0x16: {  	s3 =	sld [smem:$0x3FDB];
	s0 =	simm.s32 @p2 $0x1  }
0x17: {  	s4 =	simm.s32 $0x1BF5;
	[smem:$0x3FB9] =	sst s0  }
0x18: {  	s0 =	sld [smem:$0x3F9C];
	_ =	swait.ge [sflag:s4], $0x0  }
0x19: {  	s7 =	sld [smem:$0x3F9D]  }
0x1a: {  	s8 =	sadd.s32 $0xFFFFE003, lr  }
0x1b: {  	s9 =	sadd.s32 $0xFFFFFEF7, lr;
	s5 =	simm.s32 $0xFFFFFFFF;
	p2 =	slt.u32 s8, $0xFFFFF086  }
0x1c: {  	p1 =	slt.u32 s9, $0xF7A;
	s5 =	simm.s32 @!p2 $0x0  }
0x1d: {  	s5 =	simm.s32 @p1 $0x1;
	p0 =	seq.s32 s7, s2  }
0x1e: {  	s7 =	smul.u32 @!p0 $0xF7A, s2;
	p2 =	seq.s32 @!p0 s5, $0x0  }
0x1f: {  	s9 =	smul.u32 $0xF7A, s1;
	s8 =	simm.s32 @!p0 $0x1BF5;
	p2 =	por !p2, p0  }
0x20: {  	[sflag:s8] =	ssyncset.s32 @!p0 $0xFFFFF086;
	s6 =	sadd.s32 @!p0 s3, s7;
	s7 =	simm.s32 @!p0 $0x108  }
0x21: {  	s3 =	sadd.s32 s3, s9;
	s6 =	sadd.s32 @!p0 $0x88, s6;
	s7 =	simm.s32 @p2 $0x1082  }
0x22: {  	[simem:s7], [sflag:s8] =	dma.local @!p0 [hbm:s6], $0xF7A  }
0x23: {  	s9 =	sor.u32 $0xD0000000, s2;
	s6 =	simm.s32 $0x108;
	_ =	swait.ge @!p0 [sflag:s8], $0x0  }
0x24: {  	s3 =	sadd.s32 $0x88, s3;
	s6 =	simm.s32 @!p1 $0x1082;
	[sflag:s4] =	ssyncset.s32 $0xFFFFF086  }
0x25: {  	[simem:s6], [sflag:s4] =	dma.local [hbm:s3], $0xF7A  }
0x26: {  	[smem:$0x3F9D] =	sst s1;
	(tag) =	ssettag s2;
	_ =	strace s9  }
0x27: {  	s1 =	sld [smem:$0x3FAD]  }
0x28: {  	s2 =	sld [smem:$0x3FAE]  }
0x29: {  	s4 =	sld [smem:$0x3FB0]  }
0x2a: {  	p0 =	seq.s32 s5, $0x0;
	s5 =	sld [smem:$0x3FB1]  }
0x2b: {  	s6 =	sld [smem:$0x3FB2]  }
0x2c: {  	s7 =	sld [smem:$0x3FB3]  }
0x2d: {  	s3 =	simm.s32 $0x108;
	s8 =	sld [smem:$0x3FB4]  }
0x2e: {  	s3 =	simm.s32 @!p0 $0x1082;
	s9 =	sld [smem:$0x3FB5]  }
0x2f: {  	lr =	sadd.s32 s0, s3;
	s0 =	sld [smem:$0x3FAC]  }
0x30: {  	s3 =	sld [smem:$0x3FAF]  }
0x31: {  	[smem:$0x3FB8] =	sst s10  }
0x32: {  	s10 =	sld [smem:$0x3FB6];
	_ =	sdelay $0x3  }
0x33: {  	p0 =	seq.s32 s10, $0x1;
	s10 =	sld [smem:$0x3FB8];
	_ =	sdelay $0x3  }
0x34: {  	[smem:$0x3FB8] =	sst s10  }
0x35: {  	s10 =	sld [smem:$0x3FB7];
	_ =	sdelay $0x3  }
0x36: {  	p1 =	seq.s32 s10, $0x1;
	s10 =	sld [smem:$0x3FB8];
	_ =	sdelay $0x3  }
0x37: {  	[smem:$0x3FB8] =	sst s10  }
0x38: {  	s10 =	sld [smem:$0x3FB9]  }
0x39: {  	_ = 	snop;
	(pc) =	sbr.ind lr, $3  }
0x3a: {  	_ = 	snop  }
0x3b: {  	_ = 	snop  }
0x3c: {  	p2 =	seq.s32 s10, $0x1;
	s10 =	sld [smem:$0x3FB8]  }
0x3d: {  	_ =	shalt  }
0x3e: {  	_ =	shalt  }
0x3f: {  	_ =	shalt  }
0x40: {  	_ =	shalt  }
0x41: {  	_ =	shalt  }
0x42: {  	_ =	shalt  }
0x43: {  	_ =	shalt  }
0x44: {  	_ =	shalt  }
0x45: {  	_ =	shalt  }
0x46: {  	_ =	shalt  }
0x47: {  	_ =	shalt  }
0x48: {  	_ =	shalt  }
0x49: {  	_ =	shalt  }
0x4a: {  	_ =	shalt  }
0x4b: {  	_ =	shalt  }
0x4c: {  	_ =	shalt  }
0x4d: {  	_ =	shalt  }
0x4e: {  	_ =	shalt  }
0x4f: {  	_ =	shalt  }
0x50: {  	_ =	shalt  }
0x51: {  	_ =	shalt  }
0x52: {  	_ =	shalt  }
0x53: {  	_ =	shalt  }
0x54: {  	_ =	shalt  }
0x55: {  	_ =	shalt  }
0x56: {  	_ =	shalt  }
0x57: {  	_ =	shalt  }
0x58: {  	_ =	shalt  }
0x59: {  	_ =	shalt  }
0x5a: {  	_ =	shalt  }
0x5b: {  	_ =	shalt  }
0x5c: {  	_ =	shalt  }
0x5d: {  	_ =	shalt  }
0x5e: {  	_ =	shalt  }
0x5f: {  	_ =	shalt  }
0x60: {  	_ =	shalt  }
0x61: {  	_ =	shalt  }
0x62: {  	_ =	shalt  }
0x63: {  	_ =	shalt  }
0x64: {  	_ =	shalt  }
0x65: {  	_ =	shalt  }
0x66: {  	_ =	shalt  }
0x67: {  	_ =	shalt  }
0x68: {  	_ =	shalt  }
0x69: {  	_ =	shalt  }
0x6a: {  	_ =	shalt  }
0x6b: {  	_ =	shalt  }
0x6c: {  	_ =	shalt  }
0x6d: {  	_ =	shalt  }
0x6e: {  	_ =	shalt  }
0x6f: {  	_ =	shalt  }
0x70: {  	_ =	shalt  }
0x71: {  	_ =	shalt  }
0x72: {  	_ =	shalt  }
0x73: {  	_ =	shalt  }
0x74: {  	_ =	shalt  }
0x75: {  	_ =	shalt  }
0x76: {  	_ =	shalt  }
0x77: {  	_ =	shalt  }
0x78: {  	_ =	shalt  }
0x79: {  	_ =	shalt  }
0x7a: {  	_ =	shalt  }
0x7b: {  	_ =	shalt  }
0x7c: {  	_ =	shalt  }
0x7d: {  	_ =	shalt  }
0x7e: {  	_ =	shalt  }
0x7f: {  	_ =	shalt  }
0x80: {  	_ =	shalt  }
0x81: {  	_ =	shalt  }
0x82: {  	_ =	shalt  }
0x83: {  	_ =	shalt  }
0x84: {  	_ =	shalt  }
0x85: {  	_ =	shalt  }
0x86: {  	_ =	shalt  }
0x87: {  	_ =	shalt  }
.Lfunc_end0:
.L_simem_size_0:
called_computation_lowered:
.L_overlay_start_0:
0x88: {  	s2 =	sld [smem:$0x3FD9]  }
0x89: {  	s3 =	sld [smem:$0x3FFE];
	_ =	sdelay $0x1  }
0x8a: {  	s1 =	srdreg.scid  }
0x8b: {  	s0 =	sand.u32 $0x1, s1  }
0x8c: {  	s14 =	sshll.u32 s0, $0xA;
	s2 =	sadd.s32 s3, s2  }
0x8d: {  	s2 =	sadd.s32 s2, s14  }
0x8e: {  	[smem:$0x3FC4] =	sst s2  }
0x8f: {  	_ = 	snop  }
0x90: {  	s2 =	sld [smem:$0x3FD0];
	_ =	sdelay $0x2  }
0x91: {  	s15 =	simm.s32 $0xA;
	s4 =	simm.s32 $0x10  }
0x92: {  	[smem:s4], [sflag:s15] =	dma.local [hbm:s2], $0x1  }
0x93: {  	_ =	swait.eq [sflag:s15], $0x1  }
0x94: {  	[sflag:s15] =	ssyncset.done $0x0  }
0x95: {  	s16 =	sld [smem:$0x10];
	[sflag:s15] =	ssyncadd.s32 $0xFFFFFFFF  }
0x96: {  	s17 =	sld [smem:$0x11];
	(tm) =	ssettm $0x1  }
0x97: {  	s18 =	sld [smem:$0x3FFB];
	_ =	sdelay $0x3  }
0x98: {  	_ =	strace s18  }
0x99: {  	s4 =	sld [smem:$0x3FFC];
	_ =	sdelay $0x3  }
0x9a: {  	_ =	strace s4  }
0x9b: {  	s4 =	sld [smem:$0x3FFD];
	_ =	sdelay $0x3  }
0x9c: {  	_ =	strace s4  }
0x9d: {  	_ =	strace $0x8FFFFFFF  }
0x9e: {  	s19 =	sld [smem:$0x3FDB];
	_ =	sdelay $0x1  }
0x9f: {  	s5 =	simm.s32 $_scs_section_size  }
0xa0: {  	s6 =	simm.s32 $_size__tile_overlayer_lowered;
	s7 =	simm.s32 $_tile_overlayer_lowered  }
0xa1: {  	s22 =	simm.s32 $0x1BFF;
	s21 =	sshll.u32 s7, $0x1;
	s4 =	sadd.s32 s5, s19  }
0xa2: {  	s8 =	simm.s32 $0x0;
	s20 =	sshll.u32 s6, $0x1;
	s6 =	sadd.s32 s21, s4  }
0xa3: {  	[timem:s8], [sflag:s22] =	dma.local [hbm:s6], s20  }
0xa4: {  	_ =	swait.ge [sflag:s22], s20  }
0xa5: {  	s5 =	ssub.s32 $0x0, s20;
	[sflag:s22] =	ssyncset.done $0x0  }
0xa6: {  	[sflag:s22] =	ssyncadd.s32 s5;
	_ =	sdelay $0x1  }
0xa7: {  	s23 =	simm.s32 $0x1B8B  }
0xa8: {  	_ =	swait.ge [sflag:s23], $0x1  }
0xa9: {  	[sflag:s23] =	ssyncset.done $0x0  }
0xaa: {  	s25 =	simm.s32 $0x1B8E;
	s24 =	sld [smem:$0x3FFE];
	[sflag:s23] =	ssyncadd.s32 $0xFFFFFFFF  }
0xab: {  	s26 =	simm.s32 $execute0_lowered;
	[smem:$0x3FD2] =	sst s25  }
0xac: {  	s6 =	sshll.u32 s26, $0x1;
	_ =	strace $0x80000046;
	[dreg:$0x1] =	wrdreg $0xFFFFFFFF  }
0xad: {  	s28 =	simm.s32 $_size_execute0_lowered;
	s4 =	sadd.s32 s4, s6;
	[dreg:$0x0] =	wrdreg $0x0  }
0xae: {  	s6 =	sshll.u32 s28, $0x1;
	[dreg:$0x2] =	wrdreg s4  }
0xaf: {  	[dreg:$0x3] =	wrdreg s6  }
0xb0: {  	[dreg:$0x4] =	wrdreg $0xC0  }
0xb1: {  	_ =	task [dreg:s8], $0x5FFFF  }
0xb2: {  	[dreg:$0x1] =	wrdreg $0xFFFFFFFF  }
0xb3: {  	[dreg:$0x0] =	wrdreg $0x60  }
0xb4: {  	[dreg:$0x2] =	wrdreg s16  }
0xb5: {  	[dreg:$0x3] =	wrdreg s24  }
0xb6: {  	[dreg:$0x4] =	wrdreg s17  }
0xb7: {  	[dreg:$0x5] =	wrdreg $0x9  }
0xb8: {  	_ =	task.clear_ibuf [dreg:s8], $0x6FFFF;
	_ =	strace $0x90000046  }
0xb9: {  	s29 =	simm.s32 $0x9;
	_ =	strace $0x80000048  }
0xba: {  	_ =	swait.ge [sflag:s29], $0x1  }
0xbb: {  	[sflag:s29] =	ssyncadd.s32 $0xFFFFFFFF  }
0xbc: {  	_ =	strace $0x90000048  }
0xbd: {  	_ =	sfence  }
0xbe: {  	s30 =	sld [smem:$0x0];
	_ =	sdelay $0x2  }
0xbf: {  	s31 =	sshll.u32 s1, $0xD;
	s1 =	sshrl.u32 s1, $0x2  }
0xc0: {  	s3 =	sand.u32 $0x4000, s31;
	s1 =	sadd.s32 s1, s30  }
0xc1: {  	s0 =	sor.u32 s3, s0;
	s1 =	sshll.u32 s1, $0x11  }
0xc2: {  	s0 =	sor.u32 s1, s0  }
0xc3: {  	s0 =	sadd.s32 $0x8F2B, s0  }
0xc4: {  	[sflag:s0] =	ssyncadd.remote.s32 $0x1  }
0xc5: {  	_ =	sfence.sel $0xFFFF  }
0xc6: {  	[dreg:$0x0] =	wrdreg $0xFFFFFFFF;
	(pc) =	sbr.abs _section_cstart, $3  }
0xc7: {  	[dreg:$0x1] =	wrdreg $0xFFFFFFFF  }
0xc8: {  	_ =	task.clear_ibuf [dreg:s8], $0x2FFFF;
	_ =	strace $0x9FFFFFFF  }
0xc9: {  	(tm) =	ssettm $0x7FFFFFFF  }
tec
execute0_lowered:
.L_overlay_start_1:
0x0: {  	(tag) =	ssettag $0x1  }
0x1: {  	s0 =	srdreg.scid;
	s2 =	stileid.u32  }
0x2: {  	s3 =	rddreg [dreg:$0x0];
	s0 =	sand.u32 $0x1, s0;
	s1 =	sshll.u32 s2, $0x1  }
0x3: {  	s7 =	rddreg [dreg:$0x1];
	s1 =	sor.u32 s0, s1  }
0x4: {  	s5 =	rddreg [dreg:$0x2];
	s2 =	sshll.u32 s2, $0xA;
	s4 =	sshll.u32 s1, $0x7  }
0x5: {  	[dreg:$0x4] =	wrdreg s5;
	s1 =	sshll.u32 s1, $0x10;
	s2 =	sor.u32 s2, s4  }
0x6: {  	s4 =	sadd.s32 s4, s7;
	s21 =	sand.u32 $0x3380, s2;
	s2 =	simm.s32 $0x0  }
0x7: {  	s8 =	sadd.s32 s3, s1;
	s4 =	sadd.s32 $0x401600, s4;
	[smem:$0x7FF] =	sst s2  }
0x8: {  	s1 =	sadd.s32 $0x2000, s8;
	_ =	strace $0x80000047;
	[dreg:$0x7] =	wrdreg s4  }
0x9: {  	s22 =	sadd.s32 $0x4000, s8;
	[dreg:$0x8] =	wrdreg s1  }
0xa: {  	s23 =	sadd.s32 $0x6000, s8;
	[dreg:$0x9] =	wrdreg s22  }
0xb: {  	s25 =	sadd.s32 $0x8000, s8;
	[dreg:$0xa] =	wrdreg s23  }
0xc: {  	s26 =	sadd.s32 $0xA000, s8;
	[dreg:$0xb] =	wrdreg s25  }
0xd: {  	s28 =	sadd.s32 $0xC000, s8;
	[dreg:$0xc] =	wrdreg s26  }
0xe: {  	s9 =	simm.s32 $0x1;
	[dreg:$0xd] =	wrdreg s28  }
0xf: {  	s30 =	simm.s32 $0x280;
	s29 =	sadd.s32 $0xE000, s8;
	[dreg:$0x11] =	wrdreg s8  }
0x10: {  	s31 =	simm.s32 $0x480;
	s5 =	sshrl.u32 s21, $0x3;
	[dreg:$0xe] =	wrdreg s29  }
0x11: {  	s0 =	ssub.s32 $0x2, s0;
	s5 =	sadd.s32 s5, s7;
	[dreg:$0xf] =	wrdreg s30  }
0x12: {  	s24 =	sshrl.u32 s0, $0x1;
	[dreg:$0x10] =	wrdreg s31;
	s6 =	sadd.s32 $0x600, s5  }
0x13: {  	v2 =	vlaneseq.u32;
	s0 =	ssub.s32 s0, s24;
	s5 =	sadd.s32 $0xE00, s5;
	[dreg:$0x5] =	wrdreg s6  }
0x14: {  	vm0 =	vmmov $0xffff;
	v1 =	vshrl.u32 v2, $0x3;
	s4 =	sadd.s32 $0x1600, s7;
	s1 =	smax.u32 s0, $0x1;
	[dreg:$0x6] =	wrdreg s5  }
0x15: {  	v0 =	vand.u32 $0x7, v2;
	v2 =	vor.u32 $0x8, v2;
	v1 =	vmul.u32 $0x8, v1;
	s5 =	sadd.s32 $0x1700, s7;
	s6 =	sadd.s32 $0x1800, s7;
	s7 =	sadd.s32 $0x1900, s7  }
.LBB2_1:
0x16: {  	[dreg:$0x12] =	wrdreg s1  }
0x17: {  	s21 =	rddreg [dreg:$0x4]  }
0x18: {  	[tilespmem:s2], [sflag:$0x1] =	stream.linear.gather [hbm4b:s21+s2], $0x80, $0x38;
	[tilespmem:$0x10880] =	vst v63  }
0x19: {  	_ =	swait.ge [sflag:s9], $0x80  }
0x1a: {  	s23 =	simm.s32 $0x400;
	[sflag:s9] =	ssyncset.done $0x0  }
0x1b: {  	s24 =	simm.s32 $0x80;
	s1 =	rddreg [dreg:$0x5];
	[sflag:s9] =	ssyncadd.s32 $0xFFFFFF80  }
0x1c: {  	[tilespmem:s24], [sflag:$0x1] =	stream.strided.gather [hbm4b:s1+s24], $0x200, s23, s24, $0x38;
	[tilespmem:$0x10880] =	vst v63  }
0x1d: {  	_ =	swait.ge [sflag:s9], $0x200  }
0x1e: {  	s3 =	rddreg [dreg:$0x6];
	[sflag:s9] =	ssyncset.done $0x0  }
0x1f: {  	s22 =	rddreg [dreg:$0xf];
	[sflag:s9] =	ssyncadd.s32 $0xFFFFFE00  }
0x20: {  	[tilespmem:s22], [sflag:$0x1] =	stream.strided.gather [hbm4b:s3+s24], $0x200, s23, s24, $0x38;
	[tilespmem:$0x10880] =	vst v63  }
0x21: {  	_ =	swait.ge [sflag:s9], $0x200  }
0x22: {  	[sflag:s9] =	ssyncset.done $0x0  }
0x23: {  	[sflag:s9] =	ssyncadd.s32 $0xFFFFFE00  }
0x24: {  	v3 =	vld [tilespmem:$0x80];
	_ =	sdelay $0x5  }
0x25: {  	v4 =	vld [tilespmem:$0x280]  }
0x26: {  	v5 =	vld [tilespmem:$0x90]  }
0x27: {  	v3 =	vld.idx.msk [tilespmem:v3+s2+$0x0], $0xffff;
	_ =	sdelay $0x4  }
0x28: {  	v43 =	vld [tilespmem:$0x290];
	v3 =	vadd.s32 v4, v3  }
0x29: {  	[tilespmem:$0x480] =	vst v3;
	v3 =	vld [tilespmem:$0xA0]  }
0x2a: {  	v5 =	vld.idx.msk [tilespmem:v5+s2+$0x0], $0xffff;
	_ =	sdelay $0x4  }
0x2b: {  	v44 =	vld [tilespmem:$0x2A0];
	v4 =	vadd.s32 v43, v5  }
0x2c: {  	v45 =	vld [tilespmem:$0xB0];
	[tilespmem:$0x490] =	vst v4  }
0x2d: {  	v3 =	vld.idx.msk [tilespmem:v3+s2+$0x0], $0xffff;
	_ =	sdelay $0x4  }
0x2e: {  	v46 =	vld [tilespmem:$0x2B0];
	v3 =	vadd.s32 v44, v3  }
0x2f: {  	[tilespmem:$0x4A0] =	vst v3;
	v3 =	vld [tilespmem:$0xC0]  }
0x30: {  	v4 =	vld.idx.msk [tilespmem:v45+s2+$0x0], $0xffff;
	_ =	sdelay $0x4  }
0x31: {  	v47 =	vld [tilespmem:$0x2C0];
	v4 =	vadd.s32 v46, v4  }
0x32: {  	v48 =	vld [tilespmem:$0xD0];
	[tilespmem:$0x4B0] =	vst v4  }
0x33: {  	v3 =	vld.idx.msk [tilespmem:v3+s2+$0x0], $0xffff;
	_ =	sdelay $0x4  }
0x34: {  	v49 =	vld [tilespmem:$0x2D0];
	v3 =	vadd.s32 v47, v3  }
0x35: {  	[tilespmem:$0x500] =	vst v3;
	v3 =	vld [tilespmem:$0xE0]  }
0x36: {  	v4 =	vld.idx.msk [tilespmem:v48+s2+$0x0], $0xffff;
	_ =	sdelay $0x4  }
0x37: {  	v50 =	vld [tilespmem:$0x2E0];
	v4 =	vadd.s32 v49, v4  }
0x38: {  	v51 =	vld [tilespmem:$0xF0];
	[tilespmem:$0x510] =	vst v4  }
0x39: {  	v3 =	vld.idx.msk [tilespmem:v3+s2+$0x0], $0xffff;
	_ =	sdelay $0x4  }
0x3a: {  	v52 =	vld [tilespmem:$0x2F0];
	v3 =	vadd.s32 v50, v3  }
0x3b: {  	[tilespmem:$0x520] =	vst v3;
	v3 =	vld [tilespmem:$0x100]  }
0x3c: {  	v4 =	vld.idx.msk [tilespmem:v51+s2+$0x0], $0xffff;
	_ =	sdelay $0x4  }
0x3d: {  	v53 =	vld [tilespmem:$0x300];
	v4 =	vadd.s32 v52, v4  }
0x3e: {  	v54 =	vld [tilespmem:$0x110];
	[tilespmem:$0x530] =	vst v4  }
0x3f: {  	v3 =	vld.idx.msk [tilespmem:v3+s2+$0x0], $0xffff;
	_ =	sdelay $0x4  }
0x40: {  	v55 =	vld [tilespmem:$0x310];
	v3 =	vadd.s32 v53, v3  }
0x41: {  	[tilespmem:$0x580] =	vst v3;
	v3 =	vld [tilespmem:$0x120]  }
0x42: {  	v4 =	vld.idx.msk [tilespmem:v54+s2+$0x0], $0xffff;
	_ =	sdelay $0x4  }
0x43: {  	v56 =	vld [tilespmem:$0x320];
	v4 =	vadd.s32 v55, v4  }
0x44: {  	v57 =	vld [tilespmem:$0x130];
	[tilespmem:$0x590] =	vst v4  }
0x45: {  	v3 =	vld.idx.msk [tilespmem:v3+s2+$0x0], $0xffff;
	_ =	sdelay $0x4  }
0x46: {  	v58 =	vld [tilespmem:$0x330];
	v3 =	vadd.s32 v56, v3  }
0x47: {  	[tilespmem:$0x5A0] =	vst v3;
	v3 =	vld [tilespmem:$0x140]  }
0x48: {  	v4 =	vld.idx.msk [tilespmem:v57+s2+$0x0], $0xffff;
	_ =	sdelay $0x4  }
0x49: {  	v59 =	vld [tilespmem:$0x340];
	v4 =	vadd.s32 v58, v4  }
0x4a: {  	v60 =	vld [tilespmem:$0x150];
	[tilespmem:$0x5B0] =	vst v4  }
0x4b: {  	v3 =	vld.idx.msk [tilespmem:v3+s2+$0x0], $0xffff;
	_ =	sdelay $0x4  }
0x4c: {  	v61 =	vld [tilespmem:$0x350];
	v3 =	vadd.s32 v59, v3  }
0x4d: {  	[tilespmem:$0x600] =	vst v3;
	v3 =	vld [tilespmem:$0x160]  }
0x4e: {  	v4 =	vld.idx.msk [tilespmem:v60+s2+$0x0], $0xffff;
	_ =	sdelay $0x4  }
0x4f: {  	v62 =	vld [tilespmem:$0x360];
	v4 =	vadd.s32 v61, v4  }
0x50: {  	v63 =	vld [tilespmem:$0x170];
	[tilespmem:$0x610] =	vst v4  }
0x51: {  	v3 =	vld.idx.msk [tilespmem:v3+s2+$0x0], $0xffff;
	_ =	sdelay $0x4  }
0x52: {  	v8 =	vld [tilespmem:$0x370];
	v3 =	vadd.s32 v62, v3  }
0x53: {  	[tilespmem:$0x620] =	vst v3;
	v3 =	vld [tilespmem:$0x180]  }
0x54: {  	v4 =	vld.idx.msk [tilespmem:v63+s2+$0x0], $0xffff;
	_ =	sdelay $0x4  }
0x55: {  	v9 =	vld [tilespmem:$0x380];
	v4 =	vadd.s32 v8, v4  }
0x56: {  	v10 =	vld [tilespmem:$0x190];
	[tilespmem:$0x630] =	vst v4  }
0x57: {  	v3 =	vld.idx.msk [tilespmem:v3+s2+$0x0], $0xffff;
	_ =	sdelay $0x4  }
0x58: {  	v11 =	vld [tilespmem:$0x390];
	v3 =	vadd.s32 v9, v3  }
0x59: {  	[tilespmem:$0x680] =	vst v3;
	v3 =	vld [tilespmem:$0x1A0]  }
0x5a: {  	v4 =	vld.idx.msk [tilespmem:v10+s2+$0x0], $0xffff;
	_ =	sdelay $0x4  }
0x5b: {  	v12 =	vld [tilespmem:$0x3A0];
	v4 =	vadd.s32 v11, v4  }
0x5c: {  	v13 =	vld [tilespmem:$0x1B0];
	[tilespmem:$0x690] =	vst v4  }
0x5d: {  	v3 =	vld.idx.msk [tilespmem:v3+s2+$0x0], $0xffff;
	_ =	sdelay $0x4  }
0x5e: {  	v14 =	vld [tilespmem:$0x3B0];
	v3 =	vadd.s32 v12, v3  }
0x5f: {  	[tilespmem:$0x6A0] =	vst v3;
	v3 =	vld [tilespmem:$0x1C0]  }
0x60: {  	v4 =	vld.idx.msk [tilespmem:v13+s2+$0x0], $0xffff;
	_ =	sdelay $0x4  }
0x61: {  	v15 =	vld [tilespmem:$0x3C0];
	v4 =	vadd.s32 v14, v4  }
0x62: {  	v16 =	vld [tilespmem:$0x1D0];
	[tilespmem:$0x6B0] =	vst v4  }
0x63: {  	v3 =	vld.idx.msk [tilespmem:v3+s2+$0x0], $0xffff;
	_ =	sdelay $0x4  }
0x64: {  	v17 =	vld [tilespmem:$0x3D0];
	v3 =	vadd.s32 v15, v3  }
0x65: {  	[tilespmem:$0x700] =	vst v3;
	v3 =	vld [tilespmem:$0x1E0]  }
0x66: {  	v4 =	vld.idx.msk [tilespmem:v16+s2+$0x0], $0xffff;
	_ =	sdelay $0x4  }
0x67: {  	v18 =	vld [tilespmem:$0x3E0];
	v4 =	vadd.s32 v17, v4  }
0x68: {  	v19 =	vld [tilespmem:$0x1F0];
	[tilespmem:$0x710] =	vst v4  }
0x69: {  	v3 =	vld.idx.msk [tilespmem:v3+s2+$0x0], $0xffff;
	_ =	sdelay $0x4  }
0x6a: {  	v20 =	vld [tilespmem:$0x3F0];
	v3 =	vadd.s32 v18, v3  }
0x6b: {  	[tilespmem:$0x720] =	vst v3;
	v3 =	vld [tilespmem:$0x200]  }
0x6c: {  	v4 =	vld.idx.msk [tilespmem:v19+s2+$0x0], $0xffff;
	_ =	sdelay $0x4  }
0x6d: {  	v21 =	vld [tilespmem:$0x400];
	v4 =	vadd.s32 v20, v4  }
0x6e: {  	v22 =	vld [tilespmem:$0x210];
	[tilespmem:$0x730] =	vst v4  }
0x6f: {  	v3 =	vld.idx.msk [tilespmem:v3+s2+$0x0], $0xffff;
	_ =	sdelay $0x4  }
0x70: {  	v23 =	vld [tilespmem:$0x410];
	v3 =	vadd.s32 v21, v3  }
0x71: {  	[tilespmem:$0x780] =	vst v3;
	v3 =	vld [tilespmem:$0x220]  }
0x72: {  	v4 =	vld.idx.msk [tilespmem:v22+s2+$0x0], $0xffff;
	_ =	sdelay $0x4  }
0x73: {  	v24 =	vld [tilespmem:$0x420];
	v4 =	vadd.s32 v23, v4  }
0x74: {  	v25 =	vld [tilespmem:$0x230];
	[tilespmem:$0x790] =	vst v4  }
0x75: {  	v3 =	vld.idx.msk [tilespmem:v3+s2+$0x0], $0xffff;
	_ =	sdelay $0x4  }
0x76: {  	v26 =	vld [tilespmem:$0x430];
	v3 =	vadd.s32 v24, v3  }
0x77: {  	[tilespmem:$0x7A0] =	vst v3;
	v3 =	vld [tilespmem:$0x240]  }
0x78: {  	v4 =	vld.idx.msk [tilespmem:v25+s2+$0x0], $0xffff;
	_ =	sdelay $0x4  }
0x79: {  	v27 =	vld [tilespmem:$0x440];
	v4 =	vadd.s32 v26, v4  }
0x7a: {  	v28 =	vld [tilespmem:$0x250];
	[tilespmem:$0x7B0] =	vst v4  }
0x7b: {  	v3 =	vld.idx.msk [tilespmem:v3+s2+$0x0], $0xffff;
	_ =	sdelay $0x4  }
0x7c: {  	v29 =	vld [tilespmem:$0x450];
	v3 =	vadd.s32 v27, v3  }
0x7d: {  	[tilespmem:$0x800] =	vst v3;
	v3 =	vld [tilespmem:$0x260]  }
0x7e: {  	v4 =	vld.idx.msk [tilespmem:v28+s2+$0x0], $0xffff;
	_ =	sdelay $0x4  }
0x7f: {  	v30 =	vld [tilespmem:$0x460];
	v4 =	vadd.s32 v29, v4  }
0x80: {  	v31 =	vld [tilespmem:$0x270];
	[tilespmem:$0x810] =	vst v4  }
0x81: {  	v3 =	vld.idx.msk [tilespmem:v3+s2+$0x0], $0xffff;
	_ =	sdelay $0x4  }
0x82: {  	v3 =	vadd.s32 v30, v3  }
0x83: {  	[tilespmem:$0x820] =	vst v3;
	v3 =	vld [tilespmem:$0x470]  }
0x84: {  	v4 =	vld.idx.msk [tilespmem:v31+s2+$0x0], $0xffff;
	_ =	sdelay $0x4  }
0x85: {  	s8 =	rddreg [dreg:$0x7];
	v3 =	vadd.s32 v3, v4  }
0x86: {  	s10 =	rddreg [dreg:$0x10];
	[tilespmem:$0x830] =	vst v3  }
0x87: {  	[hbm4b:s8+s2] =	stream.linear.scatter [tilespmem:s10], [sflag:$0x1], $0x400, $0x38;
	[tilespmem:$0x10880] =	vst v63  }
0x88: {  	_ =	swait.ge [sflag:s9], $0x400  }
0x89: {  	[sflag:s9] =	ssyncset.done $0x0  }
0x8a: {  	s1 =	simm.s32 $0x880;
	s11 =	rddreg [dreg:$0x11];
	[sflag:s9] =	ssyncadd.s32 $0xFFFFFC00  }
0x8b: {  	[tilespmem:s1], [sflag:$0x1] =	stream.linear.gather [hbm4b:s11+s2], $0x10000, $0x38;
	[tilespmem:$0x10880] =	vst v63  }
0x8c: {  	_ =	swait.ge [sflag:s9], $0x10000  }
0x8d: {  	[sflag:s9] =	ssyncset.done $0x0  }
0x8e: {  	[sflag:s9] =	ssyncadd.s32 $0xFFFF0000  }
0x8f: {  	v3 =	vld [tilespmem:$0x480];
	_ =	sdelay $0x4  }
0x90: {  	v32 =	vshll.u32 v3, $0x3  }
0x91: {  	v3 =	vand.u32 $0x7, v3;
	v4 =	vand.u32 $0xFFFFFFC0, v32  }
0x92: {  	v3 =	vor.u32 v3, v4  }
0x93: {  	v4 =	vperm.xlane v3, v0;
	_ =	sdelay $0x1  }
0x94: {  	v4 =	vadd.s32 v1, v4;
	_ =	sdelay $0x4  }
0x95: {  	[hbm4b:s4+s2] =	stream.indirect_vreg.scatter [tilespmem:s1], [sflag:$0x1], $0x80, v4, vm0, $0xb8;
	[tilespmem:$0x10880] =	vst v63  }
0x96: {  	s0 =	simm.s32 $0x1080;
	v3 =	vperm.xlane v3, v2  }
0x97: {  	[hbm4b:s5+s2] =	stream.indirect_vreg.scatter [tilespmem:s0], [sflag:$0x1], $0x80, v4, vm0, $0xb8;
	[tilespmem:$0x10880] =	vst v63  }
0x98: {  	s12 =	simm.s32 $0x1880;
	v3 =	vadd.s32 v1, v3  }
0x99: {  	[hbm4b:s6+s2] =	stream.indirect_vreg.scatter [tilespmem:s12], [sflag:$0x1], $0x80, v4, vm0, $0xb8;
	[tilespmem:$0x10880] =	vst v63  }
0x9a: {  	s13 =	simm.s32 $0x2080  }
0x9b: {  	[hbm4b:s7+s2] =	stream.indirect_vreg.scatter [tilespmem:s13], [sflag:$0x1], $0x80, v4, vm0, $0xb8;
	[tilespmem:$0x10880] =	vst v63  }
0x9c: {  	s14 =	simm.s32 $0x2880  }
0x9d: {  	[hbm4b:s4+s2] =	stream.indirect_vreg.scatter [tilespmem:s14], [sflag:$0x1], $0x80, v3, vm0, $0xb8;
	[tilespmem:$0x10880] =	vst v63  }
0x9e: {  	s15 =	simm.s32 $0x3080  }
0x9f: {  	[hbm4b:s5+s2] =	stream.indirect_vreg.scatter [tilespmem:s15], [sflag:$0x1], $0x80, v3, vm0, $0xb8;
	[tilespmem:$0x10880] =	vst v63  }
0xa0: {  	s16 =	simm.s32 $0x3880  }
0xa1: {  	[hbm4b:s6+s2] =	stream.indirect_vreg.scatter [tilespmem:s16], [sflag:$0x1], $0x80, v3, vm0, $0xb8;
	[tilespmem:$0x10880] =	vst v63  }
0xa2: {  	s17 =	simm.s32 $0x4080  }
0xa3: {  	[hbm4b:s7+s2] =	stream.indirect_vreg.scatter [tilespmem:s17], [sflag:$0x1], $0x80, v3, vm0, $0xb8;
	[tilespmem:$0x10880] =	vst v63  }
0xa4: {  	v3 =	vld [tilespmem:$0x490];
	_ =	sdelay $0x4  }
0xa5: {  	v33 =	vshll.u32 v3, $0x3  }
0xa6: {  	v3 =	vand.u32 $0x7, v3;
	v4 =	vand.u32 $0xFFFFFFC0, v33  }
0xa7: {  	v3 =	vor.u32 v3, v4  }
0xa8: {  	v4 =	vperm.xlane v3, v0;
	_ =	sdelay $0x1  }
0xa9: {  	v4 =	vadd.s32 v1, v4;
	_ =	sdelay $0x3  }
0xaa: {  	s18 =	simm.s32 $0x4880  }
0xab: {  	[hbm4b:s4+s2] =	stream.indirect_vreg.scatter [tilespmem:s18], [sflag:$0x1], $0x80, v4, vm0, $0xb8;
	[tilespmem:$0x10880] =	vst v63  }
0xac: {  	s19 =	simm.s32 $0x5080;
	v3 =	vperm.xlane v3, v2  }
0xad: {  	[hbm4b:s5+s2] =	stream.indirect_vreg.scatter [tilespmem:s19], [sflag:$0x1], $0x80, v4, vm0, $0xb8;
	[tilespmem:$0x10880] =	vst v63  }
0xae: {  	s20 =	simm.s32 $0x5880;
	v3 =	vadd.s32 v1, v3  }
0xaf: {  	[hbm4b:s6+s2] =	stream.indirect_vreg.scatter [tilespmem:s20], [sflag:$0x1], $0x80, v4, vm0, $0xb8;
	[tilespmem:$0x10880] =	vst v63  }
0xb0: {  	s21 =	simm.s32 $0x6080  }
0xb1: {  	[hbm4b:s7+s2] =	stream.indirect_vreg.scatter [tilespmem:s21], [sflag:$0x1], $0x80, v4, vm0, $0xb8;
	[tilespmem:$0x10880] =	vst v63  }
0xb2: {  	s22 =	simm.s32 $0x6880  }
0xb3: {  	[hbm4b:s4+s2] =	stream.indirect_vreg.scatter [tilespmem:s22], [sflag:$0x1], $0x80, v3, vm0, $0xb8;
	[tilespmem:$0x10880] =	vst v63  }
0xb4: {  	s23 =	simm.s32 $0x7080  }
0xb5: {  	[hbm4b:s5+s2] =	stream.indirect_vreg.scatter [tilespmem:s23], [sflag:$0x1], $0x80, v3, vm0, $0xb8;
	[tilespmem:$0x10880] =	vst v63  }
0xb6: {  	s24 =	simm.s32 $0x7880  }
0xb7: {  	[hbm4b:s6+s2] =	stream.indirect_vreg.scatter [tilespmem:s24], [sflag:$0x1], $0x80, v3, vm0, $0xb8;
	[tilespmem:$0x10880] =	vst v63  }
0xb8: {  	s25 =	simm.s32 $0x8080  }
0xb9: {  	[hbm4b:s7+s2] =	stream.indirect_vreg.scatter [tilespmem:s25], [sflag:$0x1], $0x80, v3, vm0, $0xb8;
	[tilespmem:$0x10880] =	vst v63  }
0xba: {  	v3 =	vld [tilespmem:$0x4A0];
	_ =	sdelay $0x4  }
0xbb: {  	v34 =	vshll.u32 v3, $0x3  }
0xbc: {  	v3 =	vand.u32 $0x7, v3;
	v4 =	vand.u32 $0xFFFFFFC0, v34  }
0xbd: {  	v3 =	vor.u32 v3, v4  }
0xbe: {  	v4 =	vperm.xlane v3, v0;
	_ =	sdelay $0x1  }
0xbf: {  	v4 =	vadd.s32 v1, v4;
	_ =	sdelay $0x3  }
0xc0: {  	s26 =	simm.s32 $0x8880  }
0xc1: {  	[hbm4b:s4+s2] =	stream.indirect_vreg.scatter [tilespmem:s26], [sflag:$0x1], $0x80, v4, vm0, $0xb8;
	[tilespmem:$0x10880] =	vst v63  }
0xc2: {  	s28 =	simm.s32 $0x9080;
	v3 =	vperm.xlane v3, v2  }
0xc3: {  	[hbm4b:s5+s2] =	stream.indirect_vreg.scatter [tilespmem:s28], [sflag:$0x1], $0x80, v4, vm0, $0xb8;
	[tilespmem:$0x10880] =	vst v63  }
0xc4: {  	s29 =	simm.s32 $0x9880;
	v3 =	vadd.s32 v1, v3  }
0xc5: {  	[hbm4b:s6+s2] =	stream.indirect_vreg.scatter [tilespmem:s29], [sflag:$0x1], $0x80, v4, vm0, $0xb8;
	[tilespmem:$0x10880] =	vst v63  }
0xc6: {  	s30 =	simm.s32 $0xA080  }
0xc7: {  	[hbm4b:s7+s2] =	stream.indirect_vreg.scatter [tilespmem:s30], [sflag:$0x1], $0x80, v4, vm0, $0xb8;
	[tilespmem:$0x10880] =	vst v63  }
0xc8: {  	s15 =	simm.s32 $0xA880  }
0xc9: {  	[hbm4b:s4+s2] =	stream.indirect_vreg.scatter [tilespmem:s15], [sflag:$0x1], $0x80, v3, vm0, $0xb8;
	[tilespmem:$0x10880] =	vst v63  }
0xca: {  	s16 =	simm.s32 $0xB080  }
0xcb: {  	[hbm4b:s5+s2] =	stream.indirect_vreg.scatter [tilespmem:s16], [sflag:$0x1], $0x80, v3, vm0, $0xb8;
	[tilespmem:$0x10880] =	vst v63  }
0xcc: {  	s18 =	simm.s32 $0xB880  }
0xcd: {  	[hbm4b:s6+s2] =	stream.indirect_vreg.scatter [tilespmem:s18], [sflag:$0x1], $0x80, v3, vm0, $0xb8;
	[tilespmem:$0x10880] =	vst v63  }
0xce: {  	s20 =	simm.s32 $0xC080  }
0xcf: {  	[hbm4b:s7+s2] =	stream.indirect_vreg.scatter [tilespmem:s20], [sflag:$0x1], $0x80, v3, vm0, $0xb8;
	[tilespmem:$0x10880] =	vst v63  }
0xd0: {  	v3 =	vld [tilespmem:$0x4B0];
	_ =	sdelay $0x4  }
0xd1: {  	v35 =	vshll.u32 v3, $0x3  }
0xd2: {  	v3 =	vand.u32 $0x7, v3;
	v4 =	vand.u32 $0xFFFFFFC0, v35  }
0xd3: {  	v3 =	vor.u32 v3, v4  }
0xd4: {  	v4 =	vperm.xlane v3, v0;
	_ =	sdelay $0x1  }
0xd5: {  	v4 =	vadd.s32 v1, v4;
	_ =	sdelay $0x3  }
0xd6: {  	s22 =	simm.s32 $0xC880  }
0xd7: {  	[hbm4b:s4+s2] =	stream.indirect_vreg.scatter [tilespmem:s22], [sflag:$0x1], $0x80, v4, vm0, $0xb8;
	[tilespmem:$0x10880] =	vst v63  }
0xd8: {  	s24 =	simm.s32 $0xD080;
	v3 =	vperm.xlane v3, v2  }
0xd9: {  	[hbm4b:s5+s2] =	stream.indirect_vreg.scatter [tilespmem:s24], [sflag:$0x1], $0x80, v4, vm0, $0xb8;
	[tilespmem:$0x10880] =	vst v63  }
0xda: {  	s26 =	simm.s32 $0xD880;
	v3 =	vadd.s32 v1, v3  }
0xdb: {  	[hbm4b:s6+s2] =	stream.indirect_vreg.scatter [tilespmem:s26], [sflag:$0x1], $0x80, v4, vm0, $0xb8;
	[tilespmem:$0x10880] =	vst v63  }
0xdc: {  	s28 =	simm.s32 $0xE080  }
0xdd: {  	[hbm4b:s7+s2] =	stream.indirect_vreg.scatter [tilespmem:s28], [sflag:$0x1], $0x80, v4, vm0, $0xb8;
	[tilespmem:$0x10880] =	vst v63  }
0xde: {  	s30 =	simm.s32 $0xE880  }
0xdf: {  	[hbm4b:s4+s2] =	stream.indirect_vreg.scatter [tilespmem:s30], [sflag:$0x1], $0x80, v3, vm0, $0xb8;
	[tilespmem:$0x10880] =	vst v63  }
0xe0: {  	s0 =	simm.s32 $0xF080  }
0xe1: {  	[hbm4b:s5+s2] =	stream.indirect_vreg.scatter [tilespmem:s0], [sflag:$0x1], $0x80, v3, vm0, $0xb8;
	[tilespmem:$0x10880] =	vst v63  }
0xe2: {  	s16 =	simm.s32 $0xF880  }
0xe3: {  	[hbm4b:s6+s2] =	stream.indirect_vreg.scatter [tilespmem:s16], [sflag:$0x1], $0x80, v3, vm0, $0xb8;
	[tilespmem:$0x10880] =	vst v63  }
0xe4: {  	s18 =	simm.s32 $0x10080  }
0xe5: {  	[hbm4b:s7+s2] =	stream.indirect_vreg.scatter [tilespmem:s18], [sflag:$0x1], $0x80, v3, vm0, $0xb8;
	[tilespmem:$0x10880] =	vst v63  }
0xe6: {  	_ =	swait.ge [sflag:s9], $0x10000  }
0xe7: {  	[sflag:s9] =	ssyncset.done $0x0  }
0xe8: {  	s20 =	rddreg [dreg:$0x8];
	[sflag:s9] =	ssyncadd.s32 $0xFFFF0000  }
0xe9: {  	[tilespmem:s1], [sflag:$0x1] =	stream.linear.gather [hbm4b:s20+s2], $0x10000, $0x38;
	[tilespmem:$0x10880] =	vst v63  }
0xea: {  	_ =	swait.ge [sflag:s9], $0x10000  }
0xeb: {  	[sflag:s9] =	ssyncset.done $0x0  }
0xec: {  	[sflag:s9] =	ssyncadd.s32 $0xFFFF0000  }
0xed: {  	v3 =	vld [tilespmem:$0x500];
	_ =	sdelay $0x4  }
0xee: {  	v36 =	vshll.u32 v3, $0x3  }
0xef: {  	v3 =	vand.u32 $0x7, v3;
	v4 =	vand.u32 $0xFFFFFFC0, v36  }
0xf0: {  	v3 =	vor.u32 v3, v4  }
0xf1: {  	v4 =	vperm.xlane v3, v0;
	_ =	sdelay $0x1  }
0xf2: {  	v4 =	vadd.s32 v1, v4;
	_ =	sdelay $0x4  }
0xf3: {  	[hbm4b:s4+s2] =	stream.indirect_vreg.scatter [tilespmem:s1], [sflag:$0x1], $0x80, v4, vm0, $0xb8;
	[tilespmem:$0x10880] =	vst v63  }
0xf4: {  	s8 =	simm.s32 $0x1080;
	v3 =	vperm.xlane v3, v2  }
0xf5: {  	[hbm4b:s5+s2] =	stream.indirect_vreg.scatter [tilespmem:s8], [sflag:$0x1], $0x80, v4, vm0, $0xb8;
	[tilespmem:$0x10880] =	vst v63  }
0xf6: {  	s12 =	simm.s32 $0x1880;
	v3 =	vadd.s32 v1, v3  }
0xf7: {  	[hbm4b:s6+s2] =	stream.indirect_vreg.scatter [tilespmem:s12], [sflag:$0x1], $0x80, v4, vm0, $0xb8;
	[tilespmem:$0x10880] =	vst v63  }
0xf8: {  	s3 =	simm.s32 $0x2080  }
0xf9: {  	[hbm4b:s7+s2] =	stream.indirect_vreg.scatter [tilespmem:s3], [sflag:$0x1], $0x80, v4, vm0, $0xb8;
	[tilespmem:$0x10880] =	vst v63  }
0xfa: {  	s14 =	simm.s32 $0x2880  }
0xfb: {  	[hbm4b:s4+s2] =	stream.indirect_vreg.scatter [tilespmem:s14], [sflag:$0x1], $0x80, v3, vm0, $0xb8;
	[tilespmem:$0x10880] =	vst v63  }
0xfc: {  	s26 =	simm.s32 $0x3080  }
0xfd: {  	[hbm4b:s5+s2] =	stream.indirect_vreg.scatter [tilespmem:s26], [sflag:$0x1], $0x80, v3, vm0, $0xb8;
	[tilespmem:$0x10880] =	vst v63  }
0xfe: {  	s28 =	simm.s32 $0x3880  }
0xff: {  	[hbm4b:s6+s2] =	stream.indirect_vreg.scatter [tilespmem:s28], [sflag:$0x1], $0x80, v3, vm0, $0xb8;
	[tilespmem:$0x10880] =	vst v63  }
0x100: {  	s31 =	simm.s32 $0x4080  }
0x101: {  	[hbm4b:s7+s2] =	stream.indirect_vreg.scatter [tilespmem:s31], [sflag:$0x1], $0x80, v3, vm0, $0xb8;
	[tilespmem:$0x10880] =	vst v63  }
0x102: {  	v3 =	vld [tilespmem:$0x510];
	_ =	sdelay $0x4  }
0x103: {  	v37 =	vshll.u32 v3, $0x3  }
0x104: {  	v3 =	vand.u32 $0x7, v3;
	v4 =	vand.u32 $0xFFFFFFC0, v37  }
0x105: {  	v3 =	vor.u32 v3, v4  }
0x106: {  	v4 =	vperm.xlane v3, v0;
	_ =	sdelay $0x1  }
0x107: {  	v4 =	vadd.s32 v1, v4;
	_ =	sdelay $0x3  }
0x108: {  	s3 =	simm.s32 $0x4880  }
0x109: {  	[hbm4b:s4+s2] =	stream.indirect_vreg.scatter [tilespmem:s3], [sflag:$0x1], $0x80, v4, vm0, $0xb8;
	[tilespmem:$0x10880] =	vst v63  }
0x10a: {  	s8 =	simm.s32 $0x5080;
	v3 =	vperm.xlane v3, v2  }
0x10b: {  	[hbm4b:s5+s2] =	stream.indirect_vreg.scatter [tilespmem:s8], [sflag:$0x1], $0x80, v4, vm0, $0xb8;
	[tilespmem:$0x10880] =	vst v63  }
0x10c: {  	s11 =	simm.s32 $0x5880;
	v3 =	vadd.s32 v1, v3  }
0x10d: {  	[hbm4b:s6+s2] =	stream.indirect_vreg.scatter [tilespmem:s11], [sflag:$0x1], $0x80, v4, vm0, $0xb8;
	[tilespmem:$0x10880] =	vst v63  }
0x10e: {  	s11 =	simm.s32 $0x6080  }
0x10f: {  	[hbm4b:s7+s2] =	stream.indirect_vreg.scatter [tilespmem:s11], [sflag:$0x1], $0x80, v4, vm0, $0xb8;
	[tilespmem:$0x10880] =	vst v63  }
0x110: {  	s13 =	simm.s32 $0x6880  }
0x111: {  	[hbm4b:s4+s2] =	stream.indirect_vreg.scatter [tilespmem:s13], [sflag:$0x1], $0x80, v3, vm0, $0xb8;
	[tilespmem:$0x10880] =	vst v63  }
0x112: {  	s14 =	simm.s32 $0x7080  }
0x113: {  	[hbm4b:s5+s2] =	stream.indirect_vreg.scatter [tilespmem:s14], [sflag:$0x1], $0x80, v3, vm0, $0xb8;
	[tilespmem:$0x10880] =	vst v63  }
0x114: {  	s13 =	simm.s32 $0x7880  }
0x115: {  	[hbm4b:s6+s2] =	stream.indirect_vreg.scatter [tilespmem:s13], [sflag:$0x1], $0x80, v3, vm0, $0xb8;
	[tilespmem:$0x10880] =	vst v63  }
0x116: {  	s31 =	simm.s32 $0x8080  }
0x117: {  	[hbm4b:s7+s2] =	stream.indirect_vreg.scatter [tilespmem:s31], [sflag:$0x1], $0x80, v3, vm0, $0xb8;
	[tilespmem:$0x10880] =	vst v63  }
0x118: {  	v3 =	vld [tilespmem:$0x520];
	_ =	sdelay $0x4  }
0x119: {  	v38 =	vshll.u32 v3, $0x3  }
0x11a: {  	v3 =	vand.u32 $0x7, v3;
	v4 =	vand.u32 $0xFFFFFFC0, v38  }
0x11b: {  	v3 =	vor.u32 v3, v4  }
0x11c: {  	v4 =	vperm.xlane v3, v0;
	_ =	sdelay $0x1  }
0x11d: {  	v4 =	vadd.s32 v1, v4;
	_ =	sdelay $0x3  }
0x11e: {  	s12 =	simm.s32 $0x8880  }
0x11f: {  	[hbm4b:s4+s2] =	stream.indirect_vreg.scatter [tilespmem:s12], [sflag:$0x1], $0x80, v4, vm0, $0xb8;
	[tilespmem:$0x10880] =	vst v63  }
0x120: {  	s0 =	simm.s32 $0x9080;
	v3 =	vperm.xlane v3, v2  }
0x121: {  	[hbm4b:s5+s2] =	stream.indirect_vreg.scatter [tilespmem:s0], [sflag:$0x1], $0x80, v4, vm0, $0xb8;
	[tilespmem:$0x10880] =	vst v63  }
0x122: {  	s10 =	simm.s32 $0x9880;
	v3 =	vadd.s32 v1, v3  }
0x123: {  	[hbm4b:s6+s2] =	stream.indirect_vreg.scatter [tilespmem:s10], [sflag:$0x1], $0x80, v4, vm0, $0xb8;
	[tilespmem:$0x10880] =	vst v63  }
0x124: {  	s17 =	simm.s32 $0xA080  }
0x125: {  	[hbm4b:s7+s2] =	stream.indirect_vreg.scatter [tilespmem:s17], [sflag:$0x1], $0x80, v4, vm0, $0xb8;
	[tilespmem:$0x10880] =	vst v63  }
0x126: {  	s23 =	simm.s32 $0xA880  }
0x127: {  	[hbm4b:s4+s2] =	stream.indirect_vreg.scatter [tilespmem:s23], [sflag:$0x1], $0x80, v3, vm0, $0xb8;
	[tilespmem:$0x10880] =	vst v63  }
0x128: {  	s19 =	simm.s32 $0xB080  }
0x129: {  	[hbm4b:s5+s2] =	stream.indirect_vreg.scatter [tilespmem:s19], [sflag:$0x1], $0x80, v3, vm0, $0xb8;
	[tilespmem:$0x10880] =	vst v63  }
0x12a: {  	s21 =	simm.s32 $0xB880  }
0x12b: {  	[hbm4b:s6+s2] =	stream.indirect_vreg.scatter [tilespmem:s21], [sflag:$0x1], $0x80, v3, vm0, $0xb8;
	[tilespmem:$0x10880] =	vst v63  }
0x12c: {  	s15 =	simm.s32 $0xC080  }
0x12d: {  	[hbm4b:s7+s2] =	stream.indirect_vreg.scatter [tilespmem:s15], [sflag:$0x1], $0x80, v3, vm0, $0xb8;
	[tilespmem:$0x10880] =	vst v63  }
0x12e: {  	v3 =	vld [tilespmem:$0x530];
	_ =	sdelay $0x4  }
0x12f: {  	v39 =	vshll.u32 v3, $0x3  }
0x130: {  	v3 =	vand.u32 $0x7, v3;
	v4 =	vand.u32 $0xFFFFFFC0, v39  }
0x131: {  	v3 =	vor.u32 v3, v4  }
0x132: {  	v4 =	vperm.xlane v3, v0;
	_ =	sdelay $0x1  }
0x133: {  	v4 =	vadd.s32 v1, v4;
	_ =	sdelay $0x3  }
0x134: {  	s25 =	simm.s32 $0xC880  }
0x135: {  	[hbm4b:s4+s2] =	stream.indirect_vreg.scatter [tilespmem:s25], [sflag:$0x1], $0x80, v4, vm0, $0xb8;
	[tilespmem:$0x10880] =	vst v63  }
0x136: {  	s29 =	simm.s32 $0xD080;
	v3 =	vperm.xlane v3, v2  }
0x137: {  	[hbm4b:s5+s2] =	stream.indirect_vreg.scatter [tilespmem:s29], [sflag:$0x1], $0x80, v4, vm0, $0xb8;
	[tilespmem:$0x10880] =	vst v63  }
0x138: {  	v3 =	vadd.s32 v1, v3;
	s29 =	simm.s32 $0xD880  }
0x139: {  	[hbm4b:s6+s2] =	stream.indirect_vreg.scatter [tilespmem:s29], [sflag:$0x1], $0x80, v4, vm0, $0xb8;
	[tilespmem:$0x10880] =	vst v63  }
0x13a: {  	s22 =	simm.s32 $0xE080  }
0x13b: {  	[hbm4b:s7+s2] =	stream.indirect_vreg.scatter [tilespmem:s22], [sflag:$0x1], $0x80, v4, vm0, $0xb8;
	[tilespmem:$0x10880] =	vst v63  }
0x13c: {  	s15 =	simm.s32 $0xE880  }
0x13d: {  	[hbm4b:s4+s2] =	stream.indirect_vreg.scatter [tilespmem:s15], [sflag:$0x1], $0x80, v3, vm0, $0xb8;
	[tilespmem:$0x10880] =	vst v63  }
0x13e: {  	s19 =	simm.s32 $0xF080  }
0x13f: {  	[hbm4b:s5+s2] =	stream.indirect_vreg.scatter [tilespmem:s19], [sflag:$0x1], $0x80, v3, vm0, $0xb8;
	[tilespmem:$0x10880] =	vst v63  }
0x140: {  	s21 =	simm.s32 $0xF880  }
0x141: {  	[hbm4b:s6+s2] =	stream.indirect_vreg.scatter [tilespmem:s21], [sflag:$0x1], $0x80, v3, vm0, $0xb8;
	[tilespmem:$0x10880] =	vst v63  }
0x142: {  	s30 =	simm.s32 $0x10080  }
0x143: {  	[hbm4b:s7+s2] =	stream.indirect_vreg.scatter [tilespmem:s30], [sflag:$0x1], $0x80, v3, vm0, $0xb8;
	[tilespmem:$0x10880] =	vst v63  }
0x144: {  	_ =	swait.ge [sflag:s9], $0x10000  }
0x145: {  	[sflag:s9] =	ssyncset.done $0x0  }
0x146: {  	s21 =	rddreg [dreg:$0x9];
	[sflag:s9] =	ssyncadd.s32 $0xFFFF0000  }
0x147: {  	[tilespmem:s1], [sflag:$0x1] =	stream.linear.gather [hbm4b:s21+s2], $0x10000, $0x38;
	[tilespmem:$0x10880] =	vst v63  }
0x148: {  	_ =	swait.ge [sflag:s9], $0x10000  }
0x149: {  	[sflag:s9] =	ssyncset.done $0x0  }
0x14a: {  	[sflag:s9] =	ssyncadd.s32 $0xFFFF0000  }
0x14b: {  	v3 =	vld [tilespmem:$0x580];
	_ =	sdelay $0x4  }
0x14c: {  	v40 =	vshll.u32 v3, $0x3  }
0x14d: {  	v3 =	vand.u32 $0x7, v3;
	v4 =	vand.u32 $0xFFFFFFC0, v40  }
0x14e: {  	v3 =	vor.u32 v3, v4  }
0x14f: {  	v4 =	vperm.xlane v3, v0;
	_ =	sdelay $0x1  }
0x150: {  	v4 =	vadd.s32 v1, v4;
	_ =	sdelay $0x4  }
0x151: {  	[hbm4b:s4+s2] =	stream.indirect_vreg.scatter [tilespmem:s1], [sflag:$0x1], $0x80, v4, vm0, $0xb8;
	[tilespmem:$0x10880] =	vst v63  }
0x152: {  	s21 =	simm.s32 $0x1080;
	v3 =	vperm.xlane v3, v2  }
0x153: {  	[hbm4b:s5+s2] =	stream.indirect_vreg.scatter [tilespmem:s21], [sflag:$0x1], $0x80, v4, vm0, $0xb8;
	[tilespmem:$0x10880] =	vst v63  }
0x154: {  	v3 =	vadd.s32 v1, v3;
	s21 =	simm.s32 $0x1880  }
0x155: {  	[hbm4b:s6+s2] =	stream.indirect_vreg.scatter [tilespmem:s21], [sflag:$0x1], $0x80, v4, vm0, $0xb8;
	[tilespmem:$0x10880] =	vst v63  }
0x156: {  	s21 =	simm.s32 $0x2080  }
0x157: {  	[hbm4b:s7+s2] =	stream.indirect_vreg.scatter [tilespmem:s21], [sflag:$0x1], $0x80, v4, vm0, $0xb8;
	[tilespmem:$0x10880] =	vst v63  }
0x158: {  	s21 =	simm.s32 $0x2880  }
0x159: {  	[hbm4b:s4+s2] =	stream.indirect_vreg.scatter [tilespmem:s21], [sflag:$0x1], $0x80, v3, vm0, $0xb8;
	[tilespmem:$0x10880] =	vst v63  }
0x15a: {  	_ = 	snop  }
0x15b: {  	[hbm4b:s5+s2] =	stream.indirect_vreg.scatter [tilespmem:s26], [sflag:$0x1], $0x80, v3, vm0, $0xb8;
	[tilespmem:$0x10880] =	vst v63  }
0x15c: {  	_ = 	snop  }
0x15d: {  	[hbm4b:s6+s2] =	stream.indirect_vreg.scatter [tilespmem:s28], [sflag:$0x1], $0x80, v3, vm0, $0xb8;
	[tilespmem:$0x10880] =	vst v63  }
0x15e: {  	s21 =	simm.s32 $0x4080  }
0x15f: {  	[hbm4b:s7+s2] =	stream.indirect_vreg.scatter [tilespmem:s21], [sflag:$0x1], $0x80, v3, vm0, $0xb8;
	[tilespmem:$0x10880] =	vst v63  }
0x160: {  	v3 =	vld [tilespmem:$0x590];
	_ =	sdelay $0x4  }
0x161: {  	v41 =	vshll.u32 v3, $0x3  }
0x162: {  	v3 =	vand.u32 $0x7, v3;
	v4 =	vand.u32 $0xFFFFFFC0, v41  }
0x163: {  	v3 =	vor.u32 v3, v4  }
0x164: {  	v4 =	vperm.xlane v3, v0;
	_ =	sdelay $0x1  }
0x165: {  	v4 =	vadd.s32 v1, v4;
	_ =	sdelay $0x4  }
0x166: {  	[hbm4b:s4+s2] =	stream.indirect_vreg.scatter [tilespmem:s3], [sflag:$0x1], $0x80, v4, vm0, $0xb8;
	[tilespmem:$0x10880] =	vst v63  }
0x167: {  	v3 =	vperm.xlane v3, v2  }
0x168: {  	[hbm4b:s5+s2] =	stream.indirect_vreg.scatter [tilespmem:s8], [sflag:$0x1], $0x80, v4, vm0, $0xb8;
	[tilespmem:$0x10880] =	vst v63  }
0x169: {  	v3 =	vadd.s32 v1, v3;
	s8 =	simm.s32 $0x5880  }
0x16a: {  	[hbm4b:s6+s2] =	stream.indirect_vreg.scatter [tilespmem:s8], [sflag:$0x1], $0x80, v4, vm0, $0xb8;
	[tilespmem:$0x10880] =	vst v63  }
0x16b: {  	_ = 	snop  }
0x16c: {  	[hbm4b:s7+s2] =	stream.indirect_vreg.scatter [tilespmem:s11], [sflag:$0x1], $0x80, v4, vm0, $0xb8;
	[tilespmem:$0x10880] =	vst v63  }
0x16d: {  	s16 =	simm.s32 $0x6880  }
0x16e: {  	[hbm4b:s4+s2] =	stream.indirect_vreg.scatter [tilespmem:s16], [sflag:$0x1], $0x80, v3, vm0, $0xb8;
	[tilespmem:$0x10880] =	vst v63  }
0x16f: {  	_ = 	snop  }
0x170: {  	[hbm4b:s5+s2] =	stream.indirect_vreg.scatter [tilespmem:s14], [sflag:$0x1], $0x80, v3, vm0, $0xb8;
	[tilespmem:$0x10880] =	vst v63  }
0x171: {  	_ = 	snop  }
0x172: {  	[hbm4b:s6+s2] =	stream.indirect_vreg.scatter [tilespmem:s13], [sflag:$0x1], $0x80, v3, vm0, $0xb8;
	[tilespmem:$0x10880] =	vst v63  }
0x173: {  	_ = 	snop  }
0x174: {  	[hbm4b:s7+s2] =	stream.indirect_vreg.scatter [tilespmem:s31], [sflag:$0x1], $0x80, v3, vm0, $0xb8;
	[tilespmem:$0x10880] =	vst v63  }
0x175: {  	v3 =	vld [tilespmem:$0x5A0];
	_ =	sdelay $0x4  }
0x176: {  	v42 =	vshll.u32 v3, $0x3  }
0x177: {  	v3 =	vand.u32 $0x7, v3;
	v4 =	vand.u32 $0xFFFFFFC0, v42  }
0x178: {  	v3 =	vor.u32 v3, v4  }
0x179: {  	v4 =	vperm.xlane v3, v0;
	_ =	sdelay $0x1  }
0x17a: {  	v4 =	vadd.s32 v1, v4;
	_ =	sdelay $0x4  }
0x17b: {  	[hbm4b:s4+s2] =	stream.indirect_vreg.scatter [tilespmem:s12], [sflag:$0x1], $0x80, v4, vm0, $0xb8;
	[tilespmem:$0x10880] =	vst v63  }
0x17c: {  	v3 =	vperm.xlane v3, v2  }
0x17d: {  	[hbm4b:s5+s2] =	stream.indirect_vreg.scatter [tilespmem:s0], [sflag:$0x1], $0x80, v4, vm0, $0xb8;
	[tilespmem:$0x10880] =	vst v63  }
0x17e: {  	s18 =	simm.s32 $0x9880;
	v3 =	vadd.s32 v1, v3  }
0x17f: {  	[hbm4b:s6+s2] =	stream.indirect_vreg.scatter [tilespmem:s18], [sflag:$0x1], $0x80, v4, vm0, $0xb8;
	[tilespmem:$0x10880] =	vst v63  }
0x180: {  	s20 =	simm.s32 $0xA080  }
0x181: {  	[hbm4b:s7+s2] =	stream.indirect_vreg.scatter [tilespmem:s20], [sflag:$0x1], $0x80, v4, vm0, $0xb8;
	[tilespmem:$0x10880] =	vst v63  }
0x182: {  	s23 =	simm.s32 $0xA880  }
0x183: {  	[hbm4b:s4+s2] =	stream.indirect_vreg.scatter [tilespmem:s23], [sflag:$0x1], $0x80, v3, vm0, $0xb8;
	[tilespmem:$0x10880] =	vst v63  }
0x184: {  	s24 =	simm.s32 $0xB080  }
0x185: {  	[hbm4b:s5+s2] =	stream.indirect_vreg.scatter [tilespmem:s24], [sflag:$0x1], $0x80, v3, vm0, $0xb8;
	[tilespmem:$0x10880] =	vst v63  }
0x186: {  	s20 =	simm.s32 $0xB880  }
0x187: {  	[hbm4b:s6+s2] =	stream.indirect_vreg.scatter [tilespmem:s20], [sflag:$0x1], $0x80, v3, vm0, $0xb8;
	[tilespmem:$0x10880] =	vst v63  }
0x188: {  	s17 =	simm.s32 $0xC080  }
0x189: {  	[hbm4b:s7+s2] =	stream.indirect_vreg.scatter [tilespmem:s17], [sflag:$0x1], $0x80, v3, vm0, $0xb8;
	[tilespmem:$0x10880] =	vst v63  }
0x18a: {  	v3 =	vld [tilespmem:$0x5B0];
	_ =	sdelay $0x4  }
0x18b: {  	v43 =	vshll.u32 v3, $0x3  }
0x18c: {  	v3 =	vand.u32 $0x7, v3;
	v4 =	vand.u32 $0xFFFFFFC0, v43  }
0x18d: {  	v3 =	vor.u32 v3, v4  }
0x18e: {  	v4 =	vperm.xlane v3, v0;
	_ =	sdelay $0x1  }
0x18f: {  	v4 =	vadd.s32 v1, v4;
	_ =	sdelay $0x3  }
0x190: {  	s25 =	simm.s32 $0xC880  }
0x191: {  	[hbm4b:s4+s2] =	stream.indirect_vreg.scatter [tilespmem:s25], [sflag:$0x1], $0x80, v4, vm0, $0xb8;
	[tilespmem:$0x10880] =	vst v63  }
0x192: {  	s21 =	simm.s32 $0xD080;
	v3 =	vperm.xlane v3, v2  }
0x193: {  	[hbm4b:s5+s2] =	stream.indirect_vreg.scatter [tilespmem:s21], [sflag:$0x1], $0x80, v4, vm0, $0xb8;
	[tilespmem:$0x10880] =	vst v63  }
0x194: {  	s29 =	simm.s32 $0xD880;
	v3 =	vadd.s32 v1, v3  }
0x195: {  	[hbm4b:s6+s2] =	stream.indirect_vreg.scatter [tilespmem:s29], [sflag:$0x1], $0x80, v4, vm0, $0xb8;
	[tilespmem:$0x10880] =	vst v63  }
0x196: {  	s22 =	simm.s32 $0xE080  }
0x197: {  	[hbm4b:s7+s2] =	stream.indirect_vreg.scatter [tilespmem:s22], [sflag:$0x1], $0x80, v4, vm0, $0xb8;
	[tilespmem:$0x10880] =	vst v63  }
0x198: {  	s10 =	simm.s32 $0xE880  }
0x199: {  	[hbm4b:s4+s2] =	stream.indirect_vreg.scatter [tilespmem:s10], [sflag:$0x1], $0x80, v3, vm0, $0xb8;
	[tilespmem:$0x10880] =	vst v63  }
0x19a: {  	s15 =	simm.s32 $0xF080  }
0x19b: {  	[hbm4b:s5+s2] =	stream.indirect_vreg.scatter [tilespmem:s15], [sflag:$0x1], $0x80, v3, vm0, $0xb8;
	[tilespmem:$0x10880] =	vst v63  }
0x19c: {  	s19 =	simm.s32 $0xF880  }
0x19d: {  	[hbm4b:s6+s2] =	stream.indirect_vreg.scatter [tilespmem:s19], [sflag:$0x1], $0x80, v3, vm0, $0xb8;
	[tilespmem:$0x10880] =	vst v63  }
0x19e: {  	s30 =	simm.s32 $0x10080  }
0x19f: {  	[hbm4b:s7+s2] =	stream.indirect_vreg.scatter [tilespmem:s30], [sflag:$0x1], $0x80, v3, vm0, $0xb8;
	[tilespmem:$0x10880] =	vst v63  }
0x1a0: {  	_ =	swait.ge [sflag:s9], $0x10000  }
0x1a1: {  	[sflag:s9] =	ssyncset.done $0x0  }
0x1a2: {  	s30 =	rddreg [dreg:$0xa];
	[sflag:s9] =	ssyncadd.s32 $0xFFFF0000  }
0x1a3: {  	[tilespmem:s1], [sflag:$0x1] =	stream.linear.gather [hbm4b:s30+s2], $0x10000, $0x38;
	[tilespmem:$0x10880] =	vst v63  }
0x1a4: {  	_ =	swait.ge [sflag:s9], $0x10000  }
0x1a5: {  	[sflag:s9] =	ssyncset.done $0x0  }
0x1a6: {  	[sflag:s9] =	ssyncadd.s32 $0xFFFF0000  }
0x1a7: {  	v3 =	vld [tilespmem:$0x600];
	_ =	sdelay $0x4  }
0x1a8: {  	v44 =	vshll.u32 v3, $0x3  }
0x1a9: {  	v3 =	vand.u32 $0x7, v3;
	v4 =	vand.u32 $0xFFFFFFC0, v44  }
0x1aa: {  	v3 =	vor.u32 v3, v4  }
0x1ab: {  	v4 =	vperm.xlane v3, v0;
	_ =	sdelay $0x1  }
0x1ac: {  	v4 =	vadd.s32 v1, v4;
	_ =	sdelay $0x4  }
0x1ad: {  	[hbm4b:s4+s2] =	stream.indirect_vreg.scatter [tilespmem:s1], [sflag:$0x1], $0x80, v4, vm0, $0xb8;
	[tilespmem:$0x10880] =	vst v63  }
0x1ae: {  	s22 =	simm.s32 $0x1080;
	v3 =	vperm.xlane v3, v2  }
0x1af: {  	[hbm4b:s5+s2] =	stream.indirect_vreg.scatter [tilespmem:s22], [sflag:$0x1], $0x80, v4, vm0, $0xb8;
	[tilespmem:$0x10880] =	vst v63  }
0x1b0: {  	s29 =	simm.s32 $0x1880;
	v3 =	vadd.s32 v1, v3  }
0x1b1: {  	[hbm4b:s6+s2] =	stream.indirect_vreg.scatter [tilespmem:s29], [sflag:$0x1], $0x80, v4, vm0, $0xb8;
	[tilespmem:$0x10880] =	vst v63  }
0x1b2: {  	s30 =	simm.s32 $0x2080  }
0x1b3: {  	[hbm4b:s7+s2] =	stream.indirect_vreg.scatter [tilespmem:s30], [sflag:$0x1], $0x80, v4, vm0, $0xb8;
	[tilespmem:$0x10880] =	vst v63  }
0x1b4: {  	s22 =	simm.s32 $0x2880  }
0x1b5: {  	[hbm4b:s4+s2] =	stream.indirect_vreg.scatter [tilespmem:s22], [sflag:$0x1], $0x80, v3, vm0, $0xb8;
	[tilespmem:$0x10880] =	vst v63  }
0x1b6: {  	s26 =	simm.s32 $0x3080  }
0x1b7: {  	[hbm4b:s5+s2] =	stream.indirect_vreg.scatter [tilespmem:s26], [sflag:$0x1], $0x80, v3, vm0, $0xb8;
	[tilespmem:$0x10880] =	vst v63  }
0x1b8: {  	s28 =	simm.s32 $0x3880  }
0x1b9: {  	[hbm4b:s6+s2] =	stream.indirect_vreg.scatter [tilespmem:s28], [sflag:$0x1], $0x80, v3, vm0, $0xb8;
	[tilespmem:$0x10880] =	vst v63  }
0x1ba: {  	s29 =	simm.s32 $0x4080  }
0x1bb: {  	[hbm4b:s7+s2] =	stream.indirect_vreg.scatter [tilespmem:s29], [sflag:$0x1], $0x80, v3, vm0, $0xb8;
	[tilespmem:$0x10880] =	vst v63  }
0x1bc: {  	v3 =	vld [tilespmem:$0x610];
	_ =	sdelay $0x4  }
0x1bd: {  	v45 =	vshll.u32 v3, $0x3  }
0x1be: {  	v3 =	vand.u32 $0x7, v3;
	v4 =	vand.u32 $0xFFFFFFC0, v45  }
0x1bf: {  	v3 =	vor.u32 v3, v4  }
0x1c0: {  	v4 =	vperm.xlane v3, v0;
	_ =	sdelay $0x1  }
0x1c1: {  	v4 =	vadd.s32 v1, v4;
	_ =	sdelay $0x3  }
0x1c2: {  	s30 =	simm.s32 $0x4880  }
0x1c3: {  	[hbm4b:s4+s2] =	stream.indirect_vreg.scatter [tilespmem:s30], [sflag:$0x1], $0x80, v4, vm0, $0xb8;
	[tilespmem:$0x10880] =	vst v63  }
0x1c4: {  	s22 =	simm.s32 $0x5080;
	v3 =	vperm.xlane v3, v2  }
0x1c5: {  	[hbm4b:s5+s2] =	stream.indirect_vreg.scatter [tilespmem:s22], [sflag:$0x1], $0x80, v4, vm0, $0xb8;
	[tilespmem:$0x10880] =	vst v63  }
0x1c6: {  	s26 =	simm.s32 $0x5880;
	v3 =	vadd.s32 v1, v3  }
0x1c7: {  	[hbm4b:s6+s2] =	stream.indirect_vreg.scatter [tilespmem:s26], [sflag:$0x1], $0x80, v4, vm0, $0xb8;
	[tilespmem:$0x10880] =	vst v63  }
0x1c8: {  	s3 =	simm.s32 $0x6080  }
0x1c9: {  	[hbm4b:s7+s2] =	stream.indirect_vreg.scatter [tilespmem:s3], [sflag:$0x1], $0x80, v4, vm0, $0xb8;
	[tilespmem:$0x10880] =	vst v63  }
0x1ca: {  	s30 =	simm.s32 $0x6880  }
0x1cb: {  	[hbm4b:s4+s2] =	stream.indirect_vreg.scatter [tilespmem:s30], [sflag:$0x1], $0x80, v3, vm0, $0xb8;
	[tilespmem:$0x10880] =	vst v63  }
0x1cc: {  	s8 =	simm.s32 $0x7080  }
0x1cd: {  	[hbm4b:s5+s2] =	stream.indirect_vreg.scatter [tilespmem:s8], [sflag:$0x1], $0x80, v3, vm0, $0xb8;
	[tilespmem:$0x10880] =	vst v63  }
0x1ce: {  	s11 =	simm.s32 $0x7880  }
0x1cf: {  	[hbm4b:s6+s2] =	stream.indirect_vreg.scatter [tilespmem:s11], [sflag:$0x1], $0x80, v3, vm0, $0xb8;
	[tilespmem:$0x10880] =	vst v63  }
0x1d0: {  	s13 =	simm.s32 $0x8080  }
0x1d1: {  	[hbm4b:s7+s2] =	stream.indirect_vreg.scatter [tilespmem:s13], [sflag:$0x1], $0x80, v3, vm0, $0xb8;
	[tilespmem:$0x10880] =	vst v63  }
0x1d2: {  	v3 =	vld [tilespmem:$0x620];
	_ =	sdelay $0x4  }
0x1d3: {  	v46 =	vshll.u32 v3, $0x3  }
0x1d4: {  	v3 =	vand.u32 $0x7, v3;
	v4 =	vand.u32 $0xFFFFFFC0, v46  }
0x1d5: {  	v3 =	vor.u32 v3, v4  }
0x1d6: {  	v4 =	vperm.xlane v3, v0;
	_ =	sdelay $0x1  }
0x1d7: {  	v4 =	vadd.s32 v1, v4;
	_ =	sdelay $0x3  }
0x1d8: {  	s12 =	simm.s32 $0x8880  }
0x1d9: {  	[hbm4b:s4+s2] =	stream.indirect_vreg.scatter [tilespmem:s12], [sflag:$0x1], $0x80, v4, vm0, $0xb8;
	[tilespmem:$0x10880] =	vst v63  }
0x1da: {  	s14 =	simm.s32 $0x9080;
	v3 =	vperm.xlane v3, v2  }
0x1db: {  	[hbm4b:s5+s2] =	stream.indirect_vreg.scatter [tilespmem:s14], [sflag:$0x1], $0x80, v4, vm0, $0xb8;
	[tilespmem:$0x10880] =	vst v63  }
0x1dc: {  	s31 =	simm.s32 $0x9880;
	v3 =	vadd.s32 v1, v3  }
0x1dd: {  	[hbm4b:s6+s2] =	stream.indirect_vreg.scatter [tilespmem:s31], [sflag:$0x1], $0x80, v4, vm0, $0xb8;
	[tilespmem:$0x10880] =	vst v63  }
0x1de: {  	s18 =	simm.s32 $0xA080  }
0x1df: {  	[hbm4b:s7+s2] =	stream.indirect_vreg.scatter [tilespmem:s18], [sflag:$0x1], $0x80, v4, vm0, $0xb8;
	[tilespmem:$0x10880] =	vst v63  }
0x1e0: {  	s23 =	simm.s32 $0xA880  }
0x1e1: {  	[hbm4b:s4+s2] =	stream.indirect_vreg.scatter [tilespmem:s23], [sflag:$0x1], $0x80, v3, vm0, $0xb8;
	[tilespmem:$0x10880] =	vst v63  }
0x1e2: {  	s24 =	simm.s32 $0xB080  }
0x1e3: {  	[hbm4b:s5+s2] =	stream.indirect_vreg.scatter [tilespmem:s24], [sflag:$0x1], $0x80, v3, vm0, $0xb8;
	[tilespmem:$0x10880] =	vst v63  }
0x1e4: {  	s21 =	simm.s32 $0xB880  }
0x1e5: {  	[hbm4b:s6+s2] =	stream.indirect_vreg.scatter [tilespmem:s21], [sflag:$0x1], $0x80, v3, vm0, $0xb8;
	[tilespmem:$0x10880] =	vst v63  }
0x1e6: {  	s20 =	simm.s32 $0xC080  }
0x1e7: {  	[hbm4b:s7+s2] =	stream.indirect_vreg.scatter [tilespmem:s20], [sflag:$0x1], $0x80, v3, vm0, $0xb8;
	[tilespmem:$0x10880] =	vst v63  }
0x1e8: {  	v3 =	vld [tilespmem:$0x630];
	_ =	sdelay $0x4  }
0x1e9: {  	v47 =	vshll.u32 v3, $0x3  }
0x1ea: {  	v3 =	vand.u32 $0x7, v3;
	v4 =	vand.u32 $0xFFFFFFC0, v47  }
0x1eb: {  	v3 =	vor.u32 v3, v4  }
0x1ec: {  	v4 =	vperm.xlane v3, v0;
	_ =	sdelay $0x1  }
0x1ed: {  	v4 =	vadd.s32 v1, v4;
	_ =	sdelay $0x3  }
0x1ee: {  	s25 =	simm.s32 $0xC880  }
0x1ef: {  	[hbm4b:s4+s2] =	stream.indirect_vreg.scatter [tilespmem:s25], [sflag:$0x1], $0x80, v4, vm0, $0xb8;
	[tilespmem:$0x10880] =	vst v63  }
0x1f0: {  	v3 =	vperm.xlane v3, v2;
	s25 =	simm.s32 $0xD080  }
0x1f1: {  	[hbm4b:s5+s2] =	stream.indirect_vreg.scatter [tilespmem:s25], [sflag:$0x1], $0x80, v4, vm0, $0xb8;
	[tilespmem:$0x10880] =	vst v63  }
0x1f2: {  	s0 =	simm.s32 $0xD880;
	v3 =	vadd.s32 v1, v3  }
0x1f3: {  	[hbm4b:s6+s2] =	stream.indirect_vreg.scatter [tilespmem:s0], [sflag:$0x1], $0x80, v4, vm0, $0xb8;
	[tilespmem:$0x10880] =	vst v63  }
0x1f4: {  	s16 =	simm.s32 $0xE080  }
0x1f5: {  	[hbm4b:s7+s2] =	stream.indirect_vreg.scatter [tilespmem:s16], [sflag:$0x1], $0x80, v4, vm0, $0xb8;
	[tilespmem:$0x10880] =	vst v63  }
0x1f6: {  	s17 =	simm.s32 $0xE880  }
0x1f7: {  	[hbm4b:s4+s2] =	stream.indirect_vreg.scatter [tilespmem:s17], [sflag:$0x1], $0x80, v3, vm0, $0xb8;
	[tilespmem:$0x10880] =	vst v63  }
0x1f8: {  	s10 =	simm.s32 $0xF080  }
0x1f9: {  	[hbm4b:s5+s2] =	stream.indirect_vreg.scatter [tilespmem:s10], [sflag:$0x1], $0x80, v3, vm0, $0xb8;
	[tilespmem:$0x10880] =	vst v63  }
0x1fa: {  	s15 =	simm.s32 $0xF880  }
0x1fb: {  	[hbm4b:s6+s2] =	stream.indirect_vreg.scatter [tilespmem:s15], [sflag:$0x1], $0x80, v3, vm0, $0xb8;
	[tilespmem:$0x10880] =	vst v63  }
0x1fc: {  	s19 =	simm.s32 $0x10080  }
0x1fd: {  	[hbm4b:s7+s2] =	stream.indirect_vreg.scatter [tilespmem:s19], [sflag:$0x1], $0x80, v3, vm0, $0xb8;
	[tilespmem:$0x10880] =	vst v63  }
0x1fe: {  	_ =	swait.ge [sflag:s9], $0x10000  }
0x1ff: {  	[sflag:s9] =	ssyncset.done $0x0  }
0x200: {  	s21 =	rddreg [dreg:$0xb];
	[sflag:s9] =	ssyncadd.s32 $0xFFFF0000  }
0x201: {  	[tilespmem:s1], [sflag:$0x1] =	stream.linear.gather [hbm4b:s21+s2], $0x10000, $0x38;
	[tilespmem:$0x10880] =	vst v63  }
0x202: {  	_ =	swait.ge [sflag:s9], $0x10000  }
0x203: {  	[sflag:s9] =	ssyncset.done $0x0  }
0x204: {  	[sflag:s9] =	ssyncadd.s32 $0xFFFF0000  }
0x205: {  	v3 =	vld [tilespmem:$0x680];
	_ =	sdelay $0x4  }
0x206: {  	v48 =	vshll.u32 v3, $0x3  }
0x207: {  	v3 =	vand.u32 $0x7, v3;
	v4 =	vand.u32 $0xFFFFFFC0, v48  }
0x208: {  	v3 =	vor.u32 v3, v4  }
0x209: {  	v4 =	vperm.xlane v3, v0;
	_ =	sdelay $0x1  }
0x20a: {  	v4 =	vadd.s32 v1, v4;
	_ =	sdelay $0x4  }
0x20b: {  	[hbm4b:s4+s2] =	stream.indirect_vreg.scatter [tilespmem:s1], [sflag:$0x1], $0x80, v4, vm0, $0xb8;
	[tilespmem:$0x10880] =	vst v63  }
0x20c: {  	s21 =	simm.s32 $0x1080;
	v3 =	vperm.xlane v3, v2  }
0x20d: {  	[hbm4b:s5+s2] =	stream.indirect_vreg.scatter [tilespmem:s21], [sflag:$0x1], $0x80, v4, vm0, $0xb8;
	[tilespmem:$0x10880] =	vst v63  }
0x20e: {  	v3 =	vadd.s32 v1, v3;
	s21 =	simm.s32 $0x1880  }
0x20f: {  	[hbm4b:s6+s2] =	stream.indirect_vreg.scatter [tilespmem:s21], [sflag:$0x1], $0x80, v4, vm0, $0xb8;
	[tilespmem:$0x10880] =	vst v63  }
0x210: {  	s21 =	simm.s32 $0x2080  }
0x211: {  	[hbm4b:s7+s2] =	stream.indirect_vreg.scatter [tilespmem:s21], [sflag:$0x1], $0x80, v4, vm0, $0xb8;
	[tilespmem:$0x10880] =	vst v63  }
0x212: {  	s21 =	simm.s32 $0x2880  }
0x213: {  	[hbm4b:s4+s2] =	stream.indirect_vreg.scatter [tilespmem:s21], [sflag:$0x1], $0x80, v3, vm0, $0xb8;
	[tilespmem:$0x10880] =	vst v63  }
0x214: {  	s21 =	simm.s32 $0x3080  }
0x215: {  	[hbm4b:s5+s2] =	stream.indirect_vreg.scatter [tilespmem:s21], [sflag:$0x1], $0x80, v3, vm0, $0xb8;
	[tilespmem:$0x10880] =	vst v63  }
0x216: {  	s28 =	simm.s32 $0x3880  }
0x217: {  	[hbm4b:s6+s2] =	stream.indirect_vreg.scatter [tilespmem:s28], [sflag:$0x1], $0x80, v3, vm0, $0xb8;
	[tilespmem:$0x10880] =	vst v63  }
0x218: {  	s21 =	simm.s32 $0x4080  }
0x219: {  	[hbm4b:s7+s2] =	stream.indirect_vreg.scatter [tilespmem:s21], [sflag:$0x1], $0x80, v3, vm0, $0xb8;
	[tilespmem:$0x10880] =	vst v63  }
0x21a: {  	v3 =	vld [tilespmem:$0x690];
	_ =	sdelay $0x4  }
0x21b: {  	v49 =	vshll.u32 v3, $0x3  }
0x21c: {  	v3 =	vand.u32 $0x7, v3;
	v4 =	vand.u32 $0xFFFFFFC0, v49  }
0x21d: {  	v3 =	vor.u32 v3, v4  }
0x21e: {  	v4 =	vperm.xlane v3, v0;
	_ =	sdelay $0x1  }
0x21f: {  	v4 =	vadd.s32 v1, v4;
	_ =	sdelay $0x3  }
0x220: {  	s29 =	simm.s32 $0x4880  }
0x221: {  	[hbm4b:s4+s2] =	stream.indirect_vreg.scatter [tilespmem:s29], [sflag:$0x1], $0x80, v4, vm0, $0xb8;
	[tilespmem:$0x10880] =	vst v63  }
0x222: {  	s22 =	simm.s32 $0x5080;
	v3 =	vperm.xlane v3, v2  }
0x223: {  	[hbm4b:s5+s2] =	stream.indirect_vreg.scatter [tilespmem:s22], [sflag:$0x1], $0x80, v4, vm0, $0xb8;
	[tilespmem:$0x10880] =	vst v63  }
0x224: {  	s26 =	simm.s32 $0x5880;
	v3 =	vadd.s32 v1, v3  }
0x225: {  	[hbm4b:s6+s2] =	stream.indirect_vreg.scatter [tilespmem:s26], [sflag:$0x1], $0x80, v4, vm0, $0xb8;
	[tilespmem:$0x10880] =	vst v63  }
0x226: {  	s3 =	simm.s32 $0x6080  }
0x227: {  	[hbm4b:s7+s2] =	stream.indirect_vreg.scatter [tilespmem:s3], [sflag:$0x1], $0x80, v4, vm0, $0xb8;
	[tilespmem:$0x10880] =	vst v63  }
0x228: {  	s30 =	simm.s32 $0x6880  }
0x229: {  	[hbm4b:s4+s2] =	stream.indirect_vreg.scatter [tilespmem:s30], [sflag:$0x1], $0x80, v3, vm0, $0xb8;
	[tilespmem:$0x10880] =	vst v63  }
0x22a: {  	s8 =	simm.s32 $0x7080  }
0x22b: {  	[hbm4b:s5+s2] =	stream.indirect_vreg.scatter [tilespmem:s8], [sflag:$0x1], $0x80, v3, vm0, $0xb8;
	[tilespmem:$0x10880] =	vst v63  }
0x22c: {  	s11 =	simm.s32 $0x7880  }
0x22d: {  	[hbm4b:s6+s2] =	stream.indirect_vreg.scatter [tilespmem:s11], [sflag:$0x1], $0x80, v3, vm0, $0xb8;
	[tilespmem:$0x10880] =	vst v63  }
0x22e: {  	s13 =	simm.s32 $0x8080  }
0x22f: {  	[hbm4b:s7+s2] =	stream.indirect_vreg.scatter [tilespmem:s13], [sflag:$0x1], $0x80, v3, vm0, $0xb8;
	[tilespmem:$0x10880] =	vst v63  }
0x230: {  	v3 =	vld [tilespmem:$0x6A0];
	_ =	sdelay $0x4  }
0x231: {  	v50 =	vshll.u32 v3, $0x3  }
0x232: {  	v3 =	vand.u32 $0x7, v3;
	v4 =	vand.u32 $0xFFFFFFC0, v50  }
0x233: {  	v3 =	vor.u32 v3, v4  }
0x234: {  	v4 =	vperm.xlane v3, v0;
	_ =	sdelay $0x1  }
0x235: {  	v4 =	vadd.s32 v1, v4;
	_ =	sdelay $0x3  }
0x236: {  	s12 =	simm.s32 $0x8880  }
0x237: {  	[hbm4b:s4+s2] =	stream.indirect_vreg.scatter [tilespmem:s12], [sflag:$0x1], $0x80, v4, vm0, $0xb8;
	[tilespmem:$0x10880] =	vst v63  }
0x238: {  	s14 =	simm.s32 $0x9080;
	v3 =	vperm.xlane v3, v2  }
0x239: {  	[hbm4b:s5+s2] =	stream.indirect_vreg.scatter [tilespmem:s14], [sflag:$0x1], $0x80, v4, vm0, $0xb8;
	[tilespmem:$0x10880] =	vst v63  }
0x23a: {  	s21 =	simm.s32 $0x9880;
	v3 =	vadd.s32 v1, v3  }
0x23b: {  	[hbm4b:s6+s2] =	stream.indirect_vreg.scatter [tilespmem:s21], [sflag:$0x1], $0x80, v4, vm0, $0xb8;
	[tilespmem:$0x10880] =	vst v63  }
0x23c: {  	s31 =	simm.s32 $0xA080  }
0x23d: {  	[hbm4b:s7+s2] =	stream.indirect_vreg.scatter [tilespmem:s31], [sflag:$0x1], $0x80, v4, vm0, $0xb8;
	[tilespmem:$0x10880] =	vst v63  }
0x23e: {  	s23 =	simm.s32 $0xA880  }
0x23f: {  	[hbm4b:s4+s2] =	stream.indirect_vreg.scatter [tilespmem:s23], [sflag:$0x1], $0x80, v3, vm0, $0xb8;
	[tilespmem:$0x10880] =	vst v63  }
0x240: {  	s24 =	simm.s32 $0xB080  }
0x241: {  	[hbm4b:s5+s2] =	stream.indirect_vreg.scatter [tilespmem:s24], [sflag:$0x1], $0x80, v3, vm0, $0xb8;
	[tilespmem:$0x10880] =	vst v63  }
0x242: {  	s21 =	simm.s32 $0xB880  }
0x243: {  	[hbm4b:s6+s2] =	stream.indirect_vreg.scatter [tilespmem:s21], [sflag:$0x1], $0x80, v3, vm0, $0xb8;
	[tilespmem:$0x10880] =	vst v63  }
0x244: {  	s18 =	simm.s32 $0xC080  }
0x245: {  	[hbm4b:s7+s2] =	stream.indirect_vreg.scatter [tilespmem:s18], [sflag:$0x1], $0x80, v3, vm0, $0xb8;
	[tilespmem:$0x10880] =	vst v63  }
0x246: {  	v3 =	vld [tilespmem:$0x6B0];
	_ =	sdelay $0x4  }
0x247: {  	v51 =	vshll.u32 v3, $0x3  }
0x248: {  	v3 =	vand.u32 $0x7, v3;
	v4 =	vand.u32 $0xFFFFFFC0, v51  }
0x249: {  	v3 =	vor.u32 v3, v4  }
0x24a: {  	v4 =	vperm.xlane v3, v0;
	_ =	sdelay $0x1  }
0x24b: {  	v4 =	vadd.s32 v1, v4;
	_ =	sdelay $0x3  }
0x24c: {  	s20 =	simm.s32 $0xC880  }
0x24d: {  	[hbm4b:s4+s2] =	stream.indirect_vreg.scatter [tilespmem:s20], [sflag:$0x1], $0x80, v4, vm0, $0xb8;
	[tilespmem:$0x10880] =	vst v63  }
0x24e: {  	s25 =	simm.s32 $0xD080;
	v3 =	vperm.xlane v3, v2  }
0x24f: {  	[hbm4b:s5+s2] =	stream.indirect_vreg.scatter [tilespmem:s25], [sflag:$0x1], $0x80, v4, vm0, $0xb8;
	[tilespmem:$0x10880] =	vst v63  }
0x250: {  	s0 =	simm.s32 $0xD880;
	v3 =	vadd.s32 v1, v3  }
0x251: {  	[hbm4b:s6+s2] =	stream.indirect_vreg.scatter [tilespmem:s0], [sflag:$0x1], $0x80, v4, vm0, $0xb8;
	[tilespmem:$0x10880] =	vst v63  }
0x252: {  	s16 =	simm.s32 $0xE080  }
0x253: {  	[hbm4b:s7+s2] =	stream.indirect_vreg.scatter [tilespmem:s16], [sflag:$0x1], $0x80, v4, vm0, $0xb8;
	[tilespmem:$0x10880] =	vst v63  }
0x254: {  	s17 =	simm.s32 $0xE880  }
0x255: {  	[hbm4b:s4+s2] =	stream.indirect_vreg.scatter [tilespmem:s17], [sflag:$0x1], $0x80, v3, vm0, $0xb8;
	[tilespmem:$0x10880] =	vst v63  }
0x256: {  	s10 =	simm.s32 $0xF080  }
0x257: {  	[hbm4b:s5+s2] =	stream.indirect_vreg.scatter [tilespmem:s10], [sflag:$0x1], $0x80, v3, vm0, $0xb8;
	[tilespmem:$0x10880] =	vst v63  }
0x258: {  	s15 =	simm.s32 $0xF880  }
0x259: {  	[hbm4b:s6+s2] =	stream.indirect_vreg.scatter [tilespmem:s15], [sflag:$0x1], $0x80, v3, vm0, $0xb8;
	[tilespmem:$0x10880] =	vst v63  }
0x25a: {  	s19 =	simm.s32 $0x10080  }
0x25b: {  	[hbm4b:s7+s2] =	stream.indirect_vreg.scatter [tilespmem:s19], [sflag:$0x1], $0x80, v3, vm0, $0xb8;
	[tilespmem:$0x10880] =	vst v63  }
0x25c: {  	_ =	swait.ge [sflag:s9], $0x10000  }
0x25d: {  	[sflag:s9] =	ssyncset.done $0x0  }
0x25e: {  	s21 =	rddreg [dreg:$0xc];
	[sflag:s9] =	ssyncadd.s32 $0xFFFF0000  }
0x25f: {  	[tilespmem:s1], [sflag:$0x1] =	stream.linear.gather [hbm4b:s21+s2], $0x10000, $0x38;
	[tilespmem:$0x10880] =	vst v63  }
0x260: {  	_ =	swait.ge [sflag:s9], $0x10000  }
0x261: {  	[sflag:s9] =	ssyncset.done $0x0  }
0x262: {  	[sflag:s9] =	ssyncadd.s32 $0xFFFF0000  }
0x263: {  	v3 =	vld [tilespmem:$0x700];
	_ =	sdelay $0x4  }
0x264: {  	v52 =	vshll.u32 v3, $0x3  }
0x265: {  	v3 =	vand.u32 $0x7, v3;
	v4 =	vand.u32 $0xFFFFFFC0, v52  }
0x266: {  	v3 =	vor.u32 v3, v4  }
0x267: {  	v4 =	vperm.xlane v3, v0;
	_ =	sdelay $0x1  }
0x268: {  	v4 =	vadd.s32 v1, v4;
	_ =	sdelay $0x4  }
0x269: {  	[hbm4b:s4+s2] =	stream.indirect_vreg.scatter [tilespmem:s1], [sflag:$0x1], $0x80, v4, vm0, $0xb8;
	[tilespmem:$0x10880] =	vst v63  }
0x26a: {  	s21 =	simm.s32 $0x1080;
	v3 =	vperm.xlane v3, v2  }
0x26b: {  	[hbm4b:s5+s2] =	stream.indirect_vreg.scatter [tilespmem:s21], [sflag:$0x1], $0x80, v4, vm0, $0xb8;
	[tilespmem:$0x10880] =	vst v63  }
0x26c: {  	v3 =	vadd.s32 v1, v3;
	s21 =	simm.s32 $0x1880  }
0x26d: {  	[hbm4b:s6+s2] =	stream.indirect_vreg.scatter [tilespmem:s21], [sflag:$0x1], $0x80, v4, vm0, $0xb8;
	[tilespmem:$0x10880] =	vst v63  }
0x26e: {  	s21 =	simm.s32 $0x2080  }
0x26f: {  	[hbm4b:s7+s2] =	stream.indirect_vreg.scatter [tilespmem:s21], [sflag:$0x1], $0x80, v4, vm0, $0xb8;
	[tilespmem:$0x10880] =	vst v63  }
0x270: {  	s21 =	simm.s32 $0x2880  }
0x271: {  	[hbm4b:s4+s2] =	stream.indirect_vreg.scatter [tilespmem:s21], [sflag:$0x1], $0x80, v3, vm0, $0xb8;
	[tilespmem:$0x10880] =	vst v63  }
0x272: {  	s21 =	simm.s32 $0x3080  }
0x273: {  	[hbm4b:s5+s2] =	stream.indirect_vreg.scatter [tilespmem:s21], [sflag:$0x1], $0x80, v3, vm0, $0xb8;
	[tilespmem:$0x10880] =	vst v63  }
0x274: {  	s28 =	simm.s32 $0x3880  }
0x275: {  	[hbm4b:s6+s2] =	stream.indirect_vreg.scatter [tilespmem:s28], [sflag:$0x1], $0x80, v3, vm0, $0xb8;
	[tilespmem:$0x10880] =	vst v63  }
0x276: {  	s21 =	simm.s32 $0x4080  }
0x277: {  	[hbm4b:s7+s2] =	stream.indirect_vreg.scatter [tilespmem:s21], [sflag:$0x1], $0x80, v3, vm0, $0xb8;
	[tilespmem:$0x10880] =	vst v63  }
0x278: {  	v3 =	vld [tilespmem:$0x710];
	_ =	sdelay $0x4  }
0x279: {  	v53 =	vshll.u32 v3, $0x3  }
0x27a: {  	v3 =	vand.u32 $0x7, v3;
	v4 =	vand.u32 $0xFFFFFFC0, v53  }
0x27b: {  	v3 =	vor.u32 v3, v4  }
0x27c: {  	v4 =	vperm.xlane v3, v0;
	_ =	sdelay $0x1  }
0x27d: {  	v4 =	vadd.s32 v1, v4;
	_ =	sdelay $0x3  }
0x27e: {  	s29 =	simm.s32 $0x4880  }
0x27f: {  	[hbm4b:s4+s2] =	stream.indirect_vreg.scatter [tilespmem:s29], [sflag:$0x1], $0x80, v4, vm0, $0xb8;
	[tilespmem:$0x10880] =	vst v63  }
0x280: {  	s22 =	simm.s32 $0x5080;
	v3 =	vperm.xlane v3, v2  }
0x281: {  	[hbm4b:s5+s2] =	stream.indirect_vreg.scatter [tilespmem:s22], [sflag:$0x1], $0x80, v4, vm0, $0xb8;
	[tilespmem:$0x10880] =	vst v63  }
0x282: {  	s26 =	simm.s32 $0x5880;
	v3 =	vadd.s32 v1, v3  }
0x283: {  	[hbm4b:s6+s2] =	stream.indirect_vreg.scatter [tilespmem:s26], [sflag:$0x1], $0x80, v4, vm0, $0xb8;
	[tilespmem:$0x10880] =	vst v63  }
0x284: {  	s3 =	simm.s32 $0x6080  }
0x285: {  	[hbm4b:s7+s2] =	stream.indirect_vreg.scatter [tilespmem:s3], [sflag:$0x1], $0x80, v4, vm0, $0xb8;
	[tilespmem:$0x10880] =	vst v63  }
0x286: {  	s30 =	simm.s32 $0x6880  }
0x287: {  	[hbm4b:s4+s2] =	stream.indirect_vreg.scatter [tilespmem:s30], [sflag:$0x1], $0x80, v3, vm0, $0xb8;
	[tilespmem:$0x10880] =	vst v63  }
0x288: {  	s8 =	simm.s32 $0x7080  }
0x289: {  	[hbm4b:s5+s2] =	stream.indirect_vreg.scatter [tilespmem:s8], [sflag:$0x1], $0x80, v3, vm0, $0xb8;
	[tilespmem:$0x10880] =	vst v63  }
0x28a: {  	s11 =	simm.s32 $0x7880  }
0x28b: {  	[hbm4b:s6+s2] =	stream.indirect_vreg.scatter [tilespmem:s11], [sflag:$0x1], $0x80, v3, vm0, $0xb8;
	[tilespmem:$0x10880] =	vst v63  }
0x28c: {  	s13 =	simm.s32 $0x8080  }
0x28d: {  	[hbm4b:s7+s2] =	stream.indirect_vreg.scatter [tilespmem:s13], [sflag:$0x1], $0x80, v3, vm0, $0xb8;
	[tilespmem:$0x10880] =	vst v63  }
0x28e: {  	v3 =	vld [tilespmem:$0x720];
	_ =	sdelay $0x4  }
0x28f: {  	v54 =	vshll.u32 v3, $0x3  }
0x290: {  	v3 =	vand.u32 $0x7, v3;
	v4 =	vand.u32 $0xFFFFFFC0, v54  }
0x291: {  	v3 =	vor.u32 v3, v4  }
0x292: {  	v4 =	vperm.xlane v3, v0;
	_ =	sdelay $0x1  }
0x293: {  	v4 =	vadd.s32 v1, v4;
	_ =	sdelay $0x3  }
0x294: {  	s12 =	simm.s32 $0x8880  }
0x295: {  	[hbm4b:s4+s2] =	stream.indirect_vreg.scatter [tilespmem:s12], [sflag:$0x1], $0x80, v4, vm0, $0xb8;
	[tilespmem:$0x10880] =	vst v63  }
0x296: {  	s14 =	simm.s32 $0x9080;
	v3 =	vperm.xlane v3, v2  }
0x297: {  	[hbm4b:s5+s2] =	stream.indirect_vreg.scatter [tilespmem:s14], [sflag:$0x1], $0x80, v4, vm0, $0xb8;
	[tilespmem:$0x10880] =	vst v63  }
0x298: {  	s21 =	simm.s32 $0x9880;
	v3 =	vadd.s32 v1, v3  }
0x299: {  	[hbm4b:s6+s2] =	stream.indirect_vreg.scatter [tilespmem:s21], [sflag:$0x1], $0x80, v4, vm0, $0xb8;
	[tilespmem:$0x10880] =	vst v63  }
0x29a: {  	s31 =	simm.s32 $0xA080  }
0x29b: {  	[hbm4b:s7+s2] =	stream.indirect_vreg.scatter [tilespmem:s31], [sflag:$0x1], $0x80, v4, vm0, $0xb8;
	[tilespmem:$0x10880] =	vst v63  }
0x29c: {  	s23 =	simm.s32 $0xA880  }
0x29d: {  	[hbm4b:s4+s2] =	stream.indirect_vreg.scatter [tilespmem:s23], [sflag:$0x1], $0x80, v3, vm0, $0xb8;
	[tilespmem:$0x10880] =	vst v63  }
0x29e: {  	s24 =	simm.s32 $0xB080  }
0x29f: {  	[hbm4b:s5+s2] =	stream.indirect_vreg.scatter [tilespmem:s24], [sflag:$0x1], $0x80, v3, vm0, $0xb8;
	[tilespmem:$0x10880] =	vst v63  }
0x2a0: {  	s24 =	simm.s32 $0xB880  }
0x2a1: {  	[hbm4b:s6+s2] =	stream.indirect_vreg.scatter [tilespmem:s24], [sflag:$0x1], $0x80, v3, vm0, $0xb8;
	[tilespmem:$0x10880] =	vst v63  }
0x2a2: {  	s18 =	simm.s32 $0xC080  }
0x2a3: {  	[hbm4b:s7+s2] =	stream.indirect_vreg.scatter [tilespmem:s18], [sflag:$0x1], $0x80, v3, vm0, $0xb8;
	[tilespmem:$0x10880] =	vst v63  }
0x2a4: {  	v3 =	vld [tilespmem:$0x730];
	_ =	sdelay $0x4  }
0x2a5: {  	v55 =	vshll.u32 v3, $0x3  }
0x2a6: {  	v3 =	vand.u32 $0x7, v3;
	v4 =	vand.u32 $0xFFFFFFC0, v55  }
0x2a7: {  	v3 =	vor.u32 v3, v4  }
0x2a8: {  	v4 =	vperm.xlane v3, v0;
	_ =	sdelay $0x1  }
0x2a9: {  	v4 =	vadd.s32 v1, v4;
	_ =	sdelay $0x3  }
0x2aa: {  	s20 =	simm.s32 $0xC880  }
0x2ab: {  	[hbm4b:s4+s2] =	stream.indirect_vreg.scatter [tilespmem:s20], [sflag:$0x1], $0x80, v4, vm0, $0xb8;
	[tilespmem:$0x10880] =	vst v63  }
0x2ac: {  	s25 =	simm.s32 $0xD080;
	v3 =	vperm.xlane v3, v2  }
0x2ad: {  	[hbm4b:s5+s2] =	stream.indirect_vreg.scatter [tilespmem:s25], [sflag:$0x1], $0x80, v4, vm0, $0xb8;
	[tilespmem:$0x10880] =	vst v63  }
0x2ae: {  	s0 =	simm.s32 $0xD880;
	v3 =	vadd.s32 v1, v3  }
0x2af: {  	[hbm4b:s6+s2] =	stream.indirect_vreg.scatter [tilespmem:s0], [sflag:$0x1], $0x80, v4, vm0, $0xb8;
	[tilespmem:$0x10880] =	vst v63  }
0x2b0: {  	s16 =	simm.s32 $0xE080  }
0x2b1: {  	[hbm4b:s7+s2] =	stream.indirect_vreg.scatter [tilespmem:s16], [sflag:$0x1], $0x80, v4, vm0, $0xb8;
	[tilespmem:$0x10880] =	vst v63  }
0x2b2: {  	s17 =	simm.s32 $0xE880  }
0x2b3: {  	[hbm4b:s4+s2] =	stream.indirect_vreg.scatter [tilespmem:s17], [sflag:$0x1], $0x80, v3, vm0, $0xb8;
	[tilespmem:$0x10880] =	vst v63  }
0x2b4: {  	s10 =	simm.s32 $0xF080  }
0x2b5: {  	[hbm4b:s5+s2] =	stream.indirect_vreg.scatter [tilespmem:s10], [sflag:$0x1], $0x80, v3, vm0, $0xb8;
	[tilespmem:$0x10880] =	vst v63  }
0x2b6: {  	s15 =	simm.s32 $0xF880  }
0x2b7: {  	[hbm4b:s6+s2] =	stream.indirect_vreg.scatter [tilespmem:s15], [sflag:$0x1], $0x80, v3, vm0, $0xb8;
	[tilespmem:$0x10880] =	vst v63  }
0x2b8: {  	s19 =	simm.s32 $0x10080  }
0x2b9: {  	[hbm4b:s7+s2] =	stream.indirect_vreg.scatter [tilespmem:s19], [sflag:$0x1], $0x80, v3, vm0, $0xb8;
	[tilespmem:$0x10880] =	vst v63  }
0x2ba: {  	_ =	swait.ge [sflag:s9], $0x10000  }
0x2bb: {  	[sflag:s9] =	ssyncset.done $0x0  }
0x2bc: {  	s15 =	rddreg [dreg:$0xd];
	[sflag:s9] =	ssyncadd.s32 $0xFFFF0000  }
0x2bd: {  	[tilespmem:s1], [sflag:$0x1] =	stream.linear.gather [hbm4b:s15+s2], $0x10000, $0x38;
	[tilespmem:$0x10880] =	vst v63  }
0x2be: {  	_ =	swait.ge [sflag:s9], $0x10000  }
0x2bf: {  	[sflag:s9] =	ssyncset.done $0x0  }
0x2c0: {  	[sflag:s9] =	ssyncadd.s32 $0xFFFF0000  }
0x2c1: {  	v3 =	vld [tilespmem:$0x780];
	_ =	sdelay $0x4  }
0x2c2: {  	v56 =	vshll.u32 v3, $0x3  }
0x2c3: {  	v3 =	vand.u32 $0x7, v3;
	v4 =	vand.u32 $0xFFFFFFC0, v56  }
0x2c4: {  	v3 =	vor.u32 v3, v4  }
0x2c5: {  	v4 =	vperm.xlane v3, v0;
	_ =	sdelay $0x1  }
0x2c6: {  	v4 =	vadd.s32 v1, v4;
	_ =	sdelay $0x4  }
0x2c7: {  	[hbm4b:s4+s2] =	stream.indirect_vreg.scatter [tilespmem:s1], [sflag:$0x1], $0x80, v4, vm0, $0xb8;
	[tilespmem:$0x10880] =	vst v63  }
0x2c8: {  	s17 =	simm.s32 $0x1080;
	v3 =	vperm.xlane v3, v2  }
0x2c9: {  	[hbm4b:s5+s2] =	stream.indirect_vreg.scatter [tilespmem:s17], [sflag:$0x1], $0x80, v4, vm0, $0xb8;
	[tilespmem:$0x10880] =	vst v63  }
0x2ca: {  	s19 =	simm.s32 $0x1880;
	v3 =	vadd.s32 v1, v3  }
0x2cb: {  	[hbm4b:s6+s2] =	stream.indirect_vreg.scatter [tilespmem:s19], [sflag:$0x1], $0x80, v4, vm0, $0xb8;
	[tilespmem:$0x10880] =	vst v63  }
0x2cc: {  	s21 =	simm.s32 $0x2080  }
0x2cd: {  	[hbm4b:s7+s2] =	stream.indirect_vreg.scatter [tilespmem:s21], [sflag:$0x1], $0x80, v4, vm0, $0xb8;
	[tilespmem:$0x10880] =	vst v63  }
0x2ce: {  	s24 =	simm.s32 $0x2880  }
0x2cf: {  	[hbm4b:s4+s2] =	stream.indirect_vreg.scatter [tilespmem:s24], [sflag:$0x1], $0x80, v3, vm0, $0xb8;
	[tilespmem:$0x10880] =	vst v63  }
0x2d0: {  	s25 =	simm.s32 $0x3080  }
0x2d1: {  	[hbm4b:s5+s2] =	stream.indirect_vreg.scatter [tilespmem:s25], [sflag:$0x1], $0x80, v3, vm0, $0xb8;
	[tilespmem:$0x10880] =	vst v63  }
0x2d2: {  	s28 =	simm.s32 $0x3880  }
0x2d3: {  	[hbm4b:s6+s2] =	stream.indirect_vreg.scatter [tilespmem:s28], [sflag:$0x1], $0x80, v3, vm0, $0xb8;
	[tilespmem:$0x10880] =	vst v63  }
0x2d4: {  	s28 =	simm.s32 $0x4080  }
0x2d5: {  	[hbm4b:s7+s2] =	stream.indirect_vreg.scatter [tilespmem:s28], [sflag:$0x1], $0x80, v3, vm0, $0xb8;
	[tilespmem:$0x10880] =	vst v63  }
0x2d6: {  	v3 =	vld [tilespmem:$0x790];
	_ =	sdelay $0x4  }
0x2d7: {  	v57 =	vshll.u32 v3, $0x3  }
0x2d8: {  	v3 =	vand.u32 $0x7, v3;
	v4 =	vand.u32 $0xFFFFFFC0, v57  }
0x2d9: {  	v3 =	vor.u32 v3, v4  }
0x2da: {  	v4 =	vperm.xlane v3, v0;
	_ =	sdelay $0x1  }
0x2db: {  	v4 =	vadd.s32 v1, v4;
	_ =	sdelay $0x3  }
0x2dc: {  	s29 =	simm.s32 $0x4880  }
0x2dd: {  	[hbm4b:s4+s2] =	stream.indirect_vreg.scatter [tilespmem:s29], [sflag:$0x1], $0x80, v4, vm0, $0xb8;
	[tilespmem:$0x10880] =	vst v63  }
0x2de: {  	s22 =	simm.s32 $0x5080;
	v3 =	vperm.xlane v3, v2  }
0x2df: {  	[hbm4b:s5+s2] =	stream.indirect_vreg.scatter [tilespmem:s22], [sflag:$0x1], $0x80, v4, vm0, $0xb8;
	[tilespmem:$0x10880] =	vst v63  }
0x2e0: {  	s26 =	simm.s32 $0x5880;
	v3 =	vadd.s32 v1, v3  }
0x2e1: {  	[hbm4b:s6+s2] =	stream.indirect_vreg.scatter [tilespmem:s26], [sflag:$0x1], $0x80, v4, vm0, $0xb8;
	[tilespmem:$0x10880] =	vst v63  }
0x2e2: {  	s3 =	simm.s32 $0x6080  }
0x2e3: {  	[hbm4b:s7+s2] =	stream.indirect_vreg.scatter [tilespmem:s3], [sflag:$0x1], $0x80, v4, vm0, $0xb8;
	[tilespmem:$0x10880] =	vst v63  }
0x2e4: {  	s30 =	simm.s32 $0x6880  }
0x2e5: {  	[hbm4b:s4+s2] =	stream.indirect_vreg.scatter [tilespmem:s30], [sflag:$0x1], $0x80, v3, vm0, $0xb8;
	[tilespmem:$0x10880] =	vst v63  }
0x2e6: {  	s8 =	simm.s32 $0x7080  }
0x2e7: {  	[hbm4b:s5+s2] =	stream.indirect_vreg.scatter [tilespmem:s8], [sflag:$0x1], $0x80, v3, vm0, $0xb8;
	[tilespmem:$0x10880] =	vst v63  }
0x2e8: {  	s11 =	simm.s32 $0x7880  }
0x2e9: {  	[hbm4b:s6+s2] =	stream.indirect_vreg.scatter [tilespmem:s11], [sflag:$0x1], $0x80, v3, vm0, $0xb8;
	[tilespmem:$0x10880] =	vst v63  }
0x2ea: {  	s13 =	simm.s32 $0x8080  }
0x2eb: {  	[hbm4b:s7+s2] =	stream.indirect_vreg.scatter [tilespmem:s13], [sflag:$0x1], $0x80, v3, vm0, $0xb8;
	[tilespmem:$0x10880] =	vst v63  }
0x2ec: {  	v3 =	vld [tilespmem:$0x7A0];
	_ =	sdelay $0x4  }
0x2ed: {  	v58 =	vshll.u32 v3, $0x3  }
0x2ee: {  	v3 =	vand.u32 $0x7, v3;
	v4 =	vand.u32 $0xFFFFFFC0, v58  }
0x2ef: {  	v3 =	vor.u32 v3, v4  }
0x2f0: {  	v4 =	vperm.xlane v3, v0;
	_ =	sdelay $0x1  }
0x2f1: {  	v4 =	vadd.s32 v1, v4;
	_ =	sdelay $0x3  }
0x2f2: {  	s12 =	simm.s32 $0x8880  }
0x2f3: {  	[hbm4b:s4+s2] =	stream.indirect_vreg.scatter [tilespmem:s12], [sflag:$0x1], $0x80, v4, vm0, $0xb8;
	[tilespmem:$0x10880] =	vst v63  }
0x2f4: {  	s14 =	simm.s32 $0x9080;
	v3 =	vperm.xlane v3, v2  }
0x2f5: {  	[hbm4b:s5+s2] =	stream.indirect_vreg.scatter [tilespmem:s14], [sflag:$0x1], $0x80, v4, vm0, $0xb8;
	[tilespmem:$0x10880] =	vst v63  }
0x2f6: {  	s30 =	simm.s32 $0x9880;
	v3 =	vadd.s32 v1, v3  }
0x2f7: {  	[hbm4b:s6+s2] =	stream.indirect_vreg.scatter [tilespmem:s30], [sflag:$0x1], $0x80, v4, vm0, $0xb8;
	[tilespmem:$0x10880] =	vst v63  }
0x2f8: {  	s31 =	simm.s32 $0xA080  }
0x2f9: {  	[hbm4b:s7+s2] =	stream.indirect_vreg.scatter [tilespmem:s31], [sflag:$0x1], $0x80, v4, vm0, $0xb8;
	[tilespmem:$0x10880] =	vst v63  }
0x2fa: {  	s31 =	simm.s32 $0xA880  }
0x2fb: {  	[hbm4b:s4+s2] =	stream.indirect_vreg.scatter [tilespmem:s31], [sflag:$0x1], $0x80, v3, vm0, $0xb8;
	[tilespmem:$0x10880] =	vst v63  }
0x2fc: {  	s14 =	simm.s32 $0xB080  }
0x2fd: {  	[hbm4b:s5+s2] =	stream.indirect_vreg.scatter [tilespmem:s14], [sflag:$0x1], $0x80, v3, vm0, $0xb8;
	[tilespmem:$0x10880] =	vst v63  }
0x2fe: {  	s21 =	simm.s32 $0xB880  }
0x2ff: {  	[hbm4b:s6+s2] =	stream.indirect_vreg.scatter [tilespmem:s21], [sflag:$0x1], $0x80, v3, vm0, $0xb8;
	[tilespmem:$0x10880] =	vst v63  }
0x300: {  	s23 =	simm.s32 $0xC080  }
0x301: {  	[hbm4b:s7+s2] =	stream.indirect_vreg.scatter [tilespmem:s23], [sflag:$0x1], $0x80, v3, vm0, $0xb8;
	[tilespmem:$0x10880] =	vst v63  }
0x302: {  	v3 =	vld [tilespmem:$0x7B0];
	_ =	sdelay $0x4  }
0x303: {  	v59 =	vshll.u32 v3, $0x3  }
0x304: {  	v3 =	vand.u32 $0x7, v3;
	v4 =	vand.u32 $0xFFFFFFC0, v59  }
0x305: {  	v3 =	vor.u32 v3, v4  }
0x306: {  	v4 =	vperm.xlane v3, v0;
	_ =	sdelay $0x1  }
0x307: {  	v4 =	vadd.s32 v1, v4;
	_ =	sdelay $0x3  }
0x308: {  	s23 =	simm.s32 $0xC880  }
0x309: {  	[hbm4b:s4+s2] =	stream.indirect_vreg.scatter [tilespmem:s23], [sflag:$0x1], $0x80, v4, vm0, $0xb8;
	[tilespmem:$0x10880] =	vst v63  }
0x30a: {  	s14 =	simm.s32 $0xD080;
	v3 =	vperm.xlane v3, v2  }
0x30b: {  	[hbm4b:s5+s2] =	stream.indirect_vreg.scatter [tilespmem:s14], [sflag:$0x1], $0x80, v4, vm0, $0xb8;
	[tilespmem:$0x10880] =	vst v63  }
0x30c: {  	s0 =	simm.s32 $0xD880;
	v3 =	vadd.s32 v1, v3  }
0x30d: {  	[hbm4b:s6+s2] =	stream.indirect_vreg.scatter [tilespmem:s0], [sflag:$0x1], $0x80, v4, vm0, $0xb8;
	[tilespmem:$0x10880] =	vst v63  }
0x30e: {  	s16 =	simm.s32 $0xE080  }
0x30f: {  	[hbm4b:s7+s2] =	stream.indirect_vreg.scatter [tilespmem:s16], [sflag:$0x1], $0x80, v4, vm0, $0xb8;
	[tilespmem:$0x10880] =	vst v63  }
0x310: {  	s20 =	simm.s32 $0xE880  }
0x311: {  	[hbm4b:s4+s2] =	stream.indirect_vreg.scatter [tilespmem:s20], [sflag:$0x1], $0x80, v3, vm0, $0xb8;
	[tilespmem:$0x10880] =	vst v63  }
0x312: {  	s10 =	simm.s32 $0xF080  }
0x313: {  	[hbm4b:s5+s2] =	stream.indirect_vreg.scatter [tilespmem:s10], [sflag:$0x1], $0x80, v3, vm0, $0xb8;
	[tilespmem:$0x10880] =	vst v63  }
0x314: {  	s18 =	simm.s32 $0xF880  }
0x315: {  	[hbm4b:s6+s2] =	stream.indirect_vreg.scatter [tilespmem:s18], [sflag:$0x1], $0x80, v3, vm0, $0xb8;
	[tilespmem:$0x10880] =	vst v63  }
0x316: {  	s21 =	simm.s32 $0x10080  }
0x317: {  	[hbm4b:s7+s2] =	stream.indirect_vreg.scatter [tilespmem:s21], [sflag:$0x1], $0x80, v3, vm0, $0xb8;
	[tilespmem:$0x10880] =	vst v63  }
0x318: {  	_ =	swait.ge [sflag:s9], $0x10000  }
0x319: {  	[sflag:s9] =	ssyncset.done $0x0  }
0x31a: {  	s20 =	rddreg [dreg:$0xe];
	[sflag:s9] =	ssyncadd.s32 $0xFFFF0000  }
0x31b: {  	[tilespmem:s1], [sflag:$0x1] =	stream.linear.gather [hbm4b:s20+s2], $0x10000, $0x38;
	[tilespmem:$0x10880] =	vst v63  }
0x31c: {  	_ =	swait.ge [sflag:s9], $0x10000  }
0x31d: {  	[sflag:s9] =	ssyncset.done $0x0  }
0x31e: {  	[sflag:s9] =	ssyncadd.s32 $0xFFFF0000  }
0x31f: {  	v3 =	vld [tilespmem:$0x800];
	_ =	sdelay $0x4  }
0x320: {  	v60 =	vshll.u32 v3, $0x3  }
0x321: {  	v3 =	vand.u32 $0x7, v3;
	v4 =	vand.u32 $0xFFFFFFC0, v60  }
0x322: {  	v3 =	vor.u32 v3, v4  }
0x323: {  	v4 =	vperm.xlane v3, v0;
	_ =	sdelay $0x1  }
0x324: {  	v4 =	vadd.s32 v1, v4;
	_ =	sdelay $0x4  }
0x325: {  	[hbm4b:s4+s2] =	stream.indirect_vreg.scatter [tilespmem:s1], [sflag:$0x1], $0x80, v4, vm0, $0xb8;
	[tilespmem:$0x10880] =	vst v63  }
0x326: {  	s20 =	simm.s32 $0x1080;
	v3 =	vperm.xlane v3, v2  }
0x327: {  	[hbm4b:s5+s2] =	stream.indirect_vreg.scatter [tilespmem:s20], [sflag:$0x1], $0x80, v4, vm0, $0xb8;
	[tilespmem:$0x10880] =	vst v63  }
0x328: {  	s21 =	simm.s32 $0x1880;
	v3 =	vadd.s32 v1, v3  }
0x329: {  	[hbm4b:s6+s2] =	stream.indirect_vreg.scatter [tilespmem:s21], [sflag:$0x1], $0x80, v4, vm0, $0xb8;
	[tilespmem:$0x10880] =	vst v63  }
0x32a: {  	s20 =	simm.s32 $0x2080  }
0x32b: {  	[hbm4b:s7+s2] =	stream.indirect_vreg.scatter [tilespmem:s20], [sflag:$0x1], $0x80, v4, vm0, $0xb8;
	[tilespmem:$0x10880] =	vst v63  }
0x32c: {  	s21 =	simm.s32 $0x2880  }
0x32d: {  	[hbm4b:s4+s2] =	stream.indirect_vreg.scatter [tilespmem:s21], [sflag:$0x1], $0x80, v3, vm0, $0xb8;
	[tilespmem:$0x10880] =	vst v63  }
0x32e: {  	s15 =	simm.s32 $0x3080  }
0x32f: {  	[hbm4b:s5+s2] =	stream.indirect_vreg.scatter [tilespmem:s15], [sflag:$0x1], $0x80, v3, vm0, $0xb8;
	[tilespmem:$0x10880] =	vst v63  }
0x330: {  	s25 =	simm.s32 $0x3880  }
0x331: {  	[hbm4b:s6+s2] =	stream.indirect_vreg.scatter [tilespmem:s25], [sflag:$0x1], $0x80, v3, vm0, $0xb8;
	[tilespmem:$0x10880] =	vst v63  }
0x332: {  	s25 =	simm.s32 $0x4080  }
0x333: {  	[hbm4b:s7+s2] =	stream.indirect_vreg.scatter [tilespmem:s25], [sflag:$0x1], $0x80, v3, vm0, $0xb8;
	[tilespmem:$0x10880] =	vst v63  }
0x334: {  	v3 =	vld [tilespmem:$0x810];
	_ =	sdelay $0x4  }
0x335: {  	v61 =	vshll.u32 v3, $0x3  }
0x336: {  	v3 =	vand.u32 $0x7, v3;
	v4 =	vand.u32 $0xFFFFFFC0, v61  }
0x337: {  	v3 =	vor.u32 v3, v4  }
0x338: {  	v4 =	vperm.xlane v3, v0;
	_ =	sdelay $0x1  }
0x339: {  	v4 =	vadd.s32 v1, v4;
	_ =	sdelay $0x3  }
0x33a: {  	s28 =	simm.s32 $0x4880  }
0x33b: {  	[hbm4b:s4+s2] =	stream.indirect_vreg.scatter [tilespmem:s28], [sflag:$0x1], $0x80, v4, vm0, $0xb8;
	[tilespmem:$0x10880] =	vst v63  }
0x33c: {  	s17 =	simm.s32 $0x5080;
	v3 =	vperm.xlane v3, v2  }
0x33d: {  	[hbm4b:s5+s2] =	stream.indirect_vreg.scatter [tilespmem:s17], [sflag:$0x1], $0x80, v4, vm0, $0xb8;
	[tilespmem:$0x10880] =	vst v63  }
0x33e: {  	s19 =	simm.s32 $0x5880;
	v3 =	vadd.s32 v1, v3  }
0x33f: {  	[hbm4b:s6+s2] =	stream.indirect_vreg.scatter [tilespmem:s19], [sflag:$0x1], $0x80, v4, vm0, $0xb8;
	[tilespmem:$0x10880] =	vst v63  }
0x340: {  	s22 =	simm.s32 $0x6080  }
0x341: {  	[hbm4b:s7+s2] =	stream.indirect_vreg.scatter [tilespmem:s22], [sflag:$0x1], $0x80, v4, vm0, $0xb8;
	[tilespmem:$0x10880] =	vst v63  }
0x342: {  	s29 =	simm.s32 $0x6880  }
0x343: {  	[hbm4b:s4+s2] =	stream.indirect_vreg.scatter [tilespmem:s29], [sflag:$0x1], $0x80, v3, vm0, $0xb8;
	[tilespmem:$0x10880] =	vst v63  }
0x344: {  	s3 =	simm.s32 $0x7080  }
0x345: {  	[hbm4b:s5+s2] =	stream.indirect_vreg.scatter [tilespmem:s3], [sflag:$0x1], $0x80, v3, vm0, $0xb8;
	[tilespmem:$0x10880] =	vst v63  }
0x346: {  	s26 =	simm.s32 $0x7880  }
0x347: {  	[hbm4b:s6+s2] =	stream.indirect_vreg.scatter [tilespmem:s26], [sflag:$0x1], $0x80, v3, vm0, $0xb8;
	[tilespmem:$0x10880] =	vst v63  }
0x348: {  	s11 =	simm.s32 $0x8080  }
0x349: {  	[hbm4b:s7+s2] =	stream.indirect_vreg.scatter [tilespmem:s11], [sflag:$0x1], $0x80, v3, vm0, $0xb8;
	[tilespmem:$0x10880] =	vst v63  }
0x34a: {  	v3 =	vld [tilespmem:$0x820];
	_ =	sdelay $0x4  }
0x34b: {  	v62 =	vshll.u32 v3, $0x3  }
0x34c: {  	v3 =	vand.u32 $0x7, v3;
	v4 =	vand.u32 $0xFFFFFFC0, v62  }
0x34d: {  	v3 =	vor.u32 v3, v4  }
0x34e: {  	v4 =	vperm.xlane v3, v0;
	_ =	sdelay $0x1  }
0x34f: {  	v4 =	vadd.s32 v1, v4;
	_ =	sdelay $0x3  }
0x350: {  	s13 =	simm.s32 $0x8880  }
0x351: {  	[hbm4b:s4+s2] =	stream.indirect_vreg.scatter [tilespmem:s13], [sflag:$0x1], $0x80, v4, vm0, $0xb8;
	[tilespmem:$0x10880] =	vst v63  }
0x352: {  	s12 =	simm.s32 $0x9080;
	v3 =	vperm.xlane v3, v2  }
0x353: {  	[hbm4b:s5+s2] =	stream.indirect_vreg.scatter [tilespmem:s12], [sflag:$0x1], $0x80, v4, vm0, $0xb8;
	[tilespmem:$0x10880] =	vst v63  }
0x354: {  	s26 =	simm.s32 $0x9880;
	v3 =	vadd.s32 v1, v3  }
0x355: {  	[hbm4b:s6+s2] =	stream.indirect_vreg.scatter [tilespmem:s26], [sflag:$0x1], $0x80, v4, vm0, $0xb8;
	[tilespmem:$0x10880] =	vst v63  }
0x356: {  	s24 =	simm.s32 $0xA080  }
0x357: {  	[hbm4b:s7+s2] =	stream.indirect_vreg.scatter [tilespmem:s24], [sflag:$0x1], $0x80, v4, vm0, $0xb8;
	[tilespmem:$0x10880] =	vst v63  }
0x358: {  	s31 =	simm.s32 $0xA880  }
0x359: {  	[hbm4b:s4+s2] =	stream.indirect_vreg.scatter [tilespmem:s31], [sflag:$0x1], $0x80, v3, vm0, $0xb8;
	[tilespmem:$0x10880] =	vst v63  }
0x35a: {  	s28 =	simm.s32 $0xB080  }
0x35b: {  	[hbm4b:s5+s2] =	stream.indirect_vreg.scatter [tilespmem:s28], [sflag:$0x1], $0x80, v3, vm0, $0xb8;
	[tilespmem:$0x10880] =	vst v63  }
0x35c: {  	s29 =	simm.s32 $0xB880  }
0x35d: {  	[hbm4b:s6+s2] =	stream.indirect_vreg.scatter [tilespmem:s29], [sflag:$0x1], $0x80, v3, vm0, $0xb8;
	[tilespmem:$0x10880] =	vst v63  }
0x35e: {  	s30 =	simm.s32 $0xC080  }
0x35f: {  	[hbm4b:s7+s2] =	stream.indirect_vreg.scatter [tilespmem:s30], [sflag:$0x1], $0x80, v3, vm0, $0xb8;
	[tilespmem:$0x10880] =	vst v63  }
0x360: {  	v3 =	vld [tilespmem:$0x830];
	_ =	sdelay $0x4  }
0x361: {  	v63 =	vshll.u32 v3, $0x3  }
0x362: {  	v3 =	vand.u32 $0x7, v3;
	v4 =	vand.u32 $0xFFFFFFC0, v63  }
0x363: {  	v3 =	vor.u32 v3, v4  }
0x364: {  	v4 =	vperm.xlane v3, v0;
	_ =	sdelay $0x1  }
0x365: {  	v4 =	vadd.s32 v1, v4;
	_ =	sdelay $0x3  }
0x366: {  	s23 =	simm.s32 $0xC880  }
0x367: {  	[hbm4b:s4+s2] =	stream.indirect_vreg.scatter [tilespmem:s23], [sflag:$0x1], $0x80, v4, vm0, $0xb8;
	[tilespmem:$0x10880] =	vst v63  }
0x368: {  	s30 =	simm.s32 $0xD080;
	v3 =	vperm.xlane v3, v2  }
0x369: {  	[hbm4b:s5+s2] =	stream.indirect_vreg.scatter [tilespmem:s30], [sflag:$0x1], $0x80, v4, vm0, $0xb8;
	[tilespmem:$0x10880] =	vst v63  }
0x36a: {  	s8 =	simm.s32 $0xD880;
	v3 =	vadd.s32 v1, v3  }
0x36b: {  	[hbm4b:s6+s2] =	stream.indirect_vreg.scatter [tilespmem:s8], [sflag:$0x1], $0x80, v4, vm0, $0xb8;
	[tilespmem:$0x10880] =	vst v63  }
0x36c: {  	s0 =	simm.s32 $0xE080  }
0x36d: {  	[hbm4b:s7+s2] =	stream.indirect_vreg.scatter [tilespmem:s0], [sflag:$0x1], $0x80, v4, vm0, $0xb8;
	[tilespmem:$0x10880] =	vst v63  }
0x36e: {  	s16 =	simm.s32 $0xE880  }
0x36f: {  	[hbm4b:s4+s2] =	stream.indirect_vreg.scatter [tilespmem:s16], [sflag:$0x1], $0x80, v3, vm0, $0xb8;
	[tilespmem:$0x10880] =	vst v63  }
0x370: {  	s14 =	simm.s32 $0xF080;
	s31 =	rddreg [dreg:$0x12]  }
0x371: {  	[hbm4b:s5+s2] =	stream.indirect_vreg.scatter [tilespmem:s14], [sflag:$0x1], $0x80, v3, vm0, $0xb8;
	[tilespmem:$0x10880] =	vst v63  }
0x372: {  	s10 =	simm.s32 $0xF880;
	p0 =	sne.s32 s31, $0x1  }
0x373: {  	[hbm4b:s6+s2] =	stream.indirect_vreg.scatter [tilespmem:s10], [sflag:$0x1], $0x80, v3, vm0, $0xb8;
	[tilespmem:$0x10880] =	vst v63  }
.Ltmp0:
0x374: {  	s18 =	simm.s32 $0x10080;
	(pc) =	sbr.rel @p0 .LBB2_1-.Ltmp0, $4  }
0x375: {  	[hbm4b:s7+s2] =	stream.indirect_vreg.scatter [tilespmem:s18], [sflag:$0x1], $0x80, v3, vm0, $0xb8;
	[tilespmem:$0x10880] =	vst v63  }
0x376: {  	_ =	swait.ge [sflag:s9], $0x10000  }
0x377: {  	[sflag:s9] =	ssyncset.done $0x0  }
0x378: {  	s1 =	sadd.s32 $0xFFFFFFFF, s31;
	[sflag:s9] =	ssyncadd.s32 $0xFFFF0000  }
0x379: {  	_ =	sfence.sel $0x180000  }
0x37a: {  	[bflag:$0x0] =	sbarrier.arrive $0xFFFF  }
0x37b: {  	_ =	strace $0x90000047  }
0x37c: {  	s0 =	stileid.u32;
	[bflag:$0x2] =	sbarrier.arrive $0xFFFF  }
0x37d: {  	p0 =	sne.s32 s0, $0x0;
	s0 =	rddreg [dreg:$0x3]  }
0x37e: {  	s0 =	sadd.s32 @!p0 $0x100000, s0  }
0x37f: {  	[sflag:s0] =	ssyncadd.tile.s32 @!p0 $0x1;
	_ =	shalt  }
.Lfunc_end2:
_tile_overlayer_lowered:
.L_overlay_start_2:
0x380: {  	(tag) =	ssettag $0x2  }
0x381: {  	s0 =	rddreg [dreg:$0x0];
	s2 =	stileid.u32  }
0x382: {  	s1 =	rddreg [dreg:$0x1];
	p0 =	sne.s32 s2, $0x0  }
0x383: {  	s3 =	rddreg [dreg:$0x2];
	[bflag:$0x3] =	sbarrier.arrive $0xFFFF;
	s2 =	simm.s32 @!p0 $0x1C01  }
0x384: {  	[timem:s3], [sflag:s2] =	dma.local @!p0 [hbm:s0], s1  }
0x385: {  	s0 =	simm.s32 @!p0 $0x1  }
0x386: {  	_ =	swait.ge @!p0 [sflag:s0], s1  }
0x387: {  	s1 =	ssub.s32 @!p0 $0x0, s1;
	[sflag:s0] =	ssyncset.done @!p0 $0x0  }
0x388: {  	[sflag:s0] =	ssyncadd.s32 @!p0 s1  }
0x389: {  	[bflag:$0x3] =	sbarrier.arrive $0xFFFF  }
0x38a: {  	_ =	shalt  }

// kernel: kernel.9.cloned.1.call-start
scs
__scs_entry_jumppad:
0x0: {  	(pc) =	sbr.rel $0x88, $3  }
0x1: {  	(tag) =	ssettag $0x0;
	lr =	simm.s32 $0x1  }
0x2: {  	[smem:$0x3F9D] =	sst lr;
	_ =	strace $0xD0000000  }
0x3: {  	_ = 	snop  }
0x4: {  	_ = 	snop  }
0x5: {  	_ = 	snop  }
0x6: {  	_ = 	snop  }
0x7: {  	_ = 	snop  }
__scs_overlays_trampoline_lowered:
0x8: {  	[smem:$0x3FAC] =	sst s0  }
0x9: {  	[smem:$0x3FAD] =	sst s1  }
0xa: {  	[smem:$0x3FAE] =	sst s2  }
0xb: {  	[smem:$0x3FAF] =	sst s3  }
0xc: {  	[smem:$0x3FB0] =	sst s4  }
0xd: {  	[smem:$0x3FB1] =	sst s5  }
0xe: {  	[smem:$0x3FB2] =	sst s6  }
0xf: {  	[smem:$0x3FB3] =	sst s7  }
0x10: {  	[smem:$0x3FB4] =	sst s8  }
0x11: {  	[smem:$0x3FB5] =	sst s9;
	s0 =	simm.s32 @!p0 $0x0  }
0x12: {  	s1 =	sld [smem:$0x3F9B];
	s0 =	simm.s32 @p0 $0x1  }
0x13: {  	[smem:$0x3FB6] =	sst s0;
	s0 =	simm.s32 @!p1 $0x0  }
0x14: {  	s2 =	sld [smem:$0x3F9A];
	s0 =	simm.s32 @p1 $0x1  }
0x15: {  	[smem:$0x3FB7] =	sst s0;
	s0 =	simm.s32 @!p2 $0x0  }
0x16: {  	s3 =	sld [smem:$0x3FDB];
	s0 =	simm.s32 @p2 $0x1  }
0x17: {  	s4 =	simm.s32 $0x1BF5;
	[smem:$0x3FB9] =	sst s0  }
0x18: {  	s0 =	sld [smem:$0x3F9C];
	_ =	swait.ge [sflag:s4], $0x0  }
0x19: {  	s7 =	sld [smem:$0x3F9D]  }
0x1a: {  	s8 =	sadd.s32 $0xFFFFE003, lr  }
0x1b: {  	s9 =	sadd.s32 $0xFFFFFEF7, lr;
	s5 =	simm.s32 $0xFFFFFFFF;
	p2 =	slt.u32 s8, $0xFFFFF086  }
0x1c: {  	p1 =	slt.u32 s9, $0xF7A;
	s5 =	simm.s32 @!p2 $0x0  }
0x1d: {  	s5 =	simm.s32 @p1 $0x1;
	p0 =	seq.s32 s7, s2  }
0x1e: {  	s7 =	smul.u32 @!p0 $0xF7A, s2;
	p2 =	seq.s32 @!p0 s5, $0x0  }
0x1f: {  	s9 =	smul.u32 $0xF7A, s1;
	s8 =	simm.s32 @!p0 $0x1BF5;
	p2 =	por !p2, p0  }
0x20: {  	[sflag:s8] =	ssyncset.s32 @!p0 $0xFFFFF086;
	s6 =	sadd.s32 @!p0 s3, s7;
	s7 =	simm.s32 @!p0 $0x108  }
0x21: {  	s3 =	sadd.s32 s3, s9;
	s6 =	sadd.s32 @!p0 $0x88, s6;
	s7 =	simm.s32 @p2 $0x1082  }
0x22: {  	[simem:s7], [sflag:s8] =	dma.local @!p0 [hbm:s6], $0xF7A  }
0x23: {  	s9 =	sor.u32 $0xD0000000, s2;
	s6 =	simm.s32 $0x108;
	_ =	swait.ge @!p0 [sflag:s8], $0x0  }
0x24: {  	s3 =	sadd.s32 $0x88, s3;
	s6 =	simm.s32 @!p1 $0x1082;
	[sflag:s4] =	ssyncset.s32 $0xFFFFF086  }
0x25: {  	[simem:s6], [sflag:s4] =	dma.local [hbm:s3], $0xF7A  }
0x26: {  	[smem:$0x3F9D] =	sst s1;
	(tag) =	ssettag s2;
	_ =	strace s9  }
0x27: {  	s1 =	sld [smem:$0x3FAD]  }
0x28: {  	s2 =	sld [smem:$0x3FAE]  }
0x29: {  	s4 =	sld [smem:$0x3FB0]  }
0x2a: {  	p0 =	seq.s32 s5, $0x0;
	s5 =	sld [smem:$0x3FB1]  }
0x2b: {  	s6 =	sld [smem:$0x3FB2]  }
0x2c: {  	s7 =	sld [smem:$0x3FB3]  }
0x2d: {  	s3 =	simm.s32 $0x108;
	s8 =	sld [smem:$0x3FB4]  }
0x2e: {  	s3 =	simm.s32 @!p0 $0x1082;
	s9 =	sld [smem:$0x3FB5]  }
0x2f: {  	lr =	sadd.s32 s0, s3;
	s0 =	sld [smem:$0x3FAC]  }
0x30: {  	s3 =	sld [smem:$0x3FAF]  }
0x31: {  	[smem:$0x3FB8] =	sst s10  }
0x32: {  	s10 =	sld [smem:$0x3FB6];
	_ =	sdelay $0x3  }
0x33: {  	p0 =	seq.s32 s10, $0x1;
	s10 =	sld [smem:$0x3FB8];
	_ =	sdelay $0x3  }
0x34: {  	[smem:$0x3FB8] =	sst s10  }
0x35: {  	s10 =	sld [smem:$0x3FB7];
	_ =	sdelay $0x3  }
0x36: {  	p1 =	seq.s32 s10, $0x1;
	s10 =	sld [smem:$0x3FB8];
	_ =	sdelay $0x3  }
0x37: {  	[smem:$0x3FB8] =	sst s10  }
0x38: {  	s10 =	sld [smem:$0x3FB9]  }
0x39: {  	_ = 	snop;
	(pc) =	sbr.ind lr, $3  }
0x3a: {  	_ = 	snop  }
0x3b: {  	_ = 	snop  }
0x3c: {  	p2 =	seq.s32 s10, $0x1;
	s10 =	sld [smem:$0x3FB8]  }
0x3d: {  	_ =	shalt  }
0x3e: {  	_ =	shalt  }
0x3f: {  	_ =	shalt  }
0x40: {  	_ =	shalt  }
0x41: {  	_ =	shalt  }
0x42: {  	_ =	shalt  }
0x43: {  	_ =	shalt  }
0x44: {  	_ =	shalt  }
0x45: {  	_ =	shalt  }
0x46: {  	_ =	shalt  }
0x47: {  	_ =	shalt  }
0x48: {  	_ =	shalt  }
0x49: {  	_ =	shalt  }
0x4a: {  	_ =	shalt  }
0x4b: {  	_ =	shalt  }
0x4c: {  	_ =	shalt  }
0x4d: {  	_ =	shalt  }
0x4e: {  	_ =	shalt  }
0x4f: {  	_ =	shalt  }
0x50: {  	_ =	shalt  }
0x51: {  	_ =	shalt  }
0x52: {  	_ =	shalt  }
0x53: {  	_ =	shalt  }
0x54: {  	_ =	shalt  }
0x55: {  	_ =	shalt  }
0x56: {  	_ =	shalt  }
0x57: {  	_ =	shalt  }
0x58: {  	_ =	shalt  }
0x59: {  	_ =	shalt  }
0x5a: {  	_ =	shalt  }
0x5b: {  	_ =	shalt  }
0x5c: {  	_ =	shalt  }
0x5d: {  	_ =	shalt  }
0x5e: {  	_ =	shalt  }
0x5f: {  	_ =	shalt  }
0x60: {  	_ =	shalt  }
0x61: {  	_ =	shalt  }
0x62: {  	_ =	shalt  }
0x63: {  	_ =	shalt  }
0x64: {  	_ =	shalt  }
0x65: {  	_ =	shalt  }
0x66: {  	_ =	shalt  }
0x67: {  	_ =	shalt  }
0x68: {  	_ =	shalt  }
0x69: {  	_ =	shalt  }
0x6a: {  	_ =	shalt  }
0x6b: {  	_ =	shalt  }
0x6c: {  	_ =	shalt  }
0x6d: {  	_ =	shalt  }
0x6e: {  	_ =	shalt  }
0x6f: {  	_ =	shalt  }
0x70: {  	_ =	shalt  }
0x71: {  	_ =	shalt  }
0x72: {  	_ =	shalt  }
0x73: {  	_ =	shalt  }
0x74: {  	_ =	shalt  }
0x75: {  	_ =	shalt  }
0x76: {  	_ =	shalt  }
0x77: {  	_ =	shalt  }
0x78: {  	_ =	shalt  }
0x79: {  	_ =	shalt  }
0x7a: {  	_ =	shalt  }
0x7b: {  	_ =	shalt  }
0x7c: {  	_ =	shalt  }
0x7d: {  	_ =	shalt  }
0x7e: {  	_ =	shalt  }
0x7f: {  	_ =	shalt  }
0x80: {  	_ =	shalt  }
0x81: {  	_ =	shalt  }
0x82: {  	_ =	shalt  }
0x83: {  	_ =	shalt  }
0x84: {  	_ =	shalt  }
0x85: {  	_ =	shalt  }
0x86: {  	_ =	shalt  }
0x87: {  	_ =	shalt  }
.Lfunc_end0:
.L_simem_size_0:
called_computation.1_lowered:
.L_overlay_start_0:
0x88: {  	s2 =	sld [smem:$0x3FD9]  }
0x89: {  	s3 =	sld [smem:$0x3FFE];
	_ =	sdelay $0x1  }
0x8a: {  	s1 =	srdreg.scid  }
0x8b: {  	s0 =	sand.u32 $0x1, s1  }
0x8c: {  	s14 =	sshll.u32 s0, $0xA;
	s2 =	sadd.s32 s3, s2  }
0x8d: {  	s2 =	sadd.s32 s2, s14  }
0x8e: {  	[smem:$0x3FC4] =	sst s2  }
0x8f: {  	_ = 	snop  }
0x90: {  	s2 =	sld [smem:$0x3FD0];
	_ =	sdelay $0x2  }
0x91: {  	s15 =	simm.s32 $0xA;
	s4 =	simm.s32 $0x10  }
0x92: {  	[smem:s4], [sflag:s15] =	dma.local [hbm:s2], $0x1  }
0x93: {  	_ =	swait.eq [sflag:s15], $0x1  }
0x94: {  	[sflag:s15] =	ssyncset.done $0x0  }
0x95: {  	[sflag:s15] =	ssyncadd.s32 $0xFFFFFFFF  }
0x96: {  	s16 =	sld [smem:$0x10];
	(tm) =	ssettm $0x1  }
0x97: {  	s17 =	sld [smem:$0x3FFB];
	_ =	sdelay $0x3  }
0x98: {  	_ =	strace s17  }
0x99: {  	s3 =	sld [smem:$0x3FFC];
	_ =	sdelay $0x3  }
0x9a: {  	_ =	strace s3  }
0x9b: {  	s3 =	sld [smem:$0x3FFD];
	_ =	sdelay $0x3  }
0x9c: {  	_ =	strace s3  }
0x9d: {  	_ =	strace $0x8FFFFFFF  }
0x9e: {  	s18 =	sld [smem:$0x3FDB];
	_ =	sdelay $0x1  }
0x9f: {  	s19 =	simm.s32 $_scs_section_size  }
0xa0: {  	s5 =	simm.s32 $_size__tile_overlayer_lowered;
	s6 =	simm.s32 $_tile_overlayer_lowered  }
0xa1: {  	s22 =	simm.s32 $0x1BFF;
	s21 =	sshll.u32 s6, $0x1;
	s3 =	sadd.s32 s19, s18  }
0xa2: {  	s7 =	simm.s32 $0x0;
	s20 =	sshll.u32 s5, $0x1;
	s5 =	sadd.s32 s21, s3  }
0xa3: {  	[timem:s7], [sflag:s22] =	dma.local [hbm:s5], s20  }
0xa4: {  	_ =	swait.ge [sflag:s22], s20  }
0xa5: {  	s4 =	ssub.s32 $0x0, s20;
	[sflag:s22] =	ssyncset.done $0x0  }
0xa6: {  	[sflag:s22] =	ssyncadd.s32 s4;
	_ =	sdelay $0x1  }
0xa7: {  	s23 =	simm.s32 $0x1B8B  }
0xa8: {  	_ =	swait.ge [sflag:s23], $0x1  }
0xa9: {  	[sflag:s23] =	ssyncset.done $0x0  }
0xaa: {  	s25 =	simm.s32 $0x1B8E;
	s24 =	sld [smem:$0x3FFE];
	[sflag:s23] =	ssyncadd.s32 $0xFFFFFFFF  }
0xab: {  	s26 =	simm.s32 $execute0_lowered;
	[smem:$0x3FD2] =	sst s25  }
0xac: {  	s5 =	sshll.u32 s26, $0x1;
	_ =	strace $0x80000049;
	[dreg:$0x1] =	wrdreg $0xFFFFFFFF  }
0xad: {  	s28 =	simm.s32 $_size_execute0_lowered;
	s3 =	sadd.s32 s3, s5;
	[dreg:$0x0] =	wrdreg $0x0  }
0xae: {  	s5 =	sshll.u32 s28, $0x1;
	[dreg:$0x2] =	wrdreg s3  }
0xaf: {  	[dreg:$0x3] =	wrdreg s5  }
0xb0: {  	[dreg:$0x4] =	wrdreg $0xC0  }
0xb1: {  	_ =	task [dreg:s7], $0x5FFFF  }
0xb2: {  	[dreg:$0x1] =	wrdreg $0xFFFFFFFF  }
0xb3: {  	[dreg:$0x0] =	wrdreg $0x60  }
0xb4: {  	[dreg:$0x2] =	wrdreg s24  }
0xb5: {  	[dreg:$0x3] =	wrdreg s16  }
0xb6: {  	[dreg:$0x4] =	wrdreg $0x9  }
0xb7: {  	_ =	task.clear_ibuf [dreg:s7], $0x5FFFF;
	_ =	strace $0x90000049  }
0xb8: {  	s29 =	simm.s32 $0x9;
	_ =	strace $0x8000004B  }
0xb9: {  	_ =	swait.ge [sflag:s29], $0x1  }
0xba: {  	[sflag:s29] =	ssyncadd.s32 $0xFFFFFFFF  }
0xbb: {  	_ =	strace $0x9000004B  }
0xbc: {  	_ =	sfence  }
0xbd: {  	s30 =	sld [smem:$0x0];
	_ =	sdelay $0x2  }
0xbe: {  	s31 =	sshll.u32 s1, $0xD;
	s1 =	sshrl.u32 s1, $0x2  }
0xbf: {  	s3 =	sand.u32 $0x4000, s31;
	s1 =	sadd.s32 s1, s30  }
0xc0: {  	s0 =	sor.u32 s3, s0;
	s1 =	sshll.u32 s1, $0x11  }
0xc1: {  	s0 =	sor.u32 s1, s0  }
0xc2: {  	s0 =	sadd.s32 $0x8F2B, s0  }
0xc3: {  	[sflag:s0] =	ssyncadd.remote.s32 $0x1  }
0xc4: {  	_ =	sfence.sel $0xFFFF  }
0xc5: {  	[dreg:$0x0] =	wrdreg $0xFFFFFFFF;
	(pc) =	sbr.abs _section_cstart, $3  }
0xc6: {  	[dreg:$0x1] =	wrdreg $0xFFFFFFFF  }
0xc7: {  	_ =	task.clear_ibuf [dreg:s7], $0x2FFFF;
	_ =	strace $0x9FFFFFFF  }
0xc8: {  	(tm) =	ssettm $0x7FFFFFFF  }
0xc9: {  	_ =	shalt  }
tec
execute0_lowered:
.L_overlay_start_1:
0x0: {  	(tag) =	ssettag $0x1  }
0x1: {  	s0 =	srdreg.scid  }
0x2: {  	s2 =	stileid.u32;
	s1 =	rddreg [dreg:$0x0]  }
0x3: {  	s3 =	rddreg [dreg:$0x1];
	s0 =	sand.u32 $0x1, s0;
	s2 =	sshll.u32 s2, $0x1  }
0x4: {  	s9 =	simm.s32 $0x2;
	s10 =	simm.s32 $0x400;
	s4 =	sor.u32 s0, s2  }
0x5: {  	s2 =	simm.s32 $0x0;
	s5 =	sshll.u32 s4, $0x7;
	s4 =	sshll.u32 s4, $0x10  }
0x6: {  	[smem:$0x7FF] =	sst s2;
	s5 =	sadd.s32 s5, s1;
	s8 =	sadd.s32 s3, s4  }
0x7: {  	_ =	strace $0x8000004A;
	s5 =	sadd.s32 $0x401600, s5;
	[dreg:$0xb] =	wrdreg s8  }
0x8: {  	s19 =	simm.s32 $0x1;
	s3 =	sadd.s32 $0x2000, s8;
	[dreg:$0x3] =	wrdreg s5  }
0x9: {  	s6 =	sadd.s32 $0x402800, s1;
	s24 =	sadd.s32 $0x4000, s8;
	[dreg:$0x4] =	wrdreg s3  }
0xa: {  	s7 =	sadd.s32 $0x402900, s1;
	s26 =	sadd.s32 $0x6000, s8;
	[dreg:$0x5] =	wrdreg s24  }
0xb: {  	s0 =	ssub.s32 $0x2, s0;
	s28 =	sadd.s32 $0x8000, s8;
	[dreg:$0x6] =	wrdreg s26  }
0xc: {  	s25 =	sshrl.u32 s0, $0x1;
	s29 =	sadd.s32 $0xA000, s8;
	[dreg:$0x7] =	wrdreg s28  }
0xd: {  	v2 =	vlaneseq.u32;
	s4 =	sadd.s32 $0x402600, s1;
	s30 =	sadd.s32 $0xC000, s8;
	[dreg:$0x8] =	wrdreg s29  }
0xe: {  	vm0 =	vmmov $0xffff;
	v1 =	vshrl.u32 v2, $0x3;
	s0 =	ssub.s32 s0, s25;
	s31 =	sadd.s32 $0xE000, s8;
	[dreg:$0x9] =	wrdreg s30  }
0xf: {  	v0 =	vand.u32 $0x7, v2;
	v2 =	vor.u32 $0x8, v2;
	v1 =	vmul.u32 $0x8, v1;
	s15 =	smax.u32 s0, $0x1;
	s5 =	sadd.s32 $0x402700, s1;
	[dreg:$0xa] =	wrdreg s31  }
.LBB2_1:
0x10: {  	s20 =	rddreg [dreg:$0x3]  }
0x11: {  	[tilespmem:s2], [sflag:$0x2] =	stream.linear.gather [hbm4b:s20+s2], $0x400, $0x38;
	[tilespmem:$0x10400] =	vst v63  }
0x12: {  	_ =	swait.ge [sflag:s9], $0x400  }
0x13: {  	[sflag:s9] =	ssyncset.done $0x0  }
0x14: {  	[sflag:s9] =	ssyncadd.s32 $0xFFFFFC00  }
0x15: {  	v3 =	vld [tilespmem:$0x0];
	_ =	sdelay $0x4  }
0x16: {  	v4 =	vshll.u32 v3, $0x3  }
0x17: {  	v3 =	vand.u32 $0x7, v3;
	v4 =	vand.u32 $0xFFFFFFC0, v4  }
0x18: {  	v3 =	vor.u32 v3, v4  }
0x19: {  	v4 =	vperm.xlane v3, v0;
	_ =	sdelay $0x1  }
0x1a: {  	v4 =	vadd.s32 v1, v4;
	_ =	sdelay $0x4  }
0x1b: {  	[tilespmem:s10], [sflag:$0x1] =	stream.indirect_vreg.gather [hbm4b:s4+s2], $0x80, v4, vm0, $0xb8;
	[tilespmem:$0x10400] =	vst v63  }
0x1c: {  	s0 =	simm.s32 $0xC00;
	v3 =	vperm.xlane v3, v2  }
0x1d: {  	[tilespmem:s0], [sflag:$0x1] =	stream.indirect_vreg.gather [hbm4b:s5+s2], $0x80, v4, vm0, $0xb8;
	[tilespmem:$0x10400] =	vst v63  }
0x1e: {  	s24 =	simm.s32 $0x1400;
	v3 =	vadd.s32 v1, v3  }
0x1f: {  	[tilespmem:s24], [sflag:$0x1] =	stream.indirect_vreg.gather [hbm4b:s6+s2], $0x80, v4, vm0, $0xb8;
	[tilespmem:$0x10400] =	vst v63  }
0x20: {  	s25 =	simm.s32 $0x1C00  }
0x21: {  	[tilespmem:s25], [sflag:$0x1] =	stream.indirect_vreg.gather [hbm4b:s7+s2], $0x80, v4, vm0, $0xb8;
	[tilespmem:$0x10400] =	vst v63  }
0x22: {  	s26 =	simm.s32 $0x2400  }
0x23: {  	[tilespmem:s26], [sflag:$0x1] =	stream.indirect_vreg.gather [hbm4b:s4+s2], $0x80, v3, vm0, $0xb8;
	[tilespmem:$0x10400] =	vst v63  }
0x24: {  	s28 =	simm.s32 $0x2C00  }
0x25: {  	[tilespmem:s28], [sflag:$0x1] =	stream.indirect_vreg.gather [hbm4b:s5+s2], $0x80, v3, vm0, $0xb8;
	[tilespmem:$0x10400] =	vst v63  }
0x26: {  	s29 =	simm.s32 $0x3400  }
0x27: {  	[tilespmem:s29], [sflag:$0x1] =	stream.indirect_vreg.gather [hbm4b:s6+s2], $0x80, v3, vm0, $0xb8;
	[tilespmem:$0x10400] =	vst v63  }
0x28: {  	s30 =	simm.s32 $0x3C00  }
0x29: {  	[tilespmem:s30], [sflag:$0x1] =	stream.indirect_vreg.gather [hbm4b:s7+s2], $0x80, v3, vm0, $0xb8;
	[tilespmem:$0x10400] =	vst v63  }
0x2a: {  	v3 =	vld [tilespmem:$0x10];
	_ =	sdelay $0x4  }
0x2b: {  	v33 =	vshll.u32 v3, $0x3  }
0x2c: {  	v3 =	vand.u32 $0x7, v3;
	v4 =	vand.u32 $0xFFFFFFC0, v33  }
0x2d: {  	v3 =	vor.u32 v3, v4  }
0x2e: {  	v4 =	vperm.xlane v3, v0;
	_ =	sdelay $0x1  }
0x2f: {  	v4 =	vadd.s32 v1, v4;
	_ =	sdelay $0x3  }
0x30: {  	s31 =	simm.s32 $0x4400  }
0x31: {  	[tilespmem:s31], [sflag:$0x1] =	stream.indirect_vreg.gather [hbm4b:s4+s2], $0x80, v4, vm0, $0xb8;
	[tilespmem:$0x10400] =	vst v63  }
0x32: {  	s11 =	simm.s32 $0x4C00;
	v3 =	vperm.xlane v3, v2  }
0x33: {  	[tilespmem:s11], [sflag:$0x1] =	stream.indirect_vreg.gather [hbm4b:s5+s2], $0x80, v4, vm0, $0xb8;
	[tilespmem:$0x10400] =	vst v63  }
0x34: {  	s12 =	simm.s32 $0x5400;
	v3 =	vadd.s32 v1, v3  }
0x35: {  	[tilespmem:s12], [sflag:$0x1] =	stream.indirect_vreg.gather [hbm4b:s6+s2], $0x80, v4, vm0, $0xb8;
	[tilespmem:$0x10400] =	vst v63  }
0x36: {  	s13 =	simm.s32 $0x5C00  }
0x37: {  	[tilespmem:s13], [sflag:$0x1] =	stream.indirect_vreg.gather [hbm4b:s7+s2], $0x80, v4, vm0, $0xb8;
	[tilespmem:$0x10400] =	vst v63  }
0x38: {  	s14 =	simm.s32 $0x6400  }
0x39: {  	[tilespmem:s14], [sflag:$0x1] =	stream.indirect_vreg.gather [hbm4b:s4+s2], $0x80, v3, vm0, $0xb8;
	[tilespmem:$0x10400] =	vst v63  }
0x3a: {  	s16 =	simm.s32 $0x6C00  }
0x3b: {  	[tilespmem:s16], [sflag:$0x1] =	stream.indirect_vreg.gather [hbm4b:s5+s2], $0x80, v3, vm0, $0xb8;
	[tilespmem:$0x10400] =	vst v63  }
0x3c: {  	s20 =	simm.s32 $0x7400  }
0x3d: {  	[tilespmem:s20], [sflag:$0x1] =	stream.indirect_vreg.gather [hbm4b:s6+s2], $0x80, v3, vm0, $0xb8;
	[tilespmem:$0x10400] =	vst v63  }
0x3e: {  	s21 =	simm.s32 $0x7C00  }
0x3f: {  	[tilespmem:s21], [sflag:$0x1] =	stream.indirect_vreg.gather [hbm4b:s7+s2], $0x80, v3, vm0, $0xb8;
	[tilespmem:$0x10400] =	vst v63  }
0x40: {  	v3 =	vld [tilespmem:$0x20];
	_ =	sdelay $0x4  }
0x41: {  	v34 =	vshll.u32 v3, $0x3  }
0x42: {  	v3 =	vand.u32 $0x7, v3;
	v4 =	vand.u32 $0xFFFFFFC0, v34  }
0x43: {  	v3 =	vor.u32 v3, v4  }
0x44: {  	v4 =	vperm.xlane v3, v0;
	_ =	sdelay $0x1  }
0x45: {  	v4 =	vadd.s32 v1, v4;
	_ =	sdelay $0x3  }
0x46: {  	s23 =	simm.s32 $0x8400  }
0x47: {  	[tilespmem:s23], [sflag:$0x1] =	stream.indirect_vreg.gather [hbm4b:s4+s2], $0x80, v4, vm0, $0xb8;
	[tilespmem:$0x10400] =	vst v63  }
0x48: {  	s24 =	simm.s32 $0x8C00;
	v3 =	vperm.xlane v3, v2  }
0x49: {  	[tilespmem:s24], [sflag:$0x1] =	stream.indirect_vreg.gather [hbm4b:s5+s2], $0x80, v4, vm0, $0xb8;
	[tilespmem:$0x10400] =	vst v63  }
0x4a: {  	s25 =	simm.s32 $0x9400;
	v3 =	vadd.s32 v1, v3  }
0x4b: {  	[tilespmem:s25], [sflag:$0x1] =	stream.indirect_vreg.gather [hbm4b:s6+s2], $0x80, v4, vm0, $0xb8;
	[tilespmem:$0x10400] =	vst v63  }
0x4c: {  	s26 =	simm.s32 $0x9C00  }
0x4d: {  	[tilespmem:s26], [sflag:$0x1] =	stream.indirect_vreg.gather [hbm4b:s7+s2], $0x80, v4, vm0, $0xb8;
	[tilespmem:$0x10400] =	vst v63  }
0x4e: {  	s28 =	simm.s32 $0xA400  }
0x4f: {  	[tilespmem:s28], [sflag:$0x1] =	stream.indirect_vreg.gather [hbm4b:s4+s2], $0x80, v3, vm0, $0xb8;
	[tilespmem:$0x10400] =	vst v63  }
0x50: {  	s30 =	simm.s32 $0xAC00  }
0x51: {  	[tilespmem:s30], [sflag:$0x1] =	stream.indirect_vreg.gather [hbm4b:s5+s2], $0x80, v3, vm0, $0xb8;
	[tilespmem:$0x10400] =	vst v63  }
0x52: {  	s0 =	simm.s32 $0xB400  }
0x53: {  	[tilespmem:s0], [sflag:$0x1] =	stream.indirect_vreg.gather [hbm4b:s6+s2], $0x80, v3, vm0, $0xb8;
	[tilespmem:$0x10400] =	vst v63  }
0x54: {  	s11 =	simm.s32 $0xBC00  }
0x55: {  	[tilespmem:s11], [sflag:$0x1] =	stream.indirect_vreg.gather [hbm4b:s7+s2], $0x80, v3, vm0, $0xb8;
	[tilespmem:$0x10400] =	vst v63  }
0x56: {  	v3 =	vld [tilespmem:$0x30];
	_ =	sdelay $0x4  }
0x57: {  	v35 =	vshll.u32 v3, $0x3  }
0x58: {  	v3 =	vand.u32 $0x7, v3;
	v4 =	vand.u32 $0xFFFFFFC0, v35  }
0x59: {  	v3 =	vor.u32 v3, v4  }
0x5a: {  	v4 =	vperm.xlane v3, v0;
	_ =	sdelay $0x1  }
0x5b: {  	v4 =	vadd.s32 v1, v4;
	_ =	sdelay $0x3  }
0x5c: {  	s12 =	simm.s32 $0xC400  }
0x5d: {  	[tilespmem:s12], [sflag:$0x1] =	stream.indirect_vreg.gather [hbm4b:s4+s2], $0x80, v4, vm0, $0xb8;
	[tilespmem:$0x10400] =	vst v63  }
0x5e: {  	s13 =	simm.s32 $0xCC00;
	v3 =	vperm.xlane v3, v2  }
0x5f: {  	[tilespmem:s13], [sflag:$0x1] =	stream.indirect_vreg.gather [hbm4b:s5+s2], $0x80, v4, vm0, $0xb8;
	[tilespmem:$0x10400] =	vst v63  }
0x60: {  	s14 =	simm.s32 $0xD400;
	v3 =	vadd.s32 v1, v3  }
0x61: {  	[tilespmem:s14], [sflag:$0x1] =	stream.indirect_vreg.gather [hbm4b:s6+s2], $0x80, v4, vm0, $0xb8;
	[tilespmem:$0x10400] =	vst v63  }
0x62: {  	s16 =	simm.s32 $0xDC00  }
0x63: {  	[tilespmem:s16], [sflag:$0x1] =	stream.indirect_vreg.gather [hbm4b:s7+s2], $0x80, v4, vm0, $0xb8;
	[tilespmem:$0x10400] =	vst v63  }
0x64: {  	s24 =	simm.s32 $0xE400  }
0x65: {  	[tilespmem:s24], [sflag:$0x1] =	stream.indirect_vreg.gather [hbm4b:s4+s2], $0x80, v3, vm0, $0xb8;
	[tilespmem:$0x10400] =	vst v63  }
0x66: {  	s25 =	simm.s32 $0xEC00  }
0x67: {  	[tilespmem:s25], [sflag:$0x1] =	stream.indirect_vreg.gather [hbm4b:s5+s2], $0x80, v3, vm0, $0xb8;
	[tilespmem:$0x10400] =	vst v63  }
0x68: {  	s26 =	simm.s32 $0xF400  }
0x69: {  	[tilespmem:s26], [sflag:$0x1] =	stream.indirect_vreg.gather [hbm4b:s6+s2], $0x80, v3, vm0, $0xb8;
	[tilespmem:$0x10400] =	vst v63  }
0x6a: {  	s30 =	simm.s32 $0xFC00  }
0x6b: {  	[tilespmem:s30], [sflag:$0x1] =	stream.indirect_vreg.gather [hbm4b:s7+s2], $0x80, v3, vm0, $0xb8;
	[tilespmem:$0x10400] =	vst v63  }
0x6c: {  	_ =	swait.ge [sflag:s19], $0x10000  }
0x6d: {  	[sflag:s19] =	ssyncset.done $0x0  }
0x6e: {  	s0 =	rddreg [dreg:$0xb];
	[sflag:s19] =	ssyncadd.s32 $0xFFFF0000  }
0x6f: {  	[hbm4b:s0+s2] =	stream.linear.scatter [tilespmem:s10], [sflag:$0x2], $0x10000, $0x38;
	[tilespmem:$0x10400] =	vst v63  }
0x70: {  	_ =	swait.ge [sflag:s9], $0x10000  }
0x71: {  	[sflag:s9] =	ssyncset.done $0x0  }
0x72: {  	[sflag:s9] =	ssyncadd.s32 $0xFFFF0000  }
0x73: {  	v3 =	vld [tilespmem:$0x80];
	_ =	sdelay $0x4  }
0x74: {  	v36 =	vshll.u32 v3, $0x3  }
0x75: {  	v3 =	vand.u32 $0x7, v3;
	v4 =	vand.u32 $0xFFFFFFC0, v36  }
0x76: {  	v3 =	vor.u32 v3, v4  }
0x77: {  	v4 =	vperm.xlane v3, v0;
	_ =	sdelay $0x1  }
0x78: {  	v4 =	vadd.s32 v1, v4;
	_ =	sdelay $0x4  }
0x79: {  	[tilespmem:s10], [sflag:$0x1] =	stream.indirect_vreg.gather [hbm4b:s4+s2], $0x80, v4, vm0, $0xb8;
	[tilespmem:$0x10400] =	vst v63  }
0x7a: {  	s22 =	simm.s32 $0xC00;
	v3 =	vperm.xlane v3, v2  }
0x7b: {  	[tilespmem:s22], [sflag:$0x1] =	stream.indirect_vreg.gather [hbm4b:s5+s2], $0x80, v4, vm0, $0xb8;
	[tilespmem:$0x10400] =	vst v63  }
0x7c: {  	s1 =	simm.s32 $0x1400;
	v3 =	vadd.s32 v1, v3  }
0x7d: {  	[tilespmem:s1], [sflag:$0x1] =	stream.indirect_vreg.gather [hbm4b:s6+s2], $0x80, v4, vm0, $0xb8;
	[tilespmem:$0x10400] =	vst v63  }
0x7e: {  	s3 =	simm.s32 $0x1C00  }
0x7f: {  	[tilespmem:s3], [sflag:$0x1] =	stream.indirect_vreg.gather [hbm4b:s7+s2], $0x80, v4, vm0, $0xb8;
	[tilespmem:$0x10400] =	vst v63  }
0x80: {  	s8 =	simm.s32 $0x2400  }
0x81: {  	[tilespmem:s8], [sflag:$0x1] =	stream.indirect_vreg.gather [hbm4b:s4+s2], $0x80, v3, vm0, $0xb8;
	[tilespmem:$0x10400] =	vst v63  }
0x82: {  	s17 =	simm.s32 $0x2C00  }
0x83: {  	[tilespmem:s17], [sflag:$0x1] =	stream.indirect_vreg.gather [hbm4b:s5+s2], $0x80, v3, vm0, $0xb8;
	[tilespmem:$0x10400] =	vst v63  }
0x84: {  	s18 =	simm.s32 $0x3400  }
0x85: {  	[tilespmem:s18], [sflag:$0x1] =	stream.indirect_vreg.gather [hbm4b:s6+s2], $0x80, v3, vm0, $0xb8;
	[tilespmem:$0x10400] =	vst v63  }
0x86: {  	s29 =	simm.s32 $0x3C00  }
0x87: {  	[tilespmem:s29], [sflag:$0x1] =	stream.indirect_vreg.gather [hbm4b:s7+s2], $0x80, v3, vm0, $0xb8;
	[tilespmem:$0x10400] =	vst v63  }
0x88: {  	v3 =	vld [tilespmem:$0x90];
	_ =	sdelay $0x4  }
0x89: {  	v37 =	vshll.u32 v3, $0x3  }
0x8a: {  	v3 =	vand.u32 $0x7, v3;
	v4 =	vand.u32 $0xFFFFFFC0, v37  }
0x8b: {  	v3 =	vor.u32 v3, v4  }
0x8c: {  	v4 =	vperm.xlane v3, v0;
	_ =	sdelay $0x1  }
0x8d: {  	v4 =	vadd.s32 v1, v4;
	_ =	sdelay $0x3  }
0x8e: {  	s30 =	simm.s32 $0x4400  }
0x8f: {  	[tilespmem:s30], [sflag:$0x1] =	stream.indirect_vreg.gather [hbm4b:s4+s2], $0x80, v4, vm0, $0xb8;
	[tilespmem:$0x10400] =	vst v63  }
0x90: {  	s31 =	simm.s32 $0x4C00;
	v3 =	vperm.xlane v3, v2  }
0x91: {  	[tilespmem:s31], [sflag:$0x1] =	stream.indirect_vreg.gather [hbm4b:s5+s2], $0x80, v4, vm0, $0xb8;
	[tilespmem:$0x10400] =	vst v63  }
0x92: {  	v3 =	vadd.s32 v1, v3;
	s31 =	simm.s32 $0x5400  }
0x93: {  	[tilespmem:s31], [sflag:$0x1] =	stream.indirect_vreg.gather [hbm4b:s6+s2], $0x80, v4, vm0, $0xb8;
	[tilespmem:$0x10400] =	vst v63  }
0x94: {  	s1 =	simm.s32 $0x5C00  }
0x95: {  	[tilespmem:s1], [sflag:$0x1] =	stream.indirect_vreg.gather [hbm4b:s7+s2], $0x80, v4, vm0, $0xb8;
	[tilespmem:$0x10400] =	vst v63  }
0x96: {  	s0 =	simm.s32 $0x6400  }
0x97: {  	[tilespmem:s0], [sflag:$0x1] =	stream.indirect_vreg.gather [hbm4b:s4+s2], $0x80, v3, vm0, $0xb8;
	[tilespmem:$0x10400] =	vst v63  }
0x98: {  	s3 =	simm.s32 $0x6C00  }
0x99: {  	[tilespmem:s3], [sflag:$0x1] =	stream.indirect_vreg.gather [hbm4b:s5+s2], $0x80, v3, vm0, $0xb8;
	[tilespmem:$0x10400] =	vst v63  }
0x9a: {  	s8 =	simm.s32 $0x7400  }
0x9b: {  	[tilespmem:s8], [sflag:$0x1] =	stream.indirect_vreg.gather [hbm4b:s6+s2], $0x80, v3, vm0, $0xb8;
	[tilespmem:$0x10400] =	vst v63  }
0x9c: {  	s21 =	simm.s32 $0x7C00  }
0x9d: {  	[tilespmem:s21], [sflag:$0x1] =	stream.indirect_vreg.gather [hbm4b:s7+s2], $0x80, v3, vm0, $0xb8;
	[tilespmem:$0x10400] =	vst v63  }
0x9e: {  	v3 =	vld [tilespmem:$0xA0];
	_ =	sdelay $0x4  }
0x9f: {  	v38 =	vshll.u32 v3, $0x3  }
0xa0: {  	v3 =	vand.u32 $0x7, v3;
	v4 =	vand.u32 $0xFFFFFFC0, v38  }
0xa1: {  	v3 =	vor.u32 v3, v4  }
0xa2: {  	v4 =	vperm.xlane v3, v0;
	_ =	sdelay $0x1  }
0xa3: {  	v4 =	vadd.s32 v1, v4;
	_ =	sdelay $0x3  }
0xa4: {  	s22 =	simm.s32 $0x8400  }
0xa5: {  	[tilespmem:s22], [sflag:$0x1] =	stream.indirect_vreg.gather [hbm4b:s4+s2], $0x80, v4, vm0, $0xb8;
	[tilespmem:$0x10400] =	vst v63  }
0xa6: {  	s29 =	simm.s32 $0x8C00;
	v3 =	vperm.xlane v3, v2  }
0xa7: {  	[tilespmem:s29], [sflag:$0x1] =	stream.indirect_vreg.gather [hbm4b:s5+s2], $0x80, v4, vm0, $0xb8;
	[tilespmem:$0x10400] =	vst v63  }
0xa8: {  	s17 =	simm.s32 $0x9400;
	v3 =	vadd.s32 v1, v3  }
0xa9: {  	[tilespmem:s17], [sflag:$0x1] =	stream.indirect_vreg.gather [hbm4b:s6+s2], $0x80, v4, vm0, $0xb8;
	[tilespmem:$0x10400] =	vst v63  }
0xaa: {  	s18 =	simm.s32 $0x9C00  }
0xab: {  	[tilespmem:s18], [sflag:$0x1] =	stream.indirect_vreg.gather [hbm4b:s7+s2], $0x80, v4, vm0, $0xb8;
	[tilespmem:$0x10400] =	vst v63  }
0xac: {  	s21 =	simm.s32 $0xA400  }
0xad: {  	[tilespmem:s21], [sflag:$0x1] =	stream.indirect_vreg.gather [hbm4b:s4+s2], $0x80, v3, vm0, $0xb8;
	[tilespmem:$0x10400] =	vst v63  }
0xae: {  	s23 =	simm.s32 $0xAC00  }
0xaf: {  	[tilespmem:s23], [sflag:$0x1] =	stream.indirect_vreg.gather [hbm4b:s5+s2], $0x80, v3, vm0, $0xb8;
	[tilespmem:$0x10400] =	vst v63  }
0xb0: {  	s28 =	simm.s32 $0xB400  }
0xb1: {  	[tilespmem:s28], [sflag:$0x1] =	stream.indirect_vreg.gather [hbm4b:s6+s2], $0x80, v3, vm0, $0xb8;
	[tilespmem:$0x10400] =	vst v63  }
0xb2: {  	s11 =	simm.s32 $0xBC00  }
0xb3: {  	[tilespmem:s11], [sflag:$0x1] =	stream.indirect_vreg.gather [hbm4b:s7+s2], $0x80, v3, vm0, $0xb8;
	[tilespmem:$0x10400] =	vst v63  }
0xb4: {  	v3 =	vld [tilespmem:$0xB0];
	_ =	sdelay $0x4  }
0xb5: {  	v39 =	vshll.u32 v3, $0x3  }
0xb6: {  	v3 =	vand.u32 $0x7, v3;
	v4 =	vand.u32 $0xFFFFFFC0, v39  }
0xb7: {  	v3 =	vor.u32 v3, v4  }
0xb8: {  	v4 =	vperm.xlane v3, v0;
	_ =	sdelay $0x1  }
0xb9: {  	v4 =	vadd.s32 v1, v4;
	_ =	sdelay $0x3  }
0xba: {  	s12 =	simm.s32 $0xC400  }
0xbb: {  	[tilespmem:s12], [sflag:$0x1] =	stream.indirect_vreg.gather [hbm4b:s4+s2], $0x80, v4, vm0, $0xb8;
	[tilespmem:$0x10400] =	vst v63  }
0xbc: {  	s13 =	simm.s32 $0xCC00;
	v3 =	vperm.xlane v3, v2  }
0xbd: {  	[tilespmem:s13], [sflag:$0x1] =	stream.indirect_vreg.gather [hbm4b:s5+s2], $0x80, v4, vm0, $0xb8;
	[tilespmem:$0x10400] =	vst v63  }
0xbe: {  	s20 =	simm.s32 $0xD400;
	v3 =	vadd.s32 v1, v3  }
0xbf: {  	[tilespmem:s20], [sflag:$0x1] =	stream.indirect_vreg.gather [hbm4b:s6+s2], $0x80, v4, vm0, $0xb8;
	[tilespmem:$0x10400] =	vst v63  }
0xc0: {  	s16 =	simm.s32 $0xDC00  }
0xc1: {  	[tilespmem:s16], [sflag:$0x1] =	stream.indirect_vreg.gather [hbm4b:s7+s2], $0x80, v4, vm0, $0xb8;
	[tilespmem:$0x10400] =	vst v63  }
0xc2: {  	s24 =	simm.s32 $0xE400  }
0xc3: {  	[tilespmem:s24], [sflag:$0x1] =	stream.indirect_vreg.gather [hbm4b:s4+s2], $0x80, v3, vm0, $0xb8;
	[tilespmem:$0x10400] =	vst v63  }
0xc4: {  	s25 =	simm.s32 $0xEC00  }
0xc5: {  	[tilespmem:s25], [sflag:$0x1] =	stream.indirect_vreg.gather [hbm4b:s5+s2], $0x80, v3, vm0, $0xb8;
	[tilespmem:$0x10400] =	vst v63  }
0xc6: {  	s26 =	simm.s32 $0xF400  }
0xc7: {  	[tilespmem:s26], [sflag:$0x1] =	stream.indirect_vreg.gather [hbm4b:s6+s2], $0x80, v3, vm0, $0xb8;
	[tilespmem:$0x10400] =	vst v63  }
0xc8: {  	s14 =	simm.s32 $0xFC00  }
0xc9: {  	[tilespmem:s14], [sflag:$0x1] =	stream.indirect_vreg.gather [hbm4b:s7+s2], $0x80, v3, vm0, $0xb8;
	[tilespmem:$0x10400] =	vst v63  }
0xca: {  	_ =	swait.ge [sflag:s19], $0x10000  }
0xcb: {  	[sflag:s19] =	ssyncset.done $0x0  }
0xcc: {  	s26 =	rddreg [dreg:$0x4];
	[sflag:s19] =	ssyncadd.s32 $0xFFFF0000  }
0xcd: {  	[hbm4b:s26+s2] =	stream.linear.scatter [tilespmem:s10], [sflag:$0x2], $0x10000, $0x38;
	[tilespmem:$0x10400] =	vst v63  }
0xce: {  	_ =	swait.ge [sflag:s9], $0x10000  }
0xcf: {  	[sflag:s9] =	ssyncset.done $0x0  }
0xd0: {  	[sflag:s9] =	ssyncadd.s32 $0xFFFF0000  }
0xd1: {  	v3 =	vld [tilespmem:$0x100];
	_ =	sdelay $0x4  }
0xd2: {  	v40 =	vshll.u32 v3, $0x3  }
0xd3: {  	v3 =	vand.u32 $0x7, v3;
	v4 =	vand.u32 $0xFFFFFFC0, v40  }
0xd4: {  	v3 =	vor.u32 v3, v4  }
0xd5: {  	v4 =	vperm.xlane v3, v0;
	_ =	sdelay $0x1  }
0xd6: {  	v4 =	vadd.s32 v1, v4;
	_ =	sdelay $0x4  }
0xd7: {  	[tilespmem:s10], [sflag:$0x1] =	stream.indirect_vreg.gather [hbm4b:s4+s2], $0x80, v4, vm0, $0xb8;
	[tilespmem:$0x10400] =	vst v63  }
0xd8: {  	s25 =	simm.s32 $0xC00;
	v3 =	vperm.xlane v3, v2  }
0xd9: {  	[tilespmem:s25], [sflag:$0x1] =	stream.indirect_vreg.gather [hbm4b:s5+s2], $0x80, v4, vm0, $0xb8;
	[tilespmem:$0x10400] =	vst v63  }
0xda: {  	s26 =	simm.s32 $0x1400;
	v3 =	vadd.s32 v1, v3  }
0xdb: {  	[tilespmem:s26], [sflag:$0x1] =	stream.indirect_vreg.gather [hbm4b:s6+s2], $0x80, v4, vm0, $0xb8;
	[tilespmem:$0x10400] =	vst v63  }
0xdc: {  	s25 =	simm.s32 $0x1C00  }
0xdd: {  	[tilespmem:s25], [sflag:$0x1] =	stream.indirect_vreg.gather [hbm4b:s7+s2], $0x80, v4, vm0, $0xb8;
	[tilespmem:$0x10400] =	vst v63  }
0xde: {  	s26 =	simm.s32 $0x2400  }
0xdf: {  	[tilespmem:s26], [sflag:$0x1] =	stream.indirect_vreg.gather [hbm4b:s4+s2], $0x80, v3, vm0, $0xb8;
	[tilespmem:$0x10400] =	vst v63  }
0xe0: {  	s25 =	simm.s32 $0x2C00  }
0xe1: {  	[tilespmem:s25], [sflag:$0x1] =	stream.indirect_vreg.gather [hbm4b:s5+s2], $0x80, v3, vm0, $0xb8;
	[tilespmem:$0x10400] =	vst v63  }
0xe2: {  	s26 =	simm.s32 $0x3400  }
0xe3: {  	[tilespmem:s26], [sflag:$0x1] =	stream.indirect_vreg.gather [hbm4b:s6+s2], $0x80, v3, vm0, $0xb8;
	[tilespmem:$0x10400] =	vst v63  }
0xe4: {  	s25 =	simm.s32 $0x3C00  }
0xe5: {  	[tilespmem:s25], [sflag:$0x1] =	stream.indirect_vreg.gather [hbm4b:s7+s2], $0x80, v3, vm0, $0xb8;
	[tilespmem:$0x10400] =	vst v63  }
0xe6: {  	v3 =	vld [tilespmem:$0x110];
	_ =	sdelay $0x4  }
0xe7: {  	v41 =	vshll.u32 v3, $0x3  }
0xe8: {  	v3 =	vand.u32 $0x7, v3;
	v4 =	vand.u32 $0xFFFFFFC0, v41  }
0xe9: {  	v3 =	vor.u32 v3, v4  }
0xea: {  	v4 =	vperm.xlane v3, v0;
	_ =	sdelay $0x1  }
0xeb: {  	v4 =	vadd.s32 v1, v4;
	_ =	sdelay $0x4  }
0xec: {  	[tilespmem:s30], [sflag:$0x1] =	stream.indirect_vreg.gather [hbm4b:s4+s2], $0x80, v4, vm0, $0xb8;
	[tilespmem:$0x10400] =	vst v63  }
0xed: {  	s26 =	simm.s32 $0x4C00;
	v3 =	vperm.xlane v3, v2  }
0xee: {  	[tilespmem:s26], [sflag:$0x1] =	stream.indirect_vreg.gather [hbm4b:s5+s2], $0x80, v4, vm0, $0xb8;
	[tilespmem:$0x10400] =	vst v63  }
0xef: {  	v3 =	vadd.s32 v1, v3  }
0xf0: {  	[tilespmem:s31], [sflag:$0x1] =	stream.indirect_vreg.gather [hbm4b:s6+s2], $0x80, v4, vm0, $0xb8;
	[tilespmem:$0x10400] =	vst v63  }
0xf1: {  	_ = 	snop  }
0xf2: {  	[tilespmem:s1], [sflag:$0x1] =	stream.indirect_vreg.gather [hbm4b:s7+s2], $0x80, v4, vm0, $0xb8;
	[tilespmem:$0x10400] =	vst v63  }
0xf3: {  	_ = 	snop  }
0xf4: {  	[tilespmem:s0], [sflag:$0x1] =	stream.indirect_vreg.gather [hbm4b:s4+s2], $0x80, v3, vm0, $0xb8;
	[tilespmem:$0x10400] =	vst v63  }
0xf5: {  	_ = 	snop  }
0xf6: {  	[tilespmem:s3], [sflag:$0x1] =	stream.indirect_vreg.gather [hbm4b:s5+s2], $0x80, v3, vm0, $0xb8;
	[tilespmem:$0x10400] =	vst v63  }
0xf7: {  	_ = 	snop  }
0xf8: {  	[tilespmem:s8], [sflag:$0x1] =	stream.indirect_vreg.gather [hbm4b:s6+s2], $0x80, v3, vm0, $0xb8;
	[tilespmem:$0x10400] =	vst v63  }
0xf9: {  	s20 =	simm.s32 $0x7C00  }
0xfa: {  	[tilespmem:s20], [sflag:$0x1] =	stream.indirect_vreg.gather [hbm4b:s7+s2], $0x80, v3, vm0, $0xb8;
	[tilespmem:$0x10400] =	vst v63  }
0xfb: {  	v3 =	vld [tilespmem:$0x120];
	_ =	sdelay $0x4  }
0xfc: {  	v42 =	vshll.u32 v3, $0x3  }
0xfd: {  	v3 =	vand.u32 $0x7, v3;
	v4 =	vand.u32 $0xFFFFFFC0, v42  }
0xfe: {  	v3 =	vor.u32 v3, v4  }
0xff: {  	v4 =	vperm.xlane v3, v0;
	_ =	sdelay $0x1  }
0x100: {  	v4 =	vadd.s32 v1, v4;
	_ =	sdelay $0x4  }
0x101: {  	[tilespmem:s22], [sflag:$0x1] =	stream.indirect_vreg.gather [hbm4b:s4+s2], $0x80, v4, vm0, $0xb8;
	[tilespmem:$0x10400] =	vst v63  }
0x102: {  	v3 =	vperm.xlane v3, v2  }
0x103: {  	[tilespmem:s29], [sflag:$0x1] =	stream.indirect_vreg.gather [hbm4b:s5+s2], $0x80, v4, vm0, $0xb8;
	[tilespmem:$0x10400] =	vst v63  }
0x104: {  	v3 =	vadd.s32 v1, v3  }
0x105: {  	[tilespmem:s17], [sflag:$0x1] =	stream.indirect_vreg.gather [hbm4b:s6+s2], $0x80, v4, vm0, $0xb8;
	[tilespmem:$0x10400] =	vst v63  }
0x106: {  	_ = 	snop  }
0x107: {  	[tilespmem:s18], [sflag:$0x1] =	stream.indirect_vreg.gather [hbm4b:s7+s2], $0x80, v4, vm0, $0xb8;
	[tilespmem:$0x10400] =	vst v63  }
0x108: {  	_ = 	snop  }
0x109: {  	[tilespmem:s21], [sflag:$0x1] =	stream.indirect_vreg.gather [hbm4b:s4+s2], $0x80, v3, vm0, $0xb8;
	[tilespmem:$0x10400] =	vst v63  }
0x10a: {  	s21 =	simm.s32 $0xAC00  }
0x10b: {  	[tilespmem:s21], [sflag:$0x1] =	stream.indirect_vreg.gather [hbm4b:s5+s2], $0x80, v3, vm0, $0xb8;
	[tilespmem:$0x10400] =	vst v63  }
0x10c: {  	s23 =	simm.s32 $0xB400  }
0x10d: {  	[tilespmem:s23], [sflag:$0x1] =	stream.indirect_vreg.gather [hbm4b:s6+s2], $0x80, v3, vm0, $0xb8;
	[tilespmem:$0x10400] =	vst v63  }
0x10e: {  	s28 =	simm.s32 $0xBC00  }
0x10f: {  	[tilespmem:s28], [sflag:$0x1] =	stream.indirect_vreg.gather [hbm4b:s7+s2], $0x80, v3, vm0, $0xb8;
	[tilespmem:$0x10400] =	vst v63  }
0x110: {  	v3 =	vld [tilespmem:$0x130];
	_ =	sdelay $0x4  }
0x111: {  	v43 =	vshll.u32 v3, $0x3  }
0x112: {  	v3 =	vand.u32 $0x7, v3;
	v4 =	vand.u32 $0xFFFFFFC0, v43  }
0x113: {  	v3 =	vor.u32 v3, v4  }
0x114: {  	v4 =	vperm.xlane v3, v0;
	_ =	sdelay $0x1  }
0x115: {  	v4 =	vadd.s32 v1, v4;
	_ =	sdelay $0x3  }
0x116: {  	s28 =	simm.s32 $0xC400  }
0x117: {  	[tilespmem:s28], [sflag:$0x1] =	stream.indirect_vreg.gather [hbm4b:s4+s2], $0x80, v4, vm0, $0xb8;
	[tilespmem:$0x10400] =	vst v63  }
0x118: {  	s21 =	simm.s32 $0xCC00;
	v3 =	vperm.xlane v3, v2  }
0x119: {  	[tilespmem:s21], [sflag:$0x1] =	stream.indirect_vreg.gather [hbm4b:s5+s2], $0x80, v4, vm0, $0xb8;
	[tilespmem:$0x10400] =	vst v63  }
0x11a: {  	s11 =	simm.s32 $0xD400;
	v3 =	vadd.s32 v1, v3  }
0x11b: {  	[tilespmem:s11], [sflag:$0x1] =	stream.indirect_vreg.gather [hbm4b:s6+s2], $0x80, v4, vm0, $0xb8;
	[tilespmem:$0x10400] =	vst v63  }
0x11c: {  	s12 =	simm.s32 $0xDC00  }
0x11d: {  	[tilespmem:s12], [sflag:$0x1] =	stream.indirect_vreg.gather [hbm4b:s7+s2], $0x80, v4, vm0, $0xb8;
	[tilespmem:$0x10400] =	vst v63  }
0x11e: {  	s13 =	simm.s32 $0xE400  }
0x11f: {  	[tilespmem:s13], [sflag:$0x1] =	stream.indirect_vreg.gather [hbm4b:s4+s2], $0x80, v3, vm0, $0xb8;
	[tilespmem:$0x10400] =	vst v63  }
0x120: {  	s16 =	simm.s32 $0xEC00  }
0x121: {  	[tilespmem:s16], [sflag:$0x1] =	stream.indirect_vreg.gather [hbm4b:s5+s2], $0x80, v3, vm0, $0xb8;
	[tilespmem:$0x10400] =	vst v63  }
0x122: {  	s24 =	simm.s32 $0xF400  }
0x123: {  	[tilespmem:s24], [sflag:$0x1] =	stream.indirect_vreg.gather [hbm4b:s6+s2], $0x80, v3, vm0, $0xb8;
	[tilespmem:$0x10400] =	vst v63  }
0x124: {  	s14 =	simm.s32 $0xFC00  }
0x125: {  	[tilespmem:s14], [sflag:$0x1] =	stream.indirect_vreg.gather [hbm4b:s7+s2], $0x80, v3, vm0, $0xb8;
	[tilespmem:$0x10400] =	vst v63  }
0x126: {  	_ =	swait.ge [sflag:s19], $0x10000  }
0x127: {  	[sflag:s19] =	ssyncset.done $0x0  }
0x128: {  	s24 =	rddreg [dreg:$0x5];
	[sflag:s19] =	ssyncadd.s32 $0xFFFF0000  }
0x129: {  	[hbm4b:s24+s2] =	stream.linear.scatter [tilespmem:s10], [sflag:$0x2], $0x10000, $0x38;
	[tilespmem:$0x10400] =	vst v63  }
0x12a: {  	_ =	swait.ge [sflag:s9], $0x10000  }
0x12b: {  	[sflag:s9] =	ssyncset.done $0x0  }
0x12c: {  	[sflag:s9] =	ssyncadd.s32 $0xFFFF0000  }
0x12d: {  	v3 =	vld [tilespmem:$0x180];
	_ =	sdelay $0x4  }
0x12e: {  	v44 =	vshll.u32 v3, $0x3  }
0x12f: {  	v3 =	vand.u32 $0x7, v3;
	v4 =	vand.u32 $0xFFFFFFC0, v44  }
0x130: {  	v3 =	vor.u32 v3, v4  }
0x131: {  	v4 =	vperm.xlane v3, v0;
	_ =	sdelay $0x1  }
0x132: {  	v4 =	vadd.s32 v1, v4;
	_ =	sdelay $0x4  }
0x133: {  	[tilespmem:s10], [sflag:$0x1] =	stream.indirect_vreg.gather [hbm4b:s4+s2], $0x80, v4, vm0, $0xb8;
	[tilespmem:$0x10400] =	vst v63  }
0x134: {  	s24 =	simm.s32 $0xC00;
	v3 =	vperm.xlane v3, v2  }
0x135: {  	[tilespmem:s24], [sflag:$0x1] =	stream.indirect_vreg.gather [hbm4b:s5+s2], $0x80, v4, vm0, $0xb8;
	[tilespmem:$0x10400] =	vst v63  }
0x136: {  	v3 =	vadd.s32 v1, v3;
	s24 =	simm.s32 $0x1400  }
0x137: {  	[tilespmem:s24], [sflag:$0x1] =	stream.indirect_vreg.gather [hbm4b:s6+s2], $0x80, v4, vm0, $0xb8;
	[tilespmem:$0x10400] =	vst v63  }
0x138: {  	s24 =	simm.s32 $0x1C00  }
0x139: {  	[tilespmem:s24], [sflag:$0x1] =	stream.indirect_vreg.gather [hbm4b:s7+s2], $0x80, v4, vm0, $0xb8;
	[tilespmem:$0x10400] =	vst v63  }
0x13a: {  	s24 =	simm.s32 $0x2400  }
0x13b: {  	[tilespmem:s24], [sflag:$0x1] =	stream.indirect_vreg.gather [hbm4b:s4+s2], $0x80, v3, vm0, $0xb8;
	[tilespmem:$0x10400] =	vst v63  }
0x13c: {  	s24 =	simm.s32 $0x2C00  }
0x13d: {  	[tilespmem:s24], [sflag:$0x1] =	stream.indirect_vreg.gather [hbm4b:s5+s2], $0x80, v3, vm0, $0xb8;
	[tilespmem:$0x10400] =	vst v63  }
0x13e: {  	s24 =	simm.s32 $0x3400  }
0x13f: {  	[tilespmem:s24], [sflag:$0x1] =	stream.indirect_vreg.gather [hbm4b:s6+s2], $0x80, v3, vm0, $0xb8;
	[tilespmem:$0x10400] =	vst v63  }
0x140: {  	s24 =	simm.s32 $0x3C00  }
0x141: {  	[tilespmem:s24], [sflag:$0x1] =	stream.indirect_vreg.gather [hbm4b:s7+s2], $0x80, v3, vm0, $0xb8;
	[tilespmem:$0x10400] =	vst v63  }
0x142: {  	v3 =	vld [tilespmem:$0x190];
	_ =	sdelay $0x4  }
0x143: {  	v45 =	vshll.u32 v3, $0x3  }
0x144: {  	v3 =	vand.u32 $0x7, v3;
	v4 =	vand.u32 $0xFFFFFFC0, v45  }
0x145: {  	v3 =	vor.u32 v3, v4  }
0x146: {  	v4 =	vperm.xlane v3, v0;
	_ =	sdelay $0x1  }
0x147: {  	v4 =	vadd.s32 v1, v4;
	_ =	sdelay $0x3  }
0x148: {  	s30 =	simm.s32 $0x4400  }
0x149: {  	[tilespmem:s30], [sflag:$0x1] =	stream.indirect_vreg.gather [hbm4b:s4+s2], $0x80, v4, vm0, $0xb8;
	[tilespmem:$0x10400] =	vst v63  }
0x14a: {  	s24 =	simm.s32 $0x4C00;
	v3 =	vperm.xlane v3, v2  }
0x14b: {  	[tilespmem:s24], [sflag:$0x1] =	stream.indirect_vreg.gather [hbm4b:s5+s2], $0x80, v4, vm0, $0xb8;
	[tilespmem:$0x10400] =	vst v63  }
0x14c: {  	v3 =	vadd.s32 v1, v3;
	s24 =	simm.s32 $0x5400  }
0x14d: {  	[tilespmem:s24], [sflag:$0x1] =	stream.indirect_vreg.gather [hbm4b:s6+s2], $0x80, v4, vm0, $0xb8;
	[tilespmem:$0x10400] =	vst v63  }
0x14e: {  	s1 =	simm.s32 $0x5C00  }
0x14f: {  	[tilespmem:s1], [sflag:$0x1] =	stream.indirect_vreg.gather [hbm4b:s7+s2], $0x80, v4, vm0, $0xb8;
	[tilespmem:$0x10400] =	vst v63  }
0x150: {  	s31 =	simm.s32 $0x6400  }
0x151: {  	[tilespmem:s31], [sflag:$0x1] =	stream.indirect_vreg.gather [hbm4b:s4+s2], $0x80, v3, vm0, $0xb8;
	[tilespmem:$0x10400] =	vst v63  }
0x152: {  	s3 =	simm.s32 $0x6C00  }
0x153: {  	[tilespmem:s3], [sflag:$0x1] =	stream.indirect_vreg.gather [hbm4b:s5+s2], $0x80, v3, vm0, $0xb8;
	[tilespmem:$0x10400] =	vst v63  }
0x154: {  	s0 =	simm.s32 $0x7400  }
0x155: {  	[tilespmem:s0], [sflag:$0x1] =	stream.indirect_vreg.gather [hbm4b:s6+s2], $0x80, v3, vm0, $0xb8;
	[tilespmem:$0x10400] =	vst v63  }
0x156: {  	s20 =	simm.s32 $0x7C00  }
0x157: {  	[tilespmem:s20], [sflag:$0x1] =	stream.indirect_vreg.gather [hbm4b:s7+s2], $0x80, v3, vm0, $0xb8;
	[tilespmem:$0x10400] =	vst v63  }
0x158: {  	v3 =	vld [tilespmem:$0x1A0];
	_ =	sdelay $0x4  }
0x159: {  	v46 =	vshll.u32 v3, $0x3  }
0x15a: {  	v3 =	vand.u32 $0x7, v3;
	v4 =	vand.u32 $0xFFFFFFC0, v46  }
0x15b: {  	v3 =	vor.u32 v3, v4  }
0x15c: {  	v4 =	vperm.xlane v3, v0;
	_ =	sdelay $0x1  }
0x15d: {  	v4 =	vadd.s32 v1, v4;
	_ =	sdelay $0x3  }
0x15e: {  	s26 =	simm.s32 $0x8400  }
0x15f: {  	[tilespmem:s26], [sflag:$0x1] =	stream.indirect_vreg.gather [hbm4b:s4+s2], $0x80, v4, vm0, $0xb8;
	[tilespmem:$0x10400] =	vst v63  }
0x160: {  	s25 =	simm.s32 $0x8C00;
	v3 =	vperm.xlane v3, v2  }
0x161: {  	[tilespmem:s25], [sflag:$0x1] =	stream.indirect_vreg.gather [hbm4b:s5+s2], $0x80, v4, vm0, $0xb8;
	[tilespmem:$0x10400] =	vst v63  }
0x162: {  	s8 =	simm.s32 $0x9400;
	v3 =	vadd.s32 v1, v3  }
0x163: {  	[tilespmem:s8], [sflag:$0x1] =	stream.indirect_vreg.gather [hbm4b:s6+s2], $0x80, v4, vm0, $0xb8;
	[tilespmem:$0x10400] =	vst v63  }
0x164: {  	s17 =	simm.s32 $0x9C00  }
0x165: {  	[tilespmem:s17], [sflag:$0x1] =	stream.indirect_vreg.gather [hbm4b:s7+s2], $0x80, v4, vm0, $0xb8;
	[tilespmem:$0x10400] =	vst v63  }
0x166: {  	s22 =	simm.s32 $0xA400  }
0x167: {  	[tilespmem:s22], [sflag:$0x1] =	stream.indirect_vreg.gather [hbm4b:s4+s2], $0x80, v3, vm0, $0xb8;
	[tilespmem:$0x10400] =	vst v63  }
0x168: {  	s29 =	simm.s32 $0xAC00  }
0x169: {  	[tilespmem:s29], [sflag:$0x1] =	stream.indirect_vreg.gather [hbm4b:s5+s2], $0x80, v3, vm0, $0xb8;
	[tilespmem:$0x10400] =	vst v63  }
0x16a: {  	s18 =	simm.s32 $0xB400  }
0x16b: {  	[tilespmem:s18], [sflag:$0x1] =	stream.indirect_vreg.gather [hbm4b:s6+s2], $0x80, v3, vm0, $0xb8;
	[tilespmem:$0x10400] =	vst v63  }
0x16c: {  	s23 =	simm.s32 $0xBC00  }
0x16d: {  	[tilespmem:s23], [sflag:$0x1] =	stream.indirect_vreg.gather [hbm4b:s7+s2], $0x80, v3, vm0, $0xb8;
	[tilespmem:$0x10400] =	vst v63  }
0x16e: {  	v3 =	vld [tilespmem:$0x1B0];
	_ =	sdelay $0x4  }
0x16f: {  	v47 =	vshll.u32 v3, $0x3  }
0x170: {  	v3 =	vand.u32 $0x7, v3;
	v4 =	vand.u32 $0xFFFFFFC0, v47  }
0x171: {  	v3 =	vor.u32 v3, v4  }
0x172: {  	v4 =	vperm.xlane v3, v0;
	_ =	sdelay $0x1  }
0x173: {  	v4 =	vadd.s32 v1, v4;
	_ =	sdelay $0x3  }
0x174: {  	s28 =	simm.s32 $0xC400  }
0x175: {  	[tilespmem:s28], [sflag:$0x1] =	stream.indirect_vreg.gather [hbm4b:s4+s2], $0x80, v4, vm0, $0xb8;
	[tilespmem:$0x10400] =	vst v63  }
0x176: {  	s20 =	simm.s32 $0xCC00;
	v3 =	vperm.xlane v3, v2  }
0x177: {  	[tilespmem:s20], [sflag:$0x1] =	stream.indirect_vreg.gather [hbm4b:s5+s2], $0x80, v4, vm0, $0xb8;
	[tilespmem:$0x10400] =	vst v63  }
0x178: {  	s11 =	simm.s32 $0xD400;
	v3 =	vadd.s32 v1, v3  }
0x179: {  	[tilespmem:s11], [sflag:$0x1] =	stream.indirect_vreg.gather [hbm4b:s6+s2], $0x80, v4, vm0, $0xb8;
	[tilespmem:$0x10400] =	vst v63  }
0x17a: {  	s12 =	simm.s32 $0xDC00  }
0x17b: {  	[tilespmem:s12], [sflag:$0x1] =	stream.indirect_vreg.gather [hbm4b:s7+s2], $0x80, v4, vm0, $0xb8;
	[tilespmem:$0x10400] =	vst v63  }
0x17c: {  	s13 =	simm.s32 $0xE400  }
0x17d: {  	[tilespmem:s13], [sflag:$0x1] =	stream.indirect_vreg.gather [hbm4b:s4+s2], $0x80, v3, vm0, $0xb8;
	[tilespmem:$0x10400] =	vst v63  }
0x17e: {  	s16 =	simm.s32 $0xEC00  }
0x17f: {  	[tilespmem:s16], [sflag:$0x1] =	stream.indirect_vreg.gather [hbm4b:s5+s2], $0x80, v3, vm0, $0xb8;
	[tilespmem:$0x10400] =	vst v63  }
0x180: {  	s21 =	simm.s32 $0xF400  }
0x181: {  	[tilespmem:s21], [sflag:$0x1] =	stream.indirect_vreg.gather [hbm4b:s6+s2], $0x80, v3, vm0, $0xb8;
	[tilespmem:$0x10400] =	vst v63  }
0x182: {  	s14 =	simm.s32 $0xFC00  }
0x183: {  	[tilespmem:s14], [sflag:$0x1] =	stream.indirect_vreg.gather [hbm4b:s7+s2], $0x80, v3, vm0, $0xb8;
	[tilespmem:$0x10400] =	vst v63  }
0x184: {  	_ =	swait.ge [sflag:s19], $0x10000  }
0x185: {  	[sflag:s19] =	ssyncset.done $0x0  }
0x186: {  	s21 =	rddreg [dreg:$0x6];
	[sflag:s19] =	ssyncadd.s32 $0xFFFF0000  }
0x187: {  	[hbm4b:s21+s2] =	stream.linear.scatter [tilespmem:s10], [sflag:$0x2], $0x10000, $0x38;
	[tilespmem:$0x10400] =	vst v63  }
0x188: {  	_ =	swait.ge [sflag:s9], $0x10000  }
0x189: {  	[sflag:s9] =	ssyncset.done $0x0  }
0x18a: {  	[sflag:s9] =	ssyncadd.s32 $0xFFFF0000  }
0x18b: {  	v3 =	vld [tilespmem:$0x200];
	_ =	sdelay $0x4  }
0x18c: {  	v48 =	vshll.u32 v3, $0x3  }
0x18d: {  	v3 =	vand.u32 $0x7, v3;
	v4 =	vand.u32 $0xFFFFFFC0, v48  }
0x18e: {  	v3 =	vor.u32 v3, v4  }
0x18f: {  	v4 =	vperm.xlane v3, v0;
	_ =	sdelay $0x1  }
0x190: {  	v4 =	vadd.s32 v1, v4;
	_ =	sdelay $0x4  }
0x191: {  	[tilespmem:s10], [sflag:$0x1] =	stream.indirect_vreg.gather [hbm4b:s4+s2], $0x80, v4, vm0, $0xb8;
	[tilespmem:$0x10400] =	vst v63  }
0x192: {  	s21 =	simm.s32 $0xC00;
	v3 =	vperm.xlane v3, v2  }
0x193: {  	[tilespmem:s21], [sflag:$0x1] =	stream.indirect_vreg.gather [hbm4b:s5+s2], $0x80, v4, vm0, $0xb8;
	[tilespmem:$0x10400] =	vst v63  }
0x194: {  	v3 =	vadd.s32 v1, v3;
	s21 =	simm.s32 $0x1400  }
0x195: {  	[tilespmem:s21], [sflag:$0x1] =	stream.indirect_vreg.gather [hbm4b:s6+s2], $0x80, v4, vm0, $0xb8;
	[tilespmem:$0x10400] =	vst v63  }
0x196: {  	s21 =	simm.s32 $0x1C00  }
0x197: {  	[tilespmem:s21], [sflag:$0x1] =	stream.indirect_vreg.gather [hbm4b:s7+s2], $0x80, v4, vm0, $0xb8;
	[tilespmem:$0x10400] =	vst v63  }
0x198: {  	s21 =	simm.s32 $0x2400  }
0x199: {  	[tilespmem:s21], [sflag:$0x1] =	stream.indirect_vreg.gather [hbm4b:s4+s2], $0x80, v3, vm0, $0xb8;
	[tilespmem:$0x10400] =	vst v63  }
0x19a: {  	s21 =	simm.s32 $0x2C00  }
0x19b: {  	[tilespmem:s21], [sflag:$0x1] =	stream.indirect_vreg.gather [hbm4b:s5+s2], $0x80, v3, vm0, $0xb8;
	[tilespmem:$0x10400] =	vst v63  }
0x19c: {  	s21 =	simm.s32 $0x3400  }
0x19d: {  	[tilespmem:s21], [sflag:$0x1] =	stream.indirect_vreg.gather [hbm4b:s6+s2], $0x80, v3, vm0, $0xb8;
	[tilespmem:$0x10400] =	vst v63  }
0x19e: {  	s21 =	simm.s32 $0x3C00  }
0x19f: {  	[tilespmem:s21], [sflag:$0x1] =	stream.indirect_vreg.gather [hbm4b:s7+s2], $0x80, v3, vm0, $0xb8;
	[tilespmem:$0x10400] =	vst v63  }
0x1a0: {  	v3 =	vld [tilespmem:$0x210];
	_ =	sdelay $0x4  }
0x1a1: {  	v49 =	vshll.u32 v3, $0x3  }
0x1a2: {  	v3 =	vand.u32 $0x7, v3;
	v4 =	vand.u32 $0xFFFFFFC0, v49  }
0x1a3: {  	v3 =	vor.u32 v3, v4  }
0x1a4: {  	v4 =	vperm.xlane v3, v0;
	_ =	sdelay $0x1  }
0x1a5: {  	v4 =	vadd.s32 v1, v4;
	_ =	sdelay $0x3  }
0x1a6: {  	s30 =	simm.s32 $0x4400  }
0x1a7: {  	[tilespmem:s30], [sflag:$0x1] =	stream.indirect_vreg.gather [hbm4b:s4+s2], $0x80, v4, vm0, $0xb8;
	[tilespmem:$0x10400] =	vst v63  }
0x1a8: {  	v3 =	vperm.xlane v3, v2;
	s30 =	simm.s32 $0x4C00  }
0x1a9: {  	[tilespmem:s30], [sflag:$0x1] =	stream.indirect_vreg.gather [hbm4b:s5+s2], $0x80, v4, vm0, $0xb8;
	[tilespmem:$0x10400] =	vst v63  }
0x1aa: {  	s21 =	simm.s32 $0x5400;
	v3 =	vadd.s32 v1, v3  }
0x1ab: {  	[tilespmem:s21], [sflag:$0x1] =	stream.indirect_vreg.gather [hbm4b:s6+s2], $0x80, v4, vm0, $0xb8;
	[tilespmem:$0x10400] =	vst v63  }
0x1ac: {  	s1 =	simm.s32 $0x5C00  }
0x1ad: {  	[tilespmem:s1], [sflag:$0x1] =	stream.indirect_vreg.gather [hbm4b:s7+s2], $0x80, v4, vm0, $0xb8;
	[tilespmem:$0x10400] =	vst v63  }
0x1ae: {  	s31 =	simm.s32 $0x6400  }
0x1af: {  	[tilespmem:s31], [sflag:$0x1] =	stream.indirect_vreg.gather [hbm4b:s4+s2], $0x80, v3, vm0, $0xb8;
	[tilespmem:$0x10400] =	vst v63  }
0x1b0: {  	s24 =	simm.s32 $0x6C00  }
0x1b1: {  	[tilespmem:s24], [sflag:$0x1] =	stream.indirect_vreg.gather [hbm4b:s5+s2], $0x80, v3, vm0, $0xb8;
	[tilespmem:$0x10400] =	vst v63  }
0x1b2: {  	s0 =	simm.s32 $0x7400  }
0x1b3: {  	[tilespmem:s0], [sflag:$0x1] =	stream.indirect_vreg.gather [hbm4b:s6+s2], $0x80, v3, vm0, $0xb8;
	[tilespmem:$0x10400] =	vst v63  }
0x1b4: {  	s24 =	simm.s32 $0x7C00  }
0x1b5: {  	[tilespmem:s24], [sflag:$0x1] =	stream.indirect_vreg.gather [hbm4b:s7+s2], $0x80, v3, vm0, $0xb8;
	[tilespmem:$0x10400] =	vst v63  }
0x1b6: {  	v3 =	vld [tilespmem:$0x220];
	_ =	sdelay $0x4  }
0x1b7: {  	v50 =	vshll.u32 v3, $0x3  }
0x1b8: {  	v3 =	vand.u32 $0x7, v3;
	v4 =	vand.u32 $0xFFFFFFC0, v50  }
0x1b9: {  	v3 =	vor.u32 v3, v4  }
0x1ba: {  	v4 =	vperm.xlane v3, v0;
	_ =	sdelay $0x1  }
0x1bb: {  	v4 =	vadd.s32 v1, v4;
	_ =	sdelay $0x3  }
0x1bc: {  	s26 =	simm.s32 $0x8400  }
0x1bd: {  	[tilespmem:s26], [sflag:$0x1] =	stream.indirect_vreg.gather [hbm4b:s4+s2], $0x80, v4, vm0, $0xb8;
	[tilespmem:$0x10400] =	vst v63  }
0x1be: {  	s25 =	simm.s32 $0x8C00;
	v3 =	vperm.xlane v3, v2  }
0x1bf: {  	[tilespmem:s25], [sflag:$0x1] =	stream.indirect_vreg.gather [hbm4b:s5+s2], $0x80, v4, vm0, $0xb8;
	[tilespmem:$0x10400] =	vst v63  }
0x1c0: {  	s3 =	simm.s32 $0x9400;
	v3 =	vadd.s32 v1, v3  }
0x1c1: {  	[tilespmem:s3], [sflag:$0x1] =	stream.indirect_vreg.gather [hbm4b:s6+s2], $0x80, v4, vm0, $0xb8;
	[tilespmem:$0x10400] =	vst v63  }
0x1c2: {  	s8 =	simm.s32 $0x9C00  }
0x1c3: {  	[tilespmem:s8], [sflag:$0x1] =	stream.indirect_vreg.gather [hbm4b:s7+s2], $0x80, v4, vm0, $0xb8;
	[tilespmem:$0x10400] =	vst v63  }
0x1c4: {  	s24 =	simm.s32 $0xA400  }
0x1c5: {  	[tilespmem:s24], [sflag:$0x1] =	stream.indirect_vreg.gather [hbm4b:s4+s2], $0x80, v3, vm0, $0xb8;
	[tilespmem:$0x10400] =	vst v63  }
0x1c6: {  	s22 =	simm.s32 $0xAC00  }
0x1c7: {  	[tilespmem:s22], [sflag:$0x1] =	stream.indirect_vreg.gather [hbm4b:s5+s2], $0x80, v3, vm0, $0xb8;
	[tilespmem:$0x10400] =	vst v63  }
0x1c8: {  	s17 =	simm.s32 $0xB400  }
0x1c9: {  	[tilespmem:s17], [sflag:$0x1] =	stream.indirect_vreg.gather [hbm4b:s6+s2], $0x80, v3, vm0, $0xb8;
	[tilespmem:$0x10400] =	vst v63  }
0x1ca: {  	s23 =	simm.s32 $0xBC00  }
0x1cb: {  	[tilespmem:s23], [sflag:$0x1] =	stream.indirect_vreg.gather [hbm4b:s7+s2], $0x80, v3, vm0, $0xb8;
	[tilespmem:$0x10400] =	vst v63  }
0x1cc: {  	v3 =	vld [tilespmem:$0x230];
	_ =	sdelay $0x4  }
0x1cd: {  	v51 =	vshll.u32 v3, $0x3  }
0x1ce: {  	v3 =	vand.u32 $0x7, v3;
	v4 =	vand.u32 $0xFFFFFFC0, v51  }
0x1cf: {  	v3 =	vor.u32 v3, v4  }
0x1d0: {  	v4 =	vperm.xlane v3, v0;
	_ =	sdelay $0x1  }
0x1d1: {  	v4 =	vadd.s32 v1, v4;
	_ =	sdelay $0x3  }
0x1d2: {  	s28 =	simm.s32 $0xC400  }
0x1d3: {  	[tilespmem:s28], [sflag:$0x1] =	stream.indirect_vreg.gather [hbm4b:s4+s2], $0x80, v4, vm0, $0xb8;
	[tilespmem:$0x10400] =	vst v63  }
0x1d4: {  	s29 =	simm.s32 $0xCC00;
	v3 =	vperm.xlane v3, v2  }
0x1d5: {  	[tilespmem:s29], [sflag:$0x1] =	stream.indirect_vreg.gather [hbm4b:s5+s2], $0x80, v4, vm0, $0xb8;
	[tilespmem:$0x10400] =	vst v63  }
0x1d6: {  	s18 =	simm.s32 $0xD400;
	v3 =	vadd.s32 v1, v3  }
0x1d7: {  	[tilespmem:s18], [sflag:$0x1] =	stream.indirect_vreg.gather [hbm4b:s6+s2], $0x80, v4, vm0, $0xb8;
	[tilespmem:$0x10400] =	vst v63  }
0x1d8: {  	s11 =	simm.s32 $0xDC00  }
0x1d9: {  	[tilespmem:s11], [sflag:$0x1] =	stream.indirect_vreg.gather [hbm4b:s7+s2], $0x80, v4, vm0, $0xb8;
	[tilespmem:$0x10400] =	vst v63  }
0x1da: {  	s12 =	simm.s32 $0xE400  }
0x1db: {  	[tilespmem:s12], [sflag:$0x1] =	stream.indirect_vreg.gather [hbm4b:s4+s2], $0x80, v3, vm0, $0xb8;
	[tilespmem:$0x10400] =	vst v63  }
0x1dc: {  	s13 =	simm.s32 $0xEC00  }
0x1dd: {  	[tilespmem:s13], [sflag:$0x1] =	stream.indirect_vreg.gather [hbm4b:s5+s2], $0x80, v3, vm0, $0xb8;
	[tilespmem:$0x10400] =	vst v63  }
0x1de: {  	s16 =	simm.s32 $0xF400  }
0x1df: {  	[tilespmem:s16], [sflag:$0x1] =	stream.indirect_vreg.gather [hbm4b:s6+s2], $0x80, v3, vm0, $0xb8;
	[tilespmem:$0x10400] =	vst v63  }
0x1e0: {  	s14 =	simm.s32 $0xFC00  }
0x1e1: {  	[tilespmem:s14], [sflag:$0x1] =	stream.indirect_vreg.gather [hbm4b:s7+s2], $0x80, v3, vm0, $0xb8;
	[tilespmem:$0x10400] =	vst v63  }
0x1e2: {  	_ =	swait.ge [sflag:s19], $0x10000  }
0x1e3: {  	[sflag:s19] =	ssyncset.done $0x0  }
0x1e4: {  	s16 =	rddreg [dreg:$0x7];
	[sflag:s19] =	ssyncadd.s32 $0xFFFF0000  }
0x1e5: {  	[hbm4b:s16+s2] =	stream.linear.scatter [tilespmem:s10], [sflag:$0x2], $0x10000, $0x38;
	[tilespmem:$0x10400] =	vst v63  }
0x1e6: {  	_ =	swait.ge [sflag:s9], $0x10000  }
0x1e7: {  	[sflag:s9] =	ssyncset.done $0x0  }
0x1e8: {  	[sflag:s9] =	ssyncadd.s32 $0xFFFF0000  }
0x1e9: {  	v3 =	vld [tilespmem:$0x280];
	_ =	sdelay $0x4  }
0x1ea: {  	v52 =	vshll.u32 v3, $0x3  }
0x1eb: {  	v3 =	vand.u32 $0x7, v3;
	v4 =	vand.u32 $0xFFFFFFC0, v52  }
0x1ec: {  	v3 =	vor.u32 v3, v4  }
0x1ed: {  	v4 =	vperm.xlane v3, v0;
	_ =	sdelay $0x1  }
0x1ee: {  	v4 =	vadd.s32 v1, v4;
	_ =	sdelay $0x4  }
0x1ef: {  	[tilespmem:s10], [sflag:$0x1] =	stream.indirect_vreg.gather [hbm4b:s4+s2], $0x80, v4, vm0, $0xb8;
	[tilespmem:$0x10400] =	vst v63  }
0x1f0: {  	s20 =	simm.s32 $0xC00;
	v3 =	vperm.xlane v3, v2  }
0x1f1: {  	[tilespmem:s20], [sflag:$0x1] =	stream.indirect_vreg.gather [hbm4b:s5+s2], $0x80, v4, vm0, $0xb8;
	[tilespmem:$0x10400] =	vst v63  }
0x1f2: {  	v3 =	vadd.s32 v1, v3;
	s20 =	simm.s32 $0x1400  }
0x1f3: {  	[tilespmem:s20], [sflag:$0x1] =	stream.indirect_vreg.gather [hbm4b:s6+s2], $0x80, v4, vm0, $0xb8;
	[tilespmem:$0x10400] =	vst v63  }
0x1f4: {  	s20 =	simm.s32 $0x1C00  }
0x1f5: {  	[tilespmem:s20], [sflag:$0x1] =	stream.indirect_vreg.gather [hbm4b:s7+s2], $0x80, v4, vm0, $0xb8;
	[tilespmem:$0x10400] =	vst v63  }
0x1f6: {  	s20 =	simm.s32 $0x2400  }
0x1f7: {  	[tilespmem:s20], [sflag:$0x1] =	stream.indirect_vreg.gather [hbm4b:s4+s2], $0x80, v3, vm0, $0xb8;
	[tilespmem:$0x10400] =	vst v63  }
0x1f8: {  	s20 =	simm.s32 $0x2C00  }
0x1f9: {  	[tilespmem:s20], [sflag:$0x1] =	stream.indirect_vreg.gather [hbm4b:s5+s2], $0x80, v3, vm0, $0xb8;
	[tilespmem:$0x10400] =	vst v63  }
0x1fa: {  	s20 =	simm.s32 $0x3400  }
0x1fb: {  	[tilespmem:s20], [sflag:$0x1] =	stream.indirect_vreg.gather [hbm4b:s6+s2], $0x80, v3, vm0, $0xb8;
	[tilespmem:$0x10400] =	vst v63  }
0x1fc: {  	s20 =	simm.s32 $0x3C00  }
0x1fd: {  	[tilespmem:s20], [sflag:$0x1] =	stream.indirect_vreg.gather [hbm4b:s7+s2], $0x80, v3, vm0, $0xb8;
	[tilespmem:$0x10400] =	vst v63  }
0x1fe: {  	v3 =	vld [tilespmem:$0x290];
	_ =	sdelay $0x4  }
0x1ff: {  	v53 =	vshll.u32 v3, $0x3  }
0x200: {  	v3 =	vand.u32 $0x7, v3;
	v4 =	vand.u32 $0xFFFFFFC0, v53  }
0x201: {  	v3 =	vor.u32 v3, v4  }
0x202: {  	v4 =	vperm.xlane v3, v0;
	_ =	sdelay $0x1  }
0x203: {  	v4 =	vadd.s32 v1, v4;
	_ =	sdelay $0x3  }
0x204: {  	s20 =	simm.s32 $0x4400  }
0x205: {  	[tilespmem:s20], [sflag:$0x1] =	stream.indirect_vreg.gather [hbm4b:s4+s2], $0x80, v4, vm0, $0xb8;
	[tilespmem:$0x10400] =	vst v63  }
0x206: {  	v3 =	vperm.xlane v3, v2;
	s20 =	simm.s32 $0x4C00  }
0x207: {  	[tilespmem:s20], [sflag:$0x1] =	stream.indirect_vreg.gather [hbm4b:s5+s2], $0x80, v4, vm0, $0xb8;
	[tilespmem:$0x10400] =	vst v63  }
0x208: {  	s30 =	simm.s32 $0x5400;
	v3 =	vadd.s32 v1, v3  }
0x209: {  	[tilespmem:s30], [sflag:$0x1] =	stream.indirect_vreg.gather [hbm4b:s6+s2], $0x80, v4, vm0, $0xb8;
	[tilespmem:$0x10400] =	vst v63  }
0x20a: {  	s1 =	simm.s32 $0x5C00  }
0x20b: {  	[tilespmem:s1], [sflag:$0x1] =	stream.indirect_vreg.gather [hbm4b:s7+s2], $0x80, v4, vm0, $0xb8;
	[tilespmem:$0x10400] =	vst v63  }
0x20c: {  	s31 =	simm.s32 $0x6400  }
0x20d: {  	[tilespmem:s31], [sflag:$0x1] =	stream.indirect_vreg.gather [hbm4b:s4+s2], $0x80, v3, vm0, $0xb8;
	[tilespmem:$0x10400] =	vst v63  }
0x20e: {  	s21 =	simm.s32 $0x6C00  }
0x20f: {  	[tilespmem:s21], [sflag:$0x1] =	stream.indirect_vreg.gather [hbm4b:s5+s2], $0x80, v3, vm0, $0xb8;
	[tilespmem:$0x10400] =	vst v63  }
0x210: {  	s0 =	simm.s32 $0x7400  }
0x211: {  	[tilespmem:s0], [sflag:$0x1] =	stream.indirect_vreg.gather [hbm4b:s6+s2], $0x80, v3, vm0, $0xb8;
	[tilespmem:$0x10400] =	vst v63  }
0x212: {  	s30 =	simm.s32 $0x7C00  }
0x213: {  	[tilespmem:s30], [sflag:$0x1] =	stream.indirect_vreg.gather [hbm4b:s7+s2], $0x80, v3, vm0, $0xb8;
	[tilespmem:$0x10400] =	vst v63  }
0x214: {  	v3 =	vld [tilespmem:$0x2A0];
	_ =	sdelay $0x4  }
0x215: {  	v54 =	vshll.u32 v3, $0x3  }
0x216: {  	v3 =	vand.u32 $0x7, v3;
	v4 =	vand.u32 $0xFFFFFFC0, v54  }
0x217: {  	v3 =	vor.u32 v3, v4  }
0x218: {  	v4 =	vperm.xlane v3, v0;
	_ =	sdelay $0x1  }
0x219: {  	v4 =	vadd.s32 v1, v4;
	_ =	sdelay $0x3  }
0x21a: {  	s26 =	simm.s32 $0x8400  }
0x21b: {  	[tilespmem:s26], [sflag:$0x1] =	stream.indirect_vreg.gather [hbm4b:s4+s2], $0x80, v4, vm0, $0xb8;
	[tilespmem:$0x10400] =	vst v63  }
0x21c: {  	s25 =	simm.s32 $0x8C00;
	v3 =	vperm.xlane v3, v2  }
0x21d: {  	[tilespmem:s25], [sflag:$0x1] =	stream.indirect_vreg.gather [hbm4b:s5+s2], $0x80, v4, vm0, $0xb8;
	[tilespmem:$0x10400] =	vst v63  }
0x21e: {  	s3 =	simm.s32 $0x9400;
	v3 =	vadd.s32 v1, v3  }
0x21f: {  	[tilespmem:s3], [sflag:$0x1] =	stream.indirect_vreg.gather [hbm4b:s6+s2], $0x80, v4, vm0, $0xb8;
	[tilespmem:$0x10400] =	vst v63  }
0x220: {  	s8 =	simm.s32 $0x9C00  }
0x221: {  	[tilespmem:s8], [sflag:$0x1] =	stream.indirect_vreg.gather [hbm4b:s7+s2], $0x80, v4, vm0, $0xb8;
	[tilespmem:$0x10400] =	vst v63  }
0x222: {  	s24 =	simm.s32 $0xA400  }
0x223: {  	[tilespmem:s24], [sflag:$0x1] =	stream.indirect_vreg.gather [hbm4b:s4+s2], $0x80, v3, vm0, $0xb8;
	[tilespmem:$0x10400] =	vst v63  }
0x224: {  	s22 =	simm.s32 $0xAC00  }
0x225: {  	[tilespmem:s22], [sflag:$0x1] =	stream.indirect_vreg.gather [hbm4b:s5+s2], $0x80, v3, vm0, $0xb8;
	[tilespmem:$0x10400] =	vst v63  }
0x226: {  	s17 =	simm.s32 $0xB400  }
0x227: {  	[tilespmem:s17], [sflag:$0x1] =	stream.indirect_vreg.gather [hbm4b:s6+s2], $0x80, v3, vm0, $0xb8;
	[tilespmem:$0x10400] =	vst v63  }
0x228: {  	s31 =	simm.s32 $0xBC00  }
0x229: {  	[tilespmem:s31], [sflag:$0x1] =	stream.indirect_vreg.gather [hbm4b:s7+s2], $0x80, v3, vm0, $0xb8;
	[tilespmem:$0x10400] =	vst v63  }
0x22a: {  	v3 =	vld [tilespmem:$0x2B0];
	_ =	sdelay $0x4  }
0x22b: {  	v55 =	vshll.u32 v3, $0x3  }
0x22c: {  	v3 =	vand.u32 $0x7, v3;
	v4 =	vand.u32 $0xFFFFFFC0, v55  }
0x22d: {  	v3 =	vor.u32 v3, v4  }
0x22e: {  	v4 =	vperm.xlane v3, v0;
	_ =	sdelay $0x1  }
0x22f: {  	v4 =	vadd.s32 v1, v4;
	_ =	sdelay $0x3  }
0x230: {  	s28 =	simm.s32 $0xC400  }
0x231: {  	[tilespmem:s28], [sflag:$0x1] =	stream.indirect_vreg.gather [hbm4b:s4+s2], $0x80, v4, vm0, $0xb8;
	[tilespmem:$0x10400] =	vst v63  }
0x232: {  	s29 =	simm.s32 $0xCC00;
	v3 =	vperm.xlane v3, v2  }
0x233: {  	[tilespmem:s29], [sflag:$0x1] =	stream.indirect_vreg.gather [hbm4b:s5+s2], $0x80, v4, vm0, $0xb8;
	[tilespmem:$0x10400] =	vst v63  }
0x234: {  	s18 =	simm.s32 $0xD400;
	v3 =	vadd.s32 v1, v3  }
0x235: {  	[tilespmem:s18], [sflag:$0x1] =	stream.indirect_vreg.gather [hbm4b:s6+s2], $0x80, v4, vm0, $0xb8;
	[tilespmem:$0x10400] =	vst v63  }
0x236: {  	s23 =	simm.s32 $0xDC00  }
0x237: {  	[tilespmem:s23], [sflag:$0x1] =	stream.indirect_vreg.gather [hbm4b:s7+s2], $0x80, v4, vm0, $0xb8;
	[tilespmem:$0x10400] =	vst v63  }
0x238: {  	s11 =	simm.s32 $0xE400  }
0x239: {  	[tilespmem:s11], [sflag:$0x1] =	stream.indirect_vreg.gather [hbm4b:s4+s2], $0x80, v3, vm0, $0xb8;
	[tilespmem:$0x10400] =	vst v63  }
0x23a: {  	s12 =	simm.s32 $0xEC00  }
0x23b: {  	[tilespmem:s12], [sflag:$0x1] =	stream.indirect_vreg.gather [hbm4b:s5+s2], $0x80, v3, vm0, $0xb8;
	[tilespmem:$0x10400] =	vst v63  }
0x23c: {  	s13 =	simm.s32 $0xF400  }
0x23d: {  	[tilespmem:s13], [sflag:$0x1] =	stream.indirect_vreg.gather [hbm4b:s6+s2], $0x80, v3, vm0, $0xb8;
	[tilespmem:$0x10400] =	vst v63  }
0x23e: {  	s14 =	simm.s32 $0xFC00  }
0x23f: {  	[tilespmem:s14], [sflag:$0x1] =	stream.indirect_vreg.gather [hbm4b:s7+s2], $0x80, v3, vm0, $0xb8;
	[tilespmem:$0x10400] =	vst v63  }
0x240: {  	_ =	swait.ge [sflag:s19], $0x10000  }
0x241: {  	[sflag:s19] =	ssyncset.done $0x0  }
0x242: {  	s17 =	rddreg [dreg:$0x8];
	[sflag:s19] =	ssyncadd.s32 $0xFFFF0000  }
0x243: {  	[hbm4b:s17+s2] =	stream.linear.scatter [tilespmem:s10], [sflag:$0x2], $0x10000, $0x38;
	[tilespmem:$0x10400] =	vst v63  }
0x244: {  	_ =	swait.ge [sflag:s9], $0x10000  }
0x245: {  	[sflag:s9] =	ssyncset.done $0x0  }
0x246: {  	[sflag:s9] =	ssyncadd.s32 $0xFFFF0000  }
0x247: {  	v3 =	vld [tilespmem:$0x300];
	_ =	sdelay $0x4  }
0x248: {  	v56 =	vshll.u32 v3, $0x3  }
0x249: {  	v3 =	vand.u32 $0x7, v3;
	v4 =	vand.u32 $0xFFFFFFC0, v56  }
0x24a: {  	v3 =	vor.u32 v3, v4  }
0x24b: {  	v4 =	vperm.xlane v3, v0;
	_ =	sdelay $0x1  }
0x24c: {  	v4 =	vadd.s32 v1, v4;
	_ =	sdelay $0x4  }
0x24d: {  	[tilespmem:s10], [sflag:$0x1] =	stream.indirect_vreg.gather [hbm4b:s4+s2], $0x80, v4, vm0, $0xb8;
	[tilespmem:$0x10400] =	vst v63  }
0x24e: {  	s22 =	simm.s32 $0xC00;
	v3 =	vperm.xlane v3, v2  }
0x24f: {  	[tilespmem:s22], [sflag:$0x1] =	stream.indirect_vreg.gather [hbm4b:s5+s2], $0x80, v4, vm0, $0xb8;
	[tilespmem:$0x10400] =	vst v63  }
0x250: {  	s23 =	simm.s32 $0x1400;
	v3 =	vadd.s32 v1, v3  }
0x251: {  	[tilespmem:s23], [sflag:$0x1] =	stream.indirect_vreg.gather [hbm4b:s6+s2], $0x80, v4, vm0, $0xb8;
	[tilespmem:$0x10400] =	vst v63  }
0x252: {  	s29 =	simm.s32 $0x1C00  }
0x253: {  	[tilespmem:s29], [sflag:$0x1] =	stream.indirect_vreg.gather [hbm4b:s7+s2], $0x80, v4, vm0, $0xb8;
	[tilespmem:$0x10400] =	vst v63  }
0x254: {  	s31 =	simm.s32 $0x2400  }
0x255: {  	[tilespmem:s31], [sflag:$0x1] =	stream.indirect_vreg.gather [hbm4b:s4+s2], $0x80, v3, vm0, $0xb8;
	[tilespmem:$0x10400] =	vst v63  }
0x256: {  	s14 =	simm.s32 $0x2C00  }
0x257: {  	[tilespmem:s14], [sflag:$0x1] =	stream.indirect_vreg.gather [hbm4b:s5+s2], $0x80, v3, vm0, $0xb8;
	[tilespmem:$0x10400] =	vst v63  }
0x258: {  	s20 =	simm.s32 $0x3400  }
0x259: {  	[tilespmem:s20], [sflag:$0x1] =	stream.indirect_vreg.gather [hbm4b:s6+s2], $0x80, v3, vm0, $0xb8;
	[tilespmem:$0x10400] =	vst v63  }
0x25a: {  	s22 =	simm.s32 $0x3C00  }
0x25b: {  	[tilespmem:s22], [sflag:$0x1] =	stream.indirect_vreg.gather [hbm4b:s7+s2], $0x80, v3, vm0, $0xb8;
	[tilespmem:$0x10400] =	vst v63  }
0x25c: {  	v3 =	vld [tilespmem:$0x310];
	_ =	sdelay $0x4  }
0x25d: {  	v57 =	vshll.u32 v3, $0x3  }
0x25e: {  	v3 =	vand.u32 $0x7, v3;
	v4 =	vand.u32 $0xFFFFFFC0, v57  }
0x25f: {  	v3 =	vor.u32 v3, v4  }
0x260: {  	v4 =	vperm.xlane v3, v0;
	_ =	sdelay $0x1  }
0x261: {  	v4 =	vadd.s32 v1, v4;
	_ =	sdelay $0x3  }
0x262: {  	s23 =	simm.s32 $0x4400  }
0x263: {  	[tilespmem:s23], [sflag:$0x1] =	stream.indirect_vreg.gather [hbm4b:s4+s2], $0x80, v4, vm0, $0xb8;
	[tilespmem:$0x10400] =	vst v63  }
0x264: {  	s29 =	simm.s32 $0x4C00;
	v3 =	vperm.xlane v3, v2  }
0x265: {  	[tilespmem:s29], [sflag:$0x1] =	stream.indirect_vreg.gather [hbm4b:s5+s2], $0x80, v4, vm0, $0xb8;
	[tilespmem:$0x10400] =	vst v63  }
0x266: {  	s31 =	simm.s32 $0x5400;
	v3 =	vadd.s32 v1, v3  }
0x267: {  	[tilespmem:s31], [sflag:$0x1] =	stream.indirect_vreg.gather [hbm4b:s6+s2], $0x80, v4, vm0, $0xb8;
	[tilespmem:$0x10400] =	vst v63  }
0x268: {  	s1 =	simm.s32 $0x5C00  }
0x269: {  	[tilespmem:s1], [sflag:$0x1] =	stream.indirect_vreg.gather [hbm4b:s7+s2], $0x80, v4, vm0, $0xb8;
	[tilespmem:$0x10400] =	vst v63  }
0x26a: {  	s20 =	simm.s32 $0x6400  }
0x26b: {  	[tilespmem:s20], [sflag:$0x1] =	stream.indirect_vreg.gather [hbm4b:s4+s2], $0x80, v3, vm0, $0xb8;
	[tilespmem:$0x10400] =	vst v63  }
0x26c: {  	s22 =	simm.s32 $0x6C00  }
0x26d: {  	[tilespmem:s22], [sflag:$0x1] =	stream.indirect_vreg.gather [hbm4b:s5+s2], $0x80, v3, vm0, $0xb8;
	[tilespmem:$0x10400] =	vst v63  }
0x26e: {  	s0 =	simm.s32 $0x7400  }
0x26f: {  	[tilespmem:s0], [sflag:$0x1] =	stream.indirect_vreg.gather [hbm4b:s6+s2], $0x80, v3, vm0, $0xb8;
	[tilespmem:$0x10400] =	vst v63  }
0x270: {  	s23 =	simm.s32 $0x7C00  }
0x271: {  	[tilespmem:s23], [sflag:$0x1] =	stream.indirect_vreg.gather [hbm4b:s7+s2], $0x80, v3, vm0, $0xb8;
	[tilespmem:$0x10400] =	vst v63  }
0x272: {  	v3 =	vld [tilespmem:$0x320];
	_ =	sdelay $0x4  }
0x273: {  	v58 =	vshll.u32 v3, $0x3  }
0x274: {  	v3 =	vand.u32 $0x7, v3;
	v4 =	vand.u32 $0xFFFFFFC0, v58  }
0x275: {  	v3 =	vor.u32 v3, v4  }
0x276: {  	v4 =	vperm.xlane v3, v0;
	_ =	sdelay $0x1  }
0x277: {  	v4 =	vadd.s32 v1, v4;
	_ =	sdelay $0x3  }
0x278: {  	s16 =	simm.s32 $0x8400  }
0x279: {  	[tilespmem:s16], [sflag:$0x1] =	stream.indirect_vreg.gather [hbm4b:s4+s2], $0x80, v4, vm0, $0xb8;
	[tilespmem:$0x10400] =	vst v63  }
0x27a: {  	s30 =	simm.s32 $0x8C00;
	v3 =	vperm.xlane v3, v2  }
0x27b: {  	[tilespmem:s30], [sflag:$0x1] =	stream.indirect_vreg.gather [hbm4b:s5+s2], $0x80, v4, vm0, $0xb8;
	[tilespmem:$0x10400] =	vst v63  }
0x27c: {  	s3 =	simm.s32 $0x9400;
	v3 =	vadd.s32 v1, v3  }
0x27d: {  	[tilespmem:s3], [sflag:$0x1] =	stream.indirect_vreg.gather [hbm4b:s6+s2], $0x80, v4, vm0, $0xb8;
	[tilespmem:$0x10400] =	vst v63  }
0x27e: {  	s8 =	simm.s32 $0x9C00  }
0x27f: {  	[tilespmem:s8], [sflag:$0x1] =	stream.indirect_vreg.gather [hbm4b:s7+s2], $0x80, v4, vm0, $0xb8;
	[tilespmem:$0x10400] =	vst v63  }
0x280: {  	s24 =	simm.s32 $0xA400  }
0x281: {  	[tilespmem:s24], [sflag:$0x1] =	stream.indirect_vreg.gather [hbm4b:s4+s2], $0x80, v3, vm0, $0xb8;
	[tilespmem:$0x10400] =	vst v63  }
0x282: {  	s26 =	simm.s32 $0xAC00  }
0x283: {  	[tilespmem:s26], [sflag:$0x1] =	stream.indirect_vreg.gather [hbm4b:s5+s2], $0x80, v3, vm0, $0xb8;
	[tilespmem:$0x10400] =	vst v63  }
0x284: {  	s25 =	simm.s32 $0xB400  }
0x285: {  	[tilespmem:s25], [sflag:$0x1] =	stream.indirect_vreg.gather [hbm4b:s6+s2], $0x80, v3, vm0, $0xb8;
	[tilespmem:$0x10400] =	vst v63  }
0x286: {  	s25 =	simm.s32 $0xBC00  }
0x287: {  	[tilespmem:s25], [sflag:$0x1] =	stream.indirect_vreg.gather [hbm4b:s7+s2], $0x80, v3, vm0, $0xb8;
	[tilespmem:$0x10400] =	vst v63  }
0x288: {  	v3 =	vld [tilespmem:$0x330];
	_ =	sdelay $0x4  }
0x289: {  	v59 =	vshll.u32 v3, $0x3  }
0x28a: {  	v3 =	vand.u32 $0x7, v3;
	v4 =	vand.u32 $0xFFFFFFC0, v59  }
0x28b: {  	v3 =	vor.u32 v3, v4  }
0x28c: {  	v4 =	vperm.xlane v3, v0;
	_ =	sdelay $0x1  }
0x28d: {  	v4 =	vadd.s32 v1, v4;
	_ =	sdelay $0x3  }
0x28e: {  	s26 =	simm.s32 $0xC400  }
0x28f: {  	[tilespmem:s26], [sflag:$0x1] =	stream.indirect_vreg.gather [hbm4b:s4+s2], $0x80, v4, vm0, $0xb8;
	[tilespmem:$0x10400] =	vst v63  }
0x290: {  	s16 =	simm.s32 $0xCC00;
	v3 =	vperm.xlane v3, v2  }
0x291: {  	[tilespmem:s16], [sflag:$0x1] =	stream.indirect_vreg.gather [hbm4b:s5+s2], $0x80, v4, vm0, $0xb8;
	[tilespmem:$0x10400] =	vst v63  }
0x292: {  	s18 =	simm.s32 $0xD400;
	v3 =	vadd.s32 v1, v3  }
0x293: {  	[tilespmem:s18], [sflag:$0x1] =	stream.indirect_vreg.gather [hbm4b:s6+s2], $0x80, v4, vm0, $0xb8;
	[tilespmem:$0x10400] =	vst v63  }
0x294: {  	s21 =	simm.s32 $0xDC00  }
0x295: {  	[tilespmem:s21], [sflag:$0x1] =	stream.indirect_vreg.gather [hbm4b:s7+s2], $0x80, v4, vm0, $0xb8;
	[tilespmem:$0x10400] =	vst v63  }
0x296: {  	s28 =	simm.s32 $0xE400  }
0x297: {  	[tilespmem:s28], [sflag:$0x1] =	stream.indirect_vreg.gather [hbm4b:s4+s2], $0x80, v3, vm0, $0xb8;
	[tilespmem:$0x10400] =	vst v63  }
0x298: {  	s12 =	simm.s32 $0xEC00  }
0x299: {  	[tilespmem:s12], [sflag:$0x1] =	stream.indirect_vreg.gather [hbm4b:s5+s2], $0x80, v3, vm0, $0xb8;
	[tilespmem:$0x10400] =	vst v63  }
0x29a: {  	s13 =	simm.s32 $0xF400  }
0x29b: {  	[tilespmem:s13], [sflag:$0x1] =	stream.indirect_vreg.gather [hbm4b:s6+s2], $0x80, v3, vm0, $0xb8;
	[tilespmem:$0x10400] =	vst v63  }
0x29c: {  	s20 =	simm.s32 $0xFC00  }
0x29d: {  	[tilespmem:s20], [sflag:$0x1] =	stream.indirect_vreg.gather [hbm4b:s7+s2], $0x80, v3, vm0, $0xb8;
	[tilespmem:$0x10400] =	vst v63  }
0x29e: {  	_ =	swait.ge [sflag:s19], $0x10000  }
0x29f: {  	[sflag:s19] =	ssyncset.done $0x0  }
0x2a0: {  	s28 =	rddreg [dreg:$0x9];
	[sflag:s19] =	ssyncadd.s32 $0xFFFF0000  }
0x2a1: {  	[hbm4b:s28+s2] =	stream.linear.scatter [tilespmem:s10], [sflag:$0x2], $0x10000, $0x38;
	[tilespmem:$0x10400] =	vst v63  }
0x2a2: {  	_ =	swait.ge [sflag:s9], $0x10000  }
0x2a3: {  	[sflag:s9] =	ssyncset.done $0x0  }
0x2a4: {  	[sflag:s9] =	ssyncadd.s32 $0xFFFF0000  }
0x2a5: {  	v3 =	vld [tilespmem:$0x380];
	_ =	sdelay $0x4  }
0x2a6: {  	v60 =	vshll.u32 v3, $0x3  }
0x2a7: {  	v3 =	vand.u32 $0x7, v3;
	v4 =	vand.u32 $0xFFFFFFC0, v60  }
0x2a8: {  	v3 =	vor.u32 v3, v4  }
0x2a9: {  	v4 =	vperm.xlane v3, v0;
	_ =	sdelay $0x1  }
0x2aa: {  	v4 =	vadd.s32 v1, v4;
	_ =	sdelay $0x4  }
0x2ab: {  	[tilespmem:s10], [sflag:$0x1] =	stream.indirect_vreg.gather [hbm4b:s4+s2], $0x80, v4, vm0, $0xb8;
	[tilespmem:$0x10400] =	vst v63  }
0x2ac: {  	s28 =	simm.s32 $0xC00;
	v3 =	vperm.xlane v3, v2  }
0x2ad: {  	[tilespmem:s28], [sflag:$0x1] =	stream.indirect_vreg.gather [hbm4b:s5+s2], $0x80, v4, vm0, $0xb8;
	[tilespmem:$0x10400] =	vst v63  }
0x2ae: {  	s17 =	simm.s32 $0x1400;
	v3 =	vadd.s32 v1, v3  }
0x2af: {  	[tilespmem:s17], [sflag:$0x1] =	stream.indirect_vreg.gather [hbm4b:s6+s2], $0x80, v4, vm0, $0xb8;
	[tilespmem:$0x10400] =	vst v63  }
0x2b0: {  	s20 =	simm.s32 $0x1C00  }
0x2b1: {  	[tilespmem:s20], [sflag:$0x1] =	stream.indirect_vreg.gather [hbm4b:s7+s2], $0x80, v4, vm0, $0xb8;
	[tilespmem:$0x10400] =	vst v63  }
0x2b2: {  	s28 =	simm.s32 $0x2400  }
0x2b3: {  	[tilespmem:s28], [sflag:$0x1] =	stream.indirect_vreg.gather [hbm4b:s4+s2], $0x80, v3, vm0, $0xb8;
	[tilespmem:$0x10400] =	vst v63  }
0x2b4: {  	s20 =	simm.s32 $0x2C00  }
0x2b5: {  	[tilespmem:s20], [sflag:$0x1] =	stream.indirect_vreg.gather [hbm4b:s5+s2], $0x80, v3, vm0, $0xb8;
	[tilespmem:$0x10400] =	vst v63  }
0x2b6: {  	s28 =	simm.s32 $0x3400  }
0x2b7: {  	[tilespmem:s28], [sflag:$0x1] =	stream.indirect_vreg.gather [hbm4b:s6+s2], $0x80, v3, vm0, $0xb8;
	[tilespmem:$0x10400] =	vst v63  }
0x2b8: {  	s20 =	simm.s32 $0x3C00  }
0x2b9: {  	[tilespmem:s20], [sflag:$0x1] =	stream.indirect_vreg.gather [hbm4b:s7+s2], $0x80, v3, vm0, $0xb8;
	[tilespmem:$0x10400] =	vst v63  }
0x2ba: {  	v3 =	vld [tilespmem:$0x390];
	_ =	sdelay $0x4  }
0x2bb: {  	v61 =	vshll.u32 v3, $0x3  }
0x2bc: {  	v3 =	vand.u32 $0x7, v3;
	v4 =	vand.u32 $0xFFFFFFC0, v61  }
0x2bd: {  	v3 =	vor.u32 v3, v4  }
0x2be: {  	v4 =	vperm.xlane v3, v0;
	_ =	sdelay $0x1  }
0x2bf: {  	v4 =	vadd.s32 v1, v4;
	_ =	sdelay $0x3  }
0x2c0: {  	s11 =	simm.s32 $0x4400  }
0x2c1: {  	[tilespmem:s11], [sflag:$0x1] =	stream.indirect_vreg.gather [hbm4b:s4+s2], $0x80, v4, vm0, $0xb8;
	[tilespmem:$0x10400] =	vst v63  }
0x2c2: {  	s28 =	simm.s32 $0x4C00;
	v3 =	vperm.xlane v3, v2  }
0x2c3: {  	[tilespmem:s28], [sflag:$0x1] =	stream.indirect_vreg.gather [hbm4b:s5+s2], $0x80, v4, vm0, $0xb8;
	[tilespmem:$0x10400] =	vst v63  }
0x2c4: {  	s31 =	simm.s32 $0x5400;
	v3 =	vadd.s32 v1, v3  }
0x2c5: {  	[tilespmem:s31], [sflag:$0x1] =	stream.indirect_vreg.gather [hbm4b:s6+s2], $0x80, v4, vm0, $0xb8;
	[tilespmem:$0x10400] =	vst v63  }
0x2c6: {  	s14 =	simm.s32 $0x5C00  }
0x2c7: {  	[tilespmem:s14], [sflag:$0x1] =	stream.indirect_vreg.gather [hbm4b:s7+s2], $0x80, v4, vm0, $0xb8;
	[tilespmem:$0x10400] =	vst v63  }
0x2c8: {  	s17 =	simm.s32 $0x6400  }
0x2c9: {  	[tilespmem:s17], [sflag:$0x1] =	stream.indirect_vreg.gather [hbm4b:s4+s2], $0x80, v3, vm0, $0xb8;
	[tilespmem:$0x10400] =	vst v63  }
0x2ca: {  	s20 =	simm.s32 $0x6C00  }
0x2cb: {  	[tilespmem:s20], [sflag:$0x1] =	stream.indirect_vreg.gather [hbm4b:s5+s2], $0x80, v3, vm0, $0xb8;
	[tilespmem:$0x10400] =	vst v63  }
0x2cc: {  	s1 =	simm.s32 $0x7400  }
0x2cd: {  	[tilespmem:s1], [sflag:$0x1] =	stream.indirect_vreg.gather [hbm4b:s6+s2], $0x80, v3, vm0, $0xb8;
	[tilespmem:$0x10400] =	vst v63  }
0x2ce: {  	s28 =	simm.s32 $0x7C00  }
0x2cf: {  	[tilespmem:s28], [sflag:$0x1] =	stream.indirect_vreg.gather [hbm4b:s7+s2], $0x80, v3, vm0, $0xb8;
	[tilespmem:$0x10400] =	vst v63  }
0x2d0: {  	v3 =	vld [tilespmem:$0x3A0];
	_ =	sdelay $0x4  }
0x2d1: {  	v62 =	vshll.u32 v3, $0x3  }
0x2d2: {  	v3 =	vand.u32 $0x7, v3;
	v4 =	vand.u32 $0xFFFFFFC0, v62  }
0x2d3: {  	v3 =	vor.u32 v3, v4  }
0x2d4: {  	v4 =	vperm.xlane v3, v0;
	_ =	sdelay $0x1  }
0x2d5: {  	v4 =	vadd.s32 v1, v4;
	_ =	sdelay $0x3  }
0x2d6: {  	s29 =	simm.s32 $0x8400  }
0x2d7: {  	[tilespmem:s29], [sflag:$0x1] =	stream.indirect_vreg.gather [hbm4b:s4+s2], $0x80, v4, vm0, $0xb8;
	[tilespmem:$0x10400] =	vst v63  }
0x2d8: {  	s30 =	simm.s32 $0x8C00;
	v3 =	vperm.xlane v3, v2  }
0x2d9: {  	[tilespmem:s30], [sflag:$0x1] =	stream.indirect_vreg.gather [hbm4b:s5+s2], $0x80, v4, vm0, $0xb8;
	[tilespmem:$0x10400] =	vst v63  }
0x2da: {  	s0 =	simm.s32 $0x9400;
	v3 =	vadd.s32 v1, v3  }
0x2db: {  	[tilespmem:s0], [sflag:$0x1] =	stream.indirect_vreg.gather [hbm4b:s6+s2], $0x80, v4, vm0, $0xb8;
	[tilespmem:$0x10400] =	vst v63  }
0x2dc: {  	s3 =	simm.s32 $0x9C00  }
0x2dd: {  	[tilespmem:s3], [sflag:$0x1] =	stream.indirect_vreg.gather [hbm4b:s7+s2], $0x80, v4, vm0, $0xb8;
	[tilespmem:$0x10400] =	vst v63  }
0x2de: {  	s22 =	simm.s32 $0xA400  }
0x2df: {  	[tilespmem:s22], [sflag:$0x1] =	stream.indirect_vreg.gather [hbm4b:s4+s2], $0x80, v3, vm0, $0xb8;
	[tilespmem:$0x10400] =	vst v63  }
0x2e0: {  	s23 =	simm.s32 $0xAC00  }
0x2e1: {  	[tilespmem:s23], [sflag:$0x1] =	stream.indirect_vreg.gather [hbm4b:s5+s2], $0x80, v3, vm0, $0xb8;
	[tilespmem:$0x10400] =	vst v63  }
0x2e2: {  	s24 =	simm.s32 $0xB400  }
0x2e3: {  	[tilespmem:s24], [sflag:$0x1] =	stream.indirect_vreg.gather [hbm4b:s6+s2], $0x80, v3, vm0, $0xb8;
	[tilespmem:$0x10400] =	vst v63  }
0x2e4: {  	s25 =	simm.s32 $0xBC00  }
0x2e5: {  	[tilespmem:s25], [sflag:$0x1] =	stream.indirect_vreg.gather [hbm4b:s7+s2], $0x80, v3, vm0, $0xb8;
	[tilespmem:$0x10400] =	vst v63  }
0x2e6: {  	v3 =	vld [tilespmem:$0x3B0];
	_ =	sdelay $0x4  }
0x2e7: {  	v63 =	vshll.u32 v3, $0x3  }
0x2e8: {  	v3 =	vand.u32 $0x7, v3;
	v4 =	vand.u32 $0xFFFFFFC0, v63  }
0x2e9: {  	v3 =	vor.u32 v3, v4  }
0x2ea: {  	v4 =	vperm.xlane v3, v0;
	_ =	sdelay $0x1  }
0x2eb: {  	v4 =	vadd.s32 v1, v4;
	_ =	sdelay $0x3  }
0x2ec: {  	s26 =	simm.s32 $0xC400  }
0x2ed: {  	[tilespmem:s26], [sflag:$0x1] =	stream.indirect_vreg.gather [hbm4b:s4+s2], $0x80, v4, vm0, $0xb8;
	[tilespmem:$0x10400] =	vst v63  }
0x2ee: {  	s30 =	simm.s32 $0xCC00;
	v3 =	vperm.xlane v3, v2  }
0x2ef: {  	[tilespmem:s30], [sflag:$0x1] =	stream.indirect_vreg.gather [hbm4b:s5+s2], $0x80, v4, vm0, $0xb8;
	[tilespmem:$0x10400] =	vst v63  }
0x2f0: {  	s16 =	simm.s32 $0xD400;
	v3 =	vadd.s32 v1, v3  }
0x2f1: {  	[tilespmem:s16], [sflag:$0x1] =	stream.indirect_vreg.gather [hbm4b:s6+s2], $0x80, v4, vm0, $0xb8;
	[tilespmem:$0x10400] =	vst v63  }
0x2f2: {  	s18 =	simm.s32 $0xDC00  }
0x2f3: {  	[tilespmem:s18], [sflag:$0x1] =	stream.indirect_vreg.gather [hbm4b:s7+s2], $0x80, v4, vm0, $0xb8;
	[tilespmem:$0x10400] =	vst v63  }
0x2f4: {  	s21 =	simm.s32 $0xE400  }
0x2f5: {  	[tilespmem:s21], [sflag:$0x1] =	stream.indirect_vreg.gather [hbm4b:s4+s2], $0x80, v3, vm0, $0xb8;
	[tilespmem:$0x10400] =	vst v63  }
0x2f6: {  	s8 =	simm.s32 $0xEC00  }
0x2f7: {  	[tilespmem:s8], [sflag:$0x1] =	stream.indirect_vreg.gather [hbm4b:s5+s2], $0x80, v3, vm0, $0xb8;
	[tilespmem:$0x10400] =	vst v63  }
0x2f8: {  	s12 =	simm.s32 $0xF400  }
0x2f9: {  	[tilespmem:s12], [sflag:$0x1] =	stream.indirect_vreg.gather [hbm4b:s6+s2], $0x80, v3, vm0, $0xb8;
	[tilespmem:$0x10400] =	vst v63  }
0x2fa: {  	s13 =	simm.s32 $0xFC00  }
0x2fb: {  	[tilespmem:s13], [sflag:$0x1] =	stream.indirect_vreg.gather [hbm4b:s7+s2], $0x80, v3, vm0, $0xb8;
	[tilespmem:$0x10400] =	vst v63  }
0x2fc: {  	_ =	swait.ge [sflag:s19], $0x10000  }
0x2fd: {  	p0 =	sne.s32 s15, $0x1;
	[sflag:s19] =	ssyncset.done $0x0  }
.Ltmp0:
0x2fe: {  	s31 =	rddreg [dreg:$0xa];
	[sflag:s19] =	ssyncadd.s32 $0xFFFF0000;
	(pc) =	sbr.rel @p0 .LBB2_1-.Ltmp0, $4  }
0x2ff: {  	[hbm4b:s31+s2] =	stream.linear.scatter [tilespmem:s10], [sflag:$0x2], $0x10000, $0x38;
	[tilespmem:$0x10400] =	vst v63  }
0x300: {  	_ =	swait.ge [sflag:s9], $0x10000  }
0x301: {  	[sflag:s9] =	ssyncset.done $0x0  }
0x302: {  	s15 =	sadd.s32 $0xFFFFFFFF, s15;
	[sflag:s9] =	ssyncadd.s32 $0xFFFF0000  }
0x303: {  	_ =	sfence.sel $0x180000  }
0x304: {  	[bflag:$0x0] =	sbarrier.arrive $0xFFFF  }
0x305: {  	_ =	strace $0x9000004A  }
0x306: {  	s0 =	stileid.u32;
	[bflag:$0x2] =	sbarrier.arrive $0xFFFF  }
0x307: {  	p0 =	sne.s32 s0, $0x0;
	s0 =	rddreg [dreg:$0x2]  }
0x308: {  	s0 =	sadd.s32 @!p0 $0x100000, s0  }
0x309: {  	[sflag:s0] =	ssyncadd.tile.s32 @!p0 $0x1;
	_ =	shalt  }
.Lfunc_end2:
_tile_overlayer_lowered:
.L_overlay_start_2:
0x30a: {  	(tag) =	ssettag $0x2  }
0x30b: {  	s0 =	rddreg [dreg:$0x0];
	s2 =	stileid.u32  }
0x30c: {  	s1 =	rddreg [dreg:$0x1];
	p0 =	sne.s32 s2, $0x0  }
0x30d: {  	s3 =	rddreg [dreg:$0x2];
	[bflag:$0x3] =	sbarrier.arrive $0xFFFF;
	s2 =	simm.s32 @!p0 $0x1C02  }
0x30e: {  	[timem:s3], [sflag:s2] =	dma.local @!p0 [hbm:s0], s1  }
0x30f: {  	s0 =	simm.s32 @!p0 $0x2  }
0x310: {  	_ =	swait.ge @!p0 [sflag:s0], s1  }
0x311: {  	s1 =	ssub.s32 @!p0 $0x0, s1;
	[sflag:s0] =	ssyncset.done @!p0 $0x0  }
0x312: {  	[sflag:s0] =	ssyncadd.s32 @!p0 s1  }
0x313: {  	[bflag:$0x3] =	sbarrier.arrive $0xFFFF  }
0x314: {  	_ =	shalt  }

</sc_bundles>
